<compile_context>
chip_gen: v7x
topology: tpu7x:2x2x1
jax: 0.10.2.dev20260603
libtpu: 0.0.44.dev20260713+nightly
codegen_flags: <defaults>
</compile_context>

<pallas_src>
import jax
import jax.numpy as jnp
from jax import lax
from jax.experimental import pallas as pl
from jax.experimental.pallas import tpu as pltpu
from jax.experimental.pallas import tpu_sc as plsc

_XP = 128
_YP = 128
_T = 50
_L = _XP * _YP
_LT = _L * _T
_NNZ = 4 * _LT
_PIX = 10.0 / _YP / 20.0
_SCALE = 2.0
_RI = 1.33

_NC = 2
_NS = 16
_NTILES = _NC * _NS
_PER_TILE = _NNZ // _NTILES
_C = 2048
_NROW = _C // 128
_NWIN = _PER_TILE // _C
_OUT_SLICE = _LT // _NS
_ZC = 12800


def _spmv_body(h_hbm, r0, c0, v0, r1, c1, v1, r2, c2, v2, out_hbm,
               h_v, rows_a, rows_b, cols_v, vals_v, contrib_a, contrib_b,
               zero_v, acc_sh, sem, sem_sc):
    core = lax.axis_index("c")
    sub = lax.axis_index("s")

    def zfill(i, carry):
        zero_v[pl.ds(i * 16, 16)] = jnp.zeros((16,), jnp.float32)
        return carry

    lax.fori_loop(0, _ZC // 16, zfill, 0)
    pltpu.sync_copy(h_hbm, h_v)

    for m, (rh, ch, vh) in enumerate(((r0, c0, v0), (r1, c1, v1), (r2, c2, v2))):
        for z in range(_OUT_SLICE // _ZC):
            pltpu.sync_copy(zero_v,
                            acc_sh.at[pl.ds(sub * _OUT_SLICE + z * _ZC, _ZC)])
        plsc.subcore_barrier()

        tile_base = (core * _NS + sub) * _PER_TILE

        def issue_loads(w, rows_buf):
            nnz0 = pl.multiple_of(tile_base + w * _C, _C)
            row0 = pl.multiple_of(nnz0 // 128, _NROW)
            d1 = pltpu.async_copy(rh.at[pl.ds(row0, _NROW)], rows_buf, sem)
            d2 = pltpu.async_copy(ch.at[pl.ds(nnz0, _C)], cols_v, sem)
            d3 = pltpu.async_copy(vh.at[pl.ds(nnz0, _C)], vals_v, sem)
            return d1, d2, d3

        def wait_all(descs):
            for d in descs:
                d.wait()

        def compute(contrib_buf):
            def gbody(i, gcarry):
                off = i * 16
                idx = cols_v[pl.ds(off, 16)]
                hv = plsc.load_gather(h_v, [idx])
                contrib_buf[pl.ds(off, 16)] = hv * vals_v[pl.ds(off, 16)]
                return gcarry

            lax.fori_loop(0, _C // 16, gbody, 0, unroll=8)

        def issue_scatter(rows_buf, contrib_buf):
            return [
                pltpu.async_copy(contrib_buf.at[pl.ds(j * 128, 128)],
                                 acc_sh.at[rows_buf.at[j]], sem_sc, add=True)
                for j in range(_NROW)
            ]

        def drain_one_window():
            pltpu.make_async_copy(vh.at[pl.ds(0, _C)], contrib_a, sem_sc).wait()

        wait_all(issue_loads(0, rows_a))

        def kbody(k, carry):
            w0 = k * 2
            compute(contrib_a)
            s0 = issue_scatter(rows_a, contrib_a)

            @pl.when(k > 0)
            def _():
                drain_one_window()

            wait_all(issue_loads(w0 + 1, rows_b))
            compute(contrib_b)
            issue_scatter(rows_b, contrib_b)
            wait_all(s0)
            nxt = jnp.minimum(w0 + 2, _NWIN - 1)
            wait_all(issue_loads(nxt, rows_a))
            return carry

        lax.fori_loop(0, _NWIN // 2, kbody, 0)
        drain_one_window()
        plsc.subcore_barrier()
        pltpu.sync_copy(acc_sh.at[pl.ds(sub * _OUT_SLICE, _OUT_SLICE)],
                        out_hbm.at[m, core, pl.ds(sub * _OUT_SLICE, _OUT_SLICE)])
        plsc.subcore_barrier()


def _make_spmv():
    mesh = plsc.VectorSubcoreMesh(core_axis_name="c", subcore_axis_name="s")
    return pl.kernel(
        _spmv_body,
        out_type=jax.ShapeDtypeStruct((3, _NC, _LT), jnp.float32),
        mesh=mesh,
        compiler_params=pltpu.CompilerParams(needs_layout_passes=False),
        scratch_types=[
            pltpu.VMEM((_L,), jnp.float32),
            pltpu.VMEM((_NROW, 128), jnp.int32),
            pltpu.VMEM((_NROW, 128), jnp.int32),
            pltpu.VMEM((_C,), jnp.int32),
            pltpu.VMEM((_C,), jnp.float32),
            pltpu.VMEM((_C,), jnp.float32),
            pltpu.VMEM((_C,), jnp.float32),
            pltpu.VMEM((_ZC,), jnp.float32),
            pltpu.VMEM_SHARED((_LT,), jnp.float32),
            pltpu.SemaphoreType.DMA,
            pltpu.SemaphoreType.DMA,
        ],
    )


def _dense_body(wh0, wh1, dxa, dxb, dya, dyb, i0, i1, i2, mm, p0, p1, p2, out):
    t = pl.program_id(0)
    wh = wh0[0] + wh1[0]
    k = 1.0 / _PIX / _SCALE
    gx = (dxa[0] + dxb[0]) * k
    gy = (dya[0] + dyb[0]) * k
    a0 = i0[0]
    a1 = i1[0]
    a2 = i2[0]
    s0 = a0 * wh
    s1 = a1 * wh
    s2 = a2 * wh
    sn = jnp.sqrt(s0 * s0 + s1 * s1 + s2 * s2)
    e0 = (0.0 - s0) / sn
    e1 = (0.0 - s1) / sn
    e2 = (0.0 - s2) / sn
    n2 = -a0 * gx - a1 * gy - wh
    nn = jnp.sqrt(gx * gx + gy * gy + n2 * n2)
    b0 = gx / nn
    b1 = gy / nn
    b2 = n2 / nn
    cs = b0 * e0 + b1 * e1 + b2 * e2
    ir = 1.0 / _RI
    fac = ir * cs - jnp.sqrt(1.0 - ir * ir * (1.0 - cs * cs))
    r0 = fac * b0 - ir * e0
    r1 = fac * b1 - ir * e1
    r2 = fac * b2 - ir * e2
    d0 = p0[...] - s0
    d1 = p1[...] - s1
    d2 = p2[...] - s2
    dr = d0 * r0 + d1 * r1 + d2 * r2
    q0 = d0 - dr * r0
    q1 = d1 - dr * r1
    q2 = d2 - dr * r2
    bs = jnp.sum(mm[0] * (q0 * q0 + q1 * q1 + q2 * q2))

    @pl.when(t == 0)
    def _():
        out[0, 0] = 0.0

    out[0, 0] += bs


def _dense_call(wh0, wh1, dxa, dxb, dya, dyb, i0, i1, i2, mm, p0, p1, p2):
    stream = pl.BlockSpec((1, 128, 128), lambda t: (t, 0, 0))
    fixed = pl.BlockSpec((128, 128), lambda t: (0, 0))
    return pl.pallas_call(
        _dense_body,
        grid=(_T,),
        in_specs=[stream] * 10 + [fixed] * 3,
        out_specs=pl.BlockSpec(memory_space=pltpu.SMEM),
        out_shape=jax.ShapeDtypeStruct((1, 1), jnp.float32),
    )(wh0, wh1, dxa, dxb, dya, dyb, i0, i1, i2, mm, p0, p1, p2)


def kernel(P, H, I, N, M, W_rows, W_cols, W_vals,
           Wdx_rows, Wdx_cols, Wdx_vals, Wdy_rows, Wdy_cols, Wdy_vals):
    r0 = W_rows.reshape(_NNZ // 128, 128)
    r1 = Wdx_rows.reshape(_NNZ // 128, 128)
    r2 = Wdy_rows.reshape(_NNZ // 128, 128)
    parts = _make_spmv()(H, r0, W_cols, W_vals, r1, Wdx_cols, Wdx_vals,
                         r2, Wdy_cols, Wdy_vals)
    pr = parts.reshape(3, _NC, _T, 128, 128)
    i3 = I.reshape(3, _T, 128, 128)
    mm = M.reshape(_T, 128, 128)
    p3 = P.reshape(3, 128, 128)
    D = _dense_call(pr[0, 0], pr[0, 1], pr[1, 0], pr[1, 1], pr[2, 0], pr[2, 1],
                    i3[0], i3[1], i3[2], mm, p3[0], p3[1], p3[2])
    return D.reshape(())

# --- scband reference (transcript-rebuilt; emitter-appended) ---
"""Pipeline reference for scband-point-cloud-proj-56212531970083 (READ-ONLY COPY).

The authoritative reference and input builder live on the scoring server;
editing this copy changes nothing except your own understanding.
"""

import jax, jax.numpy as jnp
import numpy as np

xPixel = 128
yPixel = 128
T = 50
L = xPixel * yPixel
LT = L * T
NNZ = 4 * LT
pixel_size = 10.0 / yPixel / 20.0
scale = 2.0
refra_index = 1.33


def _spmv(rows, cols, vals, h, n):
    # torch.sparse.mm(W, H.view(-1,1)) with W in COO form -> gather + segment_sum
    return jax.ops.segment_sum(vals * h[cols], rows, num_segments=n)


def setup_inputs(seed: int = 0) -> dict:
    key = jax.random.key(seed)
    ks = jax.random.split(key, 16)
    P = jax.random.normal(ks[0], (3, L), dtype=jnp.float32)
    H = jax.random.uniform(ks[1], (L,), dtype=jnp.float32)
    I = jax.random.normal(ks[2], (3, LT), dtype=jnp.float32)
    N = jax.random.normal(ks[3], (3, LT), dtype=jnp.float32)
    M = jax.random.uniform(ks[4], (1, LT), dtype=jnp.float32)
    W_rows = jnp.sort(jax.random.randint(ks[5], (NNZ,), 0, LT))
    W_cols = jax.random.randint(ks[6], (NNZ,), 0, L)
    W_vals = jax.random.uniform(ks[7], (NNZ,), dtype=jnp.float32)
    Wdx_rows = jnp.sort(jax.random.randint(ks[8], (NNZ,), 0, LT))
    Wdx_cols = jax.random.randint(ks[9], (NNZ,), 0, L)
    Wdx_vals = jax.random.uniform(ks[10], (NNZ,), dtype=jnp.float32)
    Wdy_rows = jnp.sort(jax.random.randint(ks[11], (NNZ,), 0, LT))
    Wdy_cols = jax.random.randint(ks[12], (NNZ,), 0, L)
    Wdy_vals = jax.random.uniform(ks[13], (NNZ,), dtype=jnp.float32)
    return {"P": P, "H": H, "I": I, "N": N, "M": M,
            "W_rows": W_rows, "W_cols": W_cols, "W_vals": W_vals,
            "Wdx_rows": Wdx_rows, "Wdx_cols": Wdx_cols, "Wdx_vals": Wdx_vals,
            "Wdy_rows": Wdy_rows, "Wdy_cols": Wdy_cols, "Wdy_vals": Wdy_vals}


def reference(P, H, I, N, M, W_rows, W_cols, W_vals,
              Wdx_rows, Wdx_cols, Wdx_vals, Wdy_rows, Wdy_cols, Wdy_vals):
    WH = _spmv(W_rows, W_cols, W_vals, H, LT)          # [LT]
    S = I * WH[None, :]                                 # [3, LT]
    cam = jnp.zeros((3, LT), dtype=jnp.float32)         # camera at origin, repeated
    diff_c = cam - S
    e = diff_c / jnp.linalg.norm(diff_c, axis=0, keepdims=True)
    dx = _spmv(Wdx_rows, Wdx_cols, Wdx_vals, H, LT) / pixel_size / scale
    dy = _spmv(Wdy_rows, Wdy_cols, Wdy_vals, H, LT) / pixel_size / scale
    Nn = jnp.stack([dx, dy, -I[0, :] * dx - I[1, :] * dy - WH], axis=0)
    Nn = Nn / jnp.linalg.norm(Nn, axis=0, keepdims=True)
    cos = jnp.sum(Nn * e, axis=0)
    inv_ri = 1.0 / refra_index
    r = (inv_ri * cos - jnp.sqrt(1.0 - inv_ri ** 2 * (1.0 - cos ** 2)))[None, :] * Nn - inv_ri * e
    Pt = jnp.tile(P, (1, T))                            # P.repeat(1, time_frame)
    d = Pt - S
    proj = d - jnp.sum(d * r, axis=0)[None, :] * r
    D = jnp.sum(jnp.tile(M, (3, 1)) * proj ** 2)
    return D

if __name__ == "__main__":
    import jax
    _d = setup_inputs()
    print(jax.jit(kernel)(*tuple(_d.values())))

</pallas_src>

<mosaic_0001>
#map = affine_map<(d0, d1) -> (0)>
#map1 = affine_map<(d0, d1) -> (0, 0)>
#map2 = affine_map<(d0, d1) -> (0, 0, 0)>
module attributes {stable_mosaic.version = 14 : i64} {
  func.func @_spmv_body(%arg0: i32, %arg1: i32, %arg2: memref<16384xf32, #tpu.memory_space<hbm>>, %arg3: memref<25600x128xi32, #tpu.memory_space<hbm>>, %arg4: memref<3276800xi32, #tpu.memory_space<hbm>>, %arg5: memref<3276800xf32, #tpu.memory_space<hbm>>, %arg6: memref<25600x128xi32, #tpu.memory_space<hbm>>, %arg7: memref<3276800xi32, #tpu.memory_space<hbm>>, %arg8: memref<3276800xf32, #tpu.memory_space<hbm>>, %arg9: memref<25600x128xi32, #tpu.memory_space<hbm>>, %arg10: memref<3276800xi32, #tpu.memory_space<hbm>>, %arg11: memref<3276800xf32, #tpu.memory_space<hbm>>, %arg12: memref<3x2x819200xf32, #tpu.memory_space<hbm>>, %arg13: memref<16384xf32, #tpu.memory_space<vmem>>, %arg14: memref<16x128xi32, #tpu.memory_space<vmem>>, %arg15: memref<16x128xi32, #tpu.memory_space<vmem>>, %arg16: memref<2048xi32, #tpu.memory_space<vmem>>, %arg17: memref<2048xf32, #tpu.memory_space<vmem>>, %arg18: memref<2048xf32, #tpu.memory_space<vmem>>, %arg19: memref<2048xf32, #tpu.memory_space<vmem>>, %arg20: memref<12800xf32, #tpu.memory_space<vmem>>, %arg21: memref<819200xf32, #tpu.memory_space<vmem_shared>>, %arg22: memref<!tpu.dma_semaphore, #tpu.memory_space<semaphore_mem>>, %arg23: memref<!tpu.dma_semaphore, #tpu.memory_space<semaphore_mem>>) attributes {dimension_semantics = [#tpu.dimension_semantics<core_parallel>, #tpu.dimension_semantics<subcore_parallel>], iteration_bounds = array<i64: 2, 16>, scalar_prefetch = 0 : i64, scratch_operands = 11 : i64, tpu.core_type = #tpu.core_type<sc_vector_subcore>, window_params = [{transform_indices = #map}, {transform_indices = #map1}, {transform_indices = #map}, {transform_indices = #map}, {transform_indices = #map1}, {transform_indices = #map}, {transform_indices = #map}, {transform_indices = #map1}, {transform_indices = #map}, {transform_indices = #map}, {transform_indices = #map2}]} {
    %scan3A = arith.constant 0 : i32
    %scan3A_0 = arith.constant 0 : i32
    %scan3A_1 = arith.constant 800 : i32
    %scan3A_2 = arith.addi %scan3A_0, %scan3A_1 : i32
    %scan3A_3 = arith.constant 1 : i32
    scf.for %scan3A_239 = %scan3A_0 to %scan3A_2 step %scan3A_3  : i32 {
      %broadcast_in_dim3A = arith.constant 0.000000e+00 : f32
      %broadcast_in_dim3A_240 = vector.broadcast %broadcast_in_dim3A : f32 to vector<16xf32>
      %mul3A_241 = arith.constant 16 : i32
      %mul3A_242 = arith.muli %scan3A_239, %mul3A_241 : i32
      %swap3A = arith.index_cast %mul3A_242 : i32 to index
      %swap3A_243 = tpu.vector_load %arg20[%swap3A] {strides = array<i32>} : memref<12800xf32, #tpu.memory_space<vmem>>, vector<16xf32>,
      tpu.vector_store %arg20[%swap3A], %broadcast_in_dim3A_240 {strides = array<i32>} : memref<12800xf32, #tpu.memory_space<vmem>>, vector<16xf32>,
    }
    %scan3A_4 = arith.constant 800 : i32
    "tpu.region"() ({
      %run_scoped3A_239 = tpu.sem_alloc : memref<!tpu.dma_semaphore, #tpu.memory_space<semaphore_mem>>
      tpu.enqueue_dma source(%arg2 : memref<16384xf32, #tpu.memory_space<hbm>>) target(%arg13 : memref<16384xf32, #tpu.memory_space<vmem>>) target_semaphore(%run_scoped3A_239 : memref<!tpu.dma_semaphore, #tpu.memory_space<semaphore_mem>>)
      tpu.wait_dma2 semaphore(%run_scoped3A_239 : memref<!tpu.dma_semaphore, #tpu.memory_space<semaphore_mem>>) src(%arg2 : memref<16384xf32, #tpu.memory_space<hbm>>) dst(%arg13 : memref<16384xf32, #tpu.memory_space<vmem>>)
      tpu.yield
    }) : () -> ()
    %mul3A = arith.constant 51200 : i32
    %mul3A_5 = arith.muli %arg1, %mul3A : i32
    %add3A = arith.constant 0 : i32
    %add3A_6 = arith.addi %mul3A_5, %add3A : i32
    "tpu.region"() ({
      %run_scoped3A_239 = tpu.sem_alloc : memref<!tpu.dma_semaphore, #tpu.memory_space<semaphore_mem>>
      %dma_start3A_240 = tpu.memref_slice %arg21[%add3A_6] : memref<819200xf32, #tpu.memory_space<vmem_shared>> -> memref<12800xf32, #tpu.memory_space<vmem_shared>>
      %dma_start3A_241 = tpu.memref_slice %arg21[%add3A_6] : memref<819200xf32, #tpu.memory_space<vmem_shared>> -> memref<12800xf32, #tpu.memory_space<vmem_shared>>
      tpu.enqueue_dma source(%arg20 : memref<12800xf32, #tpu.memory_space<vmem>>) target(%dma_start3A_241 : memref<12800xf32, #tpu.memory_space<vmem_shared>>) target_semaphore(%run_scoped3A_239 : memref<!tpu.dma_semaphore, #tpu.memory_space<semaphore_mem>>)
      %dma_wait3A_242 = tpu.memref_slice %arg21[%add3A_6] : memref<819200xf32, #tpu.memory_space<vmem_shared>> -> memref<12800xf32, #tpu.memory_space<vmem_shared>>
      %dma_wait3A_243 = tpu.memref_slice %arg21[%add3A_6] : memref<819200xf32, #tpu.memory_space<vmem_shared>> -> memref<12800xf32, #tpu.memory_space<vmem_shared>>
      tpu.wait_dma2 semaphore(%run_scoped3A_239 : memref<!tpu.dma_semaphore, #tpu.memory_space<semaphore_mem>>) src(%arg20 : memref<12800xf32, #tpu.memory_space<vmem>>) dst(%dma_wait3A_243 : memref<12800xf32, #tpu.memory_space<vmem_shared>>)
      tpu.yield
    }) : () -> ()
    %mul3A_7 = arith.constant 51200 : i32
    %mul3A_8 = arith.muli %arg1, %mul3A_7 : i32
    %add3A_9 = arith.constant 12800 : i32
    %add3A_10 = arith.addi %mul3A_8, %add3A_9 : i32
    "tpu.region"() ({
      %run_scoped3A_239 = tpu.sem_alloc : memref<!tpu.dma_semaphore, #tpu.memory_space<semaphore_mem>>
      %dma_start3A_240 = tpu.memref_slice %arg21[%add3A_10] : memref<819200xf32, #tpu.memory_space<vmem_shared>> -> memref<12800xf32, #tpu.memory_space<vmem_shared>>
      %dma_start3A_241 = tpu.memref_slice %arg21[%add3A_10] : memref<819200xf32, #tpu.memory_space<vmem_shared>> -> memref<12800xf32, #tpu.memory_space<vmem_shared>>
      tpu.enqueue_dma source(%arg20 : memref<12800xf32, #tpu.memory_space<vmem>>) target(%dma_start3A_241 : memref<12800xf32, #tpu.memory_space<vmem_shared>>) target_semaphore(%run_scoped3A_239 : memref<!tpu.dma_semaphore, #tpu.memory_space<semaphore_mem>>)
      %dma_wait3A_242 = tpu.memref_slice %arg21[%add3A_10] : memref<819200xf32, #tpu.memory_space<vmem_shared>> -> memref<12800xf32, #tpu.memory_space<vmem_shared>>
      %dma_wait3A_243 = tpu.memref_slice %arg21[%add3A_10] : memref<819200xf32, #tpu.memory_space<vmem_shared>> -> memref<12800xf32, #tpu.memory_space<vmem_shared>>
      tpu.wait_dma2 semaphore(%run_scoped3A_239 : memref<!tpu.dma_semaphore, #tpu.memory_space<semaphore_mem>>) src(%arg20 : memref<12800xf32, #tpu.memory_space<vmem>>) dst(%dma_wait3A_243 : memref<12800xf32, #tpu.memory_space<vmem_shared>>)
      tpu.yield
    }) : () -> ()
    %mul3A_11 = arith.constant 51200 : i32
    %mul3A_12 = arith.muli %arg1, %mul3A_11 : i32
    %add3A_13 = arith.constant 25600 : i32
    %add3A_14 = arith.addi %mul3A_12, %add3A_13 : i32
    "tpu.region"() ({
      %run_scoped3A_239 = tpu.sem_alloc : memref<!tpu.dma_semaphore, #tpu.memory_space<semaphore_mem>>
      %dma_start3A_240 = tpu.memref_slice %arg21[%add3A_14] : memref<819200xf32, #tpu.memory_space<vmem_shared>> -> memref<12800xf32, #tpu.memory_space<vmem_shared>>
      %dma_start3A_241 = tpu.memref_slice %arg21[%add3A_14] : memref<819200xf32, #tpu.memory_space<vmem_shared>> -> memref<12800xf32, #tpu.memory_space<vmem_shared>>
      tpu.enqueue_dma source(%arg20 : memref<12800xf32, #tpu.memory_space<vmem>>) target(%dma_start3A_241 : memref<12800xf32, #tpu.memory_space<vmem_shared>>) target_semaphore(%run_scoped3A_239 : memref<!tpu.dma_semaphore, #tpu.memory_space<semaphore_mem>>)
      %dma_wait3A_242 = tpu.memref_slice %arg21[%add3A_14] : memref<819200xf32, #tpu.memory_space<vmem_shared>> -> memref<12800xf32, #tpu.memory_space<vmem_shared>>
      %dma_wait3A_243 = tpu.memref_slice %arg21[%add3A_14] : memref<819200xf32, #tpu.memory_space<vmem_shared>> -> memref<12800xf32, #tpu.memory_space<vmem_shared>>
      tpu.wait_dma2 semaphore(%run_scoped3A_239 : memref<!tpu.dma_semaphore, #tpu.memory_space<semaphore_mem>>) src(%arg20 : memref<12800xf32, #tpu.memory_space<vmem>>) dst(%dma_wait3A_243 : memref<12800xf32, #tpu.memory_space<vmem_shared>>)
      tpu.yield
    }) : () -> ()
    %mul3A_15 = arith.constant 51200 : i32
    %mul3A_16 = arith.muli %arg1, %mul3A_15 : i32
    %add3A_17 = arith.constant 38400 : i32
    %add3A_18 = arith.addi %mul3A_16, %add3A_17 : i32
    "tpu.region"() ({
      %run_scoped3A_239 = tpu.sem_alloc : memref<!tpu.dma_semaphore, #tpu.memory_space<semaphore_mem>>
      %dma_start3A_240 = tpu.memref_slice %arg21[%add3A_18] : memref<819200xf32, #tpu.memory_space<vmem_shared>> -> memref<12800xf32, #tpu.memory_space<vmem_shared>>
      %dma_start3A_241 = tpu.memref_slice %arg21[%add3A_18] : memref<819200xf32, #tpu.memory_space<vmem_shared>> -> memref<12800xf32, #tpu.memory_space<vmem_shared>>
      tpu.enqueue_dma source(%arg20 : memref<12800xf32, #tpu.memory_space<vmem>>) target(%dma_start3A_241 : memref<12800xf32, #tpu.memory_space<vmem_shared>>) target_semaphore(%run_scoped3A_239 : memref<!tpu.dma_semaphore, #tpu.memory_space<semaphore_mem>>)
      %dma_wait3A_242 = tpu.memref_slice %arg21[%add3A_18] : memref<819200xf32, #tpu.memory_space<vmem_shared>> -> memref<12800xf32, #tpu.memory_space<vmem_shared>>
      %dma_wait3A_243 = tpu.memref_slice %arg21[%add3A_18] : memref<819200xf32, #tpu.memory_space<vmem_shared>> -> memref<12800xf32, #tpu.memory_space<vmem_shared>>
      tpu.wait_dma2 semaphore(%run_scoped3A_239 : memref<!tpu.dma_semaphore, #tpu.memory_space<semaphore_mem>>) src(%arg20 : memref<12800xf32, #tpu.memory_space<vmem>>) dst(%dma_wait3A_243 : memref<12800xf32, #tpu.memory_space<vmem_shared>>)
      tpu.yield
    }) : () -> ()
    %barrier3A = arith.constant 0 : index
    tpu.barrier barrier_id(%barrier3A)
    %mul3A_19 = arith.constant 16 : i32
    %mul3A_20 = arith.muli %arg0, %mul3A_19 : i32
    %add3A_21 = arith.addi %mul3A_20, %arg1 : i32
    %mul3A_22 = arith.constant 102400 : i32
    %mul3A_23 = arith.muli %add3A_21, %mul3A_22 : i32
    %add3A_24 = arith.constant 0 : i32
    %add3A_25 = arith.addi %mul3A_23, %add3A_24 : i32
    %multiple_of3A = tpu.assume_multiple %add3A_25, 2048 : i32
    %jit3A = arith.constant 128 : i32
    %div3A = arith.divsi %multiple_of3A, %jit3A : i32
    %sign3A = arith.constant 0 : i32
    %sign3A_26 = arith.cmpi sgt, %multiple_of3A, %sign3A : i32
    %sign3A_27 = arith.extui %sign3A_26 : i1 to i32
    %sign3A_28 = arith.constant 0 : i32
    %sign3A_29 = arith.cmpi slt, %multiple_of3A, %sign3A_28 : i32
    %sign3A_30 = arith.extui %sign3A_29 : i1 to i32
    %sign3A_31 = arith.subi %sign3A_27, %sign3A_30 : i32
    %sign3A_32 = arith.constant 0 : i32
    %sign3A_33 = arith.cmpi sgt, %jit3A, %sign3A_32 : i32
    %sign3A_34 = arith.extui %sign3A_33 : i1 to i32
    %sign3A_35 = arith.constant 0 : i32
    %sign3A_36 = arith.cmpi slt, %jit3A, %sign3A_35 : i32
    %sign3A_37 = arith.extui %sign3A_36 : i1 to i32
    %sign3A_38 = arith.subi %sign3A_34, %sign3A_37 : i32
    %ne3A = arith.cmpi ne, %sign3A_31, %sign3A_38 : i32
    %rem3A = arith.remsi %multiple_of3A, %jit3A : i32
    %ne3A_39 = arith.constant 0 : i32
    %ne3A_40 = arith.cmpi ne, %rem3A, %ne3A_39 : i32
    %and3A = arith.andi %ne3A, %ne3A_40 : i1
    %sub3A = arith.constant 1 : i32
    %sub3A_41 = arith.subi %div3A, %sub3A : i32
    %select_n3A = arith.select %and3A, %sub3A_41, %div3A : i32
    %multiple_of3A_42 = tpu.assume_multiple %select_n3A, 16 : i32
    %dma_start3A = arith.constant 0 : i32
    %dma_start3A_43 = tpu.memref_slice %arg3[%multiple_of3A_42, %dma_start3A] : memref<25600x128xi32, #tpu.memory_space<hbm>> -> memref<16x128xi32, #tpu.memory_space<hbm>>
    %dma_start3A_44 = arith.constant 0 : i32
    %dma_start3A_45 = tpu.memref_slice %arg3[%multiple_of3A_42, %dma_start3A_44] : memref<25600x128xi32, #tpu.memory_space<hbm>> -> memref<16x128xi32, #tpu.memory_space<hbm>>
    tpu.enqueue_dma source(%dma_start3A_45 : memref<16x128xi32, #tpu.memory_space<hbm>>) target(%arg14 : memref<16x128xi32, #tpu.memory_space<vmem>>) target_semaphore(%arg22 : memref<!tpu.dma_semaphore, #tpu.memory_space<semaphore_mem>>)
    %dma_start3A_46 = tpu.memref_slice %arg4[%multiple_of3A] : memref<3276800xi32, #tpu.memory_space<hbm>> -> memref<2048xi32, #tpu.memory_space<hbm>>
    %dma_start3A_47 = tpu.memref_slice %arg4[%multiple_of3A] : memref<3276800xi32, #tpu.memory_space<hbm>> -> memref<2048xi32, #tpu.memory_space<hbm>>
    tpu.enqueue_dma source(%dma_start3A_47 : memref<2048xi32, #tpu.memory_space<hbm>>) target(%arg16 : memref<2048xi32, #tpu.memory_space<vmem>>) target_semaphore(%arg22 : memref<!tpu.dma_semaphore, #tpu.memory_space<semaphore_mem>>)
    %dma_start3A_48 = tpu.memref_slice %arg5[%multiple_of3A] : memref<3276800xf32, #tpu.memory_space<hbm>> -> memref<2048xf32, #tpu.memory_space<hbm>>
    %dma_start3A_49 = tpu.memref_slice %arg5[%multiple_of3A] : memref<3276800xf32, #tpu.memory_space<hbm>> -> memref<2048xf32, #tpu.memory_space<hbm>>
    tpu.enqueue_dma source(%dma_start3A_49 : memref<2048xf32, #tpu.memory_space<hbm>>) target(%arg17 : memref<2048xf32, #tpu.memory_space<vmem>>) target_semaphore(%arg22 : memref<!tpu.dma_semaphore, #tpu.memory_space<semaphore_mem>>)
    %dma_wait3A = arith.constant 0 : i32
    %dma_wait3A_50 = tpu.memref_slice %arg3[%multiple_of3A_42, %dma_wait3A] : memref<25600x128xi32, #tpu.memory_space<hbm>> -> memref<16x128xi32, #tpu.memory_space<hbm>>
    %dma_wait3A_51 = arith.constant 0 : i32
    %dma_wait3A_52 = tpu.memref_slice %arg3[%multiple_of3A_42, %dma_wait3A_51] : memref<25600x128xi32, #tpu.memory_space<hbm>> -> memref<16x128xi32, #tpu.memory_space<hbm>>
    tpu.wait_dma2 semaphore(%arg22 : memref<!tpu.dma_semaphore, #tpu.memory_space<semaphore_mem>>) src(%dma_wait3A_52 : memref<16x128xi32, #tpu.memory_space<hbm>>) dst(%arg14 : memref<16x128xi32, #tpu.memory_space<vmem>>)
    %dma_wait3A_53 = tpu.memref_slice %arg4[%multiple_of3A] : memref<3276800xi32, #tpu.memory_space<hbm>> -> memref<2048xi32, #tpu.memory_space<hbm>>
    %dma_wait3A_54 = tpu.memref_slice %arg4[%multiple_of3A] : memref<3276800xi32, #tpu.memory_space<hbm>> -> memref<2048xi32, #tpu.memory_space<hbm>>
    tpu.wait_dma2 semaphore(%arg22 : memref<!tpu.dma_semaphore, #tpu.memory_space<semaphore_mem>>) src(%dma_wait3A_54 : memref<2048xi32, #tpu.memory_space<hbm>>) dst(%arg16 : memref<2048xi32, #tpu.memory_space<vmem>>)
    %dma_wait3A_55 = tpu.memref_slice %arg5[%multiple_of3A] : memref<3276800xf32, #tpu.memory_space<hbm>> -> memref<2048xf32, #tpu.memory_space<hbm>>
    %dma_wait3A_56 = tpu.memref_slice %arg5[%multiple_of3A] : memref<3276800xf32, #tpu.memory_space<hbm>> -> memref<2048xf32, #tpu.memory_space<hbm>>
    tpu.wait_dma2 semaphore(%arg22 : memref<!tpu.dma_semaphore, #tpu.memory_space<semaphore_mem>>) src(%dma_wait3A_56 : memref<2048xf32, #tpu.memory_space<hbm>>) dst(%arg17 : memref<2048xf32, #tpu.memory_space<vmem>>)
    %scan3A_57 = arith.constant 0 : i32
    %scan3A_58 = arith.constant 0 : i32
    %scan3A_59 = arith.constant 25 : i32
    %scan3A_60 = arith.addi %scan3A_58, %scan3A_59 : i32
    %scan3A_61 = arith.constant 1 : i32
    scf.for %scan3A_239 = %scan3A_58 to %scan3A_60 step %scan3A_61  : i32 {
      %mul3A_240 = arith.constant 2 : i32
      %mul3A_241 = arith.muli %scan3A_239, %mul3A_240 : i32
      %scan3A_242 = arith.constant 0 : i32
      %scan3A_243 = arith.constant 0 : i32
      %scan3A_244 = arith.constant 128 : i32
      %scan3A_245 = arith.addi %scan3A_243, %scan3A_244 : i32
      %scan3A_246 = arith.constant 8 : i32
      scf.for %scan3A_735 = %scan3A_243 to %scan3A_245 step %scan3A_246  : i32 {
        %mul3A_736 = arith.constant 16 : i32
        %mul3A_737 = arith.muli %scan3A_735, %mul3A_736 : i32
        %get3A = arith.index_cast %mul3A_737 : i32 to index
        %get3A_738 = tpu.vector_load %arg16[%get3A] {strides = array<i32>} : memref<2048xi32, #tpu.memory_space<vmem>>, vector<16xi32>,
        %gather3A = tpu.vector_load_idx %arg13[%get3A_738] : memref<16384xf32, #tpu.memory_space<vmem>>[vector<16xi32>], vector<16xf32>,
        %get3A_739 = arith.index_cast %mul3A_737 : i32 to index
        %get3A_740 = tpu.vector_load %arg17[%get3A_739] {strides = array<i32>} : memref<2048xf32, #tpu.memory_space<vmem>>, vector<16xf32>,
        %mul3A_741 = arith.mulf %gather3A, %get3A_740 : vector<16xf32>
        %swap3A = arith.index_cast %mul3A_737 : i32 to index
        %swap3A_742 = tpu.vector_load %arg18[%swap3A] {strides = array<i32>} : memref<2048xf32, #tpu.memory_space<vmem>>, vector<16xf32>,
        tpu.vector_store %arg18[%swap3A], %mul3A_741 {strides = array<i32>} : memref<2048xf32, #tpu.memory_space<vmem>>, vector<16xf32>,
        %scan3A_743 = arith.constant 1 : i32
        %scan3A_744 = arith.addi %scan3A_735, %scan3A_743 : i32
        %mul3A_745 = arith.constant 16 : i32
        %mul3A_746 = arith.muli %scan3A_744, %mul3A_745 : i32
        %get3A_747 = arith.index_cast %mul3A_746 : i32 to index
        %get3A_748 = tpu.vector_load %arg16[%get3A_747] {strides = array<i32>} : memref<2048xi32, #tpu.memory_space<vmem>>, vector<16xi32>,
        %gather3A_749 = tpu.vector_load_idx %arg13[%get3A_748] : memref<16384xf32, #tpu.memory_space<vmem>>[vector<16xi32>], vector<16xf32>,
        %get3A_750 = arith.index_cast %mul3A_746 : i32 to index
        %get3A_751 = tpu.vector_load %arg17[%get3A_750] {strides = array<i32>} : memref<2048xf32, #tpu.memory_space<vmem>>, vector<16xf32>,
        %mul3A_752 = arith.mulf %gather3A_749, %get3A_751 : vector<16xf32>
        %swap3A_753 = arith.index_cast %mul3A_746 : i32 to index
        %swap3A_754 = tpu.vector_load %arg18[%swap3A_753] {strides = array<i32>} : memref<2048xf32, #tpu.memory_space<vmem>>, vector<16xf32>,
        tpu.vector_store %arg18[%swap3A_753], %mul3A_752 {strides = array<i32>} : memref<2048xf32, #tpu.memory_space<vmem>>, vector<16xf32>,
        %scan3A_755 = arith.constant 2 : i32
        %scan3A_756 = arith.addi %scan3A_735, %scan3A_755 : i32
        %mul3A_757 = arith.constant 16 : i32
        %mul3A_758 = arith.muli %scan3A_756, %mul3A_757 : i32
        %get3A_759 = arith.index_cast %mul3A_758 : i32 to index
        %get3A_760 = tpu.vector_load %arg16[%get3A_759] {strides = array<i32>} : memref<2048xi32, #tpu.memory_space<vmem>>, vector<16xi32>,
        %gather3A_761 = tpu.vector_load_idx %arg13[%get3A_760] : memref<16384xf32, #tpu.memory_space<vmem>>[vector<16xi32>], vector<16xf32>,
        %get3A_762 = arith.index_cast %mul3A_758 : i32 to index
        %get3A_763 = tpu.vector_load %arg17[%get3A_762] {strides = array<i32>} : memref<2048xf32, #tpu.memory_space<vmem>>, vector<16xf32>,
        %mul3A_764 = arith.mulf %gather3A_761, %get3A_763 : vector<16xf32>
        %swap3A_765 = arith.index_cast %mul3A_758 : i32 to index
        %swap3A_766 = tpu.vector_load %arg18[%swap3A_765] {strides = array<i32>} : memref<2048xf32, #tpu.memory_space<vmem>>, vector<16xf32>,
        tpu.vector_store %arg18[%swap3A_765], %mul3A_764 {strides = array<i32>} : memref<2048xf32, #tpu.memory_space<vmem>>, vector<16xf32>,
        %scan3A_767 = arith.constant 3 : i32
        %scan3A_768 = arith.addi %scan3A_735, %scan3A_767 : i32
        %mul3A_769 = arith.constant 16 : i32
        %mul3A_770 = arith.muli %scan3A_768, %mul3A_769 : i32
        %get3A_771 = arith.index_cast %mul3A_770 : i32 to index
        %get3A_772 = tpu.vector_load %arg16[%get3A_771] {strides = array<i32>} : memref<2048xi32, #tpu.memory_space<vmem>>, vector<16xi32>,
        %gather3A_773 = tpu.vector_load_idx %arg13[%get3A_772] : memref<16384xf32, #tpu.memory_space<vmem>>[vector<16xi32>], vector<16xf32>,
        %get3A_774 = arith.index_cast %mul3A_770 : i32 to index
        %get3A_775 = tpu.vector_load %arg17[%get3A_774] {strides = array<i32>} : memref<2048xf32, #tpu.memory_space<vmem>>, vector<16xf32>,
        %mul3A_776 = arith.mulf %gather3A_773, %get3A_775 : vector<16xf32>
        %swap3A_777 = arith.index_cast %mul3A_770 : i32 to index
        %swap3A_778 = tpu.vector_load %arg18[%swap3A_777] {strides = array<i32>} : memref<2048xf32, #tpu.memory_space<vmem>>, vector<16xf32>,
        tpu.vector_store %arg18[%swap3A_777], %mul3A_776 {strides = array<i32>} : memref<2048xf32, #tpu.memory_space<vmem>>, vector<16xf32>,
        %scan3A_779 = arith.constant 4 : i32
        %scan3A_780 = arith.addi %scan3A_735, %scan3A_779 : i32
        %mul3A_781 = arith.constant 16 : i32
        %mul3A_782 = arith.muli %scan3A_780, %mul3A_781 : i32
        %get3A_783 = arith.index_cast %mul3A_782 : i32 to index
        %get3A_784 = tpu.vector_load %arg16[%get3A_783] {strides = array<i32>} : memref<2048xi32, #tpu.memory_space<vmem>>, vector<16xi32>,
        %gather3A_785 = tpu.vector_load_idx %arg13[%get3A_784] : memref<16384xf32, #tpu.memory_space<vmem>>[vector<16xi32>], vector<16xf32>,
        %get3A_786 = arith.index_cast %mul3A_782 : i32 to index
        %get3A_787 = tpu.vector_load %arg17[%get3A_786] {strides = array<i32>} : memref<2048xf32, #tpu.memory_space<vmem>>, vector<16xf32>,
        %mul3A_788 = arith.mulf %gather3A_785, %get3A_787 : vector<16xf32>
        %swap3A_789 = arith.index_cast %mul3A_782 : i32 to index
        %swap3A_790 = tpu.vector_load %arg18[%swap3A_789] {strides = array<i32>} : memref<2048xf32, #tpu.memory_space<vmem>>, vector<16xf32>,
        tpu.vector_store %arg18[%swap3A_789], %mul3A_788 {strides = array<i32>} : memref<2048xf32, #tpu.memory_space<vmem>>, vector<16xf32>,
        %scan3A_791 = arith.constant 5 : i32
        %scan3A_792 = arith.addi %scan3A_735, %scan3A_791 : i32
        %mul3A_793 = arith.constant 16 : i32
        %mul3A_794 = arith.muli %scan3A_792, %mul3A_793 : i32
        %get3A_795 = arith.index_cast %mul3A_794 : i32 to index
        %get3A_796 = tpu.vector_load %arg16[%get3A_795] {strides = array<i32>} : memref<2048xi32, #tpu.memory_space<vmem>>, vector<16xi32>,
        %gather3A_797 = tpu.vector_load_idx %arg13[%get3A_796] : memref<16384xf32, #tpu.memory_space<vmem>>[vector<16xi32>], vector<16xf32>,
        %get3A_798 = arith.index_cast %mul3A_794 : i32 to index
        %get3A_799 = tpu.vector_load %arg17[%get3A_798] {strides = array<i32>} : memref<2048xf32, #tpu.memory_space<vmem>>, vector<16xf32>,
        %mul3A_800 = arith.mulf %gather3A_797, %get3A_799 : vector<16xf32>
        %swap3A_801 = arith.index_cast %mul3A_794 : i32 to index
        %swap3A_802 = tpu.vector_load %arg18[%swap3A_801] {strides = array<i32>} : memref<2048xf32, #tpu.memory_space<vmem>>, vector<16xf32>,
        tpu.vector_store %arg18[%swap3A_801], %mul3A_800 {strides = array<i32>} : memref<2048xf32, #tpu.memory_space<vmem>>, vector<16xf32>,
        %scan3A_803 = arith.constant 6 : i32
        %scan3A_804 = arith.addi %scan3A_735, %scan3A_803 : i32
        %mul3A_805 = arith.constant 16 : i32
        %mul3A_806 = arith.muli %scan3A_804, %mul3A_805 : i32
        %get3A_807 = arith.index_cast %mul3A_806 : i32 to index
        %get3A_808 = tpu.vector_load %arg16[%get3A_807] {strides = array<i32>} : memref<2048xi32, #tpu.memory_space<vmem>>, vector<16xi32>,
        %gather3A_809 = tpu.vector_load_idx %arg13[%get3A_808] : memref<16384xf32, #tpu.memory_space<vmem>>[vector<16xi32>], vector<16xf32>,
        %get3A_810 = arith.index_cast %mul3A_806 : i32 to index
        %get3A_811 = tpu.vector_load %arg17[%get3A_810] {strides = array<i32>} : memref<2048xf32, #tpu.memory_space<vmem>>, vector<16xf32>,
        %mul3A_812 = arith.mulf %gather3A_809, %get3A_811 : vector<16xf32>
        %swap3A_813 = arith.index_cast %mul3A_806 : i32 to index
        %swap3A_814 = tpu.vector_load %arg18[%swap3A_813] {strides = array<i32>} : memref<2048xf32, #tpu.memory_space<vmem>>, vector<16xf32>,
        tpu.vector_store %arg18[%swap3A_813], %mul3A_812 {strides = array<i32>} : memref<2048xf32, #tpu.memory_space<vmem>>, vector<16xf32>,
        %scan3A_815 = arith.constant 7 : i32
        %scan3A_816 = arith.addi %scan3A_735, %scan3A_815 : i32
        %mul3A_817 = arith.constant 16 : i32
        %mul3A_818 = arith.muli %scan3A_816, %mul3A_817 : i32
        %get3A_819 = arith.index_cast %mul3A_818 : i32 to index
        %get3A_820 = tpu.vector_load %arg16[%get3A_819] {strides = array<i32>} : memref<2048xi32, #tpu.memory_space<vmem>>, vector<16xi32>,
        %gather3A_821 = tpu.vector_load_idx %arg13[%get3A_820] : memref<16384xf32, #tpu.memory_space<vmem>>[vector<16xi32>], vector<16xf32>,
        %get3A_822 = arith.index_cast %mul3A_818 : i32 to index
        %get3A_823 = tpu.vector_load %arg17[%get3A_822] {strides = array<i32>} : memref<2048xf32, #tpu.memory_space<vmem>>, vector<16xf32>,
        %mul3A_824 = arith.mulf %gather3A_821, %get3A_823 : vector<16xf32>
        %swap3A_825 = arith.index_cast %mul3A_818 : i32 to index
        %swap3A_826 = tpu.vector_load %arg18[%swap3A_825] {strides = array<i32>} : memref<2048xf32, #tpu.memory_space<vmem>>, vector<16xf32>,
        tpu.vector_store %arg18[%swap3A_825], %mul3A_824 {strides = array<i32>} : memref<2048xf32, #tpu.memory_space<vmem>>, vector<16xf32>,
      }
      %scan3A_247 = arith.constant 128 : i32
      %dma_start3A_248 = arith.constant 0 : i32
      %dma_start3A_249 = arith.constant 0 : i32
      %dma_start3A_250 = tpu.memref_slice %arg18[%dma_start3A_249] : memref<2048xf32, #tpu.memory_space<vmem>> -> memref<128xf32, #tpu.memory_space<vmem>>
      %dma_start3A_251 = arith.constant 0 : i32
      %dma_start3A_252 = tpu.memref_slice %arg14[%dma_start3A_248, %dma_start3A_251] : memref<16x128xi32, #tpu.memory_space<vmem>> -> memref<1x128xi32, #tpu.memory_space<vmem>>
      %dma_start3A_253 = tpu.memref_squeeze %dma_start3A_252 : memref<1x128xi32, #tpu.memory_space<vmem>> -> memref<128xi32, #tpu.memory_space<vmem>>
      %dma_start3A_254 = arith.constant 0 : i32
      %dma_start3A_255 = tpu.memref_slice %arg21[%dma_start3A_254] : memref<819200xf32, #tpu.memory_space<vmem_shared>> -> memref<819200xf32, #tpu.memory_space<vmem_shared>>
      tpu.enqueue_indirect_dma source(%dma_start3A_250 : memref<128xf32, #tpu.memory_space<vmem>>) target(%dma_start3A_255 : memref<819200xf32, #tpu.memory_space<vmem_shared>>) offsets(%dma_start3A_253 : memref<128xi32, #tpu.memory_space<vmem>>) semaphore(%arg23 : memref<!tpu.dma_semaphore, #tpu.memory_space<semaphore_mem>>) {add = true}
      %dma_start3A_256 = arith.constant 1 : i32
      %dma_start3A_257 = arith.constant 128 : i32
      %dma_start3A_258 = tpu.memref_slice %arg18[%dma_start3A_257] : memref<2048xf32, #tpu.memory_space<vmem>> -> memref<128xf32, #tpu.memory_space<vmem>>
      %dma_start3A_259 = arith.constant 0 : i32
      %dma_start3A_260 = tpu.memref_slice %arg14[%dma_start3A_256, %dma_start3A_259] : memref<16x128xi32, #tpu.memory_space<vmem>> -> memref<1x128xi32, #tpu.memory_space<vmem>>
      %dma_start3A_261 = tpu.memref_squeeze %dma_start3A_260 : memref<1x128xi32, #tpu.memory_space<vmem>> -> memref<128xi32, #tpu.memory_space<vmem>>
      %dma_start3A_262 = arith.constant 0 : i32
      %dma_start3A_263 = tpu.memref_slice %arg21[%dma_start3A_262] : memref<819200xf32, #tpu.memory_space<vmem_shared>> -> memref<819200xf32, #tpu.memory_space<vmem_shared>>
      tpu.enqueue_indirect_dma source(%dma_start3A_258 : memref<128xf32, #tpu.memory_space<vmem>>) target(%dma_start3A_263 : memref<819200xf32, #tpu.memory_space<vmem_shared>>) offsets(%dma_start3A_261 : memref<128xi32, #tpu.memory_space<vmem>>) semaphore(%arg23 : memref<!tpu.dma_semaphore, #tpu.memory_space<semaphore_mem>>) {add = true}
      %dma_start3A_264 = arith.constant 2 : i32
      %dma_start3A_265 = arith.constant 256 : i32
      %dma_start3A_266 = tpu.memref_slice %arg18[%dma_start3A_265] : memref<2048xf32, #tpu.memory_space<vmem>> -> memref<128xf32, #tpu.memory_space<vmem>>
      %dma_start3A_267 = arith.constant 0 : i32
      %dma_start3A_268 = tpu.memref_slice %arg14[%dma_start3A_264, %dma_start3A_267] : memref<16x128xi32, #tpu.memory_space<vmem>> -> memref<1x128xi32, #tpu.memory_space<vmem>>
      %dma_start3A_269 = tpu.memref_squeeze %dma_start3A_268 : memref<1x128xi32, #tpu.memory_space<vmem>> -> memref<128xi32, #tpu.memory_space<vmem>>
      %dma_start3A_270 = arith.constant 0 : i32
      %dma_start3A_271 = tpu.memref_slice %arg21[%dma_start3A_270] : memref<819200xf32, #tpu.memory_space<vmem_shared>> -> memref<819200xf32, #tpu.memory_space<vmem_shared>>
      tpu.enqueue_indirect_dma source(%dma_start3A_266 : memref<128xf32, #tpu.memory_space<vmem>>) target(%dma_start3A_271 : memref<819200xf32, #tpu.memory_space<vmem_shared>>) offsets(%dma_start3A_269 : memref<128xi32, #tpu.memory_space<vmem>>) semaphore(%arg23 : memref<!tpu.dma_semaphore, #tpu.memory_space<semaphore_mem>>) {add = true}
      %dma_start3A_272 = arith.constant 3 : i32
      %dma_start3A_273 = arith.constant 384 : i32
      %dma_start3A_274 = tpu.memref_slice %arg18[%dma_start3A_273] : memref<2048xf32, #tpu.memory_space<vmem>> -> memref<128xf32, #tpu.memory_space<vmem>>
      %dma_start3A_275 = arith.constant 0 : i32
      %dma_start3A_276 = tpu.memref_slice %arg14[%dma_start3A_272, %dma_start3A_275] : memref<16x128xi32, #tpu.memory_space<vmem>> -> memref<1x128xi32, #tpu.memory_space<vmem>>
      %dma_start3A_277 = tpu.memref_squeeze %dma_start3A_276 : memref<1x128xi32, #tpu.memory_space<vmem>> -> memref<128xi32, #tpu.memory_space<vmem>>
      %dma_start3A_278 = arith.constant 0 : i32
      %dma_start3A_279 = tpu.memref_slice %arg21[%dma_start3A_278] : memref<819200xf32, #tpu.memory_space<vmem_shared>> -> memref<819200xf32, #tpu.memory_space<vmem_shared>>
      tpu.enqueue_indirect_dma source(%dma_start3A_274 : memref<128xf32, #tpu.memory_space<vmem>>) target(%dma_start3A_279 : memref<819200xf32, #tpu.memory_space<vmem_shared>>) offsets(%dma_start3A_277 : memref<128xi32, #tpu.memory_space<vmem>>) semaphore(%arg23 : memref<!tpu.dma_semaphore, #tpu.memory_space<semaphore_mem>>) {add = true}
      %dma_start3A_280 = arith.constant 4 : i32
      %dma_start3A_281 = arith.constant 512 : i32
      %dma_start3A_282 = tpu.memref_slice %arg18[%dma_start3A_281] : memref<2048xf32, #tpu.memory_space<vmem>> -> memref<128xf32, #tpu.memory_space<vmem>>
      %dma_start3A_283 = arith.constant 0 : i32
      %dma_start3A_284 = tpu.memref_slice %arg14[%dma_start3A_280, %dma_start3A_283] : memref<16x128xi32, #tpu.memory_space<vmem>> -> memref<1x128xi32, #tpu.memory_space<vmem>>
      %dma_start3A_285 = tpu.memref_squeeze %dma_start3A_284 : memref<1x128xi32, #tpu.memory_space<vmem>> -> memref<128xi32, #tpu.memory_space<vmem>>
      %dma_start3A_286 = arith.constant 0 : i32
      %dma_start3A_287 = tpu.memref_slice %arg21[%dma_start3A_286] : memref<819200xf32, #tpu.memory_space<vmem_shared>> -> memref<819200xf32, #tpu.memory_space<vmem_shared>>
      tpu.enqueue_indirect_dma source(%dma_start3A_282 : memref<128xf32, #tpu.memory_space<vmem>>) target(%dma_start3A_287 : memref<819200xf32, #tpu.memory_space<vmem_shared>>) offsets(%dma_start3A_285 : memref<128xi32, #tpu.memory_space<vmem>>) semaphore(%arg23 : memref<!tpu.dma_semaphore, #tpu.memory_space<semaphore_mem>>) {add = true}
      %dma_start3A_288 = arith.constant 5 : i32
      %dma_start3A_289 = arith.constant 640 : i32
      %dma_start3A_290 = tpu.memref_slice %arg18[%dma_start3A_289] : memref<2048xf32, #tpu.memory_space<vmem>> -> memref<128xf32, #tpu.memory_space<vmem>>
      %dma_start3A_291 = arith.constant 0 : i32
      %dma_start3A_292 = tpu.memref_slice %arg14[%dma_start3A_288, %dma_start3A_291] : memref<16x128xi32, #tpu.memory_space<vmem>> -> memref<1x128xi32, #tpu.memory_space<vmem>>
      %dma_start3A_293 = tpu.memref_squeeze %dma_start3A_292 : memref<1x128xi32, #tpu.memory_space<vmem>> -> memref<128xi32, #tpu.memory_space<vmem>>
      %dma_start3A_294 = arith.constant 0 : i32
      %dma_start3A_295 = tpu.memref_slice %arg21[%dma_start3A_294] : memref<819200xf32, #tpu.memory_space<vmem_shared>> -> memref<819200xf32, #tpu.memory_space<vmem_shared>>
      tpu.enqueue_indirect_dma source(%dma_start3A_290 : memref<128xf32, #tpu.memory_space<vmem>>) target(%dma_start3A_295 : memref<819200xf32, #tpu.memory_space<vmem_shared>>) offsets(%dma_start3A_293 : memref<128xi32, #tpu.memory_space<vmem>>) semaphore(%arg23 : memref<!tpu.dma_semaphore, #tpu.memory_space<semaphore_mem>>) {add = true}
      %dma_start3A_296 = arith.constant 6 : i32
      %dma_start3A_297 = arith.constant 768 : i32
      %dma_start3A_298 = tpu.memref_slice %arg18[%dma_start3A_297] : memref<2048xf32, #tpu.memory_space<vmem>> -> memref<128xf32, #tpu.memory_space<vmem>>
      %dma_start3A_299 = arith.constant 0 : i32
      %dma_start3A_300 = tpu.memref_slice %arg14[%dma_start3A_296, %dma_start3A_299] : memref<16x128xi32, #tpu.memory_space<vmem>> -> memref<1x128xi32, #tpu.memory_space<vmem>>
      %dma_start3A_301 = tpu.memref_squeeze %dma_start3A_300 : memref<1x128xi32, #tpu.memory_space<vmem>> -> memref<128xi32, #tpu.memory_space<vmem>>
      %dma_start3A_302 = arith.constant 0 : i32
      %dma_start3A_303 = tpu.memref_slice %arg21[%dma_start3A_302] : memref<819200xf32, #tpu.memory_space<vmem_shared>> -> memref<819200xf32, #tpu.memory_space<vmem_shared>>
      tpu.enqueue_indirect_dma source(%dma_start3A_298 : memref<128xf32, #tpu.memory_space<vmem>>) target(%dma_start3A_303 : memref<819200xf32, #tpu.memory_space<vmem_shared>>) offsets(%dma_start3A_301 : memref<128xi32, #tpu.memory_space<vmem>>) semaphore(%arg23 : memref<!tpu.dma_semaphore, #tpu.memory_space<semaphore_mem>>) {add = true}
      %dma_start3A_304 = arith.constant 7 : i32
      %dma_start3A_305 = arith.constant 896 : i32
      %dma_start3A_306 = tpu.memref_slice %arg18[%dma_start3A_305] : memref<2048xf32, #tpu.memory_space<vmem>> -> memref<128xf32, #tpu.memory_space<vmem>>
      %dma_start3A_307 = arith.constant 0 : i32
      %dma_start3A_308 = tpu.memref_slice %arg14[%dma_start3A_304, %dma_start3A_307] : memref<16x128xi32, #tpu.memory_space<vmem>> -> memref<1x128xi32, #tpu.memory_space<vmem>>
      %dma_start3A_309 = tpu.memref_squeeze %dma_start3A_308 : memref<1x128xi32, #tpu.memory_space<vmem>> -> memref<128xi32, #tpu.memory_space<vmem>>
      %dma_start3A_310 = arith.constant 0 : i32
      %dma_start3A_311 = tpu.memref_slice %arg21[%dma_start3A_310] : memref<819200xf32, #tpu.memory_space<vmem_shared>> -> memref<819200xf32, #tpu.memory_space<vmem_shared>>
      tpu.enqueue_indirect_dma source(%dma_start3A_306 : memref<128xf32, #tpu.memory_space<vmem>>) target(%dma_start3A_311 : memref<819200xf32, #tpu.memory_space<vmem_shared>>) offsets(%dma_start3A_309 : memref<128xi32, #tpu.memory_space<vmem>>) semaphore(%arg23 : memref<!tpu.dma_semaphore, #tpu.memory_space<semaphore_mem>>) {add = true}
      %dma_start3A_312 = arith.constant 8 : i32
      %dma_start3A_313 = arith.constant 1024 : i32
      %dma_start3A_314 = tpu.memref_slice %arg18[%dma_start3A_313] : memref<2048xf32, #tpu.memory_space<vmem>> -> memref<128xf32, #tpu.memory_space<vmem>>
      %dma_start3A_315 = arith.constant 0 : i32
      %dma_start3A_316 = tpu.memref_slice %arg14[%dma_start3A_312, %dma_start3A_315] : memref<16x128xi32, #tpu.memory_space<vmem>> -> memref<1x128xi32, #tpu.memory_space<vmem>>
      %dma_start3A_317 = tpu.memref_squeeze %dma_start3A_316 : memref<1x128xi32, #tpu.memory_space<vmem>> -> memref<128xi32, #tpu.memory_space<vmem>>
      %dma_start3A_318 = arith.constant 0 : i32
      %dma_start3A_319 = tpu.memref_slice %arg21[%dma_start3A_318] : memref<819200xf32, #tpu.memory_space<vmem_shared>> -> memref<819200xf32, #tpu.memory_space<vmem_shared>>
      tpu.enqueue_indirect_dma source(%dma_start3A_314 : memref<128xf32, #tpu.memory_space<vmem>>) target(%dma_start3A_319 : memref<819200xf32, #tpu.memory_space<vmem_shared>>) offsets(%dma_start3A_317 : memref<128xi32, #tpu.memory_space<vmem>>) semaphore(%arg23 : memref<!tpu.dma_semaphore, #tpu.memory_space<semaphore_mem>>) {add = true}
      %dma_start3A_320 = arith.constant 9 : i32
      %dma_start3A_321 = arith.constant 1152 : i32
      %dma_start3A_322 = tpu.memref_slice %arg18[%dma_start3A_321] : memref<2048xf32, #tpu.memory_space<vmem>> -> memref<128xf32, #tpu.memory_space<vmem>>
      %dma_start3A_323 = arith.constant 0 : i32
      %dma_start3A_324 = tpu.memref_slice %arg14[%dma_start3A_320, %dma_start3A_323] : memref<16x128xi32, #tpu.memory_space<vmem>> -> memref<1x128xi32, #tpu.memory_space<vmem>>
      %dma_start3A_325 = tpu.memref_squeeze %dma_start3A_324 : memref<1x128xi32, #tpu.memory_space<vmem>> -> memref<128xi32, #tpu.memory_space<vmem>>
      %dma_start3A_326 = arith.constant 0 : i32
      %dma_start3A_327 = tpu.memref_slice %arg21[%dma_start3A_326] : memref<819200xf32, #tpu.memory_space<vmem_shared>> -> memref<819200xf32, #tpu.memory_space<vmem_shared>>
      tpu.enqueue_indirect_dma source(%dma_start3A_322 : memref<128xf32, #tpu.memory_space<vmem>>) target(%dma_start3A_327 : memref<819200xf32, #tpu.memory_space<vmem_shared>>) offsets(%dma_start3A_325 : memref<128xi32, #tpu.memory_space<vmem>>) semaphore(%arg23 : memref<!tpu.dma_semaphore, #tpu.memory_space<semaphore_mem>>) {add = true}
      %dma_start3A_328 = arith.constant 10 : i32
      %dma_start3A_329 = arith.constant 1280 : i32
      %dma_start3A_330 = tpu.memref_slice %arg18[%dma_start3A_329] : memref<2048xf32, #tpu.memory_space<vmem>> -> memref<128xf32, #tpu.memory_space<vmem>>
      %dma_start3A_331 = arith.constant 0 : i32
      %dma_start3A_332 = tpu.memref_slice %arg14[%dma_start3A_328, %dma_start3A_331] : memref<16x128xi32, #tpu.memory_space<vmem>> -> memref<1x128xi32, #tpu.memory_space<vmem>>
      %dma_start3A_333 = tpu.memref_squeeze %dma_start3A_332 : memref<1x128xi32, #tpu.memory_space<vmem>> -> memref<128xi32, #tpu.memory_space<vmem>>
      %dma_start3A_334 = arith.constant 0 : i32
      %dma_start3A_335 = tpu.memref_slice %arg21[%dma_start3A_334] : memref<819200xf32, #tpu.memory_space<vmem_shared>> -> memref<819200xf32, #tpu.memory_space<vmem_shared>>
      tpu.enqueue_indirect_dma source(%dma_start3A_330 : memref<128xf32, #tpu.memory_space<vmem>>) target(%dma_start3A_335 : memref<819200xf32, #tpu.memory_space<vmem_shared>>) offsets(%dma_start3A_333 : memref<128xi32, #tpu.memory_space<vmem>>) semaphore(%arg23 : memref<!tpu.dma_semaphore, #tpu.memory_space<semaphore_mem>>) {add = true}
      %dma_start3A_336 = arith.constant 11 : i32
      %dma_start3A_337 = arith.constant 1408 : i32
      %dma_start3A_338 = tpu.memref_slice %arg18[%dma_start3A_337] : memref<2048xf32, #tpu.memory_space<vmem>> -> memref<128xf32, #tpu.memory_space<vmem>>
      %dma_start3A_339 = arith.constant 0 : i32
      %dma_start3A_340 = tpu.memref_slice %arg14[%dma_start3A_336, %dma_start3A_339] : memref<16x128xi32, #tpu.memory_space<vmem>> -> memref<1x128xi32, #tpu.memory_space<vmem>>
      %dma_start3A_341 = tpu.memref_squeeze %dma_start3A_340 : memref<1x128xi32, #tpu.memory_space<vmem>> -> memref<128xi32, #tpu.memory_space<vmem>>
      %dma_start3A_342 = arith.constant 0 : i32
      %dma_start3A_343 = tpu.memref_slice %arg21[%dma_start3A_342] : memref<819200xf32, #tpu.memory_space<vmem_shared>> -> memref<819200xf32, #tpu.memory_space<vmem_shared>>
      tpu.enqueue_indirect_dma source(%dma_start3A_338 : memref<128xf32, #tpu.memory_space<vmem>>) target(%dma_start3A_343 : memref<819200xf32, #tpu.memory_space<vmem_shared>>) offsets(%dma_start3A_341 : memref<128xi32, #tpu.memory_space<vmem>>) semaphore(%arg23 : memref<!tpu.dma_semaphore, #tpu.memory_space<semaphore_mem>>) {add = true}
      %dma_start3A_344 = arith.constant 12 : i32
      %dma_start3A_345 = arith.constant 1536 : i32
      %dma_start3A_346 = tpu.memref_slice %arg18[%dma_start3A_345] : memref<2048xf32, #tpu.memory_space<vmem>> -> memref<128xf32, #tpu.memory_space<vmem>>
      %dma_start3A_347 = arith.constant 0 : i32
      %dma_start3A_348 = tpu.memref_slice %arg14[%dma_start3A_344, %dma_start3A_347] : memref<16x128xi32, #tpu.memory_space<vmem>> -> memref<1x128xi32, #tpu.memory_space<vmem>>
      %dma_start3A_349 = tpu.memref_squeeze %dma_start3A_348 : memref<1x128xi32, #tpu.memory_space<vmem>> -> memref<128xi32, #tpu.memory_space<vmem>>
      %dma_start3A_350 = arith.constant 0 : i32
      %dma_start3A_351 = tpu.memref_slice %arg21[%dma_start3A_350] : memref<819200xf32, #tpu.memory_space<vmem_shared>> -> memref<819200xf32, #tpu.memory_space<vmem_shared>>
      tpu.enqueue_indirect_dma source(%dma_start3A_346 : memref<128xf32, #tpu.memory_space<vmem>>) target(%dma_start3A_351 : memref<819200xf32, #tpu.memory_space<vmem_shared>>) offsets(%dma_start3A_349 : memref<128xi32, #tpu.memory_space<vmem>>) semaphore(%arg23 : memref<!tpu.dma_semaphore, #tpu.memory_space<semaphore_mem>>) {add = true}
      %dma_start3A_352 = arith.constant 13 : i32
      %dma_start3A_353 = arith.constant 1664 : i32
      %dma_start3A_354 = tpu.memref_slice %arg18[%dma_start3A_353] : memref<2048xf32, #tpu.memory_space<vmem>> -> memref<128xf32, #tpu.memory_space<vmem>>
      %dma_start3A_355 = arith.constant 0 : i32
      %dma_start3A_356 = tpu.memref_slice %arg14[%dma_start3A_352, %dma_start3A_355] : memref<16x128xi32, #tpu.memory_space<vmem>> -> memref<1x128xi32, #tpu.memory_space<vmem>>
      %dma_start3A_357 = tpu.memref_squeeze %dma_start3A_356 : memref<1x128xi32, #tpu.memory_space<vmem>> -> memref<128xi32, #tpu.memory_space<vmem>>
      %dma_start3A_358 = arith.constant 0 : i32
      %dma_start3A_359 = tpu.memref_slice %arg21[%dma_start3A_358] : memref<819200xf32, #tpu.memory_space<vmem_shared>> -> memref<819200xf32, #tpu.memory_space<vmem_shared>>
      tpu.enqueue_indirect_dma source(%dma_start3A_354 : memref<128xf32, #tpu.memory_space<vmem>>) target(%dma_start3A_359 : memref<819200xf32, #tpu.memory_space<vmem_shared>>) offsets(%dma_start3A_357 : memref<128xi32, #tpu.memory_space<vmem>>) semaphore(%arg23 : memref<!tpu.dma_semaphore, #tpu.memory_space<semaphore_mem>>) {add = true}
      %dma_start3A_360 = arith.constant 14 : i32
      %dma_start3A_361 = arith.constant 1792 : i32
      %dma_start3A_362 = tpu.memref_slice %arg18[%dma_start3A_361] : memref<2048xf32, #tpu.memory_space<vmem>> -> memref<128xf32, #tpu.memory_space<vmem>>
      %dma_start3A_363 = arith.constant 0 : i32
      %dma_start3A_364 = tpu.memref_slice %arg14[%dma_start3A_360, %dma_start3A_363] : memref<16x128xi32, #tpu.memory_space<vmem>> -> memref<1x128xi32, #tpu.memory_space<vmem>>
      %dma_start3A_365 = tpu.memref_squeeze %dma_start3A_364 : memref<1x128xi32, #tpu.memory_space<vmem>> -> memref<128xi32, #tpu.memory_space<vmem>>
      %dma_start3A_366 = arith.constant 0 : i32
      %dma_start3A_367 = tpu.memref_slice %arg21[%dma_start3A_366] : memref<819200xf32, #tpu.memory_space<vmem_shared>> -> memref<819200xf32, #tpu.memory_space<vmem_shared>>
      tpu.enqueue_indirect_dma source(%dma_start3A_362 : memref<128xf32, #tpu.memory_space<vmem>>) target(%dma_start3A_367 : memref<819200xf32, #tpu.memory_space<vmem_shared>>) offsets(%dma_start3A_365 : memref<128xi32, #tpu.memory_space<vmem>>) semaphore(%arg23 : memref<!tpu.dma_semaphore, #tpu.memory_space<semaphore_mem>>) {add = true}
      %dma_start3A_368 = arith.constant 15 : i32
      %dma_start3A_369 = arith.constant 1920 : i32
      %dma_start3A_370 = tpu.memref_slice %arg18[%dma_start3A_369] : memref<2048xf32, #tpu.memory_space<vmem>> -> memref<128xf32, #tpu.memory_space<vmem>>
      %dma_start3A_371 = arith.constant 0 : i32
      %dma_start3A_372 = tpu.memref_slice %arg14[%dma_start3A_368, %dma_start3A_371] : memref<16x128xi32, #tpu.memory_space<vmem>> -> memref<1x128xi32, #tpu.memory_space<vmem>>
      %dma_start3A_373 = tpu.memref_squeeze %dma_start3A_372 : memref<1x128xi32, #tpu.memory_space<vmem>> -> memref<128xi32, #tpu.memory_space<vmem>>
      %dma_start3A_374 = arith.constant 0 : i32
      %dma_start3A_375 = tpu.memref_slice %arg21[%dma_start3A_374] : memref<819200xf32, #tpu.memory_space<vmem_shared>> -> memref<819200xf32, #tpu.memory_space<vmem_shared>>
      tpu.enqueue_indirect_dma source(%dma_start3A_370 : memref<128xf32, #tpu.memory_space<vmem>>) target(%dma_start3A_375 : memref<819200xf32, #tpu.memory_space<vmem_shared>>) offsets(%dma_start3A_373 : memref<128xi32, #tpu.memory_space<vmem>>) semaphore(%arg23 : memref<!tpu.dma_semaphore, #tpu.memory_space<semaphore_mem>>) {add = true}
      %gt3A = arith.constant 0 : i32
      %gt3A_376 = arith.cmpi sgt, %scan3A_239, %gt3A : i32
      %convert_element_type3A = arith.extui %gt3A_376 : i1 to i32
      %cond3A = arith.constant 0 : i32
      %cond3A_377 = arith.cmpi ne, %convert_element_type3A, %cond3A : i32
      scf.if %cond3A_377 {
        %dma_wait3A_735 = arith.constant 0 : i32
        %dma_wait3A_736 = tpu.memref_slice %arg5[%dma_wait3A_735] : memref<3276800xf32, #tpu.memory_space<hbm>> -> memref<2048xf32, #tpu.memory_space<hbm>>
        %dma_wait3A_737 = arith.constant 0 : i32
        %dma_wait3A_738 = tpu.memref_slice %arg5[%dma_wait3A_737] : memref<3276800xf32, #tpu.memory_space<hbm>> -> memref<2048xf32, #tpu.memory_space<hbm>>
        tpu.wait_dma2 semaphore(%arg23 : memref<!tpu.dma_semaphore, #tpu.memory_space<semaphore_mem>>) src(%dma_wait3A_738 : memref<2048xf32, #tpu.memory_space<hbm>>) dst(%arg18 : memref<2048xf32, #tpu.memory_space<vmem>>)
      } else {
      }
      %add3A_378 = arith.constant 1 : i32
      %add3A_379 = arith.addi %mul3A_241, %add3A_378 : i32
      %mul3A_380 = arith.constant 2048 : i32
      %mul3A_381 = arith.muli %add3A_379, %mul3A_380 : i32
      %add3A_382 = arith.addi %mul3A_23, %mul3A_381 : i32
      %multiple_of3A_383 = tpu.assume_multiple %add3A_382, 2048 : i32
      %jit3A_384 = arith.constant 128 : i32
      %div3A_385 = arith.divsi %multiple_of3A_383, %jit3A_384 : i32
      %sign3A_386 = arith.constant 0 : i32
      %sign3A_387 = arith.cmpi sgt, %multiple_of3A_383, %sign3A_386 : i32
      %sign3A_388 = arith.extui %sign3A_387 : i1 to i32
      %sign3A_389 = arith.constant 0 : i32
      %sign3A_390 = arith.cmpi slt, %multiple_of3A_383, %sign3A_389 : i32
      %sign3A_391 = arith.extui %sign3A_390 : i1 to i32
      %sign3A_392 = arith.subi %sign3A_388, %sign3A_391 : i32
      %sign3A_393 = arith.constant 0 : i32
      %sign3A_394 = arith.cmpi sgt, %jit3A_384, %sign3A_393 : i32
      %sign3A_395 = arith.extui %sign3A_394 : i1 to i32
      %sign3A_396 = arith.constant 0 : i32
      %sign3A_397 = arith.cmpi slt, %jit3A_384, %sign3A_396 : i32
      %sign3A_398 = arith.extui %sign3A_397 : i1 to i32
      %sign3A_399 = arith.subi %sign3A_395, %sign3A_398 : i32
      %ne3A_400 = arith.cmpi ne, %sign3A_392, %sign3A_399 : i32
      %rem3A_401 = arith.remsi %multiple_of3A_383, %jit3A_384 : i32
      %ne3A_402 = arith.constant 0 : i32
      %ne3A_403 = arith.cmpi ne, %rem3A_401, %ne3A_402 : i32
      %and3A_404 = arith.andi %ne3A_400, %ne3A_403 : i1
      %sub3A_405 = arith.constant 1 : i32
      %sub3A_406 = arith.subi %div3A_385, %sub3A_405 : i32
      %select_n3A_407 = arith.select %and3A_404, %sub3A_406, %div3A_385 : i32
      %multiple_of3A_408 = tpu.assume_multiple %select_n3A_407, 16 : i32
      %dma_start3A_409 = arith.constant 0 : i32
      %dma_start3A_410 = tpu.memref_slice %arg3[%multiple_of3A_408, %dma_start3A_409] : memref<25600x128xi32, #tpu.memory_space<hbm>> -> memref<16x128xi32, #tpu.memory_space<hbm>>
      %dma_start3A_411 = arith.constant 0 : i32
      %dma_start3A_412 = tpu.memref_slice %arg3[%multiple_of3A_408, %dma_start3A_411] : memref<25600x128xi32, #tpu.memory_space<hbm>> -> memref<16x128xi32, #tpu.memory_space<hbm>>
      tpu.enqueue_dma source(%dma_start3A_412 : memref<16x128xi32, #tpu.memory_space<hbm>>) target(%arg15 : memref<16x128xi32, #tpu.memory_space<vmem>>) target_semaphore(%arg22 : memref<!tpu.dma_semaphore, #tpu.memory_space<semaphore_mem>>)
      %dma_start3A_413 = tpu.memref_slice %arg4[%multiple_of3A_383] : memref<3276800xi32, #tpu.memory_space<hbm>> -> memref<2048xi32, #tpu.memory_space<hbm>>
      %dma_start3A_414 = tpu.memref_slice %arg4[%multiple_of3A_383] : memref<3276800xi32, #tpu.memory_space<hbm>> -> memref<2048xi32, #tpu.memory_space<hbm>>
      tpu.enqueue_dma source(%dma_start3A_414 : memref<2048xi32, #tpu.memory_space<hbm>>) target(%arg16 : memref<2048xi32, #tpu.memory_space<vmem>>) target_semaphore(%arg22 : memref<!tpu.dma_semaphore, #tpu.memory_space<semaphore_mem>>)
      %dma_start3A_415 = tpu.memref_slice %arg5[%multiple_of3A_383] : memref<3276800xf32, #tpu.memory_space<hbm>> -> memref<2048xf32, #tpu.memory_space<hbm>>
      %dma_start3A_416 = tpu.memref_slice %arg5[%multiple_of3A_383] : memref<3276800xf32, #tpu.memory_space<hbm>> -> memref<2048xf32, #tpu.memory_space<hbm>>
      tpu.enqueue_dma source(%dma_start3A_416 : memref<2048xf32, #tpu.memory_space<hbm>>) target(%arg17 : memref<2048xf32, #tpu.memory_space<vmem>>) target_semaphore(%arg22 : memref<!tpu.dma_semaphore, #tpu.memory_space<semaphore_mem>>)
      %dma_wait3A_417 = arith.constant 0 : i32
      %dma_wait3A_418 = tpu.memref_slice %arg3[%multiple_of3A_408, %dma_wait3A_417] : memref<25600x128xi32, #tpu.memory_space<hbm>> -> memref<16x128xi32, #tpu.memory_space<hbm>>
      %dma_wait3A_419 = arith.constant 0 : i32
      %dma_wait3A_420 = tpu.memref_slice %arg3[%multiple_of3A_408, %dma_wait3A_419] : memref<25600x128xi32, #tpu.memory_space<hbm>> -> memref<16x128xi32, #tpu.memory_space<hbm>>
      tpu.wait_dma2 semaphore(%arg22 : memref<!tpu.dma_semaphore, #tpu.memory_space<semaphore_mem>>) src(%dma_wait3A_420 : memref<16x128xi32, #tpu.memory_space<hbm>>) dst(%arg15 : memref<16x128xi32, #tpu.memory_space<vmem>>)
      %dma_wait3A_421 = tpu.memref_slice %arg4[%multiple_of3A_383] : memref<3276800xi32, #tpu.memory_space<hbm>> -> memref<2048xi32, #tpu.memory_space<hbm>>
      %dma_wait3A_422 = tpu.memref_slice %arg4[%multiple_of3A_383] : memref<3276800xi32, #tpu.memory_space<hbm>> -> memref<2048xi32, #tpu.memory_space<hbm>>
      tpu.wait_dma2 semaphore(%arg22 : memref<!tpu.dma_semaphore, #tpu.memory_space<semaphore_mem>>) src(%dma_wait3A_422 : memref<2048xi32, #tpu.memory_space<hbm>>) dst(%arg16 : memref<2048xi32, #tpu.memory_space<vmem>>)
      %dma_wait3A_423 = tpu.memref_slice %arg5[%multiple_of3A_383] : memref<3276800xf32, #tpu.memory_space<hbm>> -> memref<2048xf32, #tpu.memory_space<hbm>>
      %dma_wait3A_424 = tpu.memref_slice %arg5[%multiple_of3A_383] : memref<3276800xf32, #tpu.memory_space<hbm>> -> memref<2048xf32, #tpu.memory_space<hbm>>
      tpu.wait_dma2 semaphore(%arg22 : memref<!tpu.dma_semaphore, #tpu.memory_space<semaphore_mem>>) src(%dma_wait3A_424 : memref<2048xf32, #tpu.memory_space<hbm>>) dst(%arg17 : memref<2048xf32, #tpu.memory_space<vmem>>)
      %scan3A_425 = arith.constant 0 : i32
      %scan3A_426 = arith.constant 0 : i32
      %scan3A_427 = arith.constant 128 : i32
      %scan3A_428 = arith.addi %scan3A_426, %scan3A_427 : i32
      %scan3A_429 = arith.constant 8 : i32
      scf.for %scan3A_735 = %scan3A_426 to %scan3A_428 step %scan3A_429  : i32 {
        %mul3A_736 = arith.constant 16 : i32
        %mul3A_737 = arith.muli %scan3A_735, %mul3A_736 : i32
        %get3A = arith.index_cast %mul3A_737 : i32 to index
        %get3A_738 = tpu.vector_load %arg16[%get3A] {strides = array<i32>} : memref<2048xi32, #tpu.memory_space<vmem>>, vector<16xi32>,
        %gather3A = tpu.vector_load_idx %arg13[%get3A_738] : memref<16384xf32, #tpu.memory_space<vmem>>[vector<16xi32>], vector<16xf32>,
        %get3A_739 = arith.index_cast %mul3A_737 : i32 to index
        %get3A_740 = tpu.vector_load %arg17[%get3A_739] {strides = array<i32>} : memref<2048xf32, #tpu.memory_space<vmem>>, vector<16xf32>,
        %mul3A_741 = arith.mulf %gather3A, %get3A_740 : vector<16xf32>
        %swap3A = arith.index_cast %mul3A_737 : i32 to index
        %swap3A_742 = tpu.vector_load %arg19[%swap3A] {strides = array<i32>} : memref<2048xf32, #tpu.memory_space<vmem>>, vector<16xf32>,
        tpu.vector_store %arg19[%swap3A], %mul3A_741 {strides = array<i32>} : memref<2048xf32, #tpu.memory_space<vmem>>, vector<16xf32>,
        %scan3A_743 = arith.constant 1 : i32
        %scan3A_744 = arith.addi %scan3A_735, %scan3A_743 : i32
        %mul3A_745 = arith.constant 16 : i32
        %mul3A_746 = arith.muli %scan3A_744, %mul3A_745 : i32
        %get3A_747 = arith.index_cast %mul3A_746 : i32 to index
        %get3A_748 = tpu.vector_load %arg16[%get3A_747] {strides = array<i32>} : memref<2048xi32, #tpu.memory_space<vmem>>, vector<16xi32>,
        %gather3A_749 = tpu.vector_load_idx %arg13[%get3A_748] : memref<16384xf32, #tpu.memory_space<vmem>>[vector<16xi32>], vector<16xf32>,
        %get3A_750 = arith.index_cast %mul3A_746 : i32 to index
        %get3A_751 = tpu.vector_load %arg17[%get3A_750] {strides = array<i32>} : memref<2048xf32, #tpu.memory_space<vmem>>, vector<16xf32>,
        %mul3A_752 = arith.mulf %gather3A_749, %get3A_751 : vector<16xf32>
        %swap3A_753 = arith.index_cast %mul3A_746 : i32 to index
        %swap3A_754 = tpu.vector_load %arg19[%swap3A_753] {strides = array<i32>} : memref<2048xf32, #tpu.memory_space<vmem>>, vector<16xf32>,
        tpu.vector_store %arg19[%swap3A_753], %mul3A_752 {strides = array<i32>} : memref<2048xf32, #tpu.memory_space<vmem>>, vector<16xf32>,
        %scan3A_755 = arith.constant 2 : i32
        %scan3A_756 = arith.addi %scan3A_735, %scan3A_755 : i32
        %mul3A_757 = arith.constant 16 : i32
        %mul3A_758 = arith.muli %scan3A_756, %mul3A_757 : i32
        %get3A_759 = arith.index_cast %mul3A_758 : i32 to index
        %get3A_760 = tpu.vector_load %arg16[%get3A_759] {strides = array<i32>} : memref<2048xi32, #tpu.memory_space<vmem>>, vector<16xi32>,
        %gather3A_761 = tpu.vector_load_idx %arg13[%get3A_760] : memref<16384xf32, #tpu.memory_space<vmem>>[vector<16xi32>], vector<16xf32>,
        %get3A_762 = arith.index_cast %mul3A_758 : i32 to index
        %get3A_763 = tpu.vector_load %arg17[%get3A_762] {strides = array<i32>} : memref<2048xf32, #tpu.memory_space<vmem>>, vector<16xf32>,
        %mul3A_764 = arith.mulf %gather3A_761, %get3A_763 : vector<16xf32>
        %swap3A_765 = arith.index_cast %mul3A_758 : i32 to index
        %swap3A_766 = tpu.vector_load %arg19[%swap3A_765] {strides = array<i32>} : memref<2048xf32, #tpu.memory_space<vmem>>, vector<16xf32>,
        tpu.vector_store %arg19[%swap3A_765], %mul3A_764 {strides = array<i32>} : memref<2048xf32, #tpu.memory_space<vmem>>, vector<16xf32>,
        %scan3A_767 = arith.constant 3 : i32
        %scan3A_768 = arith.addi %scan3A_735, %scan3A_767 : i32
        %mul3A_769 = arith.constant 16 : i32
        %mul3A_770 = arith.muli %scan3A_768, %mul3A_769 : i32
        %get3A_771 = arith.index_cast %mul3A_770 : i32 to index
        %get3A_772 = tpu.vector_load %arg16[%get3A_771] {strides = array<i32>} : memref<2048xi32, #tpu.memory_space<vmem>>, vector<16xi32>,
        %gather3A_773 = tpu.vector_load_idx %arg13[%get3A_772] : memref<16384xf32, #tpu.memory_space<vmem>>[vector<16xi32>], vector<16xf32>,
        %get3A_774 = arith.index_cast %mul3A_770 : i32 to index
        %get3A_775 = tpu.vector_load %arg17[%get3A_774] {strides = array<i32>} : memref<2048xf32, #tpu.memory_space<vmem>>, vector<16xf32>,
        %mul3A_776 = arith.mulf %gather3A_773, %get3A_775 : vector<16xf32>
        %swap3A_777 = arith.index_cast %mul3A_770 : i32 to index
        %swap3A_778 = tpu.vector_load %arg19[%swap3A_777] {strides = array<i32>} : memref<2048xf32, #tpu.memory_space<vmem>>, vector<16xf32>,
        tpu.vector_store %arg19[%swap3A_777], %mul3A_776 {strides = array<i32>} : memref<2048xf32, #tpu.memory_space<vmem>>, vector<16xf32>,
        %scan3A_779 = arith.constant 4 : i32
        %scan3A_780 = arith.addi %scan3A_735, %scan3A_779 : i32
        %mul3A_781 = arith.constant 16 : i32
        %mul3A_782 = arith.muli %scan3A_780, %mul3A_781 : i32
        %get3A_783 = arith.index_cast %mul3A_782 : i32 to index
        %get3A_784 = tpu.vector_load %arg16[%get3A_783] {strides = array<i32>} : memref<2048xi32, #tpu.memory_space<vmem>>, vector<16xi32>,
        %gather3A_785 = tpu.vector_load_idx %arg13[%get3A_784] : memref<16384xf32, #tpu.memory_space<vmem>>[vector<16xi32>], vector<16xf32>,
        %get3A_786 = arith.index_cast %mul3A_782 : i32 to index
        %get3A_787 = tpu.vector_load %arg17[%get3A_786] {strides = array<i32>} : memref<2048xf32, #tpu.memory_space<vmem>>, vector<16xf32>,
        %mul3A_788 = arith.mulf %gather3A_785, %get3A_787 : vector<16xf32>
        %swap3A_789 = arith.index_cast %mul3A_782 : i32 to index
        %swap3A_790 = tpu.vector_load %arg19[%swap3A_789] {strides = array<i32>} : memref<2048xf32, #tpu.memory_space<vmem>>, vector<16xf32>,
        tpu.vector_store %arg19[%swap3A_789], %mul3A_788 {strides = array<i32>} : memref<2048xf32, #tpu.memory_space<vmem>>, vector<16xf32>,
        %scan3A_791 = arith.constant 5 : i32
        %scan3A_792 = arith.addi %scan3A_735, %scan3A_791 : i32
        %mul3A_793 = arith.constant 16 : i32
        %mul3A_794 = arith.muli %scan3A_792, %mul3A_793 : i32
        %get3A_795 = arith.index_cast %mul3A_794 : i32 to index
        %get3A_796 = tpu.vector_load %arg16[%get3A_795] {strides = array<i32>} : memref<2048xi32, #tpu.memory_space<vmem>>, vector<16xi32>,
        %gather3A_797 = tpu.vector_load_idx %arg13[%get3A_796] : memref<16384xf32, #tpu.memory_space<vmem>>[vector<16xi32>], vector<16xf32>,
        %get3A_798 = arith.index_cast %mul3A_794 : i32 to index
        %get3A_799 = tpu.vector_load %arg17[%get3A_798] {strides = array<i32>} : memref<2048xf32, #tpu.memory_space<vmem>>, vector<16xf32>,
        %mul3A_800 = arith.mulf %gather3A_797, %get3A_799 : vector<16xf32>
        %swap3A_801 = arith.index_cast %mul3A_794 : i32 to index
        %swap3A_802 = tpu.vector_load %arg19[%swap3A_801] {strides = array<i32>} : memref<2048xf32, #tpu.memory_space<vmem>>, vector<16xf32>,
        tpu.vector_store %arg19[%swap3A_801], %mul3A_800 {strides = array<i32>} : memref<2048xf32, #tpu.memory_space<vmem>>, vector<16xf32>,
        %scan3A_803 = arith.constant 6 : i32
        %scan3A_804 = arith.addi %scan3A_735, %scan3A_803 : i32
        %mul3A_805 = arith.constant 16 : i32
        %mul3A_806 = arith.muli %scan3A_804, %mul3A_805 : i32
        %get3A_807 = arith.index_cast %mul3A_806 : i32 to index
        %get3A_808 = tpu.vector_load %arg16[%get3A_807] {strides = array<i32>} : memref<2048xi32, #tpu.memory_space<vmem>>, vector<16xi32>,
        %gather3A_809 = tpu.vector_load_idx %arg13[%get3A_808] : memref<16384xf32, #tpu.memory_space<vmem>>[vector<16xi32>], vector<16xf32>,
        %get3A_810 = arith.index_cast %mul3A_806 : i32 to index
        %get3A_811 = tpu.vector_load %arg17[%get3A_810] {strides = array<i32>} : memref<2048xf32, #tpu.memory_space<vmem>>, vector<16xf32>,
        %mul3A_812 = arith.mulf %gather3A_809, %get3A_811 : vector<16xf32>
        %swap3A_813 = arith.index_cast %mul3A_806 : i32 to index
        %swap3A_814 = tpu.vector_load %arg19[%swap3A_813] {strides = array<i32>} : memref<2048xf32, #tpu.memory_space<vmem>>, vector<16xf32>,
        tpu.vector_store %arg19[%swap3A_813], %mul3A_812 {strides = array<i32>} : memref<2048xf32, #tpu.memory_space<vmem>>, vector<16xf32>,
        %scan3A_815 = arith.constant 7 : i32
        %scan3A_816 = arith.addi %scan3A_735, %scan3A_815 : i32
        %mul3A_817 = arith.constant 16 : i32
        %mul3A_818 = arith.muli %scan3A_816, %mul3A_817 : i32
        %get3A_819 = arith.index_cast %mul3A_818 : i32 to index
        %get3A_820 = tpu.vector_load %arg16[%get3A_819] {strides = array<i32>} : memref<2048xi32, #tpu.memory_space<vmem>>, vector<16xi32>,
        %gather3A_821 = tpu.vector_load_idx %arg13[%get3A_820] : memref<16384xf32, #tpu.memory_space<vmem>>[vector<16xi32>], vector<16xf32>,
        %get3A_822 = arith.index_cast %mul3A_818 : i32 to index
        %get3A_823 = tpu.vector_load %arg17[%get3A_822] {strides = array<i32>} : memref<2048xf32, #tpu.memory_space<vmem>>, vector<16xf32>,
        %mul3A_824 = arith.mulf %gather3A_821, %get3A_823 : vector<16xf32>
        %swap3A_825 = arith.index_cast %mul3A_818 : i32 to index
        %swap3A_826 = tpu.vector_load %arg19[%swap3A_825] {strides = array<i32>} : memref<2048xf32, #tpu.memory_space<vmem>>, vector<16xf32>,
        tpu.vector_store %arg19[%swap3A_825], %mul3A_824 {strides = array<i32>} : memref<2048xf32, #tpu.memory_space<vmem>>, vector<16xf32>,
      }
      %scan3A_430 = arith.constant 128 : i32
      %dma_start3A_431 = arith.constant 0 : i32
      %dma_start3A_432 = arith.constant 0 : i32
      %dma_start3A_433 = tpu.memref_slice %arg19[%dma_start3A_432] : memref<2048xf32, #tpu.memory_space<vmem>> -> memref<128xf32, #tpu.memory_space<vmem>>
      %dma_start3A_434 = arith.constant 0 : i32
      %dma_start3A_435 = tpu.memref_slice %arg15[%dma_start3A_431, %dma_start3A_434] : memref<16x128xi32, #tpu.memory_space<vmem>> -> memref<1x128xi32, #tpu.memory_space<vmem>>
      %dma_start3A_436 = tpu.memref_squeeze %dma_start3A_435 : memref<1x128xi32, #tpu.memory_space<vmem>> -> memref<128xi32, #tpu.memory_space<vmem>>
      %dma_start3A_437 = arith.constant 0 : i32
      %dma_start3A_438 = tpu.memref_slice %arg21[%dma_start3A_437] : memref<819200xf32, #tpu.memory_space<vmem_shared>> -> memref<819200xf32, #tpu.memory_space<vmem_shared>>
      tpu.enqueue_indirect_dma source(%dma_start3A_433 : memref<128xf32, #tpu.memory_space<vmem>>) target(%dma_start3A_438 : memref<819200xf32, #tpu.memory_space<vmem_shared>>) offsets(%dma_start3A_436 : memref<128xi32, #tpu.memory_space<vmem>>) semaphore(%arg23 : memref<!tpu.dma_semaphore, #tpu.memory_space<semaphore_mem>>) {add = true}
      %dma_start3A_439 = arith.constant 1 : i32
      %dma_start3A_440 = arith.constant 128 : i32
      %dma_start3A_441 = tpu.memref_slice %arg19[%dma_start3A_440] : memref<2048xf32, #tpu.memory_space<vmem>> -> memref<128xf32, #tpu.memory_space<vmem>>
      %dma_start3A_442 = arith.constant 0 : i32
      %dma_start3A_443 = tpu.memref_slice %arg15[%dma_start3A_439, %dma_start3A_442] : memref<16x128xi32, #tpu.memory_space<vmem>> -> memref<1x128xi32, #tpu.memory_space<vmem>>
      %dma_start3A_444 = tpu.memref_squeeze %dma_start3A_443 : memref<1x128xi32, #tpu.memory_space<vmem>> -> memref<128xi32, #tpu.memory_space<vmem>>
      %dma_start3A_445 = arith.constant 0 : i32
      %dma_start3A_446 = tpu.memref_slice %arg21[%dma_start3A_445] : memref<819200xf32, #tpu.memory_space<vmem_shared>> -> memref<819200xf32, #tpu.memory_space<vmem_shared>>
      tpu.enqueue_indirect_dma source(%dma_start3A_441 : memref<128xf32, #tpu.memory_space<vmem>>) target(%dma_start3A_446 : memref<819200xf32, #tpu.memory_space<vmem_shared>>) offsets(%dma_start3A_444 : memref<128xi32, #tpu.memory_space<vmem>>) semaphore(%arg23 : memref<!tpu.dma_semaphore, #tpu.memory_space<semaphore_mem>>) {add = true}
      %dma_start3A_447 = arith.constant 2 : i32
      %dma_start3A_448 = arith.constant 256 : i32
      %dma_start3A_449 = tpu.memref_slice %arg19[%dma_start3A_448] : memref<2048xf32, #tpu.memory_space<vmem>> -> memref<128xf32, #tpu.memory_space<vmem>>
      %dma_start3A_450 = arith.constant 0 : i32
      %dma_start3A_451 = tpu.memref_slice %arg15[%dma_start3A_447, %dma_start3A_450] : memref<16x128xi32, #tpu.memory_space<vmem>> -> memref<1x128xi32, #tpu.memory_space<vmem>>
      %dma_start3A_452 = tpu.memref_squeeze %dma_start3A_451 : memref<1x128xi32, #tpu.memory_space<vmem>> -> memref<128xi32, #tpu.memory_space<vmem>>
      %dma_start3A_453 = arith.constant 0 : i32
      %dma_start3A_454 = tpu.memref_slice %arg21[%dma_start3A_453] : memref<819200xf32, #tpu.memory_space<vmem_shared>> -> memref<819200xf32, #tpu.memory_space<vmem_shared>>
      tpu.enqueue_indirect_dma source(%dma_start3A_449 : memref<128xf32, #tpu.memory_space<vmem>>) target(%dma_start3A_454 : memref<819200xf32, #tpu.memory_space<vmem_shared>>) offsets(%dma_start3A_452 : memref<128xi32, #tpu.memory_space<vmem>>) semaphore(%arg23 : memref<!tpu.dma_semaphore, #tpu.memory_space<semaphore_mem>>) {add = true}
      %dma_start3A_455 = arith.constant 3 : i32
      %dma_start3A_456 = arith.constant 384 : i32
      %dma_start3A_457 = tpu.memref_slice %arg19[%dma_start3A_456] : memref<2048xf32, #tpu.memory_space<vmem>> -> memref<128xf32, #tpu.memory_space<vmem>>
      %dma_start3A_458 = arith.constant 0 : i32
      %dma_start3A_459 = tpu.memref_slice %arg15[%dma_start3A_455, %dma_start3A_458] : memref<16x128xi32, #tpu.memory_space<vmem>> -> memref<1x128xi32, #tpu.memory_space<vmem>>
      %dma_start3A_460 = tpu.memref_squeeze %dma_start3A_459 : memref<1x128xi32, #tpu.memory_space<vmem>> -> memref<128xi32, #tpu.memory_space<vmem>>
      %dma_start3A_461 = arith.constant 0 : i32
      %dma_start3A_462 = tpu.memref_slice %arg21[%dma_start3A_461] : memref<819200xf32, #tpu.memory_space<vmem_shared>> -> memref<819200xf32, #tpu.memory_space<vmem_shared>>
      tpu.enqueue_indirect_dma source(%dma_start3A_457 : memref<128xf32, #tpu.memory_space<vmem>>) target(%dma_start3A_462 : memref<819200xf32, #tpu.memory_space<vmem_shared>>) offsets(%dma_start3A_460 : memref<128xi32, #tpu.memory_space<vmem>>) semaphore(%arg23 : memref<!tpu.dma_semaphore, #tpu.memory_space<semaphore_mem>>) {add = true}
      %dma_start3A_463 = arith.constant 4 : i32
      %dma_start3A_464 = arith.constant 512 : i32
      %dma_start3A_465 = tpu.memref_slice %arg19[%dma_start3A_464] : memref<2048xf32, #tpu.memory_space<vmem>> -> memref<128xf32, #tpu.memory_space<vmem>>
      %dma_start3A_466 = arith.constant 0 : i32
      %dma_start3A_467 = tpu.memref_slice %arg15[%dma_start3A_463, %dma_start3A_466] : memref<16x128xi32, #tpu.memory_space<vmem>> -> memref<1x128xi32, #tpu.memory_space<vmem>>
      %dma_start3A_468 = tpu.memref_squeeze %dma_start3A_467 : memref<1x128xi32, #tpu.memory_space<vmem>> -> memref<128xi32, #tpu.memory_space<vmem>>
      %dma_start3A_469 = arith.constant 0 : i32
      %dma_start3A_470 = tpu.memref_slice %arg21[%dma_start3A_469] : memref<819200xf32, #tpu.memory_space<vmem_shared>> -> memref<819200xf32, #tpu.memory_space<vmem_shared>>
      tpu.enqueue_indirect_dma source(%dma_start3A_465 : memref<128xf32, #tpu.memory_space<vmem>>) target(%dma_start3A_470 : memref<819200xf32, #tpu.memory_space<vmem_shared>>) offsets(%dma_start3A_468 : memref<128xi32, #tpu.memory_space<vmem>>) semaphore(%arg23 : memref<!tpu.dma_semaphore, #tpu.memory_space<semaphore_mem>>) {add = true}
      %dma_start3A_471 = arith.constant 5 : i32
      %dma_start3A_472 = arith.constant 640 : i32
      %dma_start3A_473 = tpu.memref_slice %arg19[%dma_start3A_472] : memref<2048xf32, #tpu.memory_space<vmem>> -> memref<128xf32, #tpu.memory_space<vmem>>
      %dma_start3A_474 = arith.constant 0 : i32
      %dma_start3A_475 = tpu.memref_slice %arg15[%dma_start3A_471, %dma_start3A_474] : memref<16x128xi32, #tpu.memory_space<vmem>> -> memref<1x128xi32, #tpu.memory_space<vmem>>
      %dma_start3A_476 = tpu.memref_squeeze %dma_start3A_475 : memref<1x128xi32, #tpu.memory_space<vmem>> -> memref<128xi32, #tpu.memory_space<vmem>>
      %dma_start3A_477 = arith.constant 0 : i32
      %dma_start3A_478 = tpu.memref_slice %arg21[%dma_start3A_477] : memref<819200xf32, #tpu.memory_space<vmem_shared>> -> memref<819200xf32, #tpu.memory_space<vmem_shared>>
      tpu.enqueue_indirect_dma source(%dma_start3A_473 : memref<128xf32, #tpu.memory_space<vmem>>) target(%dma_start3A_478 : memref<819200xf32, #tpu.memory_space<vmem_shared>>) offsets(%dma_start3A_476 : memref<128xi32, #tpu.memory_space<vmem>>) semaphore(%arg23 : memref<!tpu.dma_semaphore, #tpu.memory_space<semaphore_mem>>) {add = true}
      %dma_start3A_479 = arith.constant 6 : i32
      %dma_start3A_480 = arith.constant 768 : i32
      %dma_start3A_481 = tpu.memref_slice %arg19[%dma_start3A_480] : memref<2048xf32, #tpu.memory_space<vmem>> -> memref<128xf32, #tpu.memory_space<vmem>>
      %dma_start3A_482 = arith.constant 0 : i32
      %dma_start3A_483 = tpu.memref_slice %arg15[%dma_start3A_479, %dma_start3A_482] : memref<16x128xi32, #tpu.memory_space<vmem>> -> memref<1x128xi32, #tpu.memory_space<vmem>>
      %dma_start3A_484 = tpu.memref_squeeze %dma_start3A_483 : memref<1x128xi32, #tpu.memory_space<vmem>> -> memref<128xi32, #tpu.memory_space<vmem>>
      %dma_start3A_485 = arith.constant 0 : i32
      %dma_start3A_486 = tpu.memref_slice %arg21[%dma_start3A_485] : memref<819200xf32, #tpu.memory_space<vmem_shared>> -> memref<819200xf32, #tpu.memory_space<vmem_shared>>
      tpu.enqueue_indirect_dma source(%dma_start3A_481 : memref<128xf32, #tpu.memory_space<vmem>>) target(%dma_start3A_486 : memref<819200xf32, #tpu.memory_space<vmem_shared>>) offsets(%dma_start3A_484 : memref<128xi32, #tpu.memory_space<vmem>>) semaphore(%arg23 : memref<!tpu.dma_semaphore, #tpu.memory_space<semaphore_mem>>) {add = true}
      %dma_start3A_487 = arith.constant 7 : i32
      %dma_start3A_488 = arith.constant 896 : i32
      %dma_start3A_489 = tpu.memref_slice %arg19[%dma_start3A_488] : memref<2048xf32, #tpu.memory_space<vmem>> -> memref<128xf32, #tpu.memory_space<vmem>>
      %dma_start3A_490 = arith.constant 0 : i32
      %dma_start3A_491 = tpu.memref_slice %arg15[%dma_start3A_487, %dma_start3A_490] : memref<16x128xi32, #tpu.memory_space<vmem>> -> memref<1x128xi32, #tpu.memory_space<vmem>>
      %dma_start3A_492 = tpu.memref_squeeze %dma_start3A_491 : memref<1x128xi32, #tpu.memory_space<vmem>> -> memref<128xi32, #tpu.memory_space<vmem>>
      %dma_start3A_493 = arith.constant 0 : i32
      %dma_start3A_494 = tpu.memref_slice %arg21[%dma_start3A_493] : memref<819200xf32, #tpu.memory_space<vmem_shared>> -> memref<819200xf32, #tpu.memory_space<vmem_shared>>
      tpu.enqueue_indirect_dma source(%dma_start3A_489 : memref<128xf32, #tpu.memory_space<vmem>>) target(%dma_start3A_494 : memref<819200xf32, #tpu.memory_space<vmem_shared>>) offsets(%dma_start3A_492 : memref<128xi32, #tpu.memory_space<vmem>>) semaphore(%arg23 : memref<!tpu.dma_semaphore, #tpu.memory_space<semaphore_mem>>) {add = true}
      %dma_start3A_495 = arith.constant 8 : i32
      %dma_start3A_496 = arith.constant 1024 : i32
      %dma_start3A_497 = tpu.memref_slice %arg19[%dma_start3A_496] : memref<2048xf32, #tpu.memory_space<vmem>> -> memref<128xf32, #tpu.memory_space<vmem>>
      %dma_start3A_498 = arith.constant 0 : i32
      %dma_start3A_499 = tpu.memref_slice %arg15[%dma_start3A_495, %dma_start3A_498] : memref<16x128xi32, #tpu.memory_space<vmem>> -> memref<1x128xi32, #tpu.memory_space<vmem>>
      %dma_start3A_500 = tpu.memref_squeeze %dma_start3A_499 : memref<1x128xi32, #tpu.memory_space<vmem>> -> memref<128xi32, #tpu.memory_space<vmem>>
      %dma_start3A_501 = arith.constant 0 : i32
      %dma_start3A_502 = tpu.memref_slice %arg21[%dma_start3A_501] : memref<819200xf32, #tpu.memory_space<vmem_shared>> -> memref<819200xf32, #tpu.memory_space<vmem_shared>>
      tpu.enqueue_indirect_dma source(%dma_start3A_497 : memref<128xf32, #tpu.memory_space<vmem>>) target(%dma_start3A_502 : memref<819200xf32, #tpu.memory_space<vmem_shared>>) offsets(%dma_start3A_500 : memref<128xi32, #tpu.memory_space<vmem>>) semaphore(%arg23 : memref<!tpu.dma_semaphore, #tpu.memory_space<semaphore_mem>>) {add = true}
      %dma_start3A_503 = arith.constant 9 : i32
      %dma_start3A_504 = arith.constant 1152 : i32
      %dma_start3A_505 = tpu.memref_slice %arg19[%dma_start3A_504] : memref<2048xf32, #tpu.memory_space<vmem>> -> memref<128xf32, #tpu.memory_space<vmem>>
      %dma_start3A_506 = arith.constant 0 : i32
      %dma_start3A_507 = tpu.memref_slice %arg15[%dma_start3A_503, %dma_start3A_506] : memref<16x128xi32, #tpu.memory_space<vmem>> -> memref<1x128xi32, #tpu.memory_space<vmem>>
      %dma_start3A_508 = tpu.memref_squeeze %dma_start3A_507 : memref<1x128xi32, #tpu.memory_space<vmem>> -> memref<128xi32, #tpu.memory_space<vmem>>
      %dma_start3A_509 = arith.constant 0 : i32
      %dma_start3A_510 = tpu.memref_slice %arg21[%dma_start3A_509] : memref<819200xf32, #tpu.memory_space<vmem_shared>> -> memref<819200xf32, #tpu.memory_space<vmem_shared>>
      tpu.enqueue_indirect_dma source(%dma_start3A_505 : memref<128xf32, #tpu.memory_space<vmem>>) target(%dma_start3A_510 : memref<819200xf32, #tpu.memory_space<vmem_shared>>) offsets(%dma_start3A_508 : memref<128xi32, #tpu.memory_space<vmem>>) semaphore(%arg23 : memref<!tpu.dma_semaphore, #tpu.memory_space<semaphore_mem>>) {add = true}
      %dma_start3A_511 = arith.constant 10 : i32
      %dma_start3A_512 = arith.constant 1280 : i32
      %dma_start3A_513 = tpu.memref_slice %arg19[%dma_start3A_512] : memref<2048xf32, #tpu.memory_space<vmem>> -> memref<128xf32, #tpu.memory_space<vmem>>
      %dma_start3A_514 = arith.constant 0 : i32
      %dma_start3A_515 = tpu.memref_slice %arg15[%dma_start3A_511, %dma_start3A_514] : memref<16x128xi32, #tpu.memory_space<vmem>> -> memref<1x128xi32, #tpu.memory_space<vmem>>
      %dma_start3A_516 = tpu.memref_squeeze %dma_start3A_515 : memref<1x128xi32, #tpu.memory_space<vmem>> -> memref<128xi32, #tpu.memory_space<vmem>>
      %dma_start3A_517 = arith.constant 0 : i32
      %dma_start3A_518 = tpu.memref_slice %arg21[%dma_start3A_517] : memref<819200xf32, #tpu.memory_space<vmem_shared>> -> memref<819200xf32, #tpu.memory_space<vmem_shared>>
      tpu.enqueue_indirect_dma source(%dma_start3A_513 : memref<128xf32, #tpu.memory_space<vmem>>) target(%dma_start3A_518 : memref<819200xf32, #tpu.memory_space<vmem_shared>>) offsets(%dma_start3A_516 : memref<128xi32, #tpu.memory_space<vmem>>) semaphore(%arg23 : memref<!tpu.dma_semaphore, #tpu.memory_space<semaphore_mem>>) {add = true}
      %dma_start3A_519 = arith.constant 11 : i32
      %dma_start3A_520 = arith.constant 1408 : i32
      %dma_start3A_521 = tpu.memref_slice %arg19[%dma_start3A_520] : memref<2048xf32, #tpu.memory_space<vmem>> -> memref<128xf32, #tpu.memory_space<vmem>>
      %dma_start3A_522 = arith.constant 0 : i32
      %dma_start3A_523 = tpu.memref_slice %arg15[%dma_start3A_519, %dma_start3A_522] : memref<16x128xi32, #tpu.memory_space<vmem>> -> memref<1x128xi32, #tpu.memory_space<vmem>>
      %dma_start3A_524 = tpu.memref_squeeze %dma_start3A_523 : memref<1x128xi32, #tpu.memory_space<vmem>> -> memref<128xi32, #tpu.memory_space<vmem>>
      %dma_start3A_525 = arith.constant 0 : i32
      %dma_start3A_526 = tpu.memref_slice %arg21[%dma_start3A_525] : memref<819200xf32, #tpu.memory_space<vmem_shared>> -> memref<819200xf32, #tpu.memory_space<vmem_shared>>
      tpu.enqueue_indirect_dma source(%dma_start3A_521 : memref<128xf32, #tpu.memory_space<vmem>>) target(%dma_start3A_526 : memref<819200xf32, #tpu.memory_space<vmem_shared>>) offsets(%dma_start3A_524 : memref<128xi32, #tpu.memory_space<vmem>>) semaphore(%arg23 : memref<!tpu.dma_semaphore, #tpu.memory_space<semaphore_mem>>) {add = true}
      %dma_start3A_527 = arith.constant 12 : i32
      %dma_start3A_528 = arith.constant 1536 : i32
      %dma_start3A_529 = tpu.memref_slice %arg19[%dma_start3A_528] : memref<2048xf32, #tpu.memory_space<vmem>> -> memref<128xf32, #tpu.memory_space<vmem>>
      %dma_start3A_530 = arith.constant 0 : i32
      %dma_start3A_531 = tpu.memref_slice %arg15[%dma_start3A_527, %dma_start3A_530] : memref<16x128xi32, #tpu.memory_space<vmem>> -> memref<1x128xi32, #tpu.memory_space<vmem>>
      %dma_start3A_532 = tpu.memref_squeeze %dma_start3A_531 : memref<1x128xi32, #tpu.memory_space<vmem>> -> memref<128xi32, #tpu.memory_space<vmem>>
      %dma_start3A_533 = arith.constant 0 : i32
      %dma_start3A_534 = tpu.memref_slice %arg21[%dma_start3A_533] : memref<819200xf32, #tpu.memory_space<vmem_shared>> -> memref<819200xf32, #tpu.memory_space<vmem_shared>>
      tpu.enqueue_indirect_dma source(%dma_start3A_529 : memref<128xf32, #tpu.memory_space<vmem>>) target(%dma_start3A_534 : memref<819200xf32, #tpu.memory_space<vmem_shared>>) offsets(%dma_start3A_532 : memref<128xi32, #tpu.memory_space<vmem>>) semaphore(%arg23 : memref<!tpu.dma_semaphore, #tpu.memory_space<semaphore_mem>>) {add = true}
      %dma_start3A_535 = arith.constant 13 : i32
      %dma_start3A_536 = arith.constant 1664 : i32
      %dma_start3A_537 = tpu.memref_slice %arg19[%dma_start3A_536] : memref<2048xf32, #tpu.memory_space<vmem>> -> memref<128xf32, #tpu.memory_space<vmem>>
      %dma_start3A_538 = arith.constant 0 : i32
      %dma_start3A_539 = tpu.memref_slice %arg15[%dma_start3A_535, %dma_start3A_538] : memref<16x128xi32, #tpu.memory_space<vmem>> -> memref<1x128xi32, #tpu.memory_space<vmem>>
      %dma_start3A_540 = tpu.memref_squeeze %dma_start3A_539 : memref<1x128xi32, #tpu.memory_space<vmem>> -> memref<128xi32, #tpu.memory_space<vmem>>
      %dma_start3A_541 = arith.constant 0 : i32
      %dma_start3A_542 = tpu.memref_slice %arg21[%dma_start3A_541] : memref<819200xf32, #tpu.memory_space<vmem_shared>> -> memref<819200xf32, #tpu.memory_space<vmem_shared>>
      tpu.enqueue_indirect_dma source(%dma_start3A_537 : memref<128xf32, #tpu.memory_space<vmem>>) target(%dma_start3A_542 : memref<819200xf32, #tpu.memory_space<vmem_shared>>) offsets(%dma_start3A_540 : memref<128xi32, #tpu.memory_space<vmem>>) semaphore(%arg23 : memref<!tpu.dma_semaphore, #tpu.memory_space<semaphore_mem>>) {add = true}
      %dma_start3A_543 = arith.constant 14 : i32
      %dma_start3A_544 = arith.constant 1792 : i32
      %dma_start3A_545 = tpu.memref_slice %arg19[%dma_start3A_544] : memref<2048xf32, #tpu.memory_space<vmem>> -> memref<128xf32, #tpu.memory_space<vmem>>
      %dma_start3A_546 = arith.constant 0 : i32
      %dma_start3A_547 = tpu.memref_slice %arg15[%dma_start3A_543, %dma_start3A_546] : memref<16x128xi32, #tpu.memory_space<vmem>> -> memref<1x128xi32, #tpu.memory_space<vmem>>
      %dma_start3A_548 = tpu.memref_squeeze %dma_start3A_547 : memref<1x128xi32, #tpu.memory_space<vmem>> -> memref<128xi32, #tpu.memory_space<vmem>>
      %dma_start3A_549 = arith.constant 0 : i32
      %dma_start3A_550 = tpu.memref_slice %arg21[%dma_start3A_549] : memref<819200xf32, #tpu.memory_space<vmem_shared>> -> memref<819200xf32, #tpu.memory_space<vmem_shared>>
      tpu.enqueue_indirect_dma source(%dma_start3A_545 : memref<128xf32, #tpu.memory_space<vmem>>) target(%dma_start3A_550 : memref<819200xf32, #tpu.memory_space<vmem_shared>>) offsets(%dma_start3A_548 : memref<128xi32, #tpu.memory_space<vmem>>) semaphore(%arg23 : memref<!tpu.dma_semaphore, #tpu.memory_space<semaphore_mem>>) {add = true}
      %dma_start3A_551 = arith.constant 15 : i32
      %dma_start3A_552 = arith.constant 1920 : i32
      %dma_start3A_553 = tpu.memref_slice %arg19[%dma_start3A_552] : memref<2048xf32, #tpu.memory_space<vmem>> -> memref<128xf32, #tpu.memory_space<vmem>>
      %dma_start3A_554 = arith.constant 0 : i32
      %dma_start3A_555 = tpu.memref_slice %arg15[%dma_start3A_551, %dma_start3A_554] : memref<16x128xi32, #tpu.memory_space<vmem>> -> memref<1x128xi32, #tpu.memory_space<vmem>>
      %dma_start3A_556 = tpu.memref_squeeze %dma_start3A_555 : memref<1x128xi32, #tpu.memory_space<vmem>> -> memref<128xi32, #tpu.memory_space<vmem>>
      %dma_start3A_557 = arith.constant 0 : i32
      %dma_start3A_558 = tpu.memref_slice %arg21[%dma_start3A_557] : memref<819200xf32, #tpu.memory_space<vmem_shared>> -> memref<819200xf32, #tpu.memory_space<vmem_shared>>
      tpu.enqueue_indirect_dma source(%dma_start3A_553 : memref<128xf32, #tpu.memory_space<vmem>>) target(%dma_start3A_558 : memref<819200xf32, #tpu.memory_space<vmem_shared>>) offsets(%dma_start3A_556 : memref<128xi32, #tpu.memory_space<vmem>>) semaphore(%arg23 : memref<!tpu.dma_semaphore, #tpu.memory_space<semaphore_mem>>) {add = true}
      %dma_wait3A_559 = arith.constant 0 : i32
      %dma_wait3A_560 = arith.constant 0 : i32
      %dma_wait3A_561 = tpu.memref_slice %arg18[%dma_wait3A_560] : memref<2048xf32, #tpu.memory_space<vmem>> -> memref<128xf32, #tpu.memory_space<vmem>>
      %dma_wait3A_562 = arith.constant 0 : i32
      %dma_wait3A_563 = tpu.memref_slice %arg14[%dma_wait3A_559, %dma_wait3A_562] : memref<16x128xi32, #tpu.memory_space<vmem>> -> memref<1x128xi32, #tpu.memory_space<vmem>>
      %dma_wait3A_564 = tpu.memref_squeeze %dma_wait3A_563 : memref<1x128xi32, #tpu.memory_space<vmem>> -> memref<128xi32, #tpu.memory_space<vmem>>
      %dma_wait3A_565 = arith.constant 0 : i32
      %dma_wait3A_566 = tpu.memref_slice %arg21[%dma_wait3A_565] : memref<819200xf32, #tpu.memory_space<vmem_shared>> -> memref<819200xf32, #tpu.memory_space<vmem_shared>>
      tpu.wait_indirect_dma semaphore(%arg23 : memref<!tpu.dma_semaphore, #tpu.memory_space<semaphore_mem>>) src(%dma_wait3A_561 : memref<128xf32, #tpu.memory_space<vmem>>) dst(%dma_wait3A_566 : memref<819200xf32, #tpu.memory_space<vmem_shared>>)
      %dma_wait3A_567 = arith.constant 1 : i32
      %dma_wait3A_568 = arith.constant 128 : i32
      %dma_wait3A_569 = tpu.memref_slice %arg18[%dma_wait3A_568] : memref<2048xf32, #tpu.memory_space<vmem>> -> memref<128xf32, #tpu.memory_space<vmem>>
      %dma_wait3A_570 = arith.constant 0 : i32
      %dma_wait3A_571 = tpu.memref_slice %arg14[%dma_wait3A_567, %dma_wait3A_570] : memref<16x128xi32, #tpu.memory_space<vmem>> -> memref<1x128xi32, #tpu.memory_space<vmem>>
      %dma_wait3A_572 = tpu.memref_squeeze %dma_wait3A_571 : memref<1x128xi32, #tpu.memory_space<vmem>> -> memref<128xi32, #tpu.memory_space<vmem>>
      %dma_wait3A_573 = arith.constant 0 : i32
      %dma_wait3A_574 = tpu.memref_slice %arg21[%dma_wait3A_573] : memref<819200xf32, #tpu.memory_space<vmem_shared>> -> memref<819200xf32, #tpu.memory_space<vmem_shared>>
      tpu.wait_indirect_dma semaphore(%arg23 : memref<!tpu.dma_semaphore, #tpu.memory_space<semaphore_mem>>) src(%dma_wait3A_569 : memref<128xf32, #tpu.memory_space<vmem>>) dst(%dma_wait3A_574 : memref<819200xf32, #tpu.memory_space<vmem_shared>>)
      %dma_wait3A_575 = arith.constant 2 : i32
      %dma_wait3A_576 = arith.constant 256 : i32
      %dma_wait3A_577 = tpu.memref_slice %arg18[%dma_wait3A_576] : memref<2048xf32, #tpu.memory_space<vmem>> -> memref<128xf32, #tpu.memory_space<vmem>>
      %dma_wait3A_578 = arith.constant 0 : i32
      %dma_wait3A_579 = tpu.memref_slice %arg14[%dma_wait3A_575, %dma_wait3A_578] : memref<16x128xi32, #tpu.memory_space<vmem>> -> memref<1x128xi32, #tpu.memory_space<vmem>>
      %dma_wait3A_580 = tpu.memref_squeeze %dma_wait3A_579 : memref<1x128xi32, #tpu.memory_space<vmem>> -> memref<128xi32, #tpu.memory_space<vmem>>
      %dma_wait3A_581 = arith.constant 0 : i32
      %dma_wait3A_582 = tpu.memref_slice %arg21[%dma_wait3A_581] : memref<819200xf32, #tpu.memory_space<vmem_shared>> -> memref<819200xf32, #tpu.memory_space<vmem_shared>>
      tpu.wait_indirect_dma semaphore(%arg23 : memref<!tpu.dma_semaphore, #tpu.memory_space<semaphore_mem>>) src(%dma_wait3A_577 : memref<128xf32, #tpu.memory_space<vmem>>) dst(%dma_wait3A_582 : memref<819200xf32, #tpu.memory_space<vmem_shared>>)
      %dma_wait3A_583 = arith.constant 3 : i32
      %dma_wait3A_584 = arith.constant 384 : i32
      %dma_wait3A_585 = tpu.memref_slice %arg18[%dma_wait3A_584] : memref<2048xf32, #tpu.memory_space<vmem>> -> memref<128xf32, #tpu.memory_space<vmem>>
      %dma_wait3A_586 = arith.constant 0 : i32
      %dma_wait3A_587 = tpu.memref_slice %arg14[%dma_wait3A_583, %dma_wait3A_586] : memref<16x128xi32, #tpu.memory_space<vmem>> -> memref<1x128xi32, #tpu.memory_space<vmem>>
      %dma_wait3A_588 = tpu.memref_squeeze %dma_wait3A_587 : memref<1x128xi32, #tpu.memory_space<vmem>> -> memref<128xi32, #tpu.memory_space<vmem>>
      %dma_wait3A_589 = arith.constant 0 : i32
      %dma_wait3A_590 = tpu.memref_slice %arg21[%dma_wait3A_589] : memref<819200xf32, #tpu.memory_space<vmem_shared>> -> memref<819200xf32, #tpu.memory_space<vmem_shared>>
      tpu.wait_indirect_dma semaphore(%arg23 : memref<!tpu.dma_semaphore, #tpu.memory_space<semaphore_mem>>) src(%dma_wait3A_585 : memref<128xf32, #tpu.memory_space<vmem>>) dst(%dma_wait3A_590 : memref<819200xf32, #tpu.memory_space<vmem_shared>>)
      %dma_wait3A_591 = arith.constant 4 : i32
      %dma_wait3A_592 = arith.constant 512 : i32
      %dma_wait3A_593 = tpu.memref_slice %arg18[%dma_wait3A_592] : memref<2048xf32, #tpu.memory_space<vmem>> -> memref<128xf32, #tpu.memory_space<vmem>>
      %dma_wait3A_594 = arith.constant 0 : i32
      %dma_wait3A_595 = tpu.memref_slice %arg14[%dma_wait3A_591, %dma_wait3A_594] : memref<16x128xi32, #tpu.memory_space<vmem>> -> memref<1x128xi32, #tpu.memory_space<vmem>>
      %dma_wait3A_596 = tpu.memref_squeeze %dma_wait3A_595 : memref<1x128xi32, #tpu.memory_space<vmem>> -> memref<128xi32, #tpu.memory_space<vmem>>
      %dma_wait3A_597 = arith.constant 0 : i32
      %dma_wait3A_598 = tpu.memref_slice %arg21[%dma_wait3A_597] : memref<819200xf32, #tpu.memory_space<vmem_shared>> -> memref<819200xf32, #tpu.memory_space<vmem_shared>>
      tpu.wait_indirect_dma semaphore(%arg23 : memref<!tpu.dma_semaphore, #tpu.memory_space<semaphore_mem>>) src(%dma_wait3A_593 : memref<128xf32, #tpu.memory_space<vmem>>) dst(%dma_wait3A_598 : memref<819200xf32, #tpu.memory_space<vmem_shared>>)
      %dma_wait3A_599 = arith.constant 5 : i32
      %dma_wait3A_600 = arith.constant 640 : i32
      %dma_wait3A_601 = tpu.memref_slice %arg18[%dma_wait3A_600] : memref<2048xf32, #tpu.memory_space<vmem>> -> memref<128xf32, #tpu.memory_space<vmem>>
      %dma_wait3A_602 = arith.constant 0 : i32
      %dma_wait3A_603 = tpu.memref_slice %arg14[%dma_wait3A_599, %dma_wait3A_602] : memref<16x128xi32, #tpu.memory_space<vmem>> -> memref<1x128xi32, #tpu.memory_space<vmem>>
      %dma_wait3A_604 = tpu.memref_squeeze %dma_wait3A_603 : memref<1x128xi32, #tpu.memory_space<vmem>> -> memref<128xi32, #tpu.memory_space<vmem>>
      %dma_wait3A_605 = arith.constant 0 : i32
      %dma_wait3A_606 = tpu.memref_slice %arg21[%dma_wait3A_605] : memref<819200xf32, #tpu.memory_space<vmem_shared>> -> memref<819200xf32, #tpu.memory_space<vmem_shared>>
      tpu.wait_indirect_dma semaphore(%arg23 : memref<!tpu.dma_semaphore, #tpu.memory_space<semaphore_mem>>) src(%dma_wait3A_601 : memref<128xf32, #tpu.memory_space<vmem>>) dst(%dma_wait3A_606 : memref<819200xf32, #tpu.memory_space<vmem_shared>>)
      %dma_wait3A_607 = arith.constant 6 : i32
      %dma_wait3A_608 = arith.constant 768 : i32
      %dma_wait3A_609 = tpu.memref_slice %arg18[%dma_wait3A_608] : memref<2048xf32, #tpu.memory_space<vmem>> -> memref<128xf32, #tpu.memory_space<vmem>>
      %dma_wait3A_610 = arith.constant 0 : i32
      %dma_wait3A_611 = tpu.memref_slice %arg14[%dma_wait3A_607, %dma_wait3A_610] : memref<16x128xi32, #tpu.memory_space<vmem>> -> memref<1x128xi32, #tpu.memory_space<vmem>>
      %dma_wait3A_612 = tpu.memref_squeeze %dma_wait3A_611 : memref<1x128xi32, #tpu.memory_space<vmem>> -> memref<128xi32, #tpu.memory_space<vmem>>
      %dma_wait3A_613 = arith.constant 0 : i32
      %dma_wait3A_614 = tpu.memref_slice %arg21[%dma_wait3A_613] : memref<819200xf32, #tpu.memory_space<vmem_shared>> -> memref<819200xf32, #tpu.memory_space<vmem_shared>>
      tpu.wait_indirect_dma semaphore(%arg23 : memref<!tpu.dma_semaphore, #tpu.memory_space<semaphore_mem>>) src(%dma_wait3A_609 : memref<128xf32, #tpu.memory_space<vmem>>) dst(%dma_wait3A_614 : memref<819200xf32, #tpu.memory_space<vmem_shared>>)
      %dma_wait3A_615 = arith.constant 7 : i32
      %dma_wait3A_616 = arith.constant 896 : i32
      %dma_wait3A_617 = tpu.memref_slice %arg18[%dma_wait3A_616] : memref<2048xf32, #tpu.memory_space<vmem>> -> memref<128xf32, #tpu.memory_space<vmem>>
      %dma_wait3A_618 = arith.constant 0 : i32
      %dma_wait3A_619 = tpu.memref_slice %arg14[%dma_wait3A_615, %dma_wait3A_618] : memref<16x128xi32, #tpu.memory_space<vmem>> -> memref<1x128xi32, #tpu.memory_space<vmem>>
      %dma_wait3A_620 = tpu.memref_squeeze %dma_wait3A_619 : memref<1x128xi32, #tpu.memory_space<vmem>> -> memref<128xi32, #tpu.memory_space<vmem>>
      %dma_wait3A_621 = arith.constant 0 : i32
      %dma_wait3A_622 = tpu.memref_slice %arg21[%dma_wait3A_621] : memref<819200xf32, #tpu.memory_space<vmem_shared>> -> memref<819200xf32, #tpu.memory_space<vmem_shared>>
      tpu.wait_indirect_dma semaphore(%arg23 : memref<!tpu.dma_semaphore, #tpu.memory_space<semaphore_mem>>) src(%dma_wait3A_617 : memref<128xf32, #tpu.memory_space<vmem>>) dst(%dma_wait3A_622 : memref<819200xf32, #tpu.memory_space<vmem_shared>>)
      %dma_wait3A_623 = arith.constant 8 : i32
      %dma_wait3A_624 = arith.constant 1024 : i32
      %dma_wait3A_625 = tpu.memref_slice %arg18[%dma_wait3A_624] : memref<2048xf32, #tpu.memory_space<vmem>> -> memref<128xf32, #tpu.memory_space<vmem>>
      %dma_wait3A_626 = arith.constant 0 : i32
      %dma_wait3A_627 = tpu.memref_slice %arg14[%dma_wait3A_623, %dma_wait3A_626] : memref<16x128xi32, #tpu.memory_space<vmem>> -> memref<1x128xi32, #tpu.memory_space<vmem>>
      %dma_wait3A_628 = tpu.memref_squeeze %dma_wait3A_627 : memref<1x128xi32, #tpu.memory_space<vmem>> -> memref<128xi32, #tpu.memory_space<vmem>>
      %dma_wait3A_629 = arith.constant 0 : i32
      %dma_wait3A_630 = tpu.memref_slice %arg21[%dma_wait3A_629] : memref<819200xf32, #tpu.memory_space<vmem_shared>> -> memref<819200xf32, #tpu.memory_space<vmem_shared>>
      tpu.wait_indirect_dma semaphore(%arg23 : memref<!tpu.dma_semaphore, #tpu.memory_space<semaphore_mem>>) src(%dma_wait3A_625 : memref<128xf32, #tpu.memory_space<vmem>>) dst(%dma_wait3A_630 : memref<819200xf32, #tpu.memory_space<vmem_shared>>)
      %dma_wait3A_631 = arith.constant 9 : i32
      %dma_wait3A_632 = arith.constant 1152 : i32
      %dma_wait3A_633 = tpu.memref_slice %arg18[%dma_wait3A_632] : memref<2048xf32, #tpu.memory_space<vmem>> -> memref<128xf32, #tpu.memory_space<vmem>>
      %dma_wait3A_634 = arith.constant 0 : i32
      %dma_wait3A_635 = tpu.memref_slice %arg14[%dma_wait3A_631, %dma_wait3A_634] : memref<16x128xi32, #tpu.memory_space<vmem>> -> memref<1x128xi32, #tpu.memory_space<vmem>>
      %dma_wait3A_636 = tpu.memref_squeeze %dma_wait3A_635 : memref<1x128xi32, #tpu.memory_space<vmem>> -> memref<128xi32, #tpu.memory_space<vmem>>
      %dma_wait3A_637 = arith.constant 0 : i32
      %dma_wait3A_638 = tpu.memref_slice %arg21[%dma_wait3A_637] : memref<819200xf32, #tpu.memory_space<vmem_shared>> -> memref<819200xf32, #tpu.memory_space<vmem_shared>>
      tpu.wait_indirect_dma semaphore(%arg23 : memref<!tpu.dma_semaphore, #tpu.memory_space<semaphore_mem>>) src(%dma_wait3A_633 : memref<128xf32, #tpu.memory_space<vmem>>) dst(%dma_wait3A_638 : memref<819200xf32, #tpu.memory_space<vmem_shared>>)
      %dma_wait3A_639 = arith.constant 10 : i32
      %dma_wait3A_640 = arith.constant 1280 : i32
      %dma_wait3A_641 = tpu.memref_slice %arg18[%dma_wait3A_640] : memref<2048xf32, #tpu.memory_space<vmem>> -> memref<128xf32, #tpu.memory_space<vmem>>
      %dma_wait3A_642 = arith.constant 0 : i32
      %dma_wait3A_643 = tpu.memref_slice %arg14[%dma_wait3A_639, %dma_wait3A_642] : memref<16x128xi32, #tpu.memory_space<vmem>> -> memref<1x128xi32, #tpu.memory_space<vmem>>
      %dma_wait3A_644 = tpu.memref_squeeze %dma_wait3A_643 : memref<1x128xi32, #tpu.memory_space<vmem>> -> memref<128xi32, #tpu.memory_space<vmem>>
      %dma_wait3A_645 = arith.constant 0 : i32
      %dma_wait3A_646 = tpu.memref_slice %arg21[%dma_wait3A_645] : memref<819200xf32, #tpu.memory_space<vmem_shared>> -> memref<819200xf32, #tpu.memory_space<vmem_shared>>
      tpu.wait_indirect_dma semaphore(%arg23 : memref<!tpu.dma_semaphore, #tpu.memory_space<semaphore_mem>>) src(%dma_wait3A_641 : memref<128xf32, #tpu.memory_space<vmem>>) dst(%dma_wait3A_646 : memref<819200xf32, #tpu.memory_space<vmem_shared>>)
      %dma_wait3A_647 = arith.constant 11 : i32
      %dma_wait3A_648 = arith.constant 1408 : i32
      %dma_wait3A_649 = tpu.memref_slice %arg18[%dma_wait3A_648] : memref<2048xf32, #tpu.memory_space<vmem>> -> memref<128xf32, #tpu.memory_space<vmem>>
      %dma_wait3A_650 = arith.constant 0 : i32
      %dma_wait3A_651 = tpu.memref_slice %arg14[%dma_wait3A_647, %dma_wait3A_650] : memref<16x128xi32, #tpu.memory_space<vmem>> -> memref<1x128xi32, #tpu.memory_space<vmem>>
      %dma_wait3A_652 = tpu.memref_squeeze %dma_wait3A_651 : memref<1x128xi32, #tpu.memory_space<vmem>> -> memref<128xi32, #tpu.memory_space<vmem>>
      %dma_wait3A_653 = arith.constant 0 : i32
      %dma_wait3A_654 = tpu.memref_slice %arg21[%dma_wait3A_653] : memref<819200xf32, #tpu.memory_space<vmem_shared>> -> memref<819200xf32, #tpu.memory_space<vmem_shared>>
      tpu.wait_indirect_dma semaphore(%arg23 : memref<!tpu.dma_semaphore, #tpu.memory_space<semaphore_mem>>) src(%dma_wait3A_649 : memref<128xf32, #tpu.memory_space<vmem>>) dst(%dma_wait3A_654 : memref<819200xf32, #tpu.memory_space<vmem_shared>>)
      %dma_wait3A_655 = arith.constant 12 : i32
      %dma_wait3A_656 = arith.constant 1536 : i32
      %dma_wait3A_657 = tpu.memref_slice %arg18[%dma_wait3A_656] : memref<2048xf32, #tpu.memory_space<vmem>> -> memref<128xf32, #tpu.memory_space<vmem>>
      %dma_wait3A_658 = arith.constant 0 : i32
      %dma_wait3A_659 = tpu.memref_slice %arg14[%dma_wait3A_655, %dma_wait3A_658] : memref<16x128xi32, #tpu.memory_space<vmem>> -> memref<1x128xi32, #tpu.memory_space<vmem>>
      %dma_wait3A_660 = tpu.memref_squeeze %dma_wait3A_659 : memref<1x128xi32, #tpu.memory_space<vmem>> -> memref<128xi32, #tpu.memory_space<vmem>>
      %dma_wait3A_661 = arith.constant 0 : i32
      %dma_wait3A_662 = tpu.memref_slice %arg21[%dma_wait3A_661] : memref<819200xf32, #tpu.memory_space<vmem_shared>> -> memref<819200xf32, #tpu.memory_space<vmem_shared>>
      tpu.wait_indirect_dma semaphore(%arg23 : memref<!tpu.dma_semaphore, #tpu.memory_space<semaphore_mem>>) src(%dma_wait3A_657 : memref<128xf32, #tpu.memory_space<vmem>>) dst(%dma_wait3A_662 : memref<819200xf32, #tpu.memory_space<vmem_shared>>)
      %dma_wait3A_663 = arith.constant 13 : i32
      %dma_wait3A_664 = arith.constant 1664 : i32
      %dma_wait3A_665 = tpu.memref_slice %arg18[%dma_wait3A_664] : memref<2048xf32, #tpu.memory_space<vmem>> -> memref<128xf32, #tpu.memory_space<vmem>>
      %dma_wait3A_666 = arith.constant 0 : i32
      %dma_wait3A_667 = tpu.memref_slice %arg14[%dma_wait3A_663, %dma_wait3A_666] : memref<16x128xi32, #tpu.memory_space<vmem>> -> memref<1x128xi32, #tpu.memory_space<vmem>>
      %dma_wait3A_668 = tpu.memref_squeeze %dma_wait3A_667 : memref<1x128xi32, #tpu.memory_space<vmem>> -> memref<128xi32, #tpu.memory_space<vmem>>
      %dma_wait3A_669 = arith.constant 0 : i32
      %dma_wait3A_670 = tpu.memref_slice %arg21[%dma_wait3A_669] : memref<819200xf32, #tpu.memory_space<vmem_shared>> -> memref<819200xf32, #tpu.memory_space<vmem_shared>>
      tpu.wait_indirect_dma semaphore(%arg23 : memref<!tpu.dma_semaphore, #tpu.memory_space<semaphore_mem>>) src(%dma_wait3A_665 : memref<128xf32, #tpu.memory_space<vmem>>) dst(%dma_wait3A_670 : memref<819200xf32, #tpu.memory_space<vmem_shared>>)
      %dma_wait3A_671 = arith.constant 14 : i32
      %dma_wait3A_672 = arith.constant 1792 : i32
      %dma_wait3A_673 = tpu.memref_slice %arg18[%dma_wait3A_672] : memref<2048xf32, #tpu.memory_space<vmem>> -> memref<128xf32, #tpu.memory_space<vmem>>
      %dma_wait3A_674 = arith.constant 0 : i32
      %dma_wait3A_675 = tpu.memref_slice %arg14[%dma_wait3A_671, %dma_wait3A_674] : memref<16x128xi32, #tpu.memory_space<vmem>> -> memref<1x128xi32, #tpu.memory_space<vmem>>
      %dma_wait3A_676 = tpu.memref_squeeze %dma_wait3A_675 : memref<1x128xi32, #tpu.memory_space<vmem>> -> memref<128xi32, #tpu.memory_space<vmem>>
      %dma_wait3A_677 = arith.constant 0 : i32
      %dma_wait3A_678 = tpu.memref_slice %arg21[%dma_wait3A_677] : memref<819200xf32, #tpu.memory_space<vmem_shared>> -> memref<819200xf32, #tpu.memory_space<vmem_shared>>
      tpu.wait_indirect_dma semaphore(%arg23 : memref<!tpu.dma_semaphore, #tpu.memory_space<semaphore_mem>>) src(%dma_wait3A_673 : memref<128xf32, #tpu.memory_space<vmem>>) dst(%dma_wait3A_678 : memref<819200xf32, #tpu.memory_space<vmem_shared>>)
      %dma_wait3A_679 = arith.constant 15 : i32
      %dma_wait3A_680 = arith.constant 1920 : i32
      %dma_wait3A_681 = tpu.memref_slice %arg18[%dma_wait3A_680] : memref<2048xf32, #tpu.memory_space<vmem>> -> memref<128xf32, #tpu.memory_space<vmem>>
      %dma_wait3A_682 = arith.constant 0 : i32
      %dma_wait3A_683 = tpu.memref_slice %arg14[%dma_wait3A_679, %dma_wait3A_682] : memref<16x128xi32, #tpu.memory_space<vmem>> -> memref<1x128xi32, #tpu.memory_space<vmem>>
      %dma_wait3A_684 = tpu.memref_squeeze %dma_wait3A_683 : memref<1x128xi32, #tpu.memory_space<vmem>> -> memref<128xi32, #tpu.memory_space<vmem>>
      %dma_wait3A_685 = arith.constant 0 : i32
      %dma_wait3A_686 = tpu.memref_slice %arg21[%dma_wait3A_685] : memref<819200xf32, #tpu.memory_space<vmem_shared>> -> memref<819200xf32, #tpu.memory_space<vmem_shared>>
      tpu.wait_indirect_dma semaphore(%arg23 : memref<!tpu.dma_semaphore, #tpu.memory_space<semaphore_mem>>) src(%dma_wait3A_681 : memref<128xf32, #tpu.memory_space<vmem>>) dst(%dma_wait3A_686 : memref<819200xf32, #tpu.memory_space<vmem_shared>>)
      %add3A_687 = arith.constant 2 : i32
      %add3A_688 = arith.addi %mul3A_241, %add3A_687 : i32
      %min3A = arith.constant 49 : i32
      %min3A_689 = arith.minsi %add3A_688, %min3A : i32
      %mul3A_690 = arith.constant 2048 : i32
      %mul3A_691 = arith.muli %min3A_689, %mul3A_690 : i32
      %add3A_692 = arith.addi %mul3A_23, %mul3A_691 : i32
      %multiple_of3A_693 = tpu.assume_multiple %add3A_692, 2048 : i32
      %jit3A_694 = arith.constant 128 : i32
      %div3A_695 = arith.divsi %multiple_of3A_693, %jit3A_694 : i32
      %sign3A_696 = arith.constant 0 : i32
      %sign3A_697 = arith.cmpi sgt, %multiple_of3A_693, %sign3A_696 : i32
      %sign3A_698 = arith.extui %sign3A_697 : i1 to i32
      %sign3A_699 = arith.constant 0 : i32
      %sign3A_700 = arith.cmpi slt, %multiple_of3A_693, %sign3A_699 : i32
      %sign3A_701 = arith.extui %sign3A_700 : i1 to i32
      %sign3A_702 = arith.subi %sign3A_698, %sign3A_701 : i32
      %sign3A_703 = arith.constant 0 : i32
      %sign3A_704 = arith.cmpi sgt, %jit3A_694, %sign3A_703 : i32
      %sign3A_705 = arith.extui %sign3A_704 : i1 to i32
      %sign3A_706 = arith.constant 0 : i32
      %sign3A_707 = arith.cmpi slt, %jit3A_694, %sign3A_706 : i32
      %sign3A_708 = arith.extui %sign3A_707 : i1 to i32
      %sign3A_709 = arith.subi %sign3A_705, %sign3A_708 : i32
      %ne3A_710 = arith.cmpi ne, %sign3A_702, %sign3A_709 : i32
      %rem3A_711 = arith.remsi %multiple_of3A_693, %jit3A_694 : i32
      %ne3A_712 = arith.constant 0 : i32
      %ne3A_713 = arith.cmpi ne, %rem3A_711, %ne3A_712 : i32
      %and3A_714 = arith.andi %ne3A_710, %ne3A_713 : i1
      %sub3A_715 = arith.constant 1 : i32
      %sub3A_716 = arith.subi %div3A_695, %sub3A_715 : i32
      %select_n3A_717 = arith.select %and3A_714, %sub3A_716, %div3A_695 : i32
      %multiple_of3A_718 = tpu.assume_multiple %select_n3A_717, 16 : i32
      %dma_start3A_719 = arith.constant 0 : i32
      %dma_start3A_720 = tpu.memref_slice %arg3[%multiple_of3A_718, %dma_start3A_719] : memref<25600x128xi32, #tpu.memory_space<hbm>> -> memref<16x128xi32, #tpu.memory_space<hbm>>
      %dma_start3A_721 = arith.constant 0 : i32
      %dma_start3A_722 = tpu.memref_slice %arg3[%multiple_of3A_718, %dma_start3A_721] : memref<25600x128xi32, #tpu.memory_space<hbm>> -> memref<16x128xi32, #tpu.memory_space<hbm>>
      tpu.enqueue_dma source(%dma_start3A_722 : memref<16x128xi32, #tpu.memory_space<hbm>>) target(%arg14 : memref<16x128xi32, #tpu.memory_space<vmem>>) target_semaphore(%arg22 : memref<!tpu.dma_semaphore, #tpu.memory_space<semaphore_mem>>)
      %dma_start3A_723 = tpu.memref_slice %arg4[%multiple_of3A_693] : memref<3276800xi32, #tpu.memory_space<hbm>> -> memref<2048xi32, #tpu.memory_space<hbm>>
      %dma_start3A_724 = tpu.memref_slice %arg4[%multiple_of3A_693] : memref<3276800xi32, #tpu.memory_space<hbm>> -> memref<2048xi32, #tpu.memory_space<hbm>>
      tpu.enqueue_dma source(%dma_start3A_724 : memref<2048xi32, #tpu.memory_space<hbm>>) target(%arg16 : memref<2048xi32, #tpu.memory_space<vmem>>) target_semaphore(%arg22 : memref<!tpu.dma_semaphore, #tpu.memory_space<semaphore_mem>>)
      %dma_start3A_725 = tpu.memref_slice %arg5[%multiple_of3A_693] : memref<3276800xf32, #tpu.memory_space<hbm>> -> memref<2048xf32, #tpu.memory_space<hbm>>
      %dma_start3A_726 = tpu.memref_slice %arg5[%multiple_of3A_693] : memref<3276800xf32, #tpu.memory_space<hbm>> -> memref<2048xf32, #tpu.memory_space<hbm>>
      tpu.enqueue_dma source(%dma_start3A_726 : memref<2048xf32, #tpu.memory_space<hbm>>) target(%arg17 : memref<2048xf32, #tpu.memory_space<vmem>>) target_semaphore(%arg22 : memref<!tpu.dma_semaphore, #tpu.memory_space<semaphore_mem>>)
      %dma_wait3A_727 = arith.constant 0 : i32
      %dma_wait3A_728 = tpu.memref_slice %arg3[%multiple_of3A_718, %dma_wait3A_727] : memref<25600x128xi32, #tpu.memory_space<hbm>> -> memref<16x128xi32, #tpu.memory_space<hbm>>
      %dma_wait3A_729 = arith.constant 0 : i32
      %dma_wait3A_730 = tpu.memref_slice %arg3[%multiple_of3A_718, %dma_wait3A_729] : memref<25600x128xi32, #tpu.memory_space<hbm>> -> memref<16x128xi32, #tpu.memory_space<hbm>>
      tpu.wait_dma2 semaphore(%arg22 : memref<!tpu.dma_semaphore, #tpu.memory_space<semaphore_mem>>) src(%dma_wait3A_730 : memref<16x128xi32, #tpu.memory_space<hbm>>) dst(%arg14 : memref<16x128xi32, #tpu.memory_space<vmem>>)
      %dma_wait3A_731 = tpu.memref_slice %arg4[%multiple_of3A_693] : memref<3276800xi32, #tpu.memory_space<hbm>> -> memref<2048xi32, #tpu.memory_space<hbm>>
      %dma_wait3A_732 = tpu.memref_slice %arg4[%multiple_of3A_693] : memref<3276800xi32, #tpu.memory_space<hbm>> -> memref<2048xi32, #tpu.memory_space<hbm>>
      tpu.wait_dma2 semaphore(%arg22 : memref<!tpu.dma_semaphore, #tpu.memory_space<semaphore_mem>>) src(%dma_wait3A_732 : memref<2048xi32, #tpu.memory_space<hbm>>) dst(%arg16 : memref<2048xi32, #tpu.memory_space<vmem>>)
      %dma_wait3A_733 = tpu.memref_slice %arg5[%multiple_of3A_693] : memref<3276800xf32, #tpu.memory_space<hbm>> -> memref<2048xf32, #tpu.memory_space<hbm>>
      %dma_wait3A_734 = tpu.memref_slice %arg5[%multiple_of3A_693] : memref<3276800xf32, #tpu.memory_space<hbm>> -> memref<2048xf32, #tpu.memory_space<hbm>>
      tpu.wait_dma2 semaphore(%arg22 : memref<!tpu.dma_semaphore, #tpu.memory_space<semaphore_mem>>) src(%dma_wait3A_734 : memref<2048xf32, #tpu.memory_space<hbm>>) dst(%arg17 : memref<2048xf32, #tpu.memory_space<vmem>>)
    }
    %scan3A_62 = arith.constant 25 : i32
    %dma_wait3A_63 = arith.constant 0 : i32
    %dma_wait3A_64 = tpu.memref_slice %arg5[%dma_wait3A_63] : memref<3276800xf32, #tpu.memory_space<hbm>> -> memref<2048xf32, #tpu.memory_space<hbm>>
    %dma_wait3A_65 = arith.constant 0 : i32
    %dma_wait3A_66 = tpu.memref_slice %arg5[%dma_wait3A_65] : memref<3276800xf32, #tpu.memory_space<hbm>> -> memref<2048xf32, #tpu.memory_space<hbm>>
    tpu.wait_dma2 semaphore(%arg23 : memref<!tpu.dma_semaphore, #tpu.memory_space<semaphore_mem>>) src(%dma_wait3A_66 : memref<2048xf32, #tpu.memory_space<hbm>>) dst(%arg18 : memref<2048xf32, #tpu.memory_space<vmem>>)
    %barrier3A_67 = arith.constant 0 : index
    tpu.barrier barrier_id(%barrier3A_67)
    %mul3A_68 = arith.constant 51200 : i32
    %mul3A_69 = arith.muli %arg1, %mul3A_68 : i32
    %mul3A_70 = arith.constant 51200 : i32
    %mul3A_71 = arith.muli %arg1, %mul3A_70 : i32
    %run_scoped3A = arith.constant 0 : i32
    "tpu.region"() ({
      %run_scoped3A_239 = tpu.sem_alloc : memref<!tpu.dma_semaphore, #tpu.memory_space<semaphore_mem>>
      %dma_start3A_240 = tpu.memref_slice %arg12[%run_scoped3A, %arg0, %mul3A_71] : memref<3x2x819200xf32, #tpu.memory_space<hbm>> -> memref<1x1x51200xf32, #tpu.memory_space<hbm>>
      %dma_start3A_241 = tpu.memref_squeeze %dma_start3A_240 : memref<1x1x51200xf32, #tpu.memory_space<hbm>> -> memref<51200xf32, #tpu.memory_space<hbm>>
      %dma_start3A_242 = tpu.memref_slice %arg21[%mul3A_69] : memref<819200xf32, #tpu.memory_space<vmem_shared>> -> memref<51200xf32, #tpu.memory_space<vmem_shared>>
      tpu.enqueue_dma source(%dma_start3A_242 : memref<51200xf32, #tpu.memory_space<vmem_shared>>) target(%dma_start3A_241 : memref<51200xf32, #tpu.memory_space<hbm>>) target_semaphore(%run_scoped3A_239 : memref<!tpu.dma_semaphore, #tpu.memory_space<semaphore_mem>>)
      %dma_wait3A_243 = tpu.memref_slice %arg12[%run_scoped3A, %arg0, %mul3A_71] : memref<3x2x819200xf32, #tpu.memory_space<hbm>> -> memref<1x1x51200xf32, #tpu.memory_space<hbm>>
      %dma_wait3A_244 = tpu.memref_squeeze %dma_wait3A_243 : memref<1x1x51200xf32, #tpu.memory_space<hbm>> -> memref<51200xf32, #tpu.memory_space<hbm>>
      %dma_wait3A_245 = tpu.memref_slice %arg21[%mul3A_69] : memref<819200xf32, #tpu.memory_space<vmem_shared>> -> memref<51200xf32, #tpu.memory_space<vmem_shared>>
      tpu.wait_dma2 semaphore(%run_scoped3A_239 : memref<!tpu.dma_semaphore, #tpu.memory_space<semaphore_mem>>) src(%dma_wait3A_245 : memref<51200xf32, #tpu.memory_space<vmem_shared>>) dst(%dma_wait3A_244 : memref<51200xf32, #tpu.memory_space<hbm>>)
      tpu.yield
    }) : () -> ()
    %barrier3A_72 = arith.constant 0 : index
    tpu.barrier barrier_id(%barrier3A_72)
    %mul3A_73 = arith.constant 51200 : i32
    %mul3A_74 = arith.muli %arg1, %mul3A_73 : i32
    %add3A_75 = arith.constant 0 : i32
    %add3A_76 = arith.addi %mul3A_74, %add3A_75 : i32
    "tpu.region"() ({
      %run_scoped3A_239 = tpu.sem_alloc : memref<!tpu.dma_semaphore, #tpu.memory_space<semaphore_mem>>
      %dma_start3A_240 = tpu.memref_slice %arg21[%add3A_76] : memref<819200xf32, #tpu.memory_space<vmem_shared>> -> memref<12800xf32, #tpu.memory_space<vmem_shared>>
      %dma_start3A_241 = tpu.memref_slice %arg21[%add3A_76] : memref<819200xf32, #tpu.memory_space<vmem_shared>> -> memref<12800xf32, #tpu.memory_space<vmem_shared>>
      tpu.enqueue_dma source(%arg20 : memref<12800xf32, #tpu.memory_space<vmem>>) target(%dma_start3A_241 : memref<12800xf32, #tpu.memory_space<vmem_shared>>) target_semaphore(%run_scoped3A_239 : memref<!tpu.dma_semaphore, #tpu.memory_space<semaphore_mem>>)
      %dma_wait3A_242 = tpu.memref_slice %arg21[%add3A_76] : memref<819200xf32, #tpu.memory_space<vmem_shared>> -> memref<12800xf32, #tpu.memory_space<vmem_shared>>
      %dma_wait3A_243 = tpu.memref_slice %arg21[%add3A_76] : memref<819200xf32, #tpu.memory_space<vmem_shared>> -> memref<12800xf32, #tpu.memory_space<vmem_shared>>
      tpu.wait_dma2 semaphore(%run_scoped3A_239 : memref<!tpu.dma_semaphore, #tpu.memory_space<semaphore_mem>>) src(%arg20 : memref<12800xf32, #tpu.memory_space<vmem>>) dst(%dma_wait3A_243 : memref<12800xf32, #tpu.memory_space<vmem_shared>>)
      tpu.yield
    }) : () -> ()
    %mul3A_77 = arith.constant 51200 : i32
    %mul3A_78 = arith.muli %arg1, %mul3A_77 : i32
    %add3A_79 = arith.constant 12800 : i32
    %add3A_80 = arith.addi %mul3A_78, %add3A_79 : i32
    "tpu.region"() ({
      %run_scoped3A_239 = tpu.sem_alloc : memref<!tpu.dma_semaphore, #tpu.memory_space<semaphore_mem>>
      %dma_start3A_240 = tpu.memref_slice %arg21[%add3A_80] : memref<819200xf32, #tpu.memory_space<vmem_shared>> -> memref<12800xf32, #tpu.memory_space<vmem_shared>>
      %dma_start3A_241 = tpu.memref_slice %arg21[%add3A_80] : memref<819200xf32, #tpu.memory_space<vmem_shared>> -> memref<12800xf32, #tpu.memory_space<vmem_shared>>
      tpu.enqueue_dma source(%arg20 : memref<12800xf32, #tpu.memory_space<vmem>>) target(%dma_start3A_241 : memref<12800xf32, #tpu.memory_space<vmem_shared>>) target_semaphore(%run_scoped3A_239 : memref<!tpu.dma_semaphore, #tpu.memory_space<semaphore_mem>>)
      %dma_wait3A_242 = tpu.memref_slice %arg21[%add3A_80] : memref<819200xf32, #tpu.memory_space<vmem_shared>> -> memref<12800xf32, #tpu.memory_space<vmem_shared>>
      %dma_wait3A_243 = tpu.memref_slice %arg21[%add3A_80] : memref<819200xf32, #tpu.memory_space<vmem_shared>> -> memref<12800xf32, #tpu.memory_space<vmem_shared>>
      tpu.wait_dma2 semaphore(%run_scoped3A_239 : memref<!tpu.dma_semaphore, #tpu.memory_space<semaphore_mem>>) src(%arg20 : memref<12800xf32, #tpu.memory_space<vmem>>) dst(%dma_wait3A_243 : memref<12800xf32, #tpu.memory_space<vmem_shared>>)
      tpu.yield
    }) : () -> ()
    %mul3A_81 = arith.constant 51200 : i32
    %mul3A_82 = arith.muli %arg1, %mul3A_81 : i32
    %add3A_83 = arith.constant 25600 : i32
    %add3A_84 = arith.addi %mul3A_82, %add3A_83 : i32
    "tpu.region"() ({
      %run_scoped3A_239 = tpu.sem_alloc : memref<!tpu.dma_semaphore, #tpu.memory_space<semaphore_mem>>
      %dma_start3A_240 = tpu.memref_slice %arg21[%add3A_84] : memref<819200xf32, #tpu.memory_space<vmem_shared>> -> memref<12800xf32, #tpu.memory_space<vmem_shared>>
      %dma_start3A_241 = tpu.memref_slice %arg21[%add3A_84] : memref<819200xf32, #tpu.memory_space<vmem_shared>> -> memref<12800xf32, #tpu.memory_space<vmem_shared>>
      tpu.enqueue_dma source(%arg20 : memref<12800xf32, #tpu.memory_space<vmem>>) target(%dma_start3A_241 : memref<12800xf32, #tpu.memory_space<vmem_shared>>) target_semaphore(%run_scoped3A_239 : memref<!tpu.dma_semaphore, #tpu.memory_space<semaphore_mem>>)
      %dma_wait3A_242 = tpu.memref_slice %arg21[%add3A_84] : memref<819200xf32, #tpu.memory_space<vmem_shared>> -> memref<12800xf32, #tpu.memory_space<vmem_shared>>
      %dma_wait3A_243 = tpu.memref_slice %arg21[%add3A_84] : memref<819200xf32, #tpu.memory_space<vmem_shared>> -> memref<12800xf32, #tpu.memory_space<vmem_shared>>
      tpu.wait_dma2 semaphore(%run_scoped3A_239 : memref<!tpu.dma_semaphore, #tpu.memory_space<semaphore_mem>>) src(%arg20 : memref<12800xf32, #tpu.memory_space<vmem>>) dst(%dma_wait3A_243 : memref<12800xf32, #tpu.memory_space<vmem_shared>>)
      tpu.yield
    }) : () -> ()
    %mul3A_85 = arith.constant 51200 : i32
    %mul3A_86 = arith.muli %arg1, %mul3A_85 : i32
    %add3A_87 = arith.constant 38400 : i32
    %add3A_88 = arith.addi %mul3A_86, %add3A_87 : i32
    "tpu.region"() ({
      %run_scoped3A_239 = tpu.sem_alloc : memref<!tpu.dma_semaphore, #tpu.memory_space<semaphore_mem>>
      %dma_start3A_240 = tpu.memref_slice %arg21[%add3A_88] : memref<819200xf32, #tpu.memory_space<vmem_shared>> -> memref<12800xf32, #tpu.memory_space<vmem_shared>>
      %dma_start3A_241 = tpu.memref_slice %arg21[%add3A_88] : memref<819200xf32, #tpu.memory_space<vmem_shared>> -> memref<12800xf32, #tpu.memory_space<vmem_shared>>
      tpu.enqueue_dma source(%arg20 : memref<12800xf32, #tpu.memory_space<vmem>>) target(%dma_start3A_241 : memref<12800xf32, #tpu.memory_space<vmem_shared>>) target_semaphore(%run_scoped3A_239 : memref<!tpu.dma_semaphore, #tpu.memory_space<semaphore_mem>>)
      %dma_wait3A_242 = tpu.memref_slice %arg21[%add3A_88] : memref<819200xf32, #tpu.memory_space<vmem_shared>> -> memref<12800xf32, #tpu.memory_space<vmem_shared>>
      %dma_wait3A_243 = tpu.memref_slice %arg21[%add3A_88] : memref<819200xf32, #tpu.memory_space<vmem_shared>> -> memref<12800xf32, #tpu.memory_space<vmem_shared>>
      tpu.wait_dma2 semaphore(%run_scoped3A_239 : memref<!tpu.dma_semaphore, #tpu.memory_space<semaphore_mem>>) src(%arg20 : memref<12800xf32, #tpu.memory_space<vmem>>) dst(%dma_wait3A_243 : memref<12800xf32, #tpu.memory_space<vmem_shared>>)
      tpu.yield
    }) : () -> ()
    %barrier3A_89 = arith.constant 0 : index
    tpu.barrier barrier_id(%barrier3A_89)
    %mul3A_90 = arith.constant 16 : i32
    %mul3A_91 = arith.muli %arg0, %mul3A_90 : i32
    %add3A_92 = arith.addi %mul3A_91, %arg1 : i32
    %mul3A_93 = arith.constant 102400 : i32
    %mul3A_94 = arith.muli %add3A_92, %mul3A_93 : i32
    %add3A_95 = arith.constant 0 : i32
    %add3A_96 = arith.addi %mul3A_94, %add3A_95 : i32
    %multiple_of3A_97 = tpu.assume_multiple %add3A_96, 2048 : i32
    %jit3A_98 = arith.constant 128 : i32
    %div3A_99 = arith.divsi %multiple_of3A_97, %jit3A_98 : i32
    %sign3A_100 = arith.constant 0 : i32
    %sign3A_101 = arith.cmpi sgt, %multiple_of3A_97, %sign3A_100 : i32
    %sign3A_102 = arith.extui %sign3A_101 : i1 to i32
    %sign3A_103 = arith.constant 0 : i32
    %sign3A_104 = arith.cmpi slt, %multiple_of3A_97, %sign3A_103 : i32
    %sign3A_105 = arith.extui %sign3A_104 : i1 to i32
    %sign3A_106 = arith.subi %sign3A_102, %sign3A_105 : i32
    %sign3A_107 = arith.constant 0 : i32
    %sign3A_108 = arith.cmpi sgt, %jit3A_98, %sign3A_107 : i32
    %sign3A_109 = arith.extui %sign3A_108 : i1 to i32
    %sign3A_110 = arith.constant 0 : i32
    %sign3A_111 = arith.cmpi slt, %jit3A_98, %sign3A_110 : i32
    %sign3A_112 = arith.extui %sign3A_111 : i1 to i32
    %sign3A_113 = arith.subi %sign3A_109, %sign3A_112 : i32
    %ne3A_114 = arith.cmpi ne, %sign3A_106, %sign3A_113 : i32
    %rem3A_115 = arith.remsi %multiple_of3A_97, %jit3A_98 : i32
    %ne3A_116 = arith.constant 0 : i32
    %ne3A_117 = arith.cmpi ne, %rem3A_115, %ne3A_116 : i32
    %and3A_118 = arith.andi %ne3A_114, %ne3A_117 : i1
    %sub3A_119 = arith.constant 1 : i32
    %sub3A_120 = arith.subi %div3A_99, %sub3A_119 : i32
    %select_n3A_121 = arith.select %and3A_118, %sub3A_120, %div3A_99 : i32
    %multiple_of3A_122 = tpu.assume_multiple %select_n3A_121, 16 : i32
    %dma_start3A_123 = arith.constant 0 : i32
    %dma_start3A_124 = tpu.memref_slice %arg6[%multiple_of3A_122, %dma_start3A_123] : memref<25600x128xi32, #tpu.memory_space<hbm>> -> memref<16x128xi32, #tpu.memory_space<hbm>>
    %dma_start3A_125 = arith.constant 0 : i32
    %dma_start3A_126 = tpu.memref_slice %arg6[%multiple_of3A_122, %dma_start3A_125] : memref<25600x128xi32, #tpu.memory_space<hbm>> -> memref<16x128xi32, #tpu.memory_space<hbm>>
    tpu.enqueue_dma source(%dma_start3A_126 : memref<16x128xi32, #tpu.memory_space<hbm>>) target(%arg14 : memref<16x128xi32, #tpu.memory_space<vmem>>) target_semaphore(%arg22 : memref<!tpu.dma_semaphore, #tpu.memory_space<semaphore_mem>>)
    %dma_start3A_127 = tpu.memref_slice %arg7[%multiple_of3A_97] : memref<3276800xi32, #tpu.memory_space<hbm>> -> memref<2048xi32, #tpu.memory_space<hbm>>
    %dma_start3A_128 = tpu.memref_slice %arg7[%multiple_of3A_97] : memref<3276800xi32, #tpu.memory_space<hbm>> -> memref<2048xi32, #tpu.memory_space<hbm>>
    tpu.enqueue_dma source(%dma_start3A_128 : memref<2048xi32, #tpu.memory_space<hbm>>) target(%arg16 : memref<2048xi32, #tpu.memory_space<vmem>>) target_semaphore(%arg22 : memref<!tpu.dma_semaphore, #tpu.memory_space<semaphore_mem>>)
    %dma_start3A_129 = tpu.memref_slice %arg8[%multiple_of3A_97] : memref<3276800xf32, #tpu.memory_space<hbm>> -> memref<2048xf32, #tpu.memory_space<hbm>>
    %dma_start3A_130 = tpu.memref_slice %arg8[%multiple_of3A_97] : memref<3276800xf32, #tpu.memory_space<hbm>> -> memref<2048xf32, #tpu.memory_space<hbm>>
    tpu.enqueue_dma source(%dma_start3A_130 : memref<2048xf32, #tpu.memory_space<hbm>>) target(%arg17 : memref<2048xf32, #tpu.memory_space<vmem>>) target_semaphore(%arg22 : memref<!tpu.dma_semaphore, #tpu.memory_space<semaphore_mem>>)
    %dma_wait3A_131 = arith.constant 0 : i32
    %dma_wait3A_132 = tpu.memref_slice %arg6[%multiple_of3A_122, %dma_wait3A_131] : memref<25600x128xi32, #tpu.memory_space<hbm>> -> memref<16x128xi32, #tpu.memory_space<hbm>>
    %dma_wait3A_133 = arith.constant 0 : i32
    %dma_wait3A_134 = tpu.memref_slice %arg6[%multiple_of3A_122, %dma_wait3A_133] : memref<25600x128xi32, #tpu.memory_space<hbm>> -> memref<16x128xi32, #tpu.memory_space<hbm>>
    tpu.wait_dma2 semaphore(%arg22 : memref<!tpu.dma_semaphore, #tpu.memory_space<semaphore_mem>>) src(%dma_wait3A_134 : memref<16x128xi32, #tpu.memory_space<hbm>>) dst(%arg14 : memref<16x128xi32, #tpu.memory_space<vmem>>)
    %dma_wait3A_135 = tpu.memref_slice %arg7[%multiple_of3A_97] : memref<3276800xi32, #tpu.memory_space<hbm>> -> memref<2048xi32, #tpu.memory_space<hbm>>
    %dma_wait3A_136 = tpu.memref_slice %arg7[%multiple_of3A_97] : memref<3276800xi32, #tpu.memory_space<hbm>> -> memref<2048xi32, #tpu.memory_space<hbm>>
    tpu.wait_dma2 semaphore(%arg22 : memref<!tpu.dma_semaphore, #tpu.memory_space<semaphore_mem>>) src(%dma_wait3A_136 : memref<2048xi32, #tpu.memory_space<hbm>>) dst(%arg16 : memref<2048xi32, #tpu.memory_space<vmem>>)
    %dma_wait3A_137 = tpu.memref_slice %arg8[%multiple_of3A_97] : memref<3276800xf32, #tpu.memory_space<hbm>> -> memref<2048xf32, #tpu.memory_space<hbm>>
    %dma_wait3A_138 = tpu.memref_slice %arg8[%multiple_of3A_97] : memref<3276800xf32, #tpu.memory_space<hbm>> -> memref<2048xf32, #tpu.memory_space<hbm>>
    tpu.wait_dma2 semaphore(%arg22 : memref<!tpu.dma_semaphore, #tpu.memory_space<semaphore_mem>>) src(%dma_wait3A_138 : memref<2048xf32, #tpu.memory_space<hbm>>) dst(%arg17 : memref<2048xf32, #tpu.memory_space<vmem>>)
    %scan3A_139 = arith.constant 0 : i32
    %scan3A_140 = arith.constant 0 : i32
    %scan3A_141 = arith.constant 25 : i32
    %scan3A_142 = arith.addi %scan3A_140, %scan3A_141 : i32
    %scan3A_143 = arith.constant 1 : i32
    scf.for %scan3A_239 = %scan3A_140 to %scan3A_142 step %scan3A_143  : i32 {
      %mul3A_240 = arith.constant 2 : i32
      %mul3A_241 = arith.muli %scan3A_239, %mul3A_240 : i32
      %scan3A_242 = arith.constant 0 : i32
      %scan3A_243 = arith.constant 0 : i32
      %scan3A_244 = arith.constant 128 : i32
      %scan3A_245 = arith.addi %scan3A_243, %scan3A_244 : i32
      %scan3A_246 = arith.constant 8 : i32
      scf.for %scan3A_735 = %scan3A_243 to %scan3A_245 step %scan3A_246  : i32 {
        %mul3A_736 = arith.constant 16 : i32
        %mul3A_737 = arith.muli %scan3A_735, %mul3A_736 : i32
        %get3A = arith.index_cast %mul3A_737 : i32 to index
        %get3A_738 = tpu.vector_load %arg16[%get3A] {strides = array<i32>} : memref<2048xi32, #tpu.memory_space<vmem>>, vector<16xi32>,
        %gather3A = tpu.vector_load_idx %arg13[%get3A_738] : memref<16384xf32, #tpu.memory_space<vmem>>[vector<16xi32>], vector<16xf32>,
        %get3A_739 = arith.index_cast %mul3A_737 : i32 to index
        %get3A_740 = tpu.vector_load %arg17[%get3A_739] {strides = array<i32>} : memref<2048xf32, #tpu.memory_space<vmem>>, vector<16xf32>,
        %mul3A_741 = arith.mulf %gather3A, %get3A_740 : vector<16xf32>
        %swap3A = arith.index_cast %mul3A_737 : i32 to index
        %swap3A_742 = tpu.vector_load %arg18[%swap3A] {strides = array<i32>} : memref<2048xf32, #tpu.memory_space<vmem>>, vector<16xf32>,
        tpu.vector_store %arg18[%swap3A], %mul3A_741 {strides = array<i32>} : memref<2048xf32, #tpu.memory_space<vmem>>, vector<16xf32>,
        %scan3A_743 = arith.constant 1 : i32
        %scan3A_744 = arith.addi %scan3A_735, %scan3A_743 : i32
        %mul3A_745 = arith.constant 16 : i32
        %mul3A_746 = arith.muli %scan3A_744, %mul3A_745 : i32
        %get3A_747 = arith.index_cast %mul3A_746 : i32 to index
        %get3A_748 = tpu.vector_load %arg16[%get3A_747] {strides = array<i32>} : memref<2048xi32, #tpu.memory_space<vmem>>, vector<16xi32>,
        %gather3A_749 = tpu.vector_load_idx %arg13[%get3A_748] : memref<16384xf32, #tpu.memory_space<vmem>>[vector<16xi32>], vector<16xf32>,
        %get3A_750 = arith.index_cast %mul3A_746 : i32 to index
        %get3A_751 = tpu.vector_load %arg17[%get3A_750] {strides = array<i32>} : memref<2048xf32, #tpu.memory_space<vmem>>, vector<16xf32>,
        %mul3A_752 = arith.mulf %gather3A_749, %get3A_751 : vector<16xf32>
        %swap3A_753 = arith.index_cast %mul3A_746 : i32 to index
        %swap3A_754 = tpu.vector_load %arg18[%swap3A_753] {strides = array<i32>} : memref<2048xf32, #tpu.memory_space<vmem>>, vector<16xf32>,
        tpu.vector_store %arg18[%swap3A_753], %mul3A_752 {strides = array<i32>} : memref<2048xf32, #tpu.memory_space<vmem>>, vector<16xf32>,
        %scan3A_755 = arith.constant 2 : i32
        %scan3A_756 = arith.addi %scan3A_735, %scan3A_755 : i32
        %mul3A_757 = arith.constant 16 : i32
        %mul3A_758 = arith.muli %scan3A_756, %mul3A_757 : i32
        %get3A_759 = arith.index_cast %mul3A_758 : i32 to index
        %get3A_760 = tpu.vector_load %arg16[%get3A_759] {strides = array<i32>} : memref<2048xi32, #tpu.memory_space<vmem>>, vector<16xi32>,
        %gather3A_761 = tpu.vector_load_idx %arg13[%get3A_760] : memref<16384xf32, #tpu.memory_space<vmem>>[vector<16xi32>], vector<16xf32>,
        %get3A_762 = arith.index_cast %mul3A_758 : i32 to index
        %get3A_763 = tpu.vector_load %arg17[%get3A_762] {strides = array<i32>} : memref<2048xf32, #tpu.memory_space<vmem>>, vector<16xf32>,
        %mul3A_764 = arith.mulf %gather3A_761, %get3A_763 : vector<16xf32>
        %swap3A_765 = arith.index_cast %mul3A_758 : i32 to index
        %swap3A_766 = tpu.vector_load %arg18[%swap3A_765] {strides = array<i32>} : memref<2048xf32, #tpu.memory_space<vmem>>, vector<16xf32>,
        tpu.vector_store %arg18[%swap3A_765], %mul3A_764 {strides = array<i32>} : memref<2048xf32, #tpu.memory_space<vmem>>, vector<16xf32>,
        %scan3A_767 = arith.constant 3 : i32
        %scan3A_768 = arith.addi %scan3A_735, %scan3A_767 : i32
        %mul3A_769 = arith.constant 16 : i32
        %mul3A_770 = arith.muli %scan3A_768, %mul3A_769 : i32
        %get3A_771 = arith.index_cast %mul3A_770 : i32 to index
        %get3A_772 = tpu.vector_load %arg16[%get3A_771] {strides = array<i32>} : memref<2048xi32, #tpu.memory_space<vmem>>, vector<16xi32>,
        %gather3A_773 = tpu.vector_load_idx %arg13[%get3A_772] : memref<16384xf32, #tpu.memory_space<vmem>>[vector<16xi32>], vector<16xf32>,
        %get3A_774 = arith.index_cast %mul3A_770 : i32 to index
        %get3A_775 = tpu.vector_load %arg17[%get3A_774] {strides = array<i32>} : memref<2048xf32, #tpu.memory_space<vmem>>, vector<16xf32>,
        %mul3A_776 = arith.mulf %gather3A_773, %get3A_775 : vector<16xf32>
        %swap3A_777 = arith.index_cast %mul3A_770 : i32 to index
        %swap3A_778 = tpu.vector_load %arg18[%swap3A_777] {strides = array<i32>} : memref<2048xf32, #tpu.memory_space<vmem>>, vector<16xf32>,
        tpu.vector_store %arg18[%swap3A_777], %mul3A_776 {strides = array<i32>} : memref<2048xf32, #tpu.memory_space<vmem>>, vector<16xf32>,
        %scan3A_779 = arith.constant 4 : i32
        %scan3A_780 = arith.addi %scan3A_735, %scan3A_779 : i32
        %mul3A_781 = arith.constant 16 : i32
        %mul3A_782 = arith.muli %scan3A_780, %mul3A_781 : i32
        %get3A_783 = arith.index_cast %mul3A_782 : i32 to index
        %get3A_784 = tpu.vector_load %arg16[%get3A_783] {strides = array<i32>} : memref<2048xi32, #tpu.memory_space<vmem>>, vector<16xi32>,
        %gather3A_785 = tpu.vector_load_idx %arg13[%get3A_784] : memref<16384xf32, #tpu.memory_space<vmem>>[vector<16xi32>], vector<16xf32>,
        %get3A_786 = arith.index_cast %mul3A_782 : i32 to index
        %get3A_787 = tpu.vector_load %arg17[%get3A_786] {strides = array<i32>} : memref<2048xf32, #tpu.memory_space<vmem>>, vector<16xf32>,
        %mul3A_788 = arith.mulf %gather3A_785, %get3A_787 : vector<16xf32>
        %swap3A_789 = arith.index_cast %mul3A_782 : i32 to index
        %swap3A_790 = tpu.vector_load %arg18[%swap3A_789] {strides = array<i32>} : memref<2048xf32, #tpu.memory_space<vmem>>, vector<16xf32>,
        tpu.vector_store %arg18[%swap3A_789], %mul3A_788 {strides = array<i32>} : memref<2048xf32, #tpu.memory_space<vmem>>, vector<16xf32>,
        %scan3A_791 = arith.constant 5 : i32
        %scan3A_792 = arith.addi %scan3A_735, %scan3A_791 : i32
        %mul3A_793 = arith.constant 16 : i32
        %mul3A_794 = arith.muli %scan3A_792, %mul3A_793 : i32
        %get3A_795 = arith.index_cast %mul3A_794 : i32 to index
        %get3A_796 = tpu.vector_load %arg16[%get3A_795] {strides = array<i32>} : memref<2048xi32, #tpu.memory_space<vmem>>, vector<16xi32>,
        %gather3A_797 = tpu.vector_load_idx %arg13[%get3A_796] : memref<16384xf32, #tpu.memory_space<vmem>>[vector<16xi32>], vector<16xf32>,
        %get3A_798 = arith.index_cast %mul3A_794 : i32 to index
        %get3A_799 = tpu.vector_load %arg17[%get3A_798] {strides = array<i32>} : memref<2048xf32, #tpu.memory_space<vmem>>, vector<16xf32>,
        %mul3A_800 = arith.mulf %gather3A_797, %get3A_799 : vector<16xf32>
        %swap3A_801 = arith.index_cast %mul3A_794 : i32 to index
        %swap3A_802 = tpu.vector_load %arg18[%swap3A_801] {strides = array<i32>} : memref<2048xf32, #tpu.memory_space<vmem>>, vector<16xf32>,
        tpu.vector_store %arg18[%swap3A_801], %mul3A_800 {strides = array<i32>} : memref<2048xf32, #tpu.memory_space<vmem>>, vector<16xf32>,
        %scan3A_803 = arith.constant 6 : i32
        %scan3A_804 = arith.addi %scan3A_735, %scan3A_803 : i32
        %mul3A_805 = arith.constant 16 : i32
        %mul3A_806 = arith.muli %scan3A_804, %mul3A_805 : i32
        %get3A_807 = arith.index_cast %mul3A_806 : i32 to index
        %get3A_808 = tpu.vector_load %arg16[%get3A_807] {strides = array<i32>} : memref<2048xi32, #tpu.memory_space<vmem>>, vector<16xi32>,
        %gather3A_809 = tpu.vector_load_idx %arg13[%get3A_808] : memref<16384xf32, #tpu.memory_space<vmem>>[vector<16xi32>], vector<16xf32>,
        %get3A_810 = arith.index_cast %mul3A_806 : i32 to index
        %get3A_811 = tpu.vector_load %arg17[%get3A_810] {strides = array<i32>} : memref<2048xf32, #tpu.memory_space<vmem>>, vector<16xf32>,
        %mul3A_812 = arith.mulf %gather3A_809, %get3A_811 : vector<16xf32>
        %swap3A_813 = arith.index_cast %mul3A_806 : i32 to index
        %swap3A_814 = tpu.vector_load %arg18[%swap3A_813] {strides = array<i32>} : memref<2048xf32, #tpu.memory_space<vmem>>, vector<16xf32>,
        tpu.vector_store %arg18[%swap3A_813], %mul3A_812 {strides = array<i32>} : memref<2048xf32, #tpu.memory_space<vmem>>, vector<16xf32>,
        %scan3A_815 = arith.constant 7 : i32
        %scan3A_816 = arith.addi %scan3A_735, %scan3A_815 : i32
        %mul3A_817 = arith.constant 16 : i32
        %mul3A_818 = arith.muli %scan3A_816, %mul3A_817 : i32
        %get3A_819 = arith.index_cast %mul3A_818 : i32 to index
        %get3A_820 = tpu.vector_load %arg16[%get3A_819] {strides = array<i32>} : memref<2048xi32, #tpu.memory_space<vmem>>, vector<16xi32>,
        %gather3A_821 = tpu.vector_load_idx %arg13[%get3A_820] : memref<16384xf32, #tpu.memory_space<vmem>>[vector<16xi32>], vector<16xf32>,
        %get3A_822 = arith.index_cast %mul3A_818 : i32 to index
        %get3A_823 = tpu.vector_load %arg17[%get3A_822] {strides = array<i32>} : memref<2048xf32, #tpu.memory_space<vmem>>, vector<16xf32>,
        %mul3A_824 = arith.mulf %gather3A_821, %get3A_823 : vector<16xf32>
        %swap3A_825 = arith.index_cast %mul3A_818 : i32 to index
        %swap3A_826 = tpu.vector_load %arg18[%swap3A_825] {strides = array<i32>} : memref<2048xf32, #tpu.memory_space<vmem>>, vector<16xf32>,
        tpu.vector_store %arg18[%swap3A_825], %mul3A_824 {strides = array<i32>} : memref<2048xf32, #tpu.memory_space<vmem>>, vector<16xf32>,
      }
      %scan3A_247 = arith.constant 128 : i32
      %dma_start3A_248 = arith.constant 0 : i32
      %dma_start3A_249 = arith.constant 0 : i32
      %dma_start3A_250 = tpu.memref_slice %arg18[%dma_start3A_249] : memref<2048xf32, #tpu.memory_space<vmem>> -> memref<128xf32, #tpu.memory_space<vmem>>
      %dma_start3A_251 = arith.constant 0 : i32
      %dma_start3A_252 = tpu.memref_slice %arg14[%dma_start3A_248, %dma_start3A_251] : memref<16x128xi32, #tpu.memory_space<vmem>> -> memref<1x128xi32, #tpu.memory_space<vmem>>
      %dma_start3A_253 = tpu.memref_squeeze %dma_start3A_252 : memref<1x128xi32, #tpu.memory_space<vmem>> -> memref<128xi32, #tpu.memory_space<vmem>>
      %dma_start3A_254 = arith.constant 0 : i32
      %dma_start3A_255 = tpu.memref_slice %arg21[%dma_start3A_254] : memref<819200xf32, #tpu.memory_space<vmem_shared>> -> memref<819200xf32, #tpu.memory_space<vmem_shared>>
      tpu.enqueue_indirect_dma source(%dma_start3A_250 : memref<128xf32, #tpu.memory_space<vmem>>) target(%dma_start3A_255 : memref<819200xf32, #tpu.memory_space<vmem_shared>>) offsets(%dma_start3A_253 : memref<128xi32, #tpu.memory_space<vmem>>) semaphore(%arg23 : memref<!tpu.dma_semaphore, #tpu.memory_space<semaphore_mem>>) {add = true}
      %dma_start3A_256 = arith.constant 1 : i32
      %dma_start3A_257 = arith.constant 128 : i32
      %dma_start3A_258 = tpu.memref_slice %arg18[%dma_start3A_257] : memref<2048xf32, #tpu.memory_space<vmem>> -> memref<128xf32, #tpu.memory_space<vmem>>
      %dma_start3A_259 = arith.constant 0 : i32
      %dma_start3A_260 = tpu.memref_slice %arg14[%dma_start3A_256, %dma_start3A_259] : memref<16x128xi32, #tpu.memory_space<vmem>> -> memref<1x128xi32, #tpu.memory_space<vmem>>
      %dma_start3A_261 = tpu.memref_squeeze %dma_start3A_260 : memref<1x128xi32, #tpu.memory_space<vmem>> -> memref<128xi32, #tpu.memory_space<vmem>>
      %dma_start3A_262 = arith.constant 0 : i32
      %dma_start3A_263 = tpu.memref_slice %arg21[%dma_start3A_262] : memref<819200xf32, #tpu.memory_space<vmem_shared>> -> memref<819200xf32, #tpu.memory_space<vmem_shared>>
      tpu.enqueue_indirect_dma source(%dma_start3A_258 : memref<128xf32, #tpu.memory_space<vmem>>) target(%dma_start3A_263 : memref<819200xf32, #tpu.memory_space<vmem_shared>>) offsets(%dma_start3A_261 : memref<128xi32, #tpu.memory_space<vmem>>) semaphore(%arg23 : memref<!tpu.dma_semaphore, #tpu.memory_space<semaphore_mem>>) {add = true}
      %dma_start3A_264 = arith.constant 2 : i32
      %dma_start3A_265 = arith.constant 256 : i32
      %dma_start3A_266 = tpu.memref_slice %arg18[%dma_start3A_265] : memref<2048xf32, #tpu.memory_space<vmem>> -> memref<128xf32, #tpu.memory_space<vmem>>
      %dma_start3A_267 = arith.constant 0 : i32
      %dma_start3A_268 = tpu.memref_slice %arg14[%dma_start3A_264, %dma_start3A_267] : memref<16x128xi32, #tpu.memory_space<vmem>> -> memref<1x128xi32, #tpu.memory_space<vmem>>
      %dma_start3A_269 = tpu.memref_squeeze %dma_start3A_268 : memref<1x128xi32, #tpu.memory_space<vmem>> -> memref<128xi32, #tpu.memory_space<vmem>>
      %dma_start3A_270 = arith.constant 0 : i32
      %dma_start3A_271 = tpu.memref_slice %arg21[%dma_start3A_270] : memref<819200xf32, #tpu.memory_space<vmem_shared>> -> memref<819200xf32, #tpu.memory_space<vmem_shared>>
      tpu.enqueue_indirect_dma source(%dma_start3A_266 : memref<128xf32, #tpu.memory_space<vmem>>) target(%dma_start3A_271 : memref<819200xf32, #tpu.memory_space<vmem_shared>>) offsets(%dma_start3A_269 : memref<128xi32, #tpu.memory_space<vmem>>) semaphore(%arg23 : memref<!tpu.dma_semaphore, #tpu.memory_space<semaphore_mem>>) {add = true}
      %dma_start3A_272 = arith.constant 3 : i32
      %dma_start3A_273 = arith.constant 384 : i32
      %dma_start3A_274 = tpu.memref_slice %arg18[%dma_start3A_273] : memref<2048xf32, #tpu.memory_space<vmem>> -> memref<128xf32, #tpu.memory_space<vmem>>
      %dma_start3A_275 = arith.constant 0 : i32
      %dma_start3A_276 = tpu.memref_slice %arg14[%dma_start3A_272, %dma_start3A_275] : memref<16x128xi32, #tpu.memory_space<vmem>> -> memref<1x128xi32, #tpu.memory_space<vmem>>
      %dma_start3A_277 = tpu.memref_squeeze %dma_start3A_276 : memref<1x128xi32, #tpu.memory_space<vmem>> -> memref<128xi32, #tpu.memory_space<vmem>>
      %dma_start3A_278 = arith.constant 0 : i32
      %dma_start3A_279 = tpu.memref_slice %arg21[%dma_start3A_278] : memref<819200xf32, #tpu.memory_space<vmem_shared>> -> memref<819200xf32, #tpu.memory_space<vmem_shared>>
      tpu.enqueue_indirect_dma source(%dma_start3A_274 : memref<128xf32, #tpu.memory_space<vmem>>) target(%dma_start3A_279 : memref<819200xf32, #tpu.memory_space<vmem_shared>>) offsets(%dma_start3A_277 : memref<128xi32, #tpu.memory_space<vmem>>) semaphore(%arg23 : memref<!tpu.dma_semaphore, #tpu.memory_space<semaphore_mem>>) {add = true}
      %dma_start3A_280 = arith.constant 4 : i32
      %dma_start3A_281 = arith.constant 512 : i32
      %dma_start3A_282 = tpu.memref_slice %arg18[%dma_start3A_281] : memref<2048xf32, #tpu.memory_space<vmem>> -> memref<128xf32, #tpu.memory_space<vmem>>
      %dma_start3A_283 = arith.constant 0 : i32
      %dma_start3A_284 = tpu.memref_slice %arg14[%dma_start3A_280, %dma_start3A_283] : memref<16x128xi32, #tpu.memory_space<vmem>> -> memref<1x128xi32, #tpu.memory_space<vmem>>
      %dma_start3A_285 = tpu.memref_squeeze %dma_start3A_284 : memref<1x128xi32, #tpu.memory_space<vmem>> -> memref<128xi32, #tpu.memory_space<vmem>>
      %dma_start3A_286 = arith.constant 0 : i32
      %dma_start3A_287 = tpu.memref_slice %arg21[%dma_start3A_286] : memref<819200xf32, #tpu.memory_space<vmem_shared>> -> memref<819200xf32, #tpu.memory_space<vmem_shared>>
      tpu.enqueue_indirect_dma source(%dma_start3A_282 : memref<128xf32, #tpu.memory_space<vmem>>) target(%dma_start3A_287 : memref<819200xf32, #tpu.memory_space<vmem_shared>>) offsets(%dma_start3A_285 : memref<128xi32, #tpu.memory_space<vmem>>) semaphore(%arg23 : memref<!tpu.dma_semaphore, #tpu.memory_space<semaphore_mem>>) {add = true}
      %dma_start3A_288 = arith.constant 5 : i32
      %dma_start3A_289 = arith.constant 640 : i32
      %dma_start3A_290 = tpu.memref_slice %arg18[%dma_start3A_289] : memref<2048xf32, #tpu.memory_space<vmem>> -> memref<128xf32, #tpu.memory_space<vmem>>
      %dma_start3A_291 = arith.constant 0 : i32
      %dma_start3A_292 = tpu.memref_slice %arg14[%dma_start3A_288, %dma_start3A_291] : memref<16x128xi32, #tpu.memory_space<vmem>> -> memref<1x128xi32, #tpu.memory_space<vmem>>
      %dma_start3A_293 = tpu.memref_squeeze %dma_start3A_292 : memref<1x128xi32, #tpu.memory_space<vmem>> -> memref<128xi32, #tpu.memory_space<vmem>>
      %dma_start3A_294 = arith.constant 0 : i32
      %dma_start3A_295 = tpu.memref_slice %arg21[%dma_start3A_294] : memref<819200xf32, #tpu.memory_space<vmem_shared>> -> memref<819200xf32, #tpu.memory_space<vmem_shared>>
      tpu.enqueue_indirect_dma source(%dma_start3A_290 : memref<128xf32, #tpu.memory_space<vmem>>) target(%dma_start3A_295 : memref<819200xf32, #tpu.memory_space<vmem_shared>>) offsets(%dma_start3A_293 : memref<128xi32, #tpu.memory_space<vmem>>) semaphore(%arg23 : memref<!tpu.dma_semaphore, #tpu.memory_space<semaphore_mem>>) {add = true}
      %dma_start3A_296 = arith.constant 6 : i32
      %dma_start3A_297 = arith.constant 768 : i32
      %dma_start3A_298 = tpu.memref_slice %arg18[%dma_start3A_297] : memref<2048xf32, #tpu.memory_space<vmem>> -> memref<128xf32, #tpu.memory_space<vmem>>
      %dma_start3A_299 = arith.constant 0 : i32
      %dma_start3A_300 = tpu.memref_slice %arg14[%dma_start3A_296, %dma_start3A_299] : memref<16x128xi32, #tpu.memory_space<vmem>> -> memref<1x128xi32, #tpu.memory_space<vmem>>
      %dma_start3A_301 = tpu.memref_squeeze %dma_start3A_300 : memref<1x128xi32, #tpu.memory_space<vmem>> -> memref<128xi32, #tpu.memory_space<vmem>>
      %dma_start3A_302 = arith.constant 0 : i32
      %dma_start3A_303 = tpu.memref_slice %arg21[%dma_start3A_302] : memref<819200xf32, #tpu.memory_space<vmem_shared>> -> memref<819200xf32, #tpu.memory_space<vmem_shared>>
      tpu.enqueue_indirect_dma source(%dma_start3A_298 : memref<128xf32, #tpu.memory_space<vmem>>) target(%dma_start3A_303 : memref<819200xf32, #tpu.memory_space<vmem_shared>>) offsets(%dma_start3A_301 : memref<128xi32, #tpu.memory_space<vmem>>) semaphore(%arg23 : memref<!tpu.dma_semaphore, #tpu.memory_space<semaphore_mem>>) {add = true}
      %dma_start3A_304 = arith.constant 7 : i32
      %dma_start3A_305 = arith.constant 896 : i32
      %dma_start3A_306 = tpu.memref_slice %arg18[%dma_start3A_305] : memref<2048xf32, #tpu.memory_space<vmem>> -> memref<128xf32, #tpu.memory_space<vmem>>
      %dma_start3A_307 = arith.constant 0 : i32
      %dma_start3A_308 = tpu.memref_slice %arg14[%dma_start3A_304, %dma_start3A_307] : memref<16x128xi32, #tpu.memory_space<vmem>> -> memref<1x128xi32, #tpu.memory_space<vmem>>
      %dma_start3A_309 = tpu.memref_squeeze %dma_start3A_308 : memref<1x128xi32, #tpu.memory_space<vmem>> -> memref<128xi32, #tpu.memory_space<vmem>>
      %dma_start3A_310 = arith.constant 0 : i32
      %dma_start3A_311 = tpu.memref_slice %arg21[%dma_start3A_310] : memref<819200xf32, #tpu.memory_space<vmem_shared>> -> memref<819200xf32, #tpu.memory_space<vmem_shared>>
      tpu.enqueue_indirect_dma source(%dma_start3A_306 : memref<128xf32, #tpu.memory_space<vmem>>) target(%dma_start3A_311 : memref<819200xf32, #tpu.memory_space<vmem_shared>>) offsets(%dma_start3A_309 : memref<128xi32, #tpu.memory_space<vmem>>) semaphore(%arg23 : memref<!tpu.dma_semaphore, #tpu.memory_space<semaphore_mem>>) {add = true}
      %dma_start3A_312 = arith.constant 8 : i32
      %dma_start3A_313 = arith.constant 1024 : i32
      %dma_start3A_314 = tpu.memref_slice %arg18[%dma_start3A_313] : memref<2048xf32, #tpu.memory_space<vmem>> -> memref<128xf32, #tpu.memory_space<vmem>>
      %dma_start3A_315 = arith.constant 0 : i32
      %dma_start3A_316 = tpu.memref_slice %arg14[%dma_start3A_312, %dma_start3A_315] : memref<16x128xi32, #tpu.memory_space<vmem>> -> memref<1x128xi32, #tpu.memory_space<vmem>>
      %dma_start3A_317 = tpu.memref_squeeze %dma_start3A_316 : memref<1x128xi32, #tpu.memory_space<vmem>> -> memref<128xi32, #tpu.memory_space<vmem>>
      %dma_start3A_318 = arith.constant 0 : i32
      %dma_start3A_319 = tpu.memref_slice %arg21[%dma_start3A_318] : memref<819200xf32, #tpu.memory_space<vmem_shared>> -> memref<819200xf32, #tpu.memory_space<vmem_shared>>
      tpu.enqueue_indirect_dma source(%dma_start3A_314 : memref<128xf32, #tpu.memory_space<vmem>>) target(%dma_start3A_319 : memref<819200xf32, #tpu.memory_space<vmem_shared>>) offsets(%dma_start3A_317 : memref<128xi32, #tpu.memory_space<vmem>>) semaphore(%arg23 : memref<!tpu.dma_semaphore, #tpu.memory_space<semaphore_mem>>) {add = true}
      %dma_start3A_320 = arith.constant 9 : i32
      %dma_start3A_321 = arith.constant 1152 : i32
      %dma_start3A_322 = tpu.memref_slice %arg18[%dma_start3A_321] : memref<2048xf32, #tpu.memory_space<vmem>> -> memref<128xf32, #tpu.memory_space<vmem>>
      %dma_start3A_323 = arith.constant 0 : i32
      %dma_start3A_324 = tpu.memref_slice %arg14[%dma_start3A_320, %dma_start3A_323] : memref<16x128xi32, #tpu.memory_space<vmem>> -> memref<1x128xi32, #tpu.memory_space<vmem>>
      %dma_start3A_325 = tpu.memref_squeeze %dma_start3A_324 : memref<1x128xi32, #tpu.memory_space<vmem>> -> memref<128xi32, #tpu.memory_space<vmem>>
      %dma_start3A_326 = arith.constant 0 : i32
      %dma_start3A_327 = tpu.memref_slice %arg21[%dma_start3A_326] : memref<819200xf32, #tpu.memory_space<vmem_shared>> -> memref<819200xf32, #tpu.memory_space<vmem_shared>>
      tpu.enqueue_indirect_dma source(%dma_start3A_322 : memref<128xf32, #tpu.memory_space<vmem>>) target(%dma_start3A_327 : memref<819200xf32, #tpu.memory_space<vmem_shared>>) offsets(%dma_start3A_325 : memref<128xi32, #tpu.memory_space<vmem>>) semaphore(%arg23 : memref<!tpu.dma_semaphore, #tpu.memory_space<semaphore_mem>>) {add = true}
      %dma_start3A_328 = arith.constant 10 : i32
      %dma_start3A_329 = arith.constant 1280 : i32
      %dma_start3A_330 = tpu.memref_slice %arg18[%dma_start3A_329] : memref<2048xf32, #tpu.memory_space<vmem>> -> memref<128xf32, #tpu.memory_space<vmem>>
      %dma_start3A_331 = arith.constant 0 : i32
      %dma_start3A_332 = tpu.memref_slice %arg14[%dma_start3A_328, %dma_start3A_331] : memref<16x128xi32, #tpu.memory_space<vmem>> -> memref<1x128xi32, #tpu.memory_space<vmem>>
      %dma_start3A_333 = tpu.memref_squeeze %dma_start3A_332 : memref<1x128xi32, #tpu.memory_space<vmem>> -> memref<128xi32, #tpu.memory_space<vmem>>
      %dma_start3A_334 = arith.constant 0 : i32
      %dma_start3A_335 = tpu.memref_slice %arg21[%dma_start3A_334] : memref<819200xf32, #tpu.memory_space<vmem_shared>> -> memref<819200xf32, #tpu.memory_space<vmem_shared>>
      tpu.enqueue_indirect_dma source(%dma_start3A_330 : memref<128xf32, #tpu.memory_space<vmem>>) target(%dma_start3A_335 : memref<819200xf32, #tpu.memory_space<vmem_shared>>) offsets(%dma_start3A_333 : memref<128xi32, #tpu.memory_space<vmem>>) semaphore(%arg23 : memref<!tpu.dma_semaphore, #tpu.memory_space<semaphore_mem>>) {add = true}
      %dma_start3A_336 = arith.constant 11 : i32
      %dma_start3A_337 = arith.constant 1408 : i32
      %dma_start3A_338 = tpu.memref_slice %arg18[%dma_start3A_337] : memref<2048xf32, #tpu.memory_space<vmem>> -> memref<128xf32, #tpu.memory_space<vmem>>
      %dma_start3A_339 = arith.constant 0 : i32
      %dma_start3A_340 = tpu.memref_slice %arg14[%dma_start3A_336, %dma_start3A_339] : memref<16x128xi32, #tpu.memory_space<vmem>> -> memref<1x128xi32, #tpu.memory_space<vmem>>
      %dma_start3A_341 = tpu.memref_squeeze %dma_start3A_340 : memref<1x128xi32, #tpu.memory_space<vmem>> -> memref<128xi32, #tpu.memory_space<vmem>>
      %dma_start3A_342 = arith.constant 0 : i32
      %dma_start3A_343 = tpu.memref_slice %arg21[%dma_start3A_342] : memref<819200xf32, #tpu.memory_space<vmem_shared>> -> memref<819200xf32, #tpu.memory_space<vmem_shared>>
      tpu.enqueue_indirect_dma source(%dma_start3A_338 : memref<128xf32, #tpu.memory_space<vmem>>) target(%dma_start3A_343 : memref<819200xf32, #tpu.memory_space<vmem_shared>>) offsets(%dma_start3A_341 : memref<128xi32, #tpu.memory_space<vmem>>) semaphore(%arg23 : memref<!tpu.dma_semaphore, #tpu.memory_space<semaphore_mem>>) {add = true}
      %dma_start3A_344 = arith.constant 12 : i32
      %dma_start3A_345 = arith.constant 1536 : i32
      %dma_start3A_346 = tpu.memref_slice %arg18[%dma_start3A_345] : memref<2048xf32, #tpu.memory_space<vmem>> -> memref<128xf32, #tpu.memory_space<vmem>>
      %dma_start3A_347 = arith.constant 0 : i32
      %dma_start3A_348 = tpu.memref_slice %arg14[%dma_start3A_344, %dma_start3A_347] : memref<16x128xi32, #tpu.memory_space<vmem>> -> memref<1x128xi32, #tpu.memory_space<vmem>>
      %dma_start3A_349 = tpu.memref_squeeze %dma_start3A_348 : memref<1x128xi32, #tpu.memory_space<vmem>> -> memref<128xi32, #tpu.memory_space<vmem>>
      %dma_start3A_350 = arith.constant 0 : i32
      %dma_start3A_351 = tpu.memref_slice %arg21[%dma_start3A_350] : memref<819200xf32, #tpu.memory_space<vmem_shared>> -> memref<819200xf32, #tpu.memory_space<vmem_shared>>
      tpu.enqueue_indirect_dma source(%dma_start3A_346 : memref<128xf32, #tpu.memory_space<vmem>>) target(%dma_start3A_351 : memref<819200xf32, #tpu.memory_space<vmem_shared>>) offsets(%dma_start3A_349 : memref<128xi32, #tpu.memory_space<vmem>>) semaphore(%arg23 : memref<!tpu.dma_semaphore, #tpu.memory_space<semaphore_mem>>) {add = true}
      %dma_start3A_352 = arith.constant 13 : i32
      %dma_start3A_353 = arith.constant 1664 : i32
      %dma_start3A_354 = tpu.memref_slice %arg18[%dma_start3A_353] : memref<2048xf32, #tpu.memory_space<vmem>> -> memref<128xf32, #tpu.memory_space<vmem>>
      %dma_start3A_355 = arith.constant 0 : i32
      %dma_start3A_356 = tpu.memref_slice %arg14[%dma_start3A_352, %dma_start3A_355] : memref<16x128xi32, #tpu.memory_space<vmem>> -> memref<1x128xi32, #tpu.memory_space<vmem>>
      %dma_start3A_357 = tpu.memref_squeeze %dma_start3A_356 : memref<1x128xi32, #tpu.memory_space<vmem>> -> memref<128xi32, #tpu.memory_space<vmem>>
      %dma_start3A_358 = arith.constant 0 : i32
      %dma_start3A_359 = tpu.memref_slice %arg21[%dma_start3A_358] : memref<819200xf32, #tpu.memory_space<vmem_shared>> -> memref<819200xf32, #tpu.memory_space<vmem_shared>>
      tpu.enqueue_indirect_dma source(%dma_start3A_354 : memref<128xf32, #tpu.memory_space<vmem>>) target(%dma_start3A_359 : memref<819200xf32, #tpu.memory_space<vmem_shared>>) offsets(%dma_start3A_357 : memref<128xi32, #tpu.memory_space<vmem>>) semaphore(%arg23 : memref<!tpu.dma_semaphore, #tpu.memory_space<semaphore_mem>>) {add = true}
      %dma_start3A_360 = arith.constant 14 : i32
      %dma_start3A_361 = arith.constant 1792 : i32
      %dma_start3A_362 = tpu.memref_slice %arg18[%dma_start3A_361] : memref<2048xf32, #tpu.memory_space<vmem>> -> memref<128xf32, #tpu.memory_space<vmem>>
      %dma_start3A_363 = arith.constant 0 : i32
      %dma_start3A_364 = tpu.memref_slice %arg14[%dma_start3A_360, %dma_start3A_363] : memref<16x128xi32, #tpu.memory_space<vmem>> -> memref<1x128xi32, #tpu.memory_space<vmem>>
      %dma_start3A_365 = tpu.memref_squeeze %dma_start3A_364 : memref<1x128xi32, #tpu.memory_space<vmem>> -> memref<128xi32, #tpu.memory_space<vmem>>
      %dma_start3A_366 = arith.constant 0 : i32
      %dma_start3A_367 = tpu.memref_slice %arg21[%dma_start3A_366] : memref<819200xf32, #tpu.memory_space<vmem_shared>> -> memref<819200xf32, #tpu.memory_space<vmem_shared>>
      tpu.enqueue_indirect_dma source(%dma_start3A_362 : memref<128xf32, #tpu.memory_space<vmem>>) target(%dma_start3A_367 : memref<819200xf32, #tpu.memory_space<vmem_shared>>) offsets(%dma_start3A_365 : memref<128xi32, #tpu.memory_space<vmem>>) semaphore(%arg23 : memref<!tpu.dma_semaphore, #tpu.memory_space<semaphore_mem>>) {add = true}
      %dma_start3A_368 = arith.constant 15 : i32
      %dma_start3A_369 = arith.constant 1920 : i32
      %dma_start3A_370 = tpu.memref_slice %arg18[%dma_start3A_369] : memref<2048xf32, #tpu.memory_space<vmem>> -> memref<128xf32, #tpu.memory_space<vmem>>
      %dma_start3A_371 = arith.constant 0 : i32
      %dma_start3A_372 = tpu.memref_slice %arg14[%dma_start3A_368, %dma_start3A_371] : memref<16x128xi32, #tpu.memory_space<vmem>> -> memref<1x128xi32, #tpu.memory_space<vmem>>
      %dma_start3A_373 = tpu.memref_squeeze %dma_start3A_372 : memref<1x128xi32, #tpu.memory_space<vmem>> -> memref<128xi32, #tpu.memory_space<vmem>>
      %dma_start3A_374 = arith.constant 0 : i32
      %dma_start3A_375 = tpu.memref_slice %arg21[%dma_start3A_374] : memref<819200xf32, #tpu.memory_space<vmem_shared>> -> memref<819200xf32, #tpu.memory_space<vmem_shared>>
      tpu.enqueue_indirect_dma source(%dma_start3A_370 : memref<128xf32, #tpu.memory_space<vmem>>) target(%dma_start3A_375 : memref<819200xf32, #tpu.memory_space<vmem_shared>>) offsets(%dma_start3A_373 : memref<128xi32, #tpu.memory_space<vmem>>) semaphore(%arg23 : memref<!tpu.dma_semaphore, #tpu.memory_space<semaphore_mem>>) {add = true}
      %gt3A = arith.constant 0 : i32
      %gt3A_376 = arith.cmpi sgt, %scan3A_239, %gt3A : i32
      %convert_element_type3A = arith.extui %gt3A_376 : i1 to i32
      %cond3A = arith.constant 0 : i32
      %cond3A_377 = arith.cmpi ne, %convert_element_type3A, %cond3A : i32
      scf.if %cond3A_377 {
        %dma_wait3A_735 = arith.constant 0 : i32
        %dma_wait3A_736 = tpu.memref_slice %arg8[%dma_wait3A_735] : memref<3276800xf32, #tpu.memory_space<hbm>> -> memref<2048xf32, #tpu.memory_space<hbm>>
        %dma_wait3A_737 = arith.constant 0 : i32
        %dma_wait3A_738 = tpu.memref_slice %arg8[%dma_wait3A_737] : memref<3276800xf32, #tpu.memory_space<hbm>> -> memref<2048xf32, #tpu.memory_space<hbm>>
        tpu.wait_dma2 semaphore(%arg23 : memref<!tpu.dma_semaphore, #tpu.memory_space<semaphore_mem>>) src(%dma_wait3A_738 : memref<2048xf32, #tpu.memory_space<hbm>>) dst(%arg18 : memref<2048xf32, #tpu.memory_space<vmem>>)
      } else {
      }
      %add3A_378 = arith.constant 1 : i32
      %add3A_379 = arith.addi %mul3A_241, %add3A_378 : i32
      %mul3A_380 = arith.constant 2048 : i32
      %mul3A_381 = arith.muli %add3A_379, %mul3A_380 : i32
      %add3A_382 = arith.addi %mul3A_94, %mul3A_381 : i32
      %multiple_of3A_383 = tpu.assume_multiple %add3A_382, 2048 : i32
      %jit3A_384 = arith.constant 128 : i32
      %div3A_385 = arith.divsi %multiple_of3A_383, %jit3A_384 : i32
      %sign3A_386 = arith.constant 0 : i32
      %sign3A_387 = arith.cmpi sgt, %multiple_of3A_383, %sign3A_386 : i32
      %sign3A_388 = arith.extui %sign3A_387 : i1 to i32
      %sign3A_389 = arith.constant 0 : i32
      %sign3A_390 = arith.cmpi slt, %multiple_of3A_383, %sign3A_389 : i32
      %sign3A_391 = arith.extui %sign3A_390 : i1 to i32
      %sign3A_392 = arith.subi %sign3A_388, %sign3A_391 : i32
      %sign3A_393 = arith.constant 0 : i32
      %sign3A_394 = arith.cmpi sgt, %jit3A_384, %sign3A_393 : i32
      %sign3A_395 = arith.extui %sign3A_394 : i1 to i32
      %sign3A_396 = arith.constant 0 : i32
      %sign3A_397 = arith.cmpi slt, %jit3A_384, %sign3A_396 : i32
      %sign3A_398 = arith.extui %sign3A_397 : i1 to i32
      %sign3A_399 = arith.subi %sign3A_395, %sign3A_398 : i32
      %ne3A_400 = arith.cmpi ne, %sign3A_392, %sign3A_399 : i32
      %rem3A_401 = arith.remsi %multiple_of3A_383, %jit3A_384 : i32
      %ne3A_402 = arith.constant 0 : i32
      %ne3A_403 = arith.cmpi ne, %rem3A_401, %ne3A_402 : i32
      %and3A_404 = arith.andi %ne3A_400, %ne3A_403 : i1
      %sub3A_405 = arith.constant 1 : i32
      %sub3A_406 = arith.subi %div3A_385, %sub3A_405 : i32
      %select_n3A_407 = arith.select %and3A_404, %sub3A_406, %div3A_385 : i32
      %multiple_of3A_408 = tpu.assume_multiple %select_n3A_407, 16 : i32
      %dma_start3A_409 = arith.constant 0 : i32
      %dma_start3A_410 = tpu.memref_slice %arg6[%multiple_of3A_408, %dma_start3A_409] : memref<25600x128xi32, #tpu.memory_space<hbm>> -> memref<16x128xi32, #tpu.memory_space<hbm>>
      %dma_start3A_411 = arith.constant 0 : i32
      %dma_start3A_412 = tpu.memref_slice %arg6[%multiple_of3A_408, %dma_start3A_411] : memref<25600x128xi32, #tpu.memory_space<hbm>> -> memref<16x128xi32, #tpu.memory_space<hbm>>
      tpu.enqueue_dma source(%dma_start3A_412 : memref<16x128xi32, #tpu.memory_space<hbm>>) target(%arg15 : memref<16x128xi32, #tpu.memory_space<vmem>>) target_semaphore(%arg22 : memref<!tpu.dma_semaphore, #tpu.memory_space<semaphore_mem>>)
      %dma_start3A_413 = tpu.memref_slice %arg7[%multiple_of3A_383] : memref<3276800xi32, #tpu.memory_space<hbm>> -> memref<2048xi32, #tpu.memory_space<hbm>>
      %dma_start3A_414 = tpu.memref_slice %arg7[%multiple_of3A_383] : memref<3276800xi32, #tpu.memory_space<hbm>> -> memref<2048xi32, #tpu.memory_space<hbm>>
      tpu.enqueue_dma source(%dma_start3A_414 : memref<2048xi32, #tpu.memory_space<hbm>>) target(%arg16 : memref<2048xi32, #tpu.memory_space<vmem>>) target_semaphore(%arg22 : memref<!tpu.dma_semaphore, #tpu.memory_space<semaphore_mem>>)
      %dma_start3A_415 = tpu.memref_slice %arg8[%multiple_of3A_383] : memref<3276800xf32, #tpu.memory_space<hbm>> -> memref<2048xf32, #tpu.memory_space<hbm>>
      %dma_start3A_416 = tpu.memref_slice %arg8[%multiple_of3A_383] : memref<3276800xf32, #tpu.memory_space<hbm>> -> memref<2048xf32, #tpu.memory_space<hbm>>
      tpu.enqueue_dma source(%dma_start3A_416 : memref<2048xf32, #tpu.memory_space<hbm>>) target(%arg17 : memref<2048xf32, #tpu.memory_space<vmem>>) target_semaphore(%arg22 : memref<!tpu.dma_semaphore, #tpu.memory_space<semaphore_mem>>)
      %dma_wait3A_417 = arith.constant 0 : i32
      %dma_wait3A_418 = tpu.memref_slice %arg6[%multiple_of3A_408, %dma_wait3A_417] : memref<25600x128xi32, #tpu.memory_space<hbm>> -> memref<16x128xi32, #tpu.memory_space<hbm>>
      %dma_wait3A_419 = arith.constant 0 : i32
      %dma_wait3A_420 = tpu.memref_slice %arg6[%multiple_of3A_408, %dma_wait3A_419] : memref<25600x128xi32, #tpu.memory_space<hbm>> -> memref<16x128xi32, #tpu.memory_space<hbm>>
      tpu.wait_dma2 semaphore(%arg22 : memref<!tpu.dma_semaphore, #tpu.memory_space<semaphore_mem>>) src(%dma_wait3A_420 : memref<16x128xi32, #tpu.memory_space<hbm>>) dst(%arg15 : memref<16x128xi32, #tpu.memory_space<vmem>>)
      %dma_wait3A_421 = tpu.memref_slice %arg7[%multiple_of3A_383] : memref<3276800xi32, #tpu.memory_space<hbm>> -> memref<2048xi32, #tpu.memory_space<hbm>>
      %dma_wait3A_422 = tpu.memref_slice %arg7[%multiple_of3A_383] : memref<3276800xi32, #tpu.memory_space<hbm>> -> memref<2048xi32, #tpu.memory_space<hbm>>
      tpu.wait_dma2 semaphore(%arg22 : memref<!tpu.dma_semaphore, #tpu.memory_space<semaphore_mem>>) src(%dma_wait3A_422 : memref<2048xi32, #tpu.memory_space<hbm>>) dst(%arg16 : memref<2048xi32, #tpu.memory_space<vmem>>)
      %dma_wait3A_423 = tpu.memref_slice %arg8[%multiple_of3A_383] : memref<3276800xf32, #tpu.memory_space<hbm>> -> memref<2048xf32, #tpu.memory_space<hbm>>
      %dma_wait3A_424 = tpu.memref_slice %arg8[%multiple_of3A_383] : memref<3276800xf32, #tpu.memory_space<hbm>> -> memref<2048xf32, #tpu.memory_space<hbm>>
      tpu.wait_dma2 semaphore(%arg22 : memref<!tpu.dma_semaphore, #tpu.memory_space<semaphore_mem>>) src(%dma_wait3A_424 : memref<2048xf32, #tpu.memory_space<hbm>>) dst(%arg17 : memref<2048xf32, #tpu.memory_space<vmem>>)
      %scan3A_425 = arith.constant 0 : i32
      %scan3A_426 = arith.constant 0 : i32
      %scan3A_427 = arith.constant 128 : i32
      %scan3A_428 = arith.addi %scan3A_426, %scan3A_427 : i32
      %scan3A_429 = arith.constant 8 : i32
      scf.for %scan3A_735 = %scan3A_426 to %scan3A_428 step %scan3A_429  : i32 {
        %mul3A_736 = arith.constant 16 : i32
        %mul3A_737 = arith.muli %scan3A_735, %mul3A_736 : i32
        %get3A = arith.index_cast %mul3A_737 : i32 to index
        %get3A_738 = tpu.vector_load %arg16[%get3A] {strides = array<i32>} : memref<2048xi32, #tpu.memory_space<vmem>>, vector<16xi32>,
        %gather3A = tpu.vector_load_idx %arg13[%get3A_738] : memref<16384xf32, #tpu.memory_space<vmem>>[vector<16xi32>], vector<16xf32>,
        %get3A_739 = arith.index_cast %mul3A_737 : i32 to index
        %get3A_740 = tpu.vector_load %arg17[%get3A_739] {strides = array<i32>} : memref<2048xf32, #tpu.memory_space<vmem>>, vector<16xf32>,
        %mul3A_741 = arith.mulf %gather3A, %get3A_740 : vector<16xf32>
        %swap3A = arith.index_cast %mul3A_737 : i32 to index
        %swap3A_742 = tpu.vector_load %arg19[%swap3A] {strides = array<i32>} : memref<2048xf32, #tpu.memory_space<vmem>>, vector<16xf32>,
        tpu.vector_store %arg19[%swap3A], %mul3A_741 {strides = array<i32>} : memref<2048xf32, #tpu.memory_space<vmem>>, vector<16xf32>,
        %scan3A_743 = arith.constant 1 : i32
        %scan3A_744 = arith.addi %scan3A_735, %scan3A_743 : i32
        %mul3A_745 = arith.constant 16 : i32
        %mul3A_746 = arith.muli %scan3A_744, %mul3A_745 : i32
        %get3A_747 = arith.index_cast %mul3A_746 : i32 to index
        %get3A_748 = tpu.vector_load %arg16[%get3A_747] {strides = array<i32>} : memref<2048xi32, #tpu.memory_space<vmem>>, vector<16xi32>,
        %gather3A_749 = tpu.vector_load_idx %arg13[%get3A_748] : memref<16384xf32, #tpu.memory_space<vmem>>[vector<16xi32>], vector<16xf32>,
        %get3A_750 = arith.index_cast %mul3A_746 : i32 to index
        %get3A_751 = tpu.vector_load %arg17[%get3A_750] {strides = array<i32>} : memref<2048xf32, #tpu.memory_space<vmem>>, vector<16xf32>,
        %mul3A_752 = arith.mulf %gather3A_749, %get3A_751 : vector<16xf32>
        %swap3A_753 = arith.index_cast %mul3A_746 : i32 to index
        %swap3A_754 = tpu.vector_load %arg19[%swap3A_753] {strides = array<i32>} : memref<2048xf32, #tpu.memory_space<vmem>>, vector<16xf32>,
        tpu.vector_store %arg19[%swap3A_753], %mul3A_752 {strides = array<i32>} : memref<2048xf32, #tpu.memory_space<vmem>>, vector<16xf32>,
        %scan3A_755 = arith.constant 2 : i32
        %scan3A_756 = arith.addi %scan3A_735, %scan3A_755 : i32
        %mul3A_757 = arith.constant 16 : i32
        %mul3A_758 = arith.muli %scan3A_756, %mul3A_757 : i32
        %get3A_759 = arith.index_cast %mul3A_758 : i32 to index
        %get3A_760 = tpu.vector_load %arg16[%get3A_759] {strides = array<i32>} : memref<2048xi32, #tpu.memory_space<vmem>>, vector<16xi32>,
        %gather3A_761 = tpu.vector_load_idx %arg13[%get3A_760] : memref<16384xf32, #tpu.memory_space<vmem>>[vector<16xi32>], vector<16xf32>,
        %get3A_762 = arith.index_cast %mul3A_758 : i32 to index
        %get3A_763 = tpu.vector_load %arg17[%get3A_762] {strides = array<i32>} : memref<2048xf32, #tpu.memory_space<vmem>>, vector<16xf32>,
        %mul3A_764 = arith.mulf %gather3A_761, %get3A_763 : vector<16xf32>
        %swap3A_765 = arith.index_cast %mul3A_758 : i32 to index
        %swap3A_766 = tpu.vector_load %arg19[%swap3A_765] {strides = array<i32>} : memref<2048xf32, #tpu.memory_space<vmem>>, vector<16xf32>,
        tpu.vector_store %arg19[%swap3A_765], %mul3A_764 {strides = array<i32>} : memref<2048xf32, #tpu.memory_space<vmem>>, vector<16xf32>,
        %scan3A_767 = arith.constant 3 : i32
        %scan3A_768 = arith.addi %scan3A_735, %scan3A_767 : i32
        %mul3A_769 = arith.constant 16 : i32
        %mul3A_770 = arith.muli %scan3A_768, %mul3A_769 : i32
        %get3A_771 = arith.index_cast %mul3A_770 : i32 to index
        %get3A_772 = tpu.vector_load %arg16[%get3A_771] {strides = array<i32>} : memref<2048xi32, #tpu.memory_space<vmem>>, vector<16xi32>,
        %gather3A_773 = tpu.vector_load_idx %arg13[%get3A_772] : memref<16384xf32, #tpu.memory_space<vmem>>[vector<16xi32>], vector<16xf32>,
        %get3A_774 = arith.index_cast %mul3A_770 : i32 to index
        %get3A_775 = tpu.vector_load %arg17[%get3A_774] {strides = array<i32>} : memref<2048xf32, #tpu.memory_space<vmem>>, vector<16xf32>,
        %mul3A_776 = arith.mulf %gather3A_773, %get3A_775 : vector<16xf32>
        %swap3A_777 = arith.index_cast %mul3A_770 : i32 to index
        %swap3A_778 = tpu.vector_load %arg19[%swap3A_777] {strides = array<i32>} : memref<2048xf32, #tpu.memory_space<vmem>>, vector<16xf32>,
        tpu.vector_store %arg19[%swap3A_777], %mul3A_776 {strides = array<i32>} : memref<2048xf32, #tpu.memory_space<vmem>>, vector<16xf32>,
        %scan3A_779 = arith.constant 4 : i32
        %scan3A_780 = arith.addi %scan3A_735, %scan3A_779 : i32
        %mul3A_781 = arith.constant 16 : i32
        %mul3A_782 = arith.muli %scan3A_780, %mul3A_781 : i32
        %get3A_783 = arith.index_cast %mul3A_782 : i32 to index
        %get3A_784 = tpu.vector_load %arg16[%get3A_783] {strides = array<i32>} : memref<2048xi32, #tpu.memory_space<vmem>>, vector<16xi32>,
        %gather3A_785 = tpu.vector_load_idx %arg13[%get3A_784] : memref<16384xf32, #tpu.memory_space<vmem>>[vector<16xi32>], vector<16xf32>,
        %get3A_786 = arith.index_cast %mul3A_782 : i32 to index
        %get3A_787 = tpu.vector_load %arg17[%get3A_786] {strides = array<i32>} : memref<2048xf32, #tpu.memory_space<vmem>>, vector<16xf32>,
        %mul3A_788 = arith.mulf %gather3A_785, %get3A_787 : vector<16xf32>
        %swap3A_789 = arith.index_cast %mul3A_782 : i32 to index
        %swap3A_790 = tpu.vector_load %arg19[%swap3A_789] {strides = array<i32>} : memref<2048xf32, #tpu.memory_space<vmem>>, vector<16xf32>,
        tpu.vector_store %arg19[%swap3A_789], %mul3A_788 {strides = array<i32>} : memref<2048xf32, #tpu.memory_space<vmem>>, vector<16xf32>,
        %scan3A_791 = arith.constant 5 : i32
        %scan3A_792 = arith.addi %scan3A_735, %scan3A_791 : i32
        %mul3A_793 = arith.constant 16 : i32
        %mul3A_794 = arith.muli %scan3A_792, %mul3A_793 : i32
        %get3A_795 = arith.index_cast %mul3A_794 : i32 to index
        %get3A_796 = tpu.vector_load %arg16[%get3A_795] {strides = array<i32>} : memref<2048xi32, #tpu.memory_space<vmem>>, vector<16xi32>,
        %gather3A_797 = tpu.vector_load_idx %arg13[%get3A_796] : memref<16384xf32, #tpu.memory_space<vmem>>[vector<16xi32>], vector<16xf32>,
        %get3A_798 = arith.index_cast %mul3A_794 : i32 to index
        %get3A_799 = tpu.vector_load %arg17[%get3A_798] {strides = array<i32>} : memref<2048xf32, #tpu.memory_space<vmem>>, vector<16xf32>,
        %mul3A_800 = arith.mulf %gather3A_797, %get3A_799 : vector<16xf32>
        %swap3A_801 = arith.index_cast %mul3A_794 : i32 to index
        %swap3A_802 = tpu.vector_load %arg19[%swap3A_801] {strides = array<i32>} : memref<2048xf32, #tpu.memory_space<vmem>>, vector<16xf32>,
        tpu.vector_store %arg19[%swap3A_801], %mul3A_800 {strides = array<i32>} : memref<2048xf32, #tpu.memory_space<vmem>>, vector<16xf32>,
        %scan3A_803 = arith.constant 6 : i32
        %scan3A_804 = arith.addi %scan3A_735, %scan3A_803 : i32
        %mul3A_805 = arith.constant 16 : i32
        %mul3A_806 = arith.muli %scan3A_804, %mul3A_805 : i32
        %get3A_807 = arith.index_cast %mul3A_806 : i32 to index
        %get3A_808 = tpu.vector_load %arg16[%get3A_807] {strides = array<i32>} : memref<2048xi32, #tpu.memory_space<vmem>>, vector<16xi32>,
        %gather3A_809 = tpu.vector_load_idx %arg13[%get3A_808] : memref<16384xf32, #tpu.memory_space<vmem>>[vector<16xi32>], vector<16xf32>,
        %get3A_810 = arith.index_cast %mul3A_806 : i32 to index
        %get3A_811 = tpu.vector_load %arg17[%get3A_810] {strides = array<i32>} : memref<2048xf32, #tpu.memory_space<vmem>>, vector<16xf32>,
        %mul3A_812 = arith.mulf %gather3A_809, %get3A_811 : vector<16xf32>
        %swap3A_813 = arith.index_cast %mul3A_806 : i32 to index
        %swap3A_814 = tpu.vector_load %arg19[%swap3A_813] {strides = array<i32>} : memref<2048xf32, #tpu.memory_space<vmem>>, vector<16xf32>,
        tpu.vector_store %arg19[%swap3A_813], %mul3A_812 {strides = array<i32>} : memref<2048xf32, #tpu.memory_space<vmem>>, vector<16xf32>,
        %scan3A_815 = arith.constant 7 : i32
        %scan3A_816 = arith.addi %scan3A_735, %scan3A_815 : i32
        %mul3A_817 = arith.constant 16 : i32
        %mul3A_818 = arith.muli %scan3A_816, %mul3A_817 : i32
        %get3A_819 = arith.index_cast %mul3A_818 : i32 to index
        %get3A_820 = tpu.vector_load %arg16[%get3A_819] {strides = array<i32>} : memref<2048xi32, #tpu.memory_space<vmem>>, vector<16xi32>,
        %gather3A_821 = tpu.vector_load_idx %arg13[%get3A_820] : memref<16384xf32, #tpu.memory_space<vmem>>[vector<16xi32>], vector<16xf32>,
        %get3A_822 = arith.index_cast %mul3A_818 : i32 to index
        %get3A_823 = tpu.vector_load %arg17[%get3A_822] {strides = array<i32>} : memref<2048xf32, #tpu.memory_space<vmem>>, vector<16xf32>,
        %mul3A_824 = arith.mulf %gather3A_821, %get3A_823 : vector<16xf32>
        %swap3A_825 = arith.index_cast %mul3A_818 : i32 to index
        %swap3A_826 = tpu.vector_load %arg19[%swap3A_825] {strides = array<i32>} : memref<2048xf32, #tpu.memory_space<vmem>>, vector<16xf32>,
        tpu.vector_store %arg19[%swap3A_825], %mul3A_824 {strides = array<i32>} : memref<2048xf32, #tpu.memory_space<vmem>>, vector<16xf32>,
      }
      %scan3A_430 = arith.constant 128 : i32
      %dma_start3A_431 = arith.constant 0 : i32
      %dma_start3A_432 = arith.constant 0 : i32
      %dma_start3A_433 = tpu.memref_slice %arg19[%dma_start3A_432] : memref<2048xf32, #tpu.memory_space<vmem>> -> memref<128xf32, #tpu.memory_space<vmem>>
      %dma_start3A_434 = arith.constant 0 : i32
      %dma_start3A_435 = tpu.memref_slice %arg15[%dma_start3A_431, %dma_start3A_434] : memref<16x128xi32, #tpu.memory_space<vmem>> -> memref<1x128xi32, #tpu.memory_space<vmem>>
      %dma_start3A_436 = tpu.memref_squeeze %dma_start3A_435 : memref<1x128xi32, #tpu.memory_space<vmem>> -> memref<128xi32, #tpu.memory_space<vmem>>
      %dma_start3A_437 = arith.constant 0 : i32
      %dma_start3A_438 = tpu.memref_slice %arg21[%dma_start3A_437] : memref<819200xf32, #tpu.memory_space<vmem_shared>> -> memref<819200xf32, #tpu.memory_space<vmem_shared>>
      tpu.enqueue_indirect_dma source(%dma_start3A_433 : memref<128xf32, #tpu.memory_space<vmem>>) target(%dma_start3A_438 : memref<819200xf32, #tpu.memory_space<vmem_shared>>) offsets(%dma_start3A_436 : memref<128xi32, #tpu.memory_space<vmem>>) semaphore(%arg23 : memref<!tpu.dma_semaphore, #tpu.memory_space<semaphore_mem>>) {add = true}
      %dma_start3A_439 = arith.constant 1 : i32
      %dma_start3A_440 = arith.constant 128 : i32
      %dma_start3A_441 = tpu.memref_slice %arg19[%dma_start3A_440] : memref<2048xf32, #tpu.memory_space<vmem>> -> memref<128xf32, #tpu.memory_space<vmem>>
      %dma_start3A_442 = arith.constant 0 : i32
      %dma_start3A_443 = tpu.memref_slice %arg15[%dma_start3A_439, %dma_start3A_442] : memref<16x128xi32, #tpu.memory_space<vmem>> -> memref<1x128xi32, #tpu.memory_space<vmem>>
      %dma_start3A_444 = tpu.memref_squeeze %dma_start3A_443 : memref<1x128xi32, #tpu.memory_space<vmem>> -> memref<128xi32, #tpu.memory_space<vmem>>
      %dma_start3A_445 = arith.constant 0 : i32
      %dma_start3A_446 = tpu.memref_slice %arg21[%dma_start3A_445] : memref<819200xf32, #tpu.memory_space<vmem_shared>> -> memref<819200xf32, #tpu.memory_space<vmem_shared>>
      tpu.enqueue_indirect_dma source(%dma_start3A_441 : memref<128xf32, #tpu.memory_space<vmem>>) target(%dma_start3A_446 : memref<819200xf32, #tpu.memory_space<vmem_shared>>) offsets(%dma_start3A_444 : memref<128xi32, #tpu.memory_space<vmem>>) semaphore(%arg23 : memref<!tpu.dma_semaphore, #tpu.memory_space<semaphore_mem>>) {add = true}
      %dma_start3A_447 = arith.constant 2 : i32
      %dma_start3A_448 = arith.constant 256 : i32
      %dma_start3A_449 = tpu.memref_slice %arg19[%dma_start3A_448] : memref<2048xf32, #tpu.memory_space<vmem>> -> memref<128xf32, #tpu.memory_space<vmem>>
      %dma_start3A_450 = arith.constant 0 : i32
      %dma_start3A_451 = tpu.memref_slice %arg15[%dma_start3A_447, %dma_start3A_450] : memref<16x128xi32, #tpu.memory_space<vmem>> -> memref<1x128xi32, #tpu.memory_space<vmem>>
      %dma_start3A_452 = tpu.memref_squeeze %dma_start3A_451 : memref<1x128xi32, #tpu.memory_space<vmem>> -> memref<128xi32, #tpu.memory_space<vmem>>
      %dma_start3A_453 = arith.constant 0 : i32
      %dma_start3A_454 = tpu.memref_slice %arg21[%dma_start3A_453] : memref<819200xf32, #tpu.memory_space<vmem_shared>> -> memref<819200xf32, #tpu.memory_space<vmem_shared>>
      tpu.enqueue_indirect_dma source(%dma_start3A_449 : memref<128xf32, #tpu.memory_space<vmem>>) target(%dma_start3A_454 : memref<819200xf32, #tpu.memory_space<vmem_shared>>) offsets(%dma_start3A_452 : memref<128xi32, #tpu.memory_space<vmem>>) semaphore(%arg23 : memref<!tpu.dma_semaphore, #tpu.memory_space<semaphore_mem>>) {add = true}
      %dma_start3A_455 = arith.constant 3 : i32
      %dma_start3A_456 = arith.constant 384 : i32
      %dma_start3A_457 = tpu.memref_slice %arg19[%dma_start3A_456] : memref<2048xf32, #tpu.memory_space<vmem>> -> memref<128xf32, #tpu.memory_space<vmem>>
      %dma_start3A_458 = arith.constant 0 : i32
      %dma_start3A_459 = tpu.memref_slice %arg15[%dma_start3A_455, %dma_start3A_458] : memref<16x128xi32, #tpu.memory_space<vmem>> -> memref<1x128xi32, #tpu.memory_space<vmem>>
      %dma_start3A_460 = tpu.memref_squeeze %dma_start3A_459 : memref<1x128xi32, #tpu.memory_space<vmem>> -> memref<128xi32, #tpu.memory_space<vmem>>
      %dma_start3A_461 = arith.constant 0 : i32
      %dma_start3A_462 = tpu.memref_slice %arg21[%dma_start3A_461] : memref<819200xf32, #tpu.memory_space<vmem_shared>> -> memref<819200xf32, #tpu.memory_space<vmem_shared>>
      tpu.enqueue_indirect_dma source(%dma_start3A_457 : memref<128xf32, #tpu.memory_space<vmem>>) target(%dma_start3A_462 : memref<819200xf32, #tpu.memory_space<vmem_shared>>) offsets(%dma_start3A_460 : memref<128xi32, #tpu.memory_space<vmem>>) semaphore(%arg23 : memref<!tpu.dma_semaphore, #tpu.memory_space<semaphore_mem>>) {add = true}
      %dma_start3A_463 = arith.constant 4 : i32
      %dma_start3A_464 = arith.constant 512 : i32
      %dma_start3A_465 = tpu.memref_slice %arg19[%dma_start3A_464] : memref<2048xf32, #tpu.memory_space<vmem>> -> memref<128xf32, #tpu.memory_space<vmem>>
      %dma_start3A_466 = arith.constant 0 : i32
      %dma_start3A_467 = tpu.memref_slice %arg15[%dma_start3A_463, %dma_start3A_466] : memref<16x128xi32, #tpu.memory_space<vmem>> -> memref<1x128xi32, #tpu.memory_space<vmem>>
      %dma_start3A_468 = tpu.memref_squeeze %dma_start3A_467 : memref<1x128xi32, #tpu.memory_space<vmem>> -> memref<128xi32, #tpu.memory_space<vmem>>
      %dma_start3A_469 = arith.constant 0 : i32
      %dma_start3A_470 = tpu.memref_slice %arg21[%dma_start3A_469] : memref<819200xf32, #tpu.memory_space<vmem_shared>> -> memref<819200xf32, #tpu.memory_space<vmem_shared>>
      tpu.enqueue_indirect_dma source(%dma_start3A_465 : memref<128xf32, #tpu.memory_space<vmem>>) target(%dma_start3A_470 : memref<819200xf32, #tpu.memory_space<vmem_shared>>) offsets(%dma_start3A_468 : memref<128xi32, #tpu.memory_space<vmem>>) semaphore(%arg23 : memref<!tpu.dma_semaphore, #tpu.memory_space<semaphore_mem>>) {add = true}
      %dma_start3A_471 = arith.constant 5 : i32
      %dma_start3A_472 = arith.constant 640 : i32
      %dma_start3A_473 = tpu.memref_slice %arg19[%dma_start3A_472] : memref<2048xf32, #tpu.memory_space<vmem>> -> memref<128xf32, #tpu.memory_space<vmem>>
      %dma_start3A_474 = arith.constant 0 : i32
      %dma_start3A_475 = tpu.memref_slice %arg15[%dma_start3A_471, %dma_start3A_474] : memref<16x128xi32, #tpu.memory_space<vmem>> -> memref<1x128xi32, #tpu.memory_space<vmem>>
      %dma_start3A_476 = tpu.memref_squeeze %dma_start3A_475 : memref<1x128xi32, #tpu.memory_space<vmem>> -> memref<128xi32, #tpu.memory_space<vmem>>
      %dma_start3A_477 = arith.constant 0 : i32
      %dma_start3A_478 = tpu.memref_slice %arg21[%dma_start3A_477] : memref<819200xf32, #tpu.memory_space<vmem_shared>> -> memref<819200xf32, #tpu.memory_space<vmem_shared>>
      tpu.enqueue_indirect_dma source(%dma_start3A_473 : memref<128xf32, #tpu.memory_space<vmem>>) target(%dma_start3A_478 : memref<819200xf32, #tpu.memory_space<vmem_shared>>) offsets(%dma_start3A_476 : memref<128xi32, #tpu.memory_space<vmem>>) semaphore(%arg23 : memref<!tpu.dma_semaphore, #tpu.memory_space<semaphore_mem>>) {add = true}
      %dma_start3A_479 = arith.constant 6 : i32
      %dma_start3A_480 = arith.constant 768 : i32
      %dma_start3A_481 = tpu.memref_slice %arg19[%dma_start3A_480] : memref<2048xf32, #tpu.memory_space<vmem>> -> memref<128xf32, #tpu.memory_space<vmem>>
      %dma_start3A_482 = arith.constant 0 : i32
      %dma_start3A_483 = tpu.memref_slice %arg15[%dma_start3A_479, %dma_start3A_482] : memref<16x128xi32, #tpu.memory_space<vmem>> -> memref<1x128xi32, #tpu.memory_space<vmem>>
      %dma_start3A_484 = tpu.memref_squeeze %dma_start3A_483 : memref<1x128xi32, #tpu.memory_space<vmem>> -> memref<128xi32, #tpu.memory_space<vmem>>
      %dma_start3A_485 = arith.constant 0 : i32
      %dma_start3A_486 = tpu.memref_slice %arg21[%dma_start3A_485] : memref<819200xf32, #tpu.memory_space<vmem_shared>> -> memref<819200xf32, #tpu.memory_space<vmem_shared>>
      tpu.enqueue_indirect_dma source(%dma_start3A_481 : memref<128xf32, #tpu.memory_space<vmem>>) target(%dma_start3A_486 : memref<819200xf32, #tpu.memory_space<vmem_shared>>) offsets(%dma_start3A_484 : memref<128xi32, #tpu.memory_space<vmem>>) semaphore(%arg23 : memref<!tpu.dma_semaphore, #tpu.memory_space<semaphore_mem>>) {add = true}
      %dma_start3A_487 = arith.constant 7 : i32
      %dma_start3A_488 = arith.constant 896 : i32
      %dma_start3A_489 = tpu.memref_slice %arg19[%dma_start3A_488] : memref<2048xf32, #tpu.memory_space<vmem>> -> memref<128xf32, #tpu.memory_space<vmem>>
      %dma_start3A_490 = arith.constant 0 : i32
      %dma_start3A_491 = tpu.memref_slice %arg15[%dma_start3A_487, %dma_start3A_490] : memref<16x128xi32, #tpu.memory_space<vmem>> -> memref<1x128xi32, #tpu.memory_space<vmem>>
      %dma_start3A_492 = tpu.memref_squeeze %dma_start3A_491 : memref<1x128xi32, #tpu.memory_space<vmem>> -> memref<128xi32, #tpu.memory_space<vmem>>
      %dma_start3A_493 = arith.constant 0 : i32
      %dma_start3A_494 = tpu.memref_slice %arg21[%dma_start3A_493] : memref<819200xf32, #tpu.memory_space<vmem_shared>> -> memref<819200xf32, #tpu.memory_space<vmem_shared>>
      tpu.enqueue_indirect_dma source(%dma_start3A_489 : memref<128xf32, #tpu.memory_space<vmem>>) target(%dma_start3A_494 : memref<819200xf32, #tpu.memory_space<vmem_shared>>) offsets(%dma_start3A_492 : memref<128xi32, #tpu.memory_space<vmem>>) semaphore(%arg23 : memref<!tpu.dma_semaphore, #tpu.memory_space<semaphore_mem>>) {add = true}
      %dma_start3A_495 = arith.constant 8 : i32
      %dma_start3A_496 = arith.constant 1024 : i32
      %dma_start3A_497 = tpu.memref_slice %arg19[%dma_start3A_496] : memref<2048xf32, #tpu.memory_space<vmem>> -> memref<128xf32, #tpu.memory_space<vmem>>
      %dma_start3A_498 = arith.constant 0 : i32
      %dma_start3A_499 = tpu.memref_slice %arg15[%dma_start3A_495, %dma_start3A_498] : memref<16x128xi32, #tpu.memory_space<vmem>> -> memref<1x128xi32, #tpu.memory_space<vmem>>
      %dma_start3A_500 = tpu.memref_squeeze %dma_start3A_499 : memref<1x128xi32, #tpu.memory_space<vmem>> -> memref<128xi32, #tpu.memory_space<vmem>>
      %dma_start3A_501 = arith.constant 0 : i32
      %dma_start3A_502 = tpu.memref_slice %arg21[%dma_start3A_501] : memref<819200xf32, #tpu.memory_space<vmem_shared>> -> memref<819200xf32, #tpu.memory_space<vmem_shared>>
      tpu.enqueue_indirect_dma source(%dma_start3A_497 : memref<128xf32, #tpu.memory_space<vmem>>) target(%dma_start3A_502 : memref<819200xf32, #tpu.memory_space<vmem_shared>>) offsets(%dma_start3A_500 : memref<128xi32, #tpu.memory_space<vmem>>) semaphore(%arg23 : memref<!tpu.dma_semaphore, #tpu.memory_space<semaphore_mem>>) {add = true}
      %dma_start3A_503 = arith.constant 9 : i32
      %dma_start3A_504 = arith.constant 1152 : i32
      %dma_start3A_505 = tpu.memref_slice %arg19[%dma_start3A_504] : memref<2048xf32, #tpu.memory_space<vmem>> -> memref<128xf32, #tpu.memory_space<vmem>>
      %dma_start3A_506 = arith.constant 0 : i32
      %dma_start3A_507 = tpu.memref_slice %arg15[%dma_start3A_503, %dma_start3A_506] : memref<16x128xi32, #tpu.memory_space<vmem>> -> memref<1x128xi32, #tpu.memory_space<vmem>>
      %dma_start3A_508 = tpu.memref_squeeze %dma_start3A_507 : memref<1x128xi32, #tpu.memory_space<vmem>> -> memref<128xi32, #tpu.memory_space<vmem>>
      %dma_start3A_509 = arith.constant 0 : i32
      %dma_start3A_510 = tpu.memref_slice %arg21[%dma_start3A_509] : memref<819200xf32, #tpu.memory_space<vmem_shared>> -> memref<819200xf32, #tpu.memory_space<vmem_shared>>
      tpu.enqueue_indirect_dma source(%dma_start3A_505 : memref<128xf32, #tpu.memory_space<vmem>>) target(%dma_start3A_510 : memref<819200xf32, #tpu.memory_space<vmem_shared>>) offsets(%dma_start3A_508 : memref<128xi32, #tpu.memory_space<vmem>>) semaphore(%arg23 : memref<!tpu.dma_semaphore, #tpu.memory_space<semaphore_mem>>) {add = true}
      %dma_start3A_511 = arith.constant 10 : i32
      %dma_start3A_512 = arith.constant 1280 : i32
      %dma_start3A_513 = tpu.memref_slice %arg19[%dma_start3A_512] : memref<2048xf32, #tpu.memory_space<vmem>> -> memref<128xf32, #tpu.memory_space<vmem>>
      %dma_start3A_514 = arith.constant 0 : i32
      %dma_start3A_515 = tpu.memref_slice %arg15[%dma_start3A_511, %dma_start3A_514] : memref<16x128xi32, #tpu.memory_space<vmem>> -> memref<1x128xi32, #tpu.memory_space<vmem>>
      %dma_start3A_516 = tpu.memref_squeeze %dma_start3A_515 : memref<1x128xi32, #tpu.memory_space<vmem>> -> memref<128xi32, #tpu.memory_space<vmem>>
      %dma_start3A_517 = arith.constant 0 : i32
      %dma_start3A_518 = tpu.memref_slice %arg21[%dma_start3A_517] : memref<819200xf32, #tpu.memory_space<vmem_shared>> -> memref<819200xf32, #tpu.memory_space<vmem_shared>>
      tpu.enqueue_indirect_dma source(%dma_start3A_513 : memref<128xf32, #tpu.memory_space<vmem>>) target(%dma_start3A_518 : memref<819200xf32, #tpu.memory_space<vmem_shared>>) offsets(%dma_start3A_516 : memref<128xi32, #tpu.memory_space<vmem>>) semaphore(%arg23 : memref<!tpu.dma_semaphore, #tpu.memory_space<semaphore_mem>>) {add = true}
      %dma_start3A_519 = arith.constant 11 : i32
      %dma_start3A_520 = arith.constant 1408 : i32
      %dma_start3A_521 = tpu.memref_slice %arg19[%dma_start3A_520] : memref<2048xf32, #tpu.memory_space<vmem>> -> memref<128xf32, #tpu.memory_space<vmem>>
      %dma_start3A_522 = arith.constant 0 : i32
      %dma_start3A_523 = tpu.memref_slice %arg15[%dma_start3A_519, %dma_start3A_522] : memref<16x128xi32, #tpu.memory_space<vmem>> -> memref<1x128xi32, #tpu.memory_space<vmem>>
      %dma_start3A_524 = tpu.memref_squeeze %dma_start3A_523 : memref<1x128xi32, #tpu.memory_space<vmem>> -> memref<128xi32, #tpu.memory_space<vmem>>
      %dma_start3A_525 = arith.constant 0 : i32
      %dma_start3A_526 = tpu.memref_slice %arg21[%dma_start3A_525] : memref<819200xf32, #tpu.memory_space<vmem_shared>> -> memref<819200xf32, #tpu.memory_space<vmem_shared>>
      tpu.enqueue_indirect_dma source(%dma_start3A_521 : memref<128xf32, #tpu.memory_space<vmem>>) target(%dma_start3A_526 : memref<819200xf32, #tpu.memory_space<vmem_shared>>) offsets(%dma_start3A_524 : memref<128xi32, #tpu.memory_space<vmem>>) semaphore(%arg23 : memref<!tpu.dma_semaphore, #tpu.memory_space<semaphore_mem>>) {add = true}
      %dma_start3A_527 = arith.constant 12 : i32
      %dma_start3A_528 = arith.constant 1536 : i32
      %dma_start3A_529 = tpu.memref_slice %arg19[%dma_start3A_528] : memref<2048xf32, #tpu.memory_space<vmem>> -> memref<128xf32, #tpu.memory_space<vmem>>
      %dma_start3A_530 = arith.constant 0 : i32
      %dma_start3A_531 = tpu.memref_slice %arg15[%dma_start3A_527, %dma_start3A_530] : memref<16x128xi32, #tpu.memory_space<vmem>> -> memref<1x128xi32, #tpu.memory_space<vmem>>
      %dma_start3A_532 = tpu.memref_squeeze %dma_start3A_531 : memref<1x128xi32, #tpu.memory_space<vmem>> -> memref<128xi32, #tpu.memory_space<vmem>>
      %dma_start3A_533 = arith.constant 0 : i32
      %dma_start3A_534 = tpu.memref_slice %arg21[%dma_start3A_533] : memref<819200xf32, #tpu.memory_space<vmem_shared>> -> memref<819200xf32, #tpu.memory_space<vmem_shared>>
      tpu.enqueue_indirect_dma source(%dma_start3A_529 : memref<128xf32, #tpu.memory_space<vmem>>) target(%dma_start3A_534 : memref<819200xf32, #tpu.memory_space<vmem_shared>>) offsets(%dma_start3A_532 : memref<128xi32, #tpu.memory_space<vmem>>) semaphore(%arg23 : memref<!tpu.dma_semaphore, #tpu.memory_space<semaphore_mem>>) {add = true}
      %dma_start3A_535 = arith.constant 13 : i32
      %dma_start3A_536 = arith.constant 1664 : i32
      %dma_start3A_537 = tpu.memref_slice %arg19[%dma_start3A_536] : memref<2048xf32, #tpu.memory_space<vmem>> -> memref<128xf32, #tpu.memory_space<vmem>>
      %dma_start3A_538 = arith.constant 0 : i32
      %dma_start3A_539 = tpu.memref_slice %arg15[%dma_start3A_535, %dma_start3A_538] : memref<16x128xi32, #tpu.memory_space<vmem>> -> memref<1x128xi32, #tpu.memory_space<vmem>>
      %dma_start3A_540 = tpu.memref_squeeze %dma_start3A_539 : memref<1x128xi32, #tpu.memory_space<vmem>> -> memref<128xi32, #tpu.memory_space<vmem>>
      %dma_start3A_541 = arith.constant 0 : i32
      %dma_start3A_542 = tpu.memref_slice %arg21[%dma_start3A_541] : memref<819200xf32, #tpu.memory_space<vmem_shared>> -> memref<819200xf32, #tpu.memory_space<vmem_shared>>
      tpu.enqueue_indirect_dma source(%dma_start3A_537 : memref<128xf32, #tpu.memory_space<vmem>>) target(%dma_start3A_542 : memref<819200xf32, #tpu.memory_space<vmem_shared>>) offsets(%dma_start3A_540 : memref<128xi32, #tpu.memory_space<vmem>>) semaphore(%arg23 : memref<!tpu.dma_semaphore, #tpu.memory_space<semaphore_mem>>) {add = true}
      %dma_start3A_543 = arith.constant 14 : i32
      %dma_start3A_544 = arith.constant 1792 : i32
      %dma_start3A_545 = tpu.memref_slice %arg19[%dma_start3A_544] : memref<2048xf32, #tpu.memory_space<vmem>> -> memref<128xf32, #tpu.memory_space<vmem>>
      %dma_start3A_546 = arith.constant 0 : i32
      %dma_start3A_547 = tpu.memref_slice %arg15[%dma_start3A_543, %dma_start3A_546] : memref<16x128xi32, #tpu.memory_space<vmem>> -> memref<1x128xi32, #tpu.memory_space<vmem>>
      %dma_start3A_548 = tpu.memref_squeeze %dma_start3A_547 : memref<1x128xi32, #tpu.memory_space<vmem>> -> memref<128xi32, #tpu.memory_space<vmem>>
      %dma_start3A_549 = arith.constant 0 : i32
      %dma_start3A_550 = tpu.memref_slice %arg21[%dma_start3A_549] : memref<819200xf32, #tpu.memory_space<vmem_shared>> -> memref<819200xf32, #tpu.memory_space<vmem_shared>>
      tpu.enqueue_indirect_dma source(%dma_start3A_545 : memref<128xf32, #tpu.memory_space<vmem>>) target(%dma_start3A_550 : memref<819200xf32, #tpu.memory_space<vmem_shared>>) offsets(%dma_start3A_548 : memref<128xi32, #tpu.memory_space<vmem>>) semaphore(%arg23 : memref<!tpu.dma_semaphore, #tpu.memory_space<semaphore_mem>>) {add = true}
      %dma_start3A_551 = arith.constant 15 : i32
      %dma_start3A_552 = arith.constant 1920 : i32
      %dma_start3A_553 = tpu.memref_slice %arg19[%dma_start3A_552] : memref<2048xf32, #tpu.memory_space<vmem>> -> memref<128xf32, #tpu.memory_space<vmem>>
      %dma_start3A_554 = arith.constant 0 : i32
      %dma_start3A_555 = tpu.memref_slice %arg15[%dma_start3A_551, %dma_start3A_554] : memref<16x128xi32, #tpu.memory_space<vmem>> -> memref<1x128xi32, #tpu.memory_space<vmem>>
      %dma_start3A_556 = tpu.memref_squeeze %dma_start3A_555 : memref<1x128xi32, #tpu.memory_space<vmem>> -> memref<128xi32, #tpu.memory_space<vmem>>
      %dma_start3A_557 = arith.constant 0 : i32
      %dma_start3A_558 = tpu.memref_slice %arg21[%dma_start3A_557] : memref<819200xf32, #tpu.memory_space<vmem_shared>> -> memref<819200xf32, #tpu.memory_space<vmem_shared>>
      tpu.enqueue_indirect_dma source(%dma_start3A_553 : memref<128xf32, #tpu.memory_space<vmem>>) target(%dma_start3A_558 : memref<819200xf32, #tpu.memory_space<vmem_shared>>) offsets(%dma_start3A_556 : memref<128xi32, #tpu.memory_space<vmem>>) semaphore(%arg23 : memref<!tpu.dma_semaphore, #tpu.memory_space<semaphore_mem>>) {add = true}
      %dma_wait3A_559 = arith.constant 0 : i32
      %dma_wait3A_560 = arith.constant 0 : i32
      %dma_wait3A_561 = tpu.memref_slice %arg18[%dma_wait3A_560] : memref<2048xf32, #tpu.memory_space<vmem>> -> memref<128xf32, #tpu.memory_space<vmem>>
      %dma_wait3A_562 = arith.constant 0 : i32
      %dma_wait3A_563 = tpu.memref_slice %arg14[%dma_wait3A_559, %dma_wait3A_562] : memref<16x128xi32, #tpu.memory_space<vmem>> -> memref<1x128xi32, #tpu.memory_space<vmem>>
      %dma_wait3A_564 = tpu.memref_squeeze %dma_wait3A_563 : memref<1x128xi32, #tpu.memory_space<vmem>> -> memref<128xi32, #tpu.memory_space<vmem>>
      %dma_wait3A_565 = arith.constant 0 : i32
      %dma_wait3A_566 = tpu.memref_slice %arg21[%dma_wait3A_565] : memref<819200xf32, #tpu.memory_space<vmem_shared>> -> memref<819200xf32, #tpu.memory_space<vmem_shared>>
      tpu.wait_indirect_dma semaphore(%arg23 : memref<!tpu.dma_semaphore, #tpu.memory_space<semaphore_mem>>) src(%dma_wait3A_561 : memref<128xf32, #tpu.memory_space<vmem>>) dst(%dma_wait3A_566 : memref<819200xf32, #tpu.memory_space<vmem_shared>>)
      %dma_wait3A_567 = arith.constant 1 : i32
      %dma_wait3A_568 = arith.constant 128 : i32
      %dma_wait3A_569 = tpu.memref_slice %arg18[%dma_wait3A_568] : memref<2048xf32, #tpu.memory_space<vmem>> -> memref<128xf32, #tpu.memory_space<vmem>>
      %dma_wait3A_570 = arith.constant 0 : i32
      %dma_wait3A_571 = tpu.memref_slice %arg14[%dma_wait3A_567, %dma_wait3A_570] : memref<16x128xi32, #tpu.memory_space<vmem>> -> memref<1x128xi32, #tpu.memory_space<vmem>>
      %dma_wait3A_572 = tpu.memref_squeeze %dma_wait3A_571 : memref<1x128xi32, #tpu.memory_space<vmem>> -> memref<128xi32, #tpu.memory_space<vmem>>
      %dma_wait3A_573 = arith.constant 0 : i32
      %dma_wait3A_574 = tpu.memref_slice %arg21[%dma_wait3A_573] : memref<819200xf32, #tpu.memory_space<vmem_shared>> -> memref<819200xf32, #tpu.memory_space<vmem_shared>>
      tpu.wait_indirect_dma semaphore(%arg23 : memref<!tpu.dma_semaphore, #tpu.memory_space<semaphore_mem>>) src(%dma_wait3A_569 : memref<128xf32, #tpu.memory_space<vmem>>) dst(%dma_wait3A_574 : memref<819200xf32, #tpu.memory_space<vmem_shared>>)
      %dma_wait3A_575 = arith.constant 2 : i32
      %dma_wait3A_576 = arith.constant 256 : i32
      %dma_wait3A_577 = tpu.memref_slice %arg18[%dma_wait3A_576] : memref<2048xf32, #tpu.memory_space<vmem>> -> memref<128xf32, #tpu.memory_space<vmem>>
      %dma_wait3A_578 = arith.constant 0 : i32
      %dma_wait3A_579 = tpu.memref_slice %arg14[%dma_wait3A_575, %dma_wait3A_578] : memref<16x128xi32, #tpu.memory_space<vmem>> -> memref<1x128xi32, #tpu.memory_space<vmem>>
      %dma_wait3A_580 = tpu.memref_squeeze %dma_wait3A_579 : memref<1x128xi32, #tpu.memory_space<vmem>> -> memref<128xi32, #tpu.memory_space<vmem>>
      %dma_wait3A_581 = arith.constant 0 : i32
      %dma_wait3A_582 = tpu.memref_slice %arg21[%dma_wait3A_581] : memref<819200xf32, #tpu.memory_space<vmem_shared>> -> memref<819200xf32, #tpu.memory_space<vmem_shared>>
      tpu.wait_indirect_dma semaphore(%arg23 : memref<!tpu.dma_semaphore, #tpu.memory_space<semaphore_mem>>) src(%dma_wait3A_577 : memref<128xf32, #tpu.memory_space<vmem>>) dst(%dma_wait3A_582 : memref<819200xf32, #tpu.memory_space<vmem_shared>>)
      %dma_wait3A_583 = arith.constant 3 : i32
      %dma_wait3A_584 = arith.constant 384 : i32
      %dma_wait3A_585 = tpu.memref_slice %arg18[%dma_wait3A_584] : memref<2048xf32, #tpu.memory_space<vmem>> -> memref<128xf32, #tpu.memory_space<vmem>>
      %dma_wait3A_586 = arith.constant 0 : i32
      %dma_wait3A_587 = tpu.memref_slice %arg14[%dma_wait3A_583, %dma_wait3A_586] : memref<16x128xi32, #tpu.memory_space<vmem>> -> memref<1x128xi32, #tpu.memory_space<vmem>>
      %dma_wait3A_588 = tpu.memref_squeeze %dma_wait3A_587 : memref<1x128xi32, #tpu.memory_space<vmem>> -> memref<128xi32, #tpu.memory_space<vmem>>
      %dma_wait3A_589 = arith.constant 0 : i32
      %dma_wait3A_590 = tpu.memref_slice %arg21[%dma_wait3A_589] : memref<819200xf32, #tpu.memory_space<vmem_shared>> -> memref<819200xf32, #tpu.memory_space<vmem_shared>>
      tpu.wait_indirect_dma semaphore(%arg23 : memref<!tpu.dma_semaphore, #tpu.memory_space<semaphore_mem>>) src(%dma_wait3A_585 : memref<128xf32, #tpu.memory_space<vmem>>) dst(%dma_wait3A_590 : memref<819200xf32, #tpu.memory_space<vmem_shared>>)
      %dma_wait3A_591 = arith.constant 4 : i32
      %dma_wait3A_592 = arith.constant 512 : i32
      %dma_wait3A_593 = tpu.memref_slice %arg18[%dma_wait3A_592] : memref<2048xf32, #tpu.memory_space<vmem>> -> memref<128xf32, #tpu.memory_space<vmem>>
      %dma_wait3A_594 = arith.constant 0 : i32
      %dma_wait3A_595 = tpu.memref_slice %arg14[%dma_wait3A_591, %dma_wait3A_594] : memref<16x128xi32, #tpu.memory_space<vmem>> -> memref<1x128xi32, #tpu.memory_space<vmem>>
      %dma_wait3A_596 = tpu.memref_squeeze %dma_wait3A_595 : memref<1x128xi32, #tpu.memory_space<vmem>> -> memref<128xi32, #tpu.memory_space<vmem>>
      %dma_wait3A_597 = arith.constant 0 : i32
      %dma_wait3A_598 = tpu.memref_slice %arg21[%dma_wait3A_597] : memref<819200xf32, #tpu.memory_space<vmem_shared>> -> memref<819200xf32, #tpu.memory_space<vmem_shared>>
      tpu.wait_indirect_dma semaphore(%arg23 : memref<!tpu.dma_semaphore, #tpu.memory_space<semaphore_mem>>) src(%dma_wait3A_593 : memref<128xf32, #tpu.memory_space<vmem>>) dst(%dma_wait3A_598 : memref<819200xf32, #tpu.memory_space<vmem_shared>>)
      %dma_wait3A_599 = arith.constant 5 : i32
      %dma_wait3A_600 = arith.constant 640 : i32
      %dma_wait3A_601 = tpu.memref_slice %arg18[%dma_wait3A_600] : memref<2048xf32, #tpu.memory_space<vmem>> -> memref<128xf32, #tpu.memory_space<vmem>>
      %dma_wait3A_602 = arith.constant 0 : i32
      %dma_wait3A_603 = tpu.memref_slice %arg14[%dma_wait3A_599, %dma_wait3A_602] : memref<16x128xi32, #tpu.memory_space<vmem>> -> memref<1x128xi32, #tpu.memory_space<vmem>>
      %dma_wait3A_604 = tpu.memref_squeeze %dma_wait3A_603 : memref<1x128xi32, #tpu.memory_space<vmem>> -> memref<128xi32, #tpu.memory_space<vmem>>
      %dma_wait3A_605 = arith.constant 0 : i32
      %dma_wait3A_606 = tpu.memref_slice %arg21[%dma_wait3A_605] : memref<819200xf32, #tpu.memory_space<vmem_shared>> -> memref<819200xf32, #tpu.memory_space<vmem_shared>>
      tpu.wait_indirect_dma semaphore(%arg23 : memref<!tpu.dma_semaphore, #tpu.memory_space<semaphore_mem>>) src(%dma_wait3A_601 : memref<128xf32, #tpu.memory_space<vmem>>) dst(%dma_wait3A_606 : memref<819200xf32, #tpu.memory_space<vmem_shared>>)
      %dma_wait3A_607 = arith.constant 6 : i32
      %dma_wait3A_608 = arith.constant 768 : i32
      %dma_wait3A_609 = tpu.memref_slice %arg18[%dma_wait3A_608] : memref<2048xf32, #tpu.memory_space<vmem>> -> memref<128xf32, #tpu.memory_space<vmem>>
      %dma_wait3A_610 = arith.constant 0 : i32
      %dma_wait3A_611 = tpu.memref_slice %arg14[%dma_wait3A_607, %dma_wait3A_610] : memref<16x128xi32, #tpu.memory_space<vmem>> -> memref<1x128xi32, #tpu.memory_space<vmem>>
      %dma_wait3A_612 = tpu.memref_squeeze %dma_wait3A_611 : memref<1x128xi32, #tpu.memory_space<vmem>> -> memref<128xi32, #tpu.memory_space<vmem>>
      %dma_wait3A_613 = arith.constant 0 : i32
      %dma_wait3A_614 = tpu.memref_slice %arg21[%dma_wait3A_613] : memref<819200xf32, #tpu.memory_space<vmem_shared>> -> memref<819200xf32, #tpu.memory_space<vmem_shared>>
      tpu.wait_indirect_dma semaphore(%arg23 : memref<!tpu.dma_semaphore, #tpu.memory_space<semaphore_mem>>) src(%dma_wait3A_609 : memref<128xf32, #tpu.memory_space<vmem>>) dst(%dma_wait3A_614 : memref<819200xf32, #tpu.memory_space<vmem_shared>>)
      %dma_wait3A_615 = arith.constant 7 : i32
      %dma_wait3A_616 = arith.constant 896 : i32
      %dma_wait3A_617 = tpu.memref_slice %arg18[%dma_wait3A_616] : memref<2048xf32, #tpu.memory_space<vmem>> -> memref<128xf32, #tpu.memory_space<vmem>>
      %dma_wait3A_618 = arith.constant 0 : i32
      %dma_wait3A_619 = tpu.memref_slice %arg14[%dma_wait3A_615, %dma_wait3A_618] : memref<16x128xi32, #tpu.memory_space<vmem>> -> memref<1x128xi32, #tpu.memory_space<vmem>>
      %dma_wait3A_620 = tpu.memref_squeeze %dma_wait3A_619 : memref<1x128xi32, #tpu.memory_space<vmem>> -> memref<128xi32, #tpu.memory_space<vmem>>
      %dma_wait3A_621 = arith.constant 0 : i32
      %dma_wait3A_622 = tpu.memref_slice %arg21[%dma_wait3A_621] : memref<819200xf32, #tpu.memory_space<vmem_shared>> -> memref<819200xf32, #tpu.memory_space<vmem_shared>>
      tpu.wait_indirect_dma semaphore(%arg23 : memref<!tpu.dma_semaphore, #tpu.memory_space<semaphore_mem>>) src(%dma_wait3A_617 : memref<128xf32, #tpu.memory_space<vmem>>) dst(%dma_wait3A_622 : memref<819200xf32, #tpu.memory_space<vmem_shared>>)
      %dma_wait3A_623 = arith.constant 8 : i32
      %dma_wait3A_624 = arith.constant 1024 : i32
      %dma_wait3A_625 = tpu.memref_slice %arg18[%dma_wait3A_624] : memref<2048xf32, #tpu.memory_space<vmem>> -> memref<128xf32, #tpu.memory_space<vmem>>
      %dma_wait3A_626 = arith.constant 0 : i32
      %dma_wait3A_627 = tpu.memref_slice %arg14[%dma_wait3A_623, %dma_wait3A_626] : memref<16x128xi32, #tpu.memory_space<vmem>> -> memref<1x128xi32, #tpu.memory_space<vmem>>
      %dma_wait3A_628 = tpu.memref_squeeze %dma_wait3A_627 : memref<1x128xi32, #tpu.memory_space<vmem>> -> memref<128xi32, #tpu.memory_space<vmem>>
      %dma_wait3A_629 = arith.constant 0 : i32
      %dma_wait3A_630 = tpu.memref_slice %arg21[%dma_wait3A_629] : memref<819200xf32, #tpu.memory_space<vmem_shared>> -> memref<819200xf32, #tpu.memory_space<vmem_shared>>
      tpu.wait_indirect_dma semaphore(%arg23 : memref<!tpu.dma_semaphore, #tpu.memory_space<semaphore_mem>>) src(%dma_wait3A_625 : memref<128xf32, #tpu.memory_space<vmem>>) dst(%dma_wait3A_630 : memref<819200xf32, #tpu.memory_space<vmem_shared>>)
      %dma_wait3A_631 = arith.constant 9 : i32
      %dma_wait3A_632 = arith.constant 1152 : i32
      %dma_wait3A_633 = tpu.memref_slice %arg18[%dma_wait3A_632] : memref<2048xf32, #tpu.memory_space<vmem>> -> memref<128xf32, #tpu.memory_space<vmem>>
      %dma_wait3A_634 = arith.constant 0 : i32
      %dma_wait3A_635 = tpu.memref_slice %arg14[%dma_wait3A_631, %dma_wait3A_634] : memref<16x128xi32, #tpu.memory_space<vmem>> -> memref<1x128xi32, #tpu.memory_space<vmem>>
      %dma_wait3A_636 = tpu.memref_squeeze %dma_wait3A_635 : memref<1x128xi32, #tpu.memory_space<vmem>> -> memref<128xi32, #tpu.memory_space<vmem>>
      %dma_wait3A_637 = arith.constant 0 : i32
      %dma_wait3A_638 = tpu.memref_slice %arg21[%dma_wait3A_637] : memref<819200xf32, #tpu.memory_space<vmem_shared>> -> memref<819200xf32, #tpu.memory_space<vmem_shared>>
      tpu.wait_indirect_dma semaphore(%arg23 : memref<!tpu.dma_semaphore, #tpu.memory_space<semaphore_mem>>) src(%dma_wait3A_633 : memref<128xf32, #tpu.memory_space<vmem>>) dst(%dma_wait3A_638 : memref<819200xf32, #tpu.memory_space<vmem_shared>>)
      %dma_wait3A_639 = arith.constant 10 : i32
      %dma_wait3A_640 = arith.constant 1280 : i32
      %dma_wait3A_641 = tpu.memref_slice %arg18[%dma_wait3A_640] : memref<2048xf32, #tpu.memory_space<vmem>> -> memref<128xf32, #tpu.memory_space<vmem>>
      %dma_wait3A_642 = arith.constant 0 : i32
      %dma_wait3A_643 = tpu.memref_slice %arg14[%dma_wait3A_639, %dma_wait3A_642] : memref<16x128xi32, #tpu.memory_space<vmem>> -> memref<1x128xi32, #tpu.memory_space<vmem>>
      %dma_wait3A_644 = tpu.memref_squeeze %dma_wait3A_643 : memref<1x128xi32, #tpu.memory_space<vmem>> -> memref<128xi32, #tpu.memory_space<vmem>>
      %dma_wait3A_645 = arith.constant 0 : i32
      %dma_wait3A_646 = tpu.memref_slice %arg21[%dma_wait3A_645] : memref<819200xf32, #tpu.memory_space<vmem_shared>> -> memref<819200xf32, #tpu.memory_space<vmem_shared>>
      tpu.wait_indirect_dma semaphore(%arg23 : memref<!tpu.dma_semaphore, #tpu.memory_space<semaphore_mem>>) src(%dma_wait3A_641 : memref<128xf32, #tpu.memory_space<vmem>>) dst(%dma_wait3A_646 : memref<819200xf32, #tpu.memory_space<vmem_shared>>)
      %dma_wait3A_647 = arith.constant 11 : i32
      %dma_wait3A_648 = arith.constant 1408 : i32
      %dma_wait3A_649 = tpu.memref_slice %arg18[%dma_wait3A_648] : memref<2048xf32, #tpu.memory_space<vmem>> -> memref<128xf32, #tpu.memory_space<vmem>>
      %dma_wait3A_650 = arith.constant 0 : i32
      %dma_wait3A_651 = tpu.memref_slice %arg14[%dma_wait3A_647, %dma_wait3A_650] : memref<16x128xi32, #tpu.memory_space<vmem>> -> memref<1x128xi32, #tpu.memory_space<vmem>>
      %dma_wait3A_652 = tpu.memref_squeeze %dma_wait3A_651 : memref<1x128xi32, #tpu.memory_space<vmem>> -> memref<128xi32, #tpu.memory_space<vmem>>
      %dma_wait3A_653 = arith.constant 0 : i32
      %dma_wait3A_654 = tpu.memref_slice %arg21[%dma_wait3A_653] : memref<819200xf32, #tpu.memory_space<vmem_shared>> -> memref<819200xf32, #tpu.memory_space<vmem_shared>>
      tpu.wait_indirect_dma semaphore(%arg23 : memref<!tpu.dma_semaphore, #tpu.memory_space<semaphore_mem>>) src(%dma_wait3A_649 : memref<128xf32, #tpu.memory_space<vmem>>) dst(%dma_wait3A_654 : memref<819200xf32, #tpu.memory_space<vmem_shared>>)
      %dma_wait3A_655 = arith.constant 12 : i32
      %dma_wait3A_656 = arith.constant 1536 : i32
      %dma_wait3A_657 = tpu.memref_slice %arg18[%dma_wait3A_656] : memref<2048xf32, #tpu.memory_space<vmem>> -> memref<128xf32, #tpu.memory_space<vmem>>
      %dma_wait3A_658 = arith.constant 0 : i32
      %dma_wait3A_659 = tpu.memref_slice %arg14[%dma_wait3A_655, %dma_wait3A_658] : memref<16x128xi32, #tpu.memory_space<vmem>> -> memref<1x128xi32, #tpu.memory_space<vmem>>
      %dma_wait3A_660 = tpu.memref_squeeze %dma_wait3A_659 : memref<1x128xi32, #tpu.memory_space<vmem>> -> memref<128xi32, #tpu.memory_space<vmem>>
      %dma_wait3A_661 = arith.constant 0 : i32
      %dma_wait3A_662 = tpu.memref_slice %arg21[%dma_wait3A_661] : memref<819200xf32, #tpu.memory_space<vmem_shared>> -> memref<819200xf32, #tpu.memory_space<vmem_shared>>
      tpu.wait_indirect_dma semaphore(%arg23 : memref<!tpu.dma_semaphore, #tpu.memory_space<semaphore_mem>>) src(%dma_wait3A_657 : memref<128xf32, #tpu.memory_space<vmem>>) dst(%dma_wait3A_662 : memref<819200xf32, #tpu.memory_space<vmem_shared>>)
      %dma_wait3A_663 = arith.constant 13 : i32
      %dma_wait3A_664 = arith.constant 1664 : i32
      %dma_wait3A_665 = tpu.memref_slice %arg18[%dma_wait3A_664] : memref<2048xf32, #tpu.memory_space<vmem>> -> memref<128xf32, #tpu.memory_space<vmem>>
      %dma_wait3A_666 = arith.constant 0 : i32
      %dma_wait3A_667 = tpu.memref_slice %arg14[%dma_wait3A_663, %dma_wait3A_666] : memref<16x128xi32, #tpu.memory_space<vmem>> -> memref<1x128xi32, #tpu.memory_space<vmem>>
      %dma_wait3A_668 = tpu.memref_squeeze %dma_wait3A_667 : memref<1x128xi32, #tpu.memory_space<vmem>> -> memref<128xi32, #tpu.memory_space<vmem>>
      %dma_wait3A_669 = arith.constant 0 : i32
      %dma_wait3A_670 = tpu.memref_slice %arg21[%dma_wait3A_669] : memref<819200xf32, #tpu.memory_space<vmem_shared>> -> memref<819200xf32, #tpu.memory_space<vmem_shared>>
      tpu.wait_indirect_dma semaphore(%arg23 : memref<!tpu.dma_semaphore, #tpu.memory_space<semaphore_mem>>) src(%dma_wait3A_665 : memref<128xf32, #tpu.memory_space<vmem>>) dst(%dma_wait3A_670 : memref<819200xf32, #tpu.memory_space<vmem_shared>>)
      %dma_wait3A_671 = arith.constant 14 : i32
      %dma_wait3A_672 = arith.constant 1792 : i32
      %dma_wait3A_673 = tpu.memref_slice %arg18[%dma_wait3A_672] : memref<2048xf32, #tpu.memory_space<vmem>> -> memref<128xf32, #tpu.memory_space<vmem>>
      %dma_wait3A_674 = arith.constant 0 : i32
      %dma_wait3A_675 = tpu.memref_slice %arg14[%dma_wait3A_671, %dma_wait3A_674] : memref<16x128xi32, #tpu.memory_space<vmem>> -> memref<1x128xi32, #tpu.memory_space<vmem>>
      %dma_wait3A_676 = tpu.memref_squeeze %dma_wait3A_675 : memref<1x128xi32, #tpu.memory_space<vmem>> -> memref<128xi32, #tpu.memory_space<vmem>>
      %dma_wait3A_677 = arith.constant 0 : i32
      %dma_wait3A_678 = tpu.memref_slice %arg21[%dma_wait3A_677] : memref<819200xf32, #tpu.memory_space<vmem_shared>> -> memref<819200xf32, #tpu.memory_space<vmem_shared>>
      tpu.wait_indirect_dma semaphore(%arg23 : memref<!tpu.dma_semaphore, #tpu.memory_space<semaphore_mem>>) src(%dma_wait3A_673 : memref<128xf32, #tpu.memory_space<vmem>>) dst(%dma_wait3A_678 : memref<819200xf32, #tpu.memory_space<vmem_shared>>)
      %dma_wait3A_679 = arith.constant 15 : i32
      %dma_wait3A_680 = arith.constant 1920 : i32
      %dma_wait3A_681 = tpu.memref_slice %arg18[%dma_wait3A_680] : memref<2048xf32, #tpu.memory_space<vmem>> -> memref<128xf32, #tpu.memory_space<vmem>>
      %dma_wait3A_682 = arith.constant 0 : i32
      %dma_wait3A_683 = tpu.memref_slice %arg14[%dma_wait3A_679, %dma_wait3A_682] : memref<16x128xi32, #tpu.memory_space<vmem>> -> memref<1x128xi32, #tpu.memory_space<vmem>>
      %dma_wait3A_684 = tpu.memref_squeeze %dma_wait3A_683 : memref<1x128xi32, #tpu.memory_space<vmem>> -> memref<128xi32, #tpu.memory_space<vmem>>
      %dma_wait3A_685 = arith.constant 0 : i32
      %dma_wait3A_686 = tpu.memref_slice %arg21[%dma_wait3A_685] : memref<819200xf32, #tpu.memory_space<vmem_shared>> -> memref<819200xf32, #tpu.memory_space<vmem_shared>>
      tpu.wait_indirect_dma semaphore(%arg23 : memref<!tpu.dma_semaphore, #tpu.memory_space<semaphore_mem>>) src(%dma_wait3A_681 : memref<128xf32, #tpu.memory_space<vmem>>) dst(%dma_wait3A_686 : memref<819200xf32, #tpu.memory_space<vmem_shared>>)
      %add3A_687 = arith.constant 2 : i32
      %add3A_688 = arith.addi %mul3A_241, %add3A_687 : i32
      %min3A = arith.constant 49 : i32
      %min3A_689 = arith.minsi %add3A_688, %min3A : i32
      %mul3A_690 = arith.constant 2048 : i32
      %mul3A_691 = arith.muli %min3A_689, %mul3A_690 : i32
      %add3A_692 = arith.addi %mul3A_94, %mul3A_691 : i32
      %multiple_of3A_693 = tpu.assume_multiple %add3A_692, 2048 : i32
      %jit3A_694 = arith.constant 128 : i32
      %div3A_695 = arith.divsi %multiple_of3A_693, %jit3A_694 : i32
      %sign3A_696 = arith.constant 0 : i32
      %sign3A_697 = arith.cmpi sgt, %multiple_of3A_693, %sign3A_696 : i32
      %sign3A_698 = arith.extui %sign3A_697 : i1 to i32
      %sign3A_699 = arith.constant 0 : i32
      %sign3A_700 = arith.cmpi slt, %multiple_of3A_693, %sign3A_699 : i32
      %sign3A_701 = arith.extui %sign3A_700 : i1 to i32
      %sign3A_702 = arith.subi %sign3A_698, %sign3A_701 : i32
      %sign3A_703 = arith.constant 0 : i32
      %sign3A_704 = arith.cmpi sgt, %jit3A_694, %sign3A_703 : i32
      %sign3A_705 = arith.extui %sign3A_704 : i1 to i32
      %sign3A_706 = arith.constant 0 : i32
      %sign3A_707 = arith.cmpi slt, %jit3A_694, %sign3A_706 : i32
      %sign3A_708 = arith.extui %sign3A_707 : i1 to i32
      %sign3A_709 = arith.subi %sign3A_705, %sign3A_708 : i32
      %ne3A_710 = arith.cmpi ne, %sign3A_702, %sign3A_709 : i32
      %rem3A_711 = arith.remsi %multiple_of3A_693, %jit3A_694 : i32
      %ne3A_712 = arith.constant 0 : i32
      %ne3A_713 = arith.cmpi ne, %rem3A_711, %ne3A_712 : i32
      %and3A_714 = arith.andi %ne3A_710, %ne3A_713 : i1
      %sub3A_715 = arith.constant 1 : i32
      %sub3A_716 = arith.subi %div3A_695, %sub3A_715 : i32
      %select_n3A_717 = arith.select %and3A_714, %sub3A_716, %div3A_695 : i32
      %multiple_of3A_718 = tpu.assume_multiple %select_n3A_717, 16 : i32
      %dma_start3A_719 = arith.constant 0 : i32
      %dma_start3A_720 = tpu.memref_slice %arg6[%multiple_of3A_718, %dma_start3A_719] : memref<25600x128xi32, #tpu.memory_space<hbm>> -> memref<16x128xi32, #tpu.memory_space<hbm>>
      %dma_start3A_721 = arith.constant 0 : i32
      %dma_start3A_722 = tpu.memref_slice %arg6[%multiple_of3A_718, %dma_start3A_721] : memref<25600x128xi32, #tpu.memory_space<hbm>> -> memref<16x128xi32, #tpu.memory_space<hbm>>
      tpu.enqueue_dma source(%dma_start3A_722 : memref<16x128xi32, #tpu.memory_space<hbm>>) target(%arg14 : memref<16x128xi32, #tpu.memory_space<vmem>>) target_semaphore(%arg22 : memref<!tpu.dma_semaphore, #tpu.memory_space<semaphore_mem>>)
      %dma_start3A_723 = tpu.memref_slice %arg7[%multiple_of3A_693] : memref<3276800xi32, #tpu.memory_space<hbm>> -> memref<2048xi32, #tpu.memory_space<hbm>>
      %dma_start3A_724 = tpu.memref_slice %arg7[%multiple_of3A_693] : memref<3276800xi32, #tpu.memory_space<hbm>> -> memref<2048xi32, #tpu.memory_space<hbm>>
      tpu.enqueue_dma source(%dma_start3A_724 : memref<2048xi32, #tpu.memory_space<hbm>>) target(%arg16 : memref<2048xi32, #tpu.memory_space<vmem>>) target_semaphore(%arg22 : memref<!tpu.dma_semaphore, #tpu.memory_space<semaphore_mem>>)
      %dma_start3A_725 = tpu.memref_slice %arg8[%multiple_of3A_693] : memref<3276800xf32, #tpu.memory_space<hbm>> -> memref<2048xf32, #tpu.memory_space<hbm>>
      %dma_start3A_726 = tpu.memref_slice %arg8[%multiple_of3A_693] : memref<3276800xf32, #tpu.memory_space<hbm>> -> memref<2048xf32, #tpu.memory_space<hbm>>
      tpu.enqueue_dma source(%dma_start3A_726 : memref<2048xf32, #tpu.memory_space<hbm>>) target(%arg17 : memref<2048xf32, #tpu.memory_space<vmem>>) target_semaphore(%arg22 : memref<!tpu.dma_semaphore, #tpu.memory_space<semaphore_mem>>)
      %dma_wait3A_727 = arith.constant 0 : i32
      %dma_wait3A_728 = tpu.memref_slice %arg6[%multiple_of3A_718, %dma_wait3A_727] : memref<25600x128xi32, #tpu.memory_space<hbm>> -> memref<16x128xi32, #tpu.memory_space<hbm>>
      %dma_wait3A_729 = arith.constant 0 : i32
      %dma_wait3A_730 = tpu.memref_slice %arg6[%multiple_of3A_718, %dma_wait3A_729] : memref<25600x128xi32, #tpu.memory_space<hbm>> -> memref<16x128xi32, #tpu.memory_space<hbm>>
      tpu.wait_dma2 semaphore(%arg22 : memref<!tpu.dma_semaphore, #tpu.memory_space<semaphore_mem>>) src(%dma_wait3A_730 : memref<16x128xi32, #tpu.memory_space<hbm>>) dst(%arg14 : memref<16x128xi32, #tpu.memory_space<vmem>>)
      %dma_wait3A_731 = tpu.memref_slice %arg7[%multiple_of3A_693] : memref<3276800xi32, #tpu.memory_space<hbm>> -> memref<2048xi32, #tpu.memory_space<hbm>>
      %dma_wait3A_732 = tpu.memref_slice %arg7[%multiple_of3A_693] : memref<3276800xi32, #tpu.memory_space<hbm>> -> memref<2048xi32, #tpu.memory_space<hbm>>
      tpu.wait_dma2 semaphore(%arg22 : memref<!tpu.dma_semaphore, #tpu.memory_space<semaphore_mem>>) src(%dma_wait3A_732 : memref<2048xi32, #tpu.memory_space<hbm>>) dst(%arg16 : memref<2048xi32, #tpu.memory_space<vmem>>)
      %dma_wait3A_733 = tpu.memref_slice %arg8[%multiple_of3A_693] : memref<3276800xf32, #tpu.memory_space<hbm>> -> memref<2048xf32, #tpu.memory_space<hbm>>
      %dma_wait3A_734 = tpu.memref_slice %arg8[%multiple_of3A_693] : memref<3276800xf32, #tpu.memory_space<hbm>> -> memref<2048xf32, #tpu.memory_space<hbm>>
      tpu.wait_dma2 semaphore(%arg22 : memref<!tpu.dma_semaphore, #tpu.memory_space<semaphore_mem>>) src(%dma_wait3A_734 : memref<2048xf32, #tpu.memory_space<hbm>>) dst(%arg17 : memref<2048xf32, #tpu.memory_space<vmem>>)
    }
    %scan3A_144 = arith.constant 25 : i32
    %dma_wait3A_145 = arith.constant 0 : i32
    %dma_wait3A_146 = tpu.memref_slice %arg8[%dma_wait3A_145] : memref<3276800xf32, #tpu.memory_space<hbm>> -> memref<2048xf32, #tpu.memory_space<hbm>>
    %dma_wait3A_147 = arith.constant 0 : i32
    %dma_wait3A_148 = tpu.memref_slice %arg8[%dma_wait3A_147] : memref<3276800xf32, #tpu.memory_space<hbm>> -> memref<2048xf32, #tpu.memory_space<hbm>>
    tpu.wait_dma2 semaphore(%arg23 : memref<!tpu.dma_semaphore, #tpu.memory_space<semaphore_mem>>) src(%dma_wait3A_148 : memref<2048xf32, #tpu.memory_space<hbm>>) dst(%arg18 : memref<2048xf32, #tpu.memory_space<vmem>>)
    %barrier3A_149 = arith.constant 0 : index
    tpu.barrier barrier_id(%barrier3A_149)
    %mul3A_150 = arith.constant 51200 : i32
    %mul3A_151 = arith.muli %arg1, %mul3A_150 : i32
    %mul3A_152 = arith.constant 51200 : i32
    %mul3A_153 = arith.muli %arg1, %mul3A_152 : i32
    %run_scoped3A_154 = arith.constant 1 : i32
    "tpu.region"() ({
      %run_scoped3A_239 = tpu.sem_alloc : memref<!tpu.dma_semaphore, #tpu.memory_space<semaphore_mem>>
      %dma_start3A_240 = tpu.memref_slice %arg12[%run_scoped3A_154, %arg0, %mul3A_153] : memref<3x2x819200xf32, #tpu.memory_space<hbm>> -> memref<1x1x51200xf32, #tpu.memory_space<hbm>>
      %dma_start3A_241 = tpu.memref_squeeze %dma_start3A_240 : memref<1x1x51200xf32, #tpu.memory_space<hbm>> -> memref<51200xf32, #tpu.memory_space<hbm>>
      %dma_start3A_242 = tpu.memref_slice %arg21[%mul3A_151] : memref<819200xf32, #tpu.memory_space<vmem_shared>> -> memref<51200xf32, #tpu.memory_space<vmem_shared>>
      tpu.enqueue_dma source(%dma_start3A_242 : memref<51200xf32, #tpu.memory_space<vmem_shared>>) target(%dma_start3A_241 : memref<51200xf32, #tpu.memory_space<hbm>>) target_semaphore(%run_scoped3A_239 : memref<!tpu.dma_semaphore, #tpu.memory_space<semaphore_mem>>)
      %dma_wait3A_243 = tpu.memref_slice %arg12[%run_scoped3A_154, %arg0, %mul3A_153] : memref<3x2x819200xf32, #tpu.memory_space<hbm>> -> memref<1x1x51200xf32, #tpu.memory_space<hbm>>
      %dma_wait3A_244 = tpu.memref_squeeze %dma_wait3A_243 : memref<1x1x51200xf32, #tpu.memory_space<hbm>> -> memref<51200xf32, #tpu.memory_space<hbm>>
      %dma_wait3A_245 = tpu.memref_slice %arg21[%mul3A_151] : memref<819200xf32, #tpu.memory_space<vmem_shared>> -> memref<51200xf32, #tpu.memory_space<vmem_shared>>
      tpu.wait_dma2 semaphore(%run_scoped3A_239 : memref<!tpu.dma_semaphore, #tpu.memory_space<semaphore_mem>>) src(%dma_wait3A_245 : memref<51200xf32, #tpu.memory_space<vmem_shared>>) dst(%dma_wait3A_244 : memref<51200xf32, #tpu.memory_space<hbm>>)
      tpu.yield
    }) : () -> ()
    %barrier3A_155 = arith.constant 0 : index
    tpu.barrier barrier_id(%barrier3A_155)
    %mul3A_156 = arith.constant 51200 : i32
    %mul3A_157 = arith.muli %arg1, %mul3A_156 : i32
    %add3A_158 = arith.constant 0 : i32
    %add3A_159 = arith.addi %mul3A_157, %add3A_158 : i32
    "tpu.region"() ({
      %run_scoped3A_239 = tpu.sem_alloc : memref<!tpu.dma_semaphore, #tpu.memory_space<semaphore_mem>>
      %dma_start3A_240 = tpu.memref_slice %arg21[%add3A_159] : memref<819200xf32, #tpu.memory_space<vmem_shared>> -> memref<12800xf32, #tpu.memory_space<vmem_shared>>
      %dma_start3A_241 = tpu.memref_slice %arg21[%add3A_159] : memref<819200xf32, #tpu.memory_space<vmem_shared>> -> memref<12800xf32, #tpu.memory_space<vmem_shared>>
      tpu.enqueue_dma source(%arg20 : memref<12800xf32, #tpu.memory_space<vmem>>) target(%dma_start3A_241 : memref<12800xf32, #tpu.memory_space<vmem_shared>>) target_semaphore(%run_scoped3A_239 : memref<!tpu.dma_semaphore, #tpu.memory_space<semaphore_mem>>)
      %dma_wait3A_242 = tpu.memref_slice %arg21[%add3A_159] : memref<819200xf32, #tpu.memory_space<vmem_shared>> -> memref<12800xf32, #tpu.memory_space<vmem_shared>>
      %dma_wait3A_243 = tpu.memref_slice %arg21[%add3A_159] : memref<819200xf32, #tpu.memory_space<vmem_shared>> -> memref<12800xf32, #tpu.memory_space<vmem_shared>>
      tpu.wait_dma2 semaphore(%run_scoped3A_239 : memref<!tpu.dma_semaphore, #tpu.memory_space<semaphore_mem>>) src(%arg20 : memref<12800xf32, #tpu.memory_space<vmem>>) dst(%dma_wait3A_243 : memref<12800xf32, #tpu.memory_space<vmem_shared>>)
      tpu.yield
    }) : () -> ()
    %mul3A_160 = arith.constant 51200 : i32
    %mul3A_161 = arith.muli %arg1, %mul3A_160 : i32
    %add3A_162 = arith.constant 12800 : i32
    %add3A_163 = arith.addi %mul3A_161, %add3A_162 : i32
    "tpu.region"() ({
      %run_scoped3A_239 = tpu.sem_alloc : memref<!tpu.dma_semaphore, #tpu.memory_space<semaphore_mem>>
      %dma_start3A_240 = tpu.memref_slice %arg21[%add3A_163] : memref<819200xf32, #tpu.memory_space<vmem_shared>> -> memref<12800xf32, #tpu.memory_space<vmem_shared>>
      %dma_start3A_241 = tpu.memref_slice %arg21[%add3A_163] : memref<819200xf32, #tpu.memory_space<vmem_shared>> -> memref<12800xf32, #tpu.memory_space<vmem_shared>>
      tpu.enqueue_dma source(%arg20 : memref<12800xf32, #tpu.memory_space<vmem>>) target(%dma_start3A_241 : memref<12800xf32, #tpu.memory_space<vmem_shared>>) target_semaphore(%run_scoped3A_239 : memref<!tpu.dma_semaphore, #tpu.memory_space<semaphore_mem>>)
      %dma_wait3A_242 = tpu.memref_slice %arg21[%add3A_163] : memref<819200xf32, #tpu.memory_space<vmem_shared>> -> memref<12800xf32, #tpu.memory_space<vmem_shared>>
      %dma_wait3A_243 = tpu.memref_slice %arg21[%add3A_163] : memref<819200xf32, #tpu.memory_space<vmem_shared>> -> memref<12800xf32, #tpu.memory_space<vmem_shared>>
      tpu.wait_dma2 semaphore(%run_scoped3A_239 : memref<!tpu.dma_semaphore, #tpu.memory_space<semaphore_mem>>) src(%arg20 : memref<12800xf32, #tpu.memory_space<vmem>>) dst(%dma_wait3A_243 : memref<12800xf32, #tpu.memory_space<vmem_shared>>)
      tpu.yield
    }) : () -> ()
    %mul3A_164 = arith.constant 51200 : i32
    %mul3A_165 = arith.muli %arg1, %mul3A_164 : i32
    %add3A_166 = arith.constant 25600 : i32
    %add3A_167 = arith.addi %mul3A_165, %add3A_166 : i32
    "tpu.region"() ({
      %run_scoped3A_239 = tpu.sem_alloc : memref<!tpu.dma_semaphore, #tpu.memory_space<semaphore_mem>>
      %dma_start3A_240 = tpu.memref_slice %arg21[%add3A_167] : memref<819200xf32, #tpu.memory_space<vmem_shared>> -> memref<12800xf32, #tpu.memory_space<vmem_shared>>
      %dma_start3A_241 = tpu.memref_slice %arg21[%add3A_167] : memref<819200xf32, #tpu.memory_space<vmem_shared>> -> memref<12800xf32, #tpu.memory_space<vmem_shared>>
      tpu.enqueue_dma source(%arg20 : memref<12800xf32, #tpu.memory_space<vmem>>) target(%dma_start3A_241 : memref<12800xf32, #tpu.memory_space<vmem_shared>>) target_semaphore(%run_scoped3A_239 : memref<!tpu.dma_semaphore, #tpu.memory_space<semaphore_mem>>)
      %dma_wait3A_242 = tpu.memref_slice %arg21[%add3A_167] : memref<819200xf32, #tpu.memory_space<vmem_shared>> -> memref<12800xf32, #tpu.memory_space<vmem_shared>>
      %dma_wait3A_243 = tpu.memref_slice %arg21[%add3A_167] : memref<819200xf32, #tpu.memory_space<vmem_shared>> -> memref<12800xf32, #tpu.memory_space<vmem_shared>>
      tpu.wait_dma2 semaphore(%run_scoped3A_239 : memref<!tpu.dma_semaphore, #tpu.memory_space<semaphore_mem>>) src(%arg20 : memref<12800xf32, #tpu.memory_space<vmem>>) dst(%dma_wait3A_243 : memref<12800xf32, #tpu.memory_space<vmem_shared>>)
      tpu.yield
    }) : () -> ()
    %mul3A_168 = arith.constant 51200 : i32
    %mul3A_169 = arith.muli %arg1, %mul3A_168 : i32
    %add3A_170 = arith.constant 38400 : i32
    %add3A_171 = arith.addi %mul3A_169, %add3A_170 : i32
    "tpu.region"() ({
      %run_scoped3A_239 = tpu.sem_alloc : memref<!tpu.dma_semaphore, #tpu.memory_space<semaphore_mem>>
      %dma_start3A_240 = tpu.memref_slice %arg21[%add3A_171] : memref<819200xf32, #tpu.memory_space<vmem_shared>> -> memref<12800xf32, #tpu.memory_space<vmem_shared>>
      %dma_start3A_241 = tpu.memref_slice %arg21[%add3A_171] : memref<819200xf32, #tpu.memory_space<vmem_shared>> -> memref<12800xf32, #tpu.memory_space<vmem_shared>>
      tpu.enqueue_dma source(%arg20 : memref<12800xf32, #tpu.memory_space<vmem>>) target(%dma_start3A_241 : memref<12800xf32, #tpu.memory_space<vmem_shared>>) target_semaphore(%run_scoped3A_239 : memref<!tpu.dma_semaphore, #tpu.memory_space<semaphore_mem>>)
      %dma_wait3A_242 = tpu.memref_slice %arg21[%add3A_171] : memref<819200xf32, #tpu.memory_space<vmem_shared>> -> memref<12800xf32, #tpu.memory_space<vmem_shared>>
      %dma_wait3A_243 = tpu.memref_slice %arg21[%add3A_171] : memref<819200xf32, #tpu.memory_space<vmem_shared>> -> memref<12800xf32, #tpu.memory_space<vmem_shared>>
      tpu.wait_dma2 semaphore(%run_scoped3A_239 : memref<!tpu.dma_semaphore, #tpu.memory_space<semaphore_mem>>) src(%arg20 : memref<12800xf32, #tpu.memory_space<vmem>>) dst(%dma_wait3A_243 : memref<12800xf32, #tpu.memory_space<vmem_shared>>)
      tpu.yield
    }) : () -> ()
    %barrier3A_172 = arith.constant 0 : index
    tpu.barrier barrier_id(%barrier3A_172)
    %mul3A_173 = arith.constant 16 : i32
    %mul3A_174 = arith.muli %arg0, %mul3A_173 : i32
    %add3A_175 = arith.addi %mul3A_174, %arg1 : i32
    %mul3A_176 = arith.constant 102400 : i32
    %mul3A_177 = arith.muli %add3A_175, %mul3A_176 : i32
    %add3A_178 = arith.constant 0 : i32
    %add3A_179 = arith.addi %mul3A_177, %add3A_178 : i32
    %multiple_of3A_180 = tpu.assume_multiple %add3A_179, 2048 : i32
    %jit3A_181 = arith.constant 128 : i32
    %div3A_182 = arith.divsi %multiple_of3A_180, %jit3A_181 : i32
    %sign3A_183 = arith.constant 0 : i32
    %sign3A_184 = arith.cmpi sgt, %multiple_of3A_180, %sign3A_183 : i32
    %sign3A_185 = arith.extui %sign3A_184 : i1 to i32
    %sign3A_186 = arith.constant 0 : i32
    %sign3A_187 = arith.cmpi slt, %multiple_of3A_180, %sign3A_186 : i32
    %sign3A_188 = arith.extui %sign3A_187 : i1 to i32
    %sign3A_189 = arith.subi %sign3A_185, %sign3A_188 : i32
    %sign3A_190 = arith.constant 0 : i32
    %sign3A_191 = arith.cmpi sgt, %jit3A_181, %sign3A_190 : i32
    %sign3A_192 = arith.extui %sign3A_191 : i1 to i32
    %sign3A_193 = arith.constant 0 : i32
    %sign3A_194 = arith.cmpi slt, %jit3A_181, %sign3A_193 : i32
    %sign3A_195 = arith.extui %sign3A_194 : i1 to i32
    %sign3A_196 = arith.subi %sign3A_192, %sign3A_195 : i32
    %ne3A_197 = arith.cmpi ne, %sign3A_189, %sign3A_196 : i32
    %rem3A_198 = arith.remsi %multiple_of3A_180, %jit3A_181 : i32
    %ne3A_199 = arith.constant 0 : i32
    %ne3A_200 = arith.cmpi ne, %rem3A_198, %ne3A_199 : i32
    %and3A_201 = arith.andi %ne3A_197, %ne3A_200 : i1
    %sub3A_202 = arith.constant 1 : i32
    %sub3A_203 = arith.subi %div3A_182, %sub3A_202 : i32
    %select_n3A_204 = arith.select %and3A_201, %sub3A_203, %div3A_182 : i32
    %multiple_of3A_205 = tpu.assume_multiple %select_n3A_204, 16 : i32
    %dma_start3A_206 = arith.constant 0 : i32
    %dma_start3A_207 = tpu.memref_slice %arg9[%multiple_of3A_205, %dma_start3A_206] : memref<25600x128xi32, #tpu.memory_space<hbm>> -> memref<16x128xi32, #tpu.memory_space<hbm>>
    %dma_start3A_208 = arith.constant 0 : i32
    %dma_start3A_209 = tpu.memref_slice %arg9[%multiple_of3A_205, %dma_start3A_208] : memref<25600x128xi32, #tpu.memory_space<hbm>> -> memref<16x128xi32, #tpu.memory_space<hbm>>
    tpu.enqueue_dma source(%dma_start3A_209 : memref<16x128xi32, #tpu.memory_space<hbm>>) target(%arg14 : memref<16x128xi32, #tpu.memory_space<vmem>>) target_semaphore(%arg22 : memref<!tpu.dma_semaphore, #tpu.memory_space<semaphore_mem>>)
    %dma_start3A_210 = tpu.memref_slice %arg10[%multiple_of3A_180] : memref<3276800xi32, #tpu.memory_space<hbm>> -> memref<2048xi32, #tpu.memory_space<hbm>>
    %dma_start3A_211 = tpu.memref_slice %arg10[%multiple_of3A_180] : memref<3276800xi32, #tpu.memory_space<hbm>> -> memref<2048xi32, #tpu.memory_space<hbm>>
    tpu.enqueue_dma source(%dma_start3A_211 : memref<2048xi32, #tpu.memory_space<hbm>>) target(%arg16 : memref<2048xi32, #tpu.memory_space<vmem>>) target_semaphore(%arg22 : memref<!tpu.dma_semaphore, #tpu.memory_space<semaphore_mem>>)
    %dma_start3A_212 = tpu.memref_slice %arg11[%multiple_of3A_180] : memref<3276800xf32, #tpu.memory_space<hbm>> -> memref<2048xf32, #tpu.memory_space<hbm>>
    %dma_start3A_213 = tpu.memref_slice %arg11[%multiple_of3A_180] : memref<3276800xf32, #tpu.memory_space<hbm>> -> memref<2048xf32, #tpu.memory_space<hbm>>
    tpu.enqueue_dma source(%dma_start3A_213 : memref<2048xf32, #tpu.memory_space<hbm>>) target(%arg17 : memref<2048xf32, #tpu.memory_space<vmem>>) target_semaphore(%arg22 : memref<!tpu.dma_semaphore, #tpu.memory_space<semaphore_mem>>)
    %dma_wait3A_214 = arith.constant 0 : i32
    %dma_wait3A_215 = tpu.memref_slice %arg9[%multiple_of3A_205, %dma_wait3A_214] : memref<25600x128xi32, #tpu.memory_space<hbm>> -> memref<16x128xi32, #tpu.memory_space<hbm>>
    %dma_wait3A_216 = arith.constant 0 : i32
    %dma_wait3A_217 = tpu.memref_slice %arg9[%multiple_of3A_205, %dma_wait3A_216] : memref<25600x128xi32, #tpu.memory_space<hbm>> -> memref<16x128xi32, #tpu.memory_space<hbm>>
    tpu.wait_dma2 semaphore(%arg22 : memref<!tpu.dma_semaphore, #tpu.memory_space<semaphore_mem>>) src(%dma_wait3A_217 : memref<16x128xi32, #tpu.memory_space<hbm>>) dst(%arg14 : memref<16x128xi32, #tpu.memory_space<vmem>>)
    %dma_wait3A_218 = tpu.memref_slice %arg10[%multiple_of3A_180] : memref<3276800xi32, #tpu.memory_space<hbm>> -> memref<2048xi32, #tpu.memory_space<hbm>>
    %dma_wait3A_219 = tpu.memref_slice %arg10[%multiple_of3A_180] : memref<3276800xi32, #tpu.memory_space<hbm>> -> memref<2048xi32, #tpu.memory_space<hbm>>
    tpu.wait_dma2 semaphore(%arg22 : memref<!tpu.dma_semaphore, #tpu.memory_space<semaphore_mem>>) src(%dma_wait3A_219 : memref<2048xi32, #tpu.memory_space<hbm>>) dst(%arg16 : memref<2048xi32, #tpu.memory_space<vmem>>)
    %dma_wait3A_220 = tpu.memref_slice %arg11[%multiple_of3A_180] : memref<3276800xf32, #tpu.memory_space<hbm>> -> memref<2048xf32, #tpu.memory_space<hbm>>
    %dma_wait3A_221 = tpu.memref_slice %arg11[%multiple_of3A_180] : memref<3276800xf32, #tpu.memory_space<hbm>> -> memref<2048xf32, #tpu.memory_space<hbm>>
    tpu.wait_dma2 semaphore(%arg22 : memref<!tpu.dma_semaphore, #tpu.memory_space<semaphore_mem>>) src(%dma_wait3A_221 : memref<2048xf32, #tpu.memory_space<hbm>>) dst(%arg17 : memref<2048xf32, #tpu.memory_space<vmem>>)
    %scan3A_222 = arith.constant 0 : i32
    %scan3A_223 = arith.constant 0 : i32
    %scan3A_224 = arith.constant 25 : i32
    %scan3A_225 = arith.addi %scan3A_223, %scan3A_224 : i32
    %scan3A_226 = arith.constant 1 : i32
    scf.for %scan3A_239 = %scan3A_223 to %scan3A_225 step %scan3A_226  : i32 {
      %mul3A_240 = arith.constant 2 : i32
      %mul3A_241 = arith.muli %scan3A_239, %mul3A_240 : i32
      %scan3A_242 = arith.constant 0 : i32
      %scan3A_243 = arith.constant 0 : i32
      %scan3A_244 = arith.constant 128 : i32
      %scan3A_245 = arith.addi %scan3A_243, %scan3A_244 : i32
      %scan3A_246 = arith.constant 8 : i32
      scf.for %scan3A_735 = %scan3A_243 to %scan3A_245 step %scan3A_246  : i32 {
        %mul3A_736 = arith.constant 16 : i32
        %mul3A_737 = arith.muli %scan3A_735, %mul3A_736 : i32
        %get3A = arith.index_cast %mul3A_737 : i32 to index
        %get3A_738 = tpu.vector_load %arg16[%get3A] {strides = array<i32>} : memref<2048xi32, #tpu.memory_space<vmem>>, vector<16xi32>,
        %gather3A = tpu.vector_load_idx %arg13[%get3A_738] : memref<16384xf32, #tpu.memory_space<vmem>>[vector<16xi32>], vector<16xf32>,
        %get3A_739 = arith.index_cast %mul3A_737 : i32 to index
        %get3A_740 = tpu.vector_load %arg17[%get3A_739] {strides = array<i32>} : memref<2048xf32, #tpu.memory_space<vmem>>, vector<16xf32>,
        %mul3A_741 = arith.mulf %gather3A, %get3A_740 : vector<16xf32>
        %swap3A = arith.index_cast %mul3A_737 : i32 to index
        %swap3A_742 = tpu.vector_load %arg18[%swap3A] {strides = array<i32>} : memref<2048xf32, #tpu.memory_space<vmem>>, vector<16xf32>,
        tpu.vector_store %arg18[%swap3A], %mul3A_741 {strides = array<i32>} : memref<2048xf32, #tpu.memory_space<vmem>>, vector<16xf32>,
        %scan3A_743 = arith.constant 1 : i32
        %scan3A_744 = arith.addi %scan3A_735, %scan3A_743 : i32
        %mul3A_745 = arith.constant 16 : i32
        %mul3A_746 = arith.muli %scan3A_744, %mul3A_745 : i32
        %get3A_747 = arith.index_cast %mul3A_746 : i32 to index
        %get3A_748 = tpu.vector_load %arg16[%get3A_747] {strides = array<i32>} : memref<2048xi32, #tpu.memory_space<vmem>>, vector<16xi32>,
        %gather3A_749 = tpu.vector_load_idx %arg13[%get3A_748] : memref<16384xf32, #tpu.memory_space<vmem>>[vector<16xi32>], vector<16xf32>,
        %get3A_750 = arith.index_cast %mul3A_746 : i32 to index
        %get3A_751 = tpu.vector_load %arg17[%get3A_750] {strides = array<i32>} : memref<2048xf32, #tpu.memory_space<vmem>>, vector<16xf32>,
        %mul3A_752 = arith.mulf %gather3A_749, %get3A_751 : vector<16xf32>
        %swap3A_753 = arith.index_cast %mul3A_746 : i32 to index
        %swap3A_754 = tpu.vector_load %arg18[%swap3A_753] {strides = array<i32>} : memref<2048xf32, #tpu.memory_space<vmem>>, vector<16xf32>,
        tpu.vector_store %arg18[%swap3A_753], %mul3A_752 {strides = array<i32>} : memref<2048xf32, #tpu.memory_space<vmem>>, vector<16xf32>,
        %scan3A_755 = arith.constant 2 : i32
        %scan3A_756 = arith.addi %scan3A_735, %scan3A_755 : i32
        %mul3A_757 = arith.constant 16 : i32
        %mul3A_758 = arith.muli %scan3A_756, %mul3A_757 : i32
        %get3A_759 = arith.index_cast %mul3A_758 : i32 to index
        %get3A_760 = tpu.vector_load %arg16[%get3A_759] {strides = array<i32>} : memref<2048xi32, #tpu.memory_space<vmem>>, vector<16xi32>,
        %gather3A_761 = tpu.vector_load_idx %arg13[%get3A_760] : memref<16384xf32, #tpu.memory_space<vmem>>[vector<16xi32>], vector<16xf32>,
        %get3A_762 = arith.index_cast %mul3A_758 : i32 to index
        %get3A_763 = tpu.vector_load %arg17[%get3A_762] {strides = array<i32>} : memref<2048xf32, #tpu.memory_space<vmem>>, vector<16xf32>,
        %mul3A_764 = arith.mulf %gather3A_761, %get3A_763 : vector<16xf32>
        %swap3A_765 = arith.index_cast %mul3A_758 : i32 to index
        %swap3A_766 = tpu.vector_load %arg18[%swap3A_765] {strides = array<i32>} : memref<2048xf32, #tpu.memory_space<vmem>>, vector<16xf32>,
        tpu.vector_store %arg18[%swap3A_765], %mul3A_764 {strides = array<i32>} : memref<2048xf32, #tpu.memory_space<vmem>>, vector<16xf32>,
        %scan3A_767 = arith.constant 3 : i32
        %scan3A_768 = arith.addi %scan3A_735, %scan3A_767 : i32
        %mul3A_769 = arith.constant 16 : i32
        %mul3A_770 = arith.muli %scan3A_768, %mul3A_769 : i32
        %get3A_771 = arith.index_cast %mul3A_770 : i32 to index
        %get3A_772 = tpu.vector_load %arg16[%get3A_771] {strides = array<i32>} : memref<2048xi32, #tpu.memory_space<vmem>>, vector<16xi32>,
        %gather3A_773 = tpu.vector_load_idx %arg13[%get3A_772] : memref<16384xf32, #tpu.memory_space<vmem>>[vector<16xi32>], vector<16xf32>,
        %get3A_774 = arith.index_cast %mul3A_770 : i32 to index
        %get3A_775 = tpu.vector_load %arg17[%get3A_774] {strides = array<i32>} : memref<2048xf32, #tpu.memory_space<vmem>>, vector<16xf32>,
        %mul3A_776 = arith.mulf %gather3A_773, %get3A_775 : vector<16xf32>
        %swap3A_777 = arith.index_cast %mul3A_770 : i32 to index
        %swap3A_778 = tpu.vector_load %arg18[%swap3A_777] {strides = array<i32>} : memref<2048xf32, #tpu.memory_space<vmem>>, vector<16xf32>,
        tpu.vector_store %arg18[%swap3A_777], %mul3A_776 {strides = array<i32>} : memref<2048xf32, #tpu.memory_space<vmem>>, vector<16xf32>,
        %scan3A_779 = arith.constant 4 : i32
        %scan3A_780 = arith.addi %scan3A_735, %scan3A_779 : i32
        %mul3A_781 = arith.constant 16 : i32
        %mul3A_782 = arith.muli %scan3A_780, %mul3A_781 : i32
        %get3A_783 = arith.index_cast %mul3A_782 : i32 to index
        %get3A_784 = tpu.vector_load %arg16[%get3A_783] {strides = array<i32>} : memref<2048xi32, #tpu.memory_space<vmem>>, vector<16xi32>,
        %gather3A_785 = tpu.vector_load_idx %arg13[%get3A_784] : memref<16384xf32, #tpu.memory_space<vmem>>[vector<16xi32>], vector<16xf32>,
        %get3A_786 = arith.index_cast %mul3A_782 : i32 to index
        %get3A_787 = tpu.vector_load %arg17[%get3A_786] {strides = array<i32>} : memref<2048xf32, #tpu.memory_space<vmem>>, vector<16xf32>,
        %mul3A_788 = arith.mulf %gather3A_785, %get3A_787 : vector<16xf32>
        %swap3A_789 = arith.index_cast %mul3A_782 : i32 to index
        %swap3A_790 = tpu.vector_load %arg18[%swap3A_789] {strides = array<i32>} : memref<2048xf32, #tpu.memory_space<vmem>>, vector<16xf32>,
        tpu.vector_store %arg18[%swap3A_789], %mul3A_788 {strides = array<i32>} : memref<2048xf32, #tpu.memory_space<vmem>>, vector<16xf32>,
        %scan3A_791 = arith.constant 5 : i32
        %scan3A_792 = arith.addi %scan3A_735, %scan3A_791 : i32
        %mul3A_793 = arith.constant 16 : i32
        %mul3A_794 = arith.muli %scan3A_792, %mul3A_793 : i32
        %get3A_795 = arith.index_cast %mul3A_794 : i32 to index
        %get3A_796 = tpu.vector_load %arg16[%get3A_795] {strides = array<i32>} : memref<2048xi32, #tpu.memory_space<vmem>>, vector<16xi32>,
        %gather3A_797 = tpu.vector_load_idx %arg13[%get3A_796] : memref<16384xf32, #tpu.memory_space<vmem>>[vector<16xi32>], vector<16xf32>,
        %get3A_798 = arith.index_cast %mul3A_794 : i32 to index
        %get3A_799 = tpu.vector_load %arg17[%get3A_798] {strides = array<i32>} : memref<2048xf32, #tpu.memory_space<vmem>>, vector<16xf32>,
        %mul3A_800 = arith.mulf %gather3A_797, %get3A_799 : vector<16xf32>
        %swap3A_801 = arith.index_cast %mul3A_794 : i32 to index
        %swap3A_802 = tpu.vector_load %arg18[%swap3A_801] {strides = array<i32>} : memref<2048xf32, #tpu.memory_space<vmem>>, vector<16xf32>,
        tpu.vector_store %arg18[%swap3A_801], %mul3A_800 {strides = array<i32>} : memref<2048xf32, #tpu.memory_space<vmem>>, vector<16xf32>,
        %scan3A_803 = arith.constant 6 : i32
        %scan3A_804 = arith.addi %scan3A_735, %scan3A_803 : i32
        %mul3A_805 = arith.constant 16 : i32
        %mul3A_806 = arith.muli %scan3A_804, %mul3A_805 : i32
        %get3A_807 = arith.index_cast %mul3A_806 : i32 to index
        %get3A_808 = tpu.vector_load %arg16[%get3A_807] {strides = array<i32>} : memref<2048xi32, #tpu.memory_space<vmem>>, vector<16xi32>,
        %gather3A_809 = tpu.vector_load_idx %arg13[%get3A_808] : memref<16384xf32, #tpu.memory_space<vmem>>[vector<16xi32>], vector<16xf32>,
        %get3A_810 = arith.index_cast %mul3A_806 : i32 to index
        %get3A_811 = tpu.vector_load %arg17[%get3A_810] {strides = array<i32>} : memref<2048xf32, #tpu.memory_space<vmem>>, vector<16xf32>,
        %mul3A_812 = arith.mulf %gather3A_809, %get3A_811 : vector<16xf32>
        %swap3A_813 = arith.index_cast %mul3A_806 : i32 to index
        %swap3A_814 = tpu.vector_load %arg18[%swap3A_813] {strides = array<i32>} : memref<2048xf32, #tpu.memory_space<vmem>>, vector<16xf32>,
        tpu.vector_store %arg18[%swap3A_813], %mul3A_812 {strides = array<i32>} : memref<2048xf32, #tpu.memory_space<vmem>>, vector<16xf32>,
        %scan3A_815 = arith.constant 7 : i32
        %scan3A_816 = arith.addi %scan3A_735, %scan3A_815 : i32
        %mul3A_817 = arith.constant 16 : i32
        %mul3A_818 = arith.muli %scan3A_816, %mul3A_817 : i32
        %get3A_819 = arith.index_cast %mul3A_818 : i32 to index
        %get3A_820 = tpu.vector_load %arg16[%get3A_819] {strides = array<i32>} : memref<2048xi32, #tpu.memory_space<vmem>>, vector<16xi32>,
        %gather3A_821 = tpu.vector_load_idx %arg13[%get3A_820] : memref<16384xf32, #tpu.memory_space<vmem>>[vector<16xi32>], vector<16xf32>,
        %get3A_822 = arith.index_cast %mul3A_818 : i32 to index
        %get3A_823 = tpu.vector_load %arg17[%get3A_822] {strides = array<i32>} : memref<2048xf32, #tpu.memory_space<vmem>>, vector<16xf32>,
        %mul3A_824 = arith.mulf %gather3A_821, %get3A_823 : vector<16xf32>
        %swap3A_825 = arith.index_cast %mul3A_818 : i32 to index
        %swap3A_826 = tpu.vector_load %arg18[%swap3A_825] {strides = array<i32>} : memref<2048xf32, #tpu.memory_space<vmem>>, vector<16xf32>,
        tpu.vector_store %arg18[%swap3A_825], %mul3A_824 {strides = array<i32>} : memref<2048xf32, #tpu.memory_space<vmem>>, vector<16xf32>,
      }
      %scan3A_247 = arith.constant 128 : i32
      %dma_start3A_248 = arith.constant 0 : i32
      %dma_start3A_249 = arith.constant 0 : i32
      %dma_start3A_250 = tpu.memref_slice %arg18[%dma_start3A_249] : memref<2048xf32, #tpu.memory_space<vmem>> -> memref<128xf32, #tpu.memory_space<vmem>>
      %dma_start3A_251 = arith.constant 0 : i32
      %dma_start3A_252 = tpu.memref_slice %arg14[%dma_start3A_248, %dma_start3A_251] : memref<16x128xi32, #tpu.memory_space<vmem>> -> memref<1x128xi32, #tpu.memory_space<vmem>>
      %dma_start3A_253 = tpu.memref_squeeze %dma_start3A_252 : memref<1x128xi32, #tpu.memory_space<vmem>> -> memref<128xi32, #tpu.memory_space<vmem>>
      %dma_start3A_254 = arith.constant 0 : i32
      %dma_start3A_255 = tpu.memref_slice %arg21[%dma_start3A_254] : memref<819200xf32, #tpu.memory_space<vmem_shared>> -> memref<819200xf32, #tpu.memory_space<vmem_shared>>
      tpu.enqueue_indirect_dma source(%dma_start3A_250 : memref<128xf32, #tpu.memory_space<vmem>>) target(%dma_start3A_255 : memref<819200xf32, #tpu.memory_space<vmem_shared>>) offsets(%dma_start3A_253 : memref<128xi32, #tpu.memory_space<vmem>>) semaphore(%arg23 : memref<!tpu.dma_semaphore, #tpu.memory_space<semaphore_mem>>) {add = true}
      %dma_start3A_256 = arith.constant 1 : i32
      %dma_start3A_257 = arith.constant 128 : i32
      %dma_start3A_258 = tpu.memref_slice %arg18[%dma_start3A_257] : memref<2048xf32, #tpu.memory_space<vmem>> -> memref<128xf32, #tpu.memory_space<vmem>>
      %dma_start3A_259 = arith.constant 0 : i32
      %dma_start3A_260 = tpu.memref_slice %arg14[%dma_start3A_256, %dma_start3A_259] : memref<16x128xi32, #tpu.memory_space<vmem>> -> memref<1x128xi32, #tpu.memory_space<vmem>>
      %dma_start3A_261 = tpu.memref_squeeze %dma_start3A_260 : memref<1x128xi32, #tpu.memory_space<vmem>> -> memref<128xi32, #tpu.memory_space<vmem>>
      %dma_start3A_262 = arith.constant 0 : i32
      %dma_start3A_263 = tpu.memref_slice %arg21[%dma_start3A_262] : memref<819200xf32, #tpu.memory_space<vmem_shared>> -> memref<819200xf32, #tpu.memory_space<vmem_shared>>
      tpu.enqueue_indirect_dma source(%dma_start3A_258 : memref<128xf32, #tpu.memory_space<vmem>>) target(%dma_start3A_263 : memref<819200xf32, #tpu.memory_space<vmem_shared>>) offsets(%dma_start3A_261 : memref<128xi32, #tpu.memory_space<vmem>>) semaphore(%arg23 : memref<!tpu.dma_semaphore, #tpu.memory_space<semaphore_mem>>) {add = true}
      %dma_start3A_264 = arith.constant 2 : i32
      %dma_start3A_265 = arith.constant 256 : i32
      %dma_start3A_266 = tpu.memref_slice %arg18[%dma_start3A_265] : memref<2048xf32, #tpu.memory_space<vmem>> -> memref<128xf32, #tpu.memory_space<vmem>>
      %dma_start3A_267 = arith.constant 0 : i32
      %dma_start3A_268 = tpu.memref_slice %arg14[%dma_start3A_264, %dma_start3A_267] : memref<16x128xi32, #tpu.memory_space<vmem>> -> memref<1x128xi32, #tpu.memory_space<vmem>>
      %dma_start3A_269 = tpu.memref_squeeze %dma_start3A_268 : memref<1x128xi32, #tpu.memory_space<vmem>> -> memref<128xi32, #tpu.memory_space<vmem>>
      %dma_start3A_270 = arith.constant 0 : i32
      %dma_start3A_271 = tpu.memref_slice %arg21[%dma_start3A_270] : memref<819200xf32, #tpu.memory_space<vmem_shared>> -> memref<819200xf32, #tpu.memory_space<vmem_shared>>
      tpu.enqueue_indirect_dma source(%dma_start3A_266 : memref<128xf32, #tpu.memory_space<vmem>>) target(%dma_start3A_271 : memref<819200xf32, #tpu.memory_space<vmem_shared>>) offsets(%dma_start3A_269 : memref<128xi32, #tpu.memory_space<vmem>>) semaphore(%arg23 : memref<!tpu.dma_semaphore, #tpu.memory_space<semaphore_mem>>) {add = true}
      %dma_start3A_272 = arith.constant 3 : i32
      %dma_start3A_273 = arith.constant 384 : i32
      %dma_start3A_274 = tpu.memref_slice %arg18[%dma_start3A_273] : memref<2048xf32, #tpu.memory_space<vmem>> -> memref<128xf32, #tpu.memory_space<vmem>>
      %dma_start3A_275 = arith.constant 0 : i32
      %dma_start3A_276 = tpu.memref_slice %arg14[%dma_start3A_272, %dma_start3A_275] : memref<16x128xi32, #tpu.memory_space<vmem>> -> memref<1x128xi32, #tpu.memory_space<vmem>>
      %dma_start3A_277 = tpu.memref_squeeze %dma_start3A_276 : memref<1x128xi32, #tpu.memory_space<vmem>> -> memref<128xi32, #tpu.memory_space<vmem>>
      %dma_start3A_278 = arith.constant 0 : i32
      %dma_start3A_279 = tpu.memref_slice %arg21[%dma_start3A_278] : memref<819200xf32, #tpu.memory_space<vmem_shared>> -> memref<819200xf32, #tpu.memory_space<vmem_shared>>
      tpu.enqueue_indirect_dma source(%dma_start3A_274 : memref<128xf32, #tpu.memory_space<vmem>>) target(%dma_start3A_279 : memref<819200xf32, #tpu.memory_space<vmem_shared>>) offsets(%dma_start3A_277 : memref<128xi32, #tpu.memory_space<vmem>>) semaphore(%arg23 : memref<!tpu.dma_semaphore, #tpu.memory_space<semaphore_mem>>) {add = true}
      %dma_start3A_280 = arith.constant 4 : i32
      %dma_start3A_281 = arith.constant 512 : i32
      %dma_start3A_282 = tpu.memref_slice %arg18[%dma_start3A_281] : memref<2048xf32, #tpu.memory_space<vmem>> -> memref<128xf32, #tpu.memory_space<vmem>>
      %dma_start3A_283 = arith.constant 0 : i32
      %dma_start3A_284 = tpu.memref_slice %arg14[%dma_start3A_280, %dma_start3A_283] : memref<16x128xi32, #tpu.memory_space<vmem>> -> memref<1x128xi32, #tpu.memory_space<vmem>>
      %dma_start3A_285 = tpu.memref_squeeze %dma_start3A_284 : memref<1x128xi32, #tpu.memory_space<vmem>> -> memref<128xi32, #tpu.memory_space<vmem>>
      %dma_start3A_286 = arith.constant 0 : i32
      %dma_start3A_287 = tpu.memref_slice %arg21[%dma_start3A_286] : memref<819200xf32, #tpu.memory_space<vmem_shared>> -> memref<819200xf32, #tpu.memory_space<vmem_shared>>
      tpu.enqueue_indirect_dma source(%dma_start3A_282 : memref<128xf32, #tpu.memory_space<vmem>>) target(%dma_start3A_287 : memref<819200xf32, #tpu.memory_space<vmem_shared>>) offsets(%dma_start3A_285 : memref<128xi32, #tpu.memory_space<vmem>>) semaphore(%arg23 : memref<!tpu.dma_semaphore, #tpu.memory_space<semaphore_mem>>) {add = true}
      %dma_start3A_288 = arith.constant 5 : i32
      %dma_start3A_289 = arith.constant 640 : i32
      %dma_start3A_290 = tpu.memref_slice %arg18[%dma_start3A_289] : memref<2048xf32, #tpu.memory_space<vmem>> -> memref<128xf32, #tpu.memory_space<vmem>>
      %dma_start3A_291 = arith.constant 0 : i32
      %dma_start3A_292 = tpu.memref_slice %arg14[%dma_start3A_288, %dma_start3A_291] : memref<16x128xi32, #tpu.memory_space<vmem>> -> memref<1x128xi32, #tpu.memory_space<vmem>>
      %dma_start3A_293 = tpu.memref_squeeze %dma_start3A_292 : memref<1x128xi32, #tpu.memory_space<vmem>> -> memref<128xi32, #tpu.memory_space<vmem>>
      %dma_start3A_294 = arith.constant 0 : i32
      %dma_start3A_295 = tpu.memref_slice %arg21[%dma_start3A_294] : memref<819200xf32, #tpu.memory_space<vmem_shared>> -> memref<819200xf32, #tpu.memory_space<vmem_shared>>
      tpu.enqueue_indirect_dma source(%dma_start3A_290 : memref<128xf32, #tpu.memory_space<vmem>>) target(%dma_start3A_295 : memref<819200xf32, #tpu.memory_space<vmem_shared>>) offsets(%dma_start3A_293 : memref<128xi32, #tpu.memory_space<vmem>>) semaphore(%arg23 : memref<!tpu.dma_semaphore, #tpu.memory_space<semaphore_mem>>) {add = true}
      %dma_start3A_296 = arith.constant 6 : i32
      %dma_start3A_297 = arith.constant 768 : i32
      %dma_start3A_298 = tpu.memref_slice %arg18[%dma_start3A_297] : memref<2048xf32, #tpu.memory_space<vmem>> -> memref<128xf32, #tpu.memory_space<vmem>>
      %dma_start3A_299 = arith.constant 0 : i32
      %dma_start3A_300 = tpu.memref_slice %arg14[%dma_start3A_296, %dma_start3A_299] : memref<16x128xi32, #tpu.memory_space<vmem>> -> memref<1x128xi32, #tpu.memory_space<vmem>>
      %dma_start3A_301 = tpu.memref_squeeze %dma_start3A_300 : memref<1x128xi32, #tpu.memory_space<vmem>> -> memref<128xi32, #tpu.memory_space<vmem>>
      %dma_start3A_302 = arith.constant 0 : i32
      %dma_start3A_303 = tpu.memref_slice %arg21[%dma_start3A_302] : memref<819200xf32, #tpu.memory_space<vmem_shared>> -> memref<819200xf32, #tpu.memory_space<vmem_shared>>
      tpu.enqueue_indirect_dma source(%dma_start3A_298 : memref<128xf32, #tpu.memory_space<vmem>>) target(%dma_start3A_303 : memref<819200xf32, #tpu.memory_space<vmem_shared>>) offsets(%dma_start3A_301 : memref<128xi32, #tpu.memory_space<vmem>>) semaphore(%arg23 : memref<!tpu.dma_semaphore, #tpu.memory_space<semaphore_mem>>) {add = true}
      %dma_start3A_304 = arith.constant 7 : i32
      %dma_start3A_305 = arith.constant 896 : i32
      %dma_start3A_306 = tpu.memref_slice %arg18[%dma_start3A_305] : memref<2048xf32, #tpu.memory_space<vmem>> -> memref<128xf32, #tpu.memory_space<vmem>>
      %dma_start3A_307 = arith.constant 0 : i32
      %dma_start3A_308 = tpu.memref_slice %arg14[%dma_start3A_304, %dma_start3A_307] : memref<16x128xi32, #tpu.memory_space<vmem>> -> memref<1x128xi32, #tpu.memory_space<vmem>>
      %dma_start3A_309 = tpu.memref_squeeze %dma_start3A_308 : memref<1x128xi32, #tpu.memory_space<vmem>> -> memref<128xi32, #tpu.memory_space<vmem>>
      %dma_start3A_310 = arith.constant 0 : i32
      %dma_start3A_311 = tpu.memref_slice %arg21[%dma_start3A_310] : memref<819200xf32, #tpu.memory_space<vmem_shared>> -> memref<819200xf32, #tpu.memory_space<vmem_shared>>
      tpu.enqueue_indirect_dma source(%dma_start3A_306 : memref<128xf32, #tpu.memory_space<vmem>>) target(%dma_start3A_311 : memref<819200xf32, #tpu.memory_space<vmem_shared>>) offsets(%dma_start3A_309 : memref<128xi32, #tpu.memory_space<vmem>>) semaphore(%arg23 : memref<!tpu.dma_semaphore, #tpu.memory_space<semaphore_mem>>) {add = true}
      %dma_start3A_312 = arith.constant 8 : i32
      %dma_start3A_313 = arith.constant 1024 : i32
      %dma_start3A_314 = tpu.memref_slice %arg18[%dma_start3A_313] : memref<2048xf32, #tpu.memory_space<vmem>> -> memref<128xf32, #tpu.memory_space<vmem>>
      %dma_start3A_315 = arith.constant 0 : i32
      %dma_start3A_316 = tpu.memref_slice %arg14[%dma_start3A_312, %dma_start3A_315] : memref<16x128xi32, #tpu.memory_space<vmem>> -> memref<1x128xi32, #tpu.memory_space<vmem>>
      %dma_start3A_317 = tpu.memref_squeeze %dma_start3A_316 : memref<1x128xi32, #tpu.memory_space<vmem>> -> memref<128xi32, #tpu.memory_space<vmem>>
      %dma_start3A_318 = arith.constant 0 : i32
      %dma_start3A_319 = tpu.memref_slice %arg21[%dma_start3A_318] : memref<819200xf32, #tpu.memory_space<vmem_shared>> -> memref<819200xf32, #tpu.memory_space<vmem_shared>>
      tpu.enqueue_indirect_dma source(%dma_start3A_314 : memref<128xf32, #tpu.memory_space<vmem>>) target(%dma_start3A_319 : memref<819200xf32, #tpu.memory_space<vmem_shared>>) offsets(%dma_start3A_317 : memref<128xi32, #tpu.memory_space<vmem>>) semaphore(%arg23 : memref<!tpu.dma_semaphore, #tpu.memory_space<semaphore_mem>>) {add = true}
      %dma_start3A_320 = arith.constant 9 : i32
      %dma_start3A_321 = arith.constant 1152 : i32
      %dma_start3A_322 = tpu.memref_slice %arg18[%dma_start3A_321] : memref<2048xf32, #tpu.memory_space<vmem>> -> memref<128xf32, #tpu.memory_space<vmem>>
      %dma_start3A_323 = arith.constant 0 : i32
      %dma_start3A_324 = tpu.memref_slice %arg14[%dma_start3A_320, %dma_start3A_323] : memref<16x128xi32, #tpu.memory_space<vmem>> -> memref<1x128xi32, #tpu.memory_space<vmem>>
      %dma_start3A_325 = tpu.memref_squeeze %dma_start3A_324 : memref<1x128xi32, #tpu.memory_space<vmem>> -> memref<128xi32, #tpu.memory_space<vmem>>
      %dma_start3A_326 = arith.constant 0 : i32
      %dma_start3A_327 = tpu.memref_slice %arg21[%dma_start3A_326] : memref<819200xf32, #tpu.memory_space<vmem_shared>> -> memref<819200xf32, #tpu.memory_space<vmem_shared>>
      tpu.enqueue_indirect_dma source(%dma_start3A_322 : memref<128xf32, #tpu.memory_space<vmem>>) target(%dma_start3A_327 : memref<819200xf32, #tpu.memory_space<vmem_shared>>) offsets(%dma_start3A_325 : memref<128xi32, #tpu.memory_space<vmem>>) semaphore(%arg23 : memref<!tpu.dma_semaphore, #tpu.memory_space<semaphore_mem>>) {add = true}
      %dma_start3A_328 = arith.constant 10 : i32
      %dma_start3A_329 = arith.constant 1280 : i32
      %dma_start3A_330 = tpu.memref_slice %arg18[%dma_start3A_329] : memref<2048xf32, #tpu.memory_space<vmem>> -> memref<128xf32, #tpu.memory_space<vmem>>
      %dma_start3A_331 = arith.constant 0 : i32
      %dma_start3A_332 = tpu.memref_slice %arg14[%dma_start3A_328, %dma_start3A_331] : memref<16x128xi32, #tpu.memory_space<vmem>> -> memref<1x128xi32, #tpu.memory_space<vmem>>
      %dma_start3A_333 = tpu.memref_squeeze %dma_start3A_332 : memref<1x128xi32, #tpu.memory_space<vmem>> -> memref<128xi32, #tpu.memory_space<vmem>>
      %dma_start3A_334 = arith.constant 0 : i32
      %dma_start3A_335 = tpu.memref_slice %arg21[%dma_start3A_334] : memref<819200xf32, #tpu.memory_space<vmem_shared>> -> memref<819200xf32, #tpu.memory_space<vmem_shared>>
      tpu.enqueue_indirect_dma source(%dma_start3A_330 : memref<128xf32, #tpu.memory_space<vmem>>) target(%dma_start3A_335 : memref<819200xf32, #tpu.memory_space<vmem_shared>>) offsets(%dma_start3A_333 : memref<128xi32, #tpu.memory_space<vmem>>) semaphore(%arg23 : memref<!tpu.dma_semaphore, #tpu.memory_space<semaphore_mem>>) {add = true}
      %dma_start3A_336 = arith.constant 11 : i32
      %dma_start3A_337 = arith.constant 1408 : i32
      %dma_start3A_338 = tpu.memref_slice %arg18[%dma_start3A_337] : memref<2048xf32, #tpu.memory_space<vmem>> -> memref<128xf32, #tpu.memory_space<vmem>>
      %dma_start3A_339 = arith.constant 0 : i32
      %dma_start3A_340 = tpu.memref_slice %arg14[%dma_start3A_336, %dma_start3A_339] : memref<16x128xi32, #tpu.memory_space<vmem>> -> memref<1x128xi32, #tpu.memory_space<vmem>>
      %dma_start3A_341 = tpu.memref_squeeze %dma_start3A_340 : memref<1x128xi32, #tpu.memory_space<vmem>> -> memref<128xi32, #tpu.memory_space<vmem>>
      %dma_start3A_342 = arith.constant 0 : i32
      %dma_start3A_343 = tpu.memref_slice %arg21[%dma_start3A_342] : memref<819200xf32, #tpu.memory_space<vmem_shared>> -> memref<819200xf32, #tpu.memory_space<vmem_shared>>
      tpu.enqueue_indirect_dma source(%dma_start3A_338 : memref<128xf32, #tpu.memory_space<vmem>>) target(%dma_start3A_343 : memref<819200xf32, #tpu.memory_space<vmem_shared>>) offsets(%dma_start3A_341 : memref<128xi32, #tpu.memory_space<vmem>>) semaphore(%arg23 : memref<!tpu.dma_semaphore, #tpu.memory_space<semaphore_mem>>) {add = true}
      %dma_start3A_344 = arith.constant 12 : i32
      %dma_start3A_345 = arith.constant 1536 : i32
      %dma_start3A_346 = tpu.memref_slice %arg18[%dma_start3A_345] : memref<2048xf32, #tpu.memory_space<vmem>> -> memref<128xf32, #tpu.memory_space<vmem>>
      %dma_start3A_347 = arith.constant 0 : i32
      %dma_start3A_348 = tpu.memref_slice %arg14[%dma_start3A_344, %dma_start3A_347] : memref<16x128xi32, #tpu.memory_space<vmem>> -> memref<1x128xi32, #tpu.memory_space<vmem>>
      %dma_start3A_349 = tpu.memref_squeeze %dma_start3A_348 : memref<1x128xi32, #tpu.memory_space<vmem>> -> memref<128xi32, #tpu.memory_space<vmem>>
      %dma_start3A_350 = arith.constant 0 : i32
      %dma_start3A_351 = tpu.memref_slice %arg21[%dma_start3A_350] : memref<819200xf32, #tpu.memory_space<vmem_shared>> -> memref<819200xf32, #tpu.memory_space<vmem_shared>>
      tpu.enqueue_indirect_dma source(%dma_start3A_346 : memref<128xf32, #tpu.memory_space<vmem>>) target(%dma_start3A_351 : memref<819200xf32, #tpu.memory_space<vmem_shared>>) offsets(%dma_start3A_349 : memref<128xi32, #tpu.memory_space<vmem>>) semaphore(%arg23 : memref<!tpu.dma_semaphore, #tpu.memory_space<semaphore_mem>>) {add = true}
      %dma_start3A_352 = arith.constant 13 : i32
      %dma_start3A_353 = arith.constant 1664 : i32
      %dma_start3A_354 = tpu.memref_slice %arg18[%dma_start3A_353] : memref<2048xf32, #tpu.memory_space<vmem>> -> memref<128xf32, #tpu.memory_space<vmem>>
      %dma_start3A_355 = arith.constant 0 : i32
      %dma_start3A_356 = tpu.memref_slice %arg14[%dma_start3A_352, %dma_start3A_355] : memref<16x128xi32, #tpu.memory_space<vmem>> -> memref<1x128xi32, #tpu.memory_space<vmem>>
      %dma_start3A_357 = tpu.memref_squeeze %dma_start3A_356 : memref<1x128xi32, #tpu.memory_space<vmem>> -> memref<128xi32, #tpu.memory_space<vmem>>
      %dma_start3A_358 = arith.constant 0 : i32
      %dma_start3A_359 = tpu.memref_slice %arg21[%dma_start3A_358] : memref<819200xf32, #tpu.memory_space<vmem_shared>> -> memref<819200xf32, #tpu.memory_space<vmem_shared>>
      tpu.enqueue_indirect_dma source(%dma_start3A_354 : memref<128xf32, #tpu.memory_space<vmem>>) target(%dma_start3A_359 : memref<819200xf32, #tpu.memory_space<vmem_shared>>) offsets(%dma_start3A_357 : memref<128xi32, #tpu.memory_space<vmem>>) semaphore(%arg23 : memref<!tpu.dma_semaphore, #tpu.memory_space<semaphore_mem>>) {add = true}
      %dma_start3A_360 = arith.constant 14 : i32
      %dma_start3A_361 = arith.constant 1792 : i32
      %dma_start3A_362 = tpu.memref_slice %arg18[%dma_start3A_361] : memref<2048xf32, #tpu.memory_space<vmem>> -> memref<128xf32, #tpu.memory_space<vmem>>
      %dma_start3A_363 = arith.constant 0 : i32
      %dma_start3A_364 = tpu.memref_slice %arg14[%dma_start3A_360, %dma_start3A_363] : memref<16x128xi32, #tpu.memory_space<vmem>> -> memref<1x128xi32, #tpu.memory_space<vmem>>
      %dma_start3A_365 = tpu.memref_squeeze %dma_start3A_364 : memref<1x128xi32, #tpu.memory_space<vmem>> -> memref<128xi32, #tpu.memory_space<vmem>>
      %dma_start3A_366 = arith.constant 0 : i32
      %dma_start3A_367 = tpu.memref_slice %arg21[%dma_start3A_366] : memref<819200xf32, #tpu.memory_space<vmem_shared>> -> memref<819200xf32, #tpu.memory_space<vmem_shared>>
      tpu.enqueue_indirect_dma source(%dma_start3A_362 : memref<128xf32, #tpu.memory_space<vmem>>) target(%dma_start3A_367 : memref<819200xf32, #tpu.memory_space<vmem_shared>>) offsets(%dma_start3A_365 : memref<128xi32, #tpu.memory_space<vmem>>) semaphore(%arg23 : memref<!tpu.dma_semaphore, #tpu.memory_space<semaphore_mem>>) {add = true}
      %dma_start3A_368 = arith.constant 15 : i32
      %dma_start3A_369 = arith.constant 1920 : i32
      %dma_start3A_370 = tpu.memref_slice %arg18[%dma_start3A_369] : memref<2048xf32, #tpu.memory_space<vmem>> -> memref<128xf32, #tpu.memory_space<vmem>>
      %dma_start3A_371 = arith.constant 0 : i32
      %dma_start3A_372 = tpu.memref_slice %arg14[%dma_start3A_368, %dma_start3A_371] : memref<16x128xi32, #tpu.memory_space<vmem>> -> memref<1x128xi32, #tpu.memory_space<vmem>>
      %dma_start3A_373 = tpu.memref_squeeze %dma_start3A_372 : memref<1x128xi32, #tpu.memory_space<vmem>> -> memref<128xi32, #tpu.memory_space<vmem>>
      %dma_start3A_374 = arith.constant 0 : i32
      %dma_start3A_375 = tpu.memref_slice %arg21[%dma_start3A_374] : memref<819200xf32, #tpu.memory_space<vmem_shared>> -> memref<819200xf32, #tpu.memory_space<vmem_shared>>
      tpu.enqueue_indirect_dma source(%dma_start3A_370 : memref<128xf32, #tpu.memory_space<vmem>>) target(%dma_start3A_375 : memref<819200xf32, #tpu.memory_space<vmem_shared>>) offsets(%dma_start3A_373 : memref<128xi32, #tpu.memory_space<vmem>>) semaphore(%arg23 : memref<!tpu.dma_semaphore, #tpu.memory_space<semaphore_mem>>) {add = true}
      %gt3A = arith.constant 0 : i32
      %gt3A_376 = arith.cmpi sgt, %scan3A_239, %gt3A : i32
      %convert_element_type3A = arith.extui %gt3A_376 : i1 to i32
      %cond3A = arith.constant 0 : i32
      %cond3A_377 = arith.cmpi ne, %convert_element_type3A, %cond3A : i32
      scf.if %cond3A_377 {
        %dma_wait3A_735 = arith.constant 0 : i32
        %dma_wait3A_736 = tpu.memref_slice %arg11[%dma_wait3A_735] : memref<3276800xf32, #tpu.memory_space<hbm>> -> memref<2048xf32, #tpu.memory_space<hbm>>
        %dma_wait3A_737 = arith.constant 0 : i32
        %dma_wait3A_738 = tpu.memref_slice %arg11[%dma_wait3A_737] : memref<3276800xf32, #tpu.memory_space<hbm>> -> memref<2048xf32, #tpu.memory_space<hbm>>
        tpu.wait_dma2 semaphore(%arg23 : memref<!tpu.dma_semaphore, #tpu.memory_space<semaphore_mem>>) src(%dma_wait3A_738 : memref<2048xf32, #tpu.memory_space<hbm>>) dst(%arg18 : memref<2048xf32, #tpu.memory_space<vmem>>)
      } else {
      }
      %add3A_378 = arith.constant 1 : i32
      %add3A_379 = arith.addi %mul3A_241, %add3A_378 : i32
      %mul3A_380 = arith.constant 2048 : i32
      %mul3A_381 = arith.muli %add3A_379, %mul3A_380 : i32
      %add3A_382 = arith.addi %mul3A_177, %mul3A_381 : i32
      %multiple_of3A_383 = tpu.assume_multiple %add3A_382, 2048 : i32
      %jit3A_384 = arith.constant 128 : i32
      %div3A_385 = arith.divsi %multiple_of3A_383, %jit3A_384 : i32
      %sign3A_386 = arith.constant 0 : i32
      %sign3A_387 = arith.cmpi sgt, %multiple_of3A_383, %sign3A_386 : i32
      %sign3A_388 = arith.extui %sign3A_387 : i1 to i32
      %sign3A_389 = arith.constant 0 : i32
      %sign3A_390 = arith.cmpi slt, %multiple_of3A_383, %sign3A_389 : i32
      %sign3A_391 = arith.extui %sign3A_390 : i1 to i32
      %sign3A_392 = arith.subi %sign3A_388, %sign3A_391 : i32
      %sign3A_393 = arith.constant 0 : i32
      %sign3A_394 = arith.cmpi sgt, %jit3A_384, %sign3A_393 : i32
      %sign3A_395 = arith.extui %sign3A_394 : i1 to i32
      %sign3A_396 = arith.constant 0 : i32
      %sign3A_397 = arith.cmpi slt, %jit3A_384, %sign3A_396 : i32
      %sign3A_398 = arith.extui %sign3A_397 : i1 to i32
      %sign3A_399 = arith.subi %sign3A_395, %sign3A_398 : i32
      %ne3A_400 = arith.cmpi ne, %sign3A_392, %sign3A_399 : i32
      %rem3A_401 = arith.remsi %multiple_of3A_383, %jit3A_384 : i32
      %ne3A_402 = arith.constant 0 : i32
      %ne3A_403 = arith.cmpi ne, %rem3A_401, %ne3A_402 : i32
      %and3A_404 = arith.andi %ne3A_400, %ne3A_403 : i1
      %sub3A_405 = arith.constant 1 : i32
      %sub3A_406 = arith.subi %div3A_385, %sub3A_405 : i32
      %select_n3A_407 = arith.select %and3A_404, %sub3A_406, %div3A_385 : i32
      %multiple_of3A_408 = tpu.assume_multiple %select_n3A_407, 16 : i32
      %dma_start3A_409 = arith.constant 0 : i32
      %dma_start3A_410 = tpu.memref_slice %arg9[%multiple_of3A_408, %dma_start3A_409] : memref<25600x128xi32, #tpu.memory_space<hbm>> -> memref<16x128xi32, #tpu.memory_space<hbm>>
      %dma_start3A_411 = arith.constant 0 : i32
      %dma_start3A_412 = tpu.memref_slice %arg9[%multiple_of3A_408, %dma_start3A_411] : memref<25600x128xi32, #tpu.memory_space<hbm>> -> memref<16x128xi32, #tpu.memory_space<hbm>>
      tpu.enqueue_dma source(%dma_start3A_412 : memref<16x128xi32, #tpu.memory_space<hbm>>) target(%arg15 : memref<16x128xi32, #tpu.memory_space<vmem>>) target_semaphore(%arg22 : memref<!tpu.dma_semaphore, #tpu.memory_space<semaphore_mem>>)
      %dma_start3A_413 = tpu.memref_slice %arg10[%multiple_of3A_383] : memref<3276800xi32, #tpu.memory_space<hbm>> -> memref<2048xi32, #tpu.memory_space<hbm>>
      %dma_start3A_414 = tpu.memref_slice %arg10[%multiple_of3A_383] : memref<3276800xi32, #tpu.memory_space<hbm>> -> memref<2048xi32, #tpu.memory_space<hbm>>
      tpu.enqueue_dma source(%dma_start3A_414 : memref<2048xi32, #tpu.memory_space<hbm>>) target(%arg16 : memref<2048xi32, #tpu.memory_space<vmem>>) target_semaphore(%arg22 : memref<!tpu.dma_semaphore, #tpu.memory_space<semaphore_mem>>)
      %dma_start3A_415 = tpu.memref_slice %arg11[%multiple_of3A_383] : memref<3276800xf32, #tpu.memory_space<hbm>> -> memref<2048xf32, #tpu.memory_space<hbm>>
      %dma_start3A_416 = tpu.memref_slice %arg11[%multiple_of3A_383] : memref<3276800xf32, #tpu.memory_space<hbm>> -> memref<2048xf32, #tpu.memory_space<hbm>>
      tpu.enqueue_dma source(%dma_start3A_416 : memref<2048xf32, #tpu.memory_space<hbm>>) target(%arg17 : memref<2048xf32, #tpu.memory_space<vmem>>) target_semaphore(%arg22 : memref<!tpu.dma_semaphore, #tpu.memory_space<semaphore_mem>>)
      %dma_wait3A_417 = arith.constant 0 : i32
      %dma_wait3A_418 = tpu.memref_slice %arg9[%multiple_of3A_408, %dma_wait3A_417] : memref<25600x128xi32, #tpu.memory_space<hbm>> -> memref<16x128xi32, #tpu.memory_space<hbm>>
      %dma_wait3A_419 = arith.constant 0 : i32
      %dma_wait3A_420 = tpu.memref_slice %arg9[%multiple_of3A_408, %dma_wait3A_419] : memref<25600x128xi32, #tpu.memory_space<hbm>> -> memref<16x128xi32, #tpu.memory_space<hbm>>
      tpu.wait_dma2 semaphore(%arg22 : memref<!tpu.dma_semaphore, #tpu.memory_space<semaphore_mem>>) src(%dma_wait3A_420 : memref<16x128xi32, #tpu.memory_space<hbm>>) dst(%arg15 : memref<16x128xi32, #tpu.memory_space<vmem>>)
      %dma_wait3A_421 = tpu.memref_slice %arg10[%multiple_of3A_383] : memref<3276800xi32, #tpu.memory_space<hbm>> -> memref<2048xi32, #tpu.memory_space<hbm>>
      %dma_wait3A_422 = tpu.memref_slice %arg10[%multiple_of3A_383] : memref<3276800xi32, #tpu.memory_space<hbm>> -> memref<2048xi32, #tpu.memory_space<hbm>>
      tpu.wait_dma2 semaphore(%arg22 : memref<!tpu.dma_semaphore, #tpu.memory_space<semaphore_mem>>) src(%dma_wait3A_422 : memref<2048xi32, #tpu.memory_space<hbm>>) dst(%arg16 : memref<2048xi32, #tpu.memory_space<vmem>>)
      %dma_wait3A_423 = tpu.memref_slice %arg11[%multiple_of3A_383] : memref<3276800xf32, #tpu.memory_space<hbm>> -> memref<2048xf32, #tpu.memory_space<hbm>>
      %dma_wait3A_424 = tpu.memref_slice %arg11[%multiple_of3A_383] : memref<3276800xf32, #tpu.memory_space<hbm>> -> memref<2048xf32, #tpu.memory_space<hbm>>
      tpu.wait_dma2 semaphore(%arg22 : memref<!tpu.dma_semaphore, #tpu.memory_space<semaphore_mem>>) src(%dma_wait3A_424 : memref<2048xf32, #tpu.memory_space<hbm>>) dst(%arg17 : memref<2048xf32, #tpu.memory_space<vmem>>)
      %scan3A_425 = arith.constant 0 : i32
      %scan3A_426 = arith.constant 0 : i32
      %scan3A_427 = arith.constant 128 : i32
      %scan3A_428 = arith.addi %scan3A_426, %scan3A_427 : i32
      %scan3A_429 = arith.constant 8 : i32
      scf.for %scan3A_735 = %scan3A_426 to %scan3A_428 step %scan3A_429  : i32 {
        %mul3A_736 = arith.constant 16 : i32
        %mul3A_737 = arith.muli %scan3A_735, %mul3A_736 : i32
        %get3A = arith.index_cast %mul3A_737 : i32 to index
        %get3A_738 = tpu.vector_load %arg16[%get3A] {strides = array<i32>} : memref<2048xi32, #tpu.memory_space<vmem>>, vector<16xi32>,
        %gather3A = tpu.vector_load_idx %arg13[%get3A_738] : memref<16384xf32, #tpu.memory_space<vmem>>[vector<16xi32>], vector<16xf32>,
        %get3A_739 = arith.index_cast %mul3A_737 : i32 to index
        %get3A_740 = tpu.vector_load %arg17[%get3A_739] {strides = array<i32>} : memref<2048xf32, #tpu.memory_space<vmem>>, vector<16xf32>,
        %mul3A_741 = arith.mulf %gather3A, %get3A_740 : vector<16xf32>
        %swap3A = arith.index_cast %mul3A_737 : i32 to index
        %swap3A_742 = tpu.vector_load %arg19[%swap3A] {strides = array<i32>} : memref<2048xf32, #tpu.memory_space<vmem>>, vector<16xf32>,
        tpu.vector_store %arg19[%swap3A], %mul3A_741 {strides = array<i32>} : memref<2048xf32, #tpu.memory_space<vmem>>, vector<16xf32>,
        %scan3A_743 = arith.constant 1 : i32
        %scan3A_744 = arith.addi %scan3A_735, %scan3A_743 : i32
        %mul3A_745 = arith.constant 16 : i32
        %mul3A_746 = arith.muli %scan3A_744, %mul3A_745 : i32
        %get3A_747 = arith.index_cast %mul3A_746 : i32 to index
        %get3A_748 = tpu.vector_load %arg16[%get3A_747] {strides = array<i32>} : memref<2048xi32, #tpu.memory_space<vmem>>, vector<16xi32>,
        %gather3A_749 = tpu.vector_load_idx %arg13[%get3A_748] : memref<16384xf32, #tpu.memory_space<vmem>>[vector<16xi32>], vector<16xf32>,
        %get3A_750 = arith.index_cast %mul3A_746 : i32 to index
        %get3A_751 = tpu.vector_load %arg17[%get3A_750] {strides = array<i32>} : memref<2048xf32, #tpu.memory_space<vmem>>, vector<16xf32>,
        %mul3A_752 = arith.mulf %gather3A_749, %get3A_751 : vector<16xf32>
        %swap3A_753 = arith.index_cast %mul3A_746 : i32 to index
        %swap3A_754 = tpu.vector_load %arg19[%swap3A_753] {strides = array<i32>} : memref<2048xf32, #tpu.memory_space<vmem>>, vector<16xf32>,
        tpu.vector_store %arg19[%swap3A_753], %mul3A_752 {strides = array<i32>} : memref<2048xf32, #tpu.memory_space<vmem>>, vector<16xf32>,
        %scan3A_755 = arith.constant 2 : i32
        %scan3A_756 = arith.addi %scan3A_735, %scan3A_755 : i32
        %mul3A_757 = arith.constant 16 : i32
        %mul3A_758 = arith.muli %scan3A_756, %mul3A_757 : i32
        %get3A_759 = arith.index_cast %mul3A_758 : i32 to index
        %get3A_760 = tpu.vector_load %arg16[%get3A_759] {strides = array<i32>} : memref<2048xi32, #tpu.memory_space<vmem>>, vector<16xi32>,
        %gather3A_761 = tpu.vector_load_idx %arg13[%get3A_760] : memref<16384xf32, #tpu.memory_space<vmem>>[vector<16xi32>], vector<16xf32>,
        %get3A_762 = arith.index_cast %mul3A_758 : i32 to index
        %get3A_763 = tpu.vector_load %arg17[%get3A_762] {strides = array<i32>} : memref<2048xf32, #tpu.memory_space<vmem>>, vector<16xf32>,
        %mul3A_764 = arith.mulf %gather3A_761, %get3A_763 : vector<16xf32>
        %swap3A_765 = arith.index_cast %mul3A_758 : i32 to index
        %swap3A_766 = tpu.vector_load %arg19[%swap3A_765] {strides = array<i32>} : memref<2048xf32, #tpu.memory_space<vmem>>, vector<16xf32>,
        tpu.vector_store %arg19[%swap3A_765], %mul3A_764 {strides = array<i32>} : memref<2048xf32, #tpu.memory_space<vmem>>, vector<16xf32>,
        %scan3A_767 = arith.constant 3 : i32
        %scan3A_768 = arith.addi %scan3A_735, %scan3A_767 : i32
        %mul3A_769 = arith.constant 16 : i32
        %mul3A_770 = arith.muli %scan3A_768, %mul3A_769 : i32
        %get3A_771 = arith.index_cast %mul3A_770 : i32 to index
        %get3A_772 = tpu.vector_load %arg16[%get3A_771] {strides = array<i32>} : memref<2048xi32, #tpu.memory_space<vmem>>, vector<16xi32>,
        %gather3A_773 = tpu.vector_load_idx %arg13[%get3A_772] : memref<16384xf32, #tpu.memory_space<vmem>>[vector<16xi32>], vector<16xf32>,
        %get3A_774 = arith.index_cast %mul3A_770 : i32 to index
        %get3A_775 = tpu.vector_load %arg17[%get3A_774] {strides = array<i32>} : memref<2048xf32, #tpu.memory_space<vmem>>, vector<16xf32>,
        %mul3A_776 = arith.mulf %gather3A_773, %get3A_775 : vector<16xf32>
        %swap3A_777 = arith.index_cast %mul3A_770 : i32 to index
        %swap3A_778 = tpu.vector_load %arg19[%swap3A_777] {strides = array<i32>} : memref<2048xf32, #tpu.memory_space<vmem>>, vector<16xf32>,
        tpu.vector_store %arg19[%swap3A_777], %mul3A_776 {strides = array<i32>} : memref<2048xf32, #tpu.memory_space<vmem>>, vector<16xf32>,
        %scan3A_779 = arith.constant 4 : i32
        %scan3A_780 = arith.addi %scan3A_735, %scan3A_779 : i32
        %mul3A_781 = arith.constant 16 : i32
        %mul3A_782 = arith.muli %scan3A_780, %mul3A_781 : i32
        %get3A_783 = arith.index_cast %mul3A_782 : i32 to index
        %get3A_784 = tpu.vector_load %arg16[%get3A_783] {strides = array<i32>} : memref<2048xi32, #tpu.memory_space<vmem>>, vector<16xi32>,
        %gather3A_785 = tpu.vector_load_idx %arg13[%get3A_784] : memref<16384xf32, #tpu.memory_space<vmem>>[vector<16xi32>], vector<16xf32>,
        %get3A_786 = arith.index_cast %mul3A_782 : i32 to index
        %get3A_787 = tpu.vector_load %arg17[%get3A_786] {strides = array<i32>} : memref<2048xf32, #tpu.memory_space<vmem>>, vector<16xf32>,
        %mul3A_788 = arith.mulf %gather3A_785, %get3A_787 : vector<16xf32>
        %swap3A_789 = arith.index_cast %mul3A_782 : i32 to index
        %swap3A_790 = tpu.vector_load %arg19[%swap3A_789] {strides = array<i32>} : memref<2048xf32, #tpu.memory_space<vmem>>, vector<16xf32>,
        tpu.vector_store %arg19[%swap3A_789], %mul3A_788 {strides = array<i32>} : memref<2048xf32, #tpu.memory_space<vmem>>, vector<16xf32>,
        %scan3A_791 = arith.constant 5 : i32
        %scan3A_792 = arith.addi %scan3A_735, %scan3A_791 : i32
        %mul3A_793 = arith.constant 16 : i32
        %mul3A_794 = arith.muli %scan3A_792, %mul3A_793 : i32
        %get3A_795 = arith.index_cast %mul3A_794 : i32 to index
        %get3A_796 = tpu.vector_load %arg16[%get3A_795] {strides = array<i32>} : memref<2048xi32, #tpu.memory_space<vmem>>, vector<16xi32>,
        %gather3A_797 = tpu.vector_load_idx %arg13[%get3A_796] : memref<16384xf32, #tpu.memory_space<vmem>>[vector<16xi32>], vector<16xf32>,
        %get3A_798 = arith.index_cast %mul3A_794 : i32 to index
        %get3A_799 = tpu.vector_load %arg17[%get3A_798] {strides = array<i32>} : memref<2048xf32, #tpu.memory_space<vmem>>, vector<16xf32>,
        %mul3A_800 = arith.mulf %gather3A_797, %get3A_799 : vector<16xf32>
        %swap3A_801 = arith.index_cast %mul3A_794 : i32 to index
        %swap3A_802 = tpu.vector_load %arg19[%swap3A_801] {strides = array<i32>} : memref<2048xf32, #tpu.memory_space<vmem>>, vector<16xf32>,
        tpu.vector_store %arg19[%swap3A_801], %mul3A_800 {strides = array<i32>} : memref<2048xf32, #tpu.memory_space<vmem>>, vector<16xf32>,
        %scan3A_803 = arith.constant 6 : i32
        %scan3A_804 = arith.addi %scan3A_735, %scan3A_803 : i32
        %mul3A_805 = arith.constant 16 : i32
        %mul3A_806 = arith.muli %scan3A_804, %mul3A_805 : i32
        %get3A_807 = arith.index_cast %mul3A_806 : i32 to index
        %get3A_808 = tpu.vector_load %arg16[%get3A_807] {strides = array<i32>} : memref<2048xi32, #tpu.memory_space<vmem>>, vector<16xi32>,
        %gather3A_809 = tpu.vector_load_idx %arg13[%get3A_808] : memref<16384xf32, #tpu.memory_space<vmem>>[vector<16xi32>], vector<16xf32>,
        %get3A_810 = arith.index_cast %mul3A_806 : i32 to index
        %get3A_811 = tpu.vector_load %arg17[%get3A_810] {strides = array<i32>} : memref<2048xf32, #tpu.memory_space<vmem>>, vector<16xf32>,
        %mul3A_812 = arith.mulf %gather3A_809, %get3A_811 : vector<16xf32>
        %swap3A_813 = arith.index_cast %mul3A_806 : i32 to index
        %swap3A_814 = tpu.vector_load %arg19[%swap3A_813] {strides = array<i32>} : memref<2048xf32, #tpu.memory_space<vmem>>, vector<16xf32>,
        tpu.vector_store %arg19[%swap3A_813], %mul3A_812 {strides = array<i32>} : memref<2048xf32, #tpu.memory_space<vmem>>, vector<16xf32>,
        %scan3A_815 = arith.constant 7 : i32
        %scan3A_816 = arith.addi %scan3A_735, %scan3A_815 : i32
        %mul3A_817 = arith.constant 16 : i32
        %mul3A_818 = arith.muli %scan3A_816, %mul3A_817 : i32
        %get3A_819 = arith.index_cast %mul3A_818 : i32 to index
        %get3A_820 = tpu.vector_load %arg16[%get3A_819] {strides = array<i32>} : memref<2048xi32, #tpu.memory_space<vmem>>, vector<16xi32>,
        %gather3A_821 = tpu.vector_load_idx %arg13[%get3A_820] : memref<16384xf32, #tpu.memory_space<vmem>>[vector<16xi32>], vector<16xf32>,
        %get3A_822 = arith.index_cast %mul3A_818 : i32 to index
        %get3A_823 = tpu.vector_load %arg17[%get3A_822] {strides = array<i32>} : memref<2048xf32, #tpu.memory_space<vmem>>, vector<16xf32>,
        %mul3A_824 = arith.mulf %gather3A_821, %get3A_823 : vector<16xf32>
        %swap3A_825 = arith.index_cast %mul3A_818 : i32 to index
        %swap3A_826 = tpu.vector_load %arg19[%swap3A_825] {strides = array<i32>} : memref<2048xf32, #tpu.memory_space<vmem>>, vector<16xf32>,
        tpu.vector_store %arg19[%swap3A_825], %mul3A_824 {strides = array<i32>} : memref<2048xf32, #tpu.memory_space<vmem>>, vector<16xf32>,
      }
      %scan3A_430 = arith.constant 128 : i32
      %dma_start3A_431 = arith.constant 0 : i32
      %dma_start3A_432 = arith.constant 0 : i32
      %dma_start3A_433 = tpu.memref_slice %arg19[%dma_start3A_432] : memref<2048xf32, #tpu.memory_space<vmem>> -> memref<128xf32, #tpu.memory_space<vmem>>
      %dma_start3A_434 = arith.constant 0 : i32
      %dma_start3A_435 = tpu.memref_slice %arg15[%dma_start3A_431, %dma_start3A_434] : memref<16x128xi32, #tpu.memory_space<vmem>> -> memref<1x128xi32, #tpu.memory_space<vmem>>
      %dma_start3A_436 = tpu.memref_squeeze %dma_start3A_435 : memref<1x128xi32, #tpu.memory_space<vmem>> -> memref<128xi32, #tpu.memory_space<vmem>>
      %dma_start3A_437 = arith.constant 0 : i32
      %dma_start3A_438 = tpu.memref_slice %arg21[%dma_start3A_437] : memref<819200xf32, #tpu.memory_space<vmem_shared>> -> memref<819200xf32, #tpu.memory_space<vmem_shared>>
      tpu.enqueue_indirect_dma source(%dma_start3A_433 : memref<128xf32, #tpu.memory_space<vmem>>) target(%dma_start3A_438 : memref<819200xf32, #tpu.memory_space<vmem_shared>>) offsets(%dma_start3A_436 : memref<128xi32, #tpu.memory_space<vmem>>) semaphore(%arg23 : memref<!tpu.dma_semaphore, #tpu.memory_space<semaphore_mem>>) {add = true}
      %dma_start3A_439 = arith.constant 1 : i32
      %dma_start3A_440 = arith.constant 128 : i32
      %dma_start3A_441 = tpu.memref_slice %arg19[%dma_start3A_440] : memref<2048xf32, #tpu.memory_space<vmem>> -> memref<128xf32, #tpu.memory_space<vmem>>
      %dma_start3A_442 = arith.constant 0 : i32
      %dma_start3A_443 = tpu.memref_slice %arg15[%dma_start3A_439, %dma_start3A_442] : memref<16x128xi32, #tpu.memory_space<vmem>> -> memref<1x128xi32, #tpu.memory_space<vmem>>
      %dma_start3A_444 = tpu.memref_squeeze %dma_start3A_443 : memref<1x128xi32, #tpu.memory_space<vmem>> -> memref<128xi32, #tpu.memory_space<vmem>>
      %dma_start3A_445 = arith.constant 0 : i32
      %dma_start3A_446 = tpu.memref_slice %arg21[%dma_start3A_445] : memref<819200xf32, #tpu.memory_space<vmem_shared>> -> memref<819200xf32, #tpu.memory_space<vmem_shared>>
      tpu.enqueue_indirect_dma source(%dma_start3A_441 : memref<128xf32, #tpu.memory_space<vmem>>) target(%dma_start3A_446 : memref<819200xf32, #tpu.memory_space<vmem_shared>>) offsets(%dma_start3A_444 : memref<128xi32, #tpu.memory_space<vmem>>) semaphore(%arg23 : memref<!tpu.dma_semaphore, #tpu.memory_space<semaphore_mem>>) {add = true}
      %dma_start3A_447 = arith.constant 2 : i32
      %dma_start3A_448 = arith.constant 256 : i32
      %dma_start3A_449 = tpu.memref_slice %arg19[%dma_start3A_448] : memref<2048xf32, #tpu.memory_space<vmem>> -> memref<128xf32, #tpu.memory_space<vmem>>
      %dma_start3A_450 = arith.constant 0 : i32
      %dma_start3A_451 = tpu.memref_slice %arg15[%dma_start3A_447, %dma_start3A_450] : memref<16x128xi32, #tpu.memory_space<vmem>> -> memref<1x128xi32, #tpu.memory_space<vmem>>
      %dma_start3A_452 = tpu.memref_squeeze %dma_start3A_451 : memref<1x128xi32, #tpu.memory_space<vmem>> -> memref<128xi32, #tpu.memory_space<vmem>>
      %dma_start3A_453 = arith.constant 0 : i32
      %dma_start3A_454 = tpu.memref_slice %arg21[%dma_start3A_453] : memref<819200xf32, #tpu.memory_space<vmem_shared>> -> memref<819200xf32, #tpu.memory_space<vmem_shared>>
      tpu.enqueue_indirect_dma source(%dma_start3A_449 : memref<128xf32, #tpu.memory_space<vmem>>) target(%dma_start3A_454 : memref<819200xf32, #tpu.memory_space<vmem_shared>>) offsets(%dma_start3A_452 : memref<128xi32, #tpu.memory_space<vmem>>) semaphore(%arg23 : memref<!tpu.dma_semaphore, #tpu.memory_space<semaphore_mem>>) {add = true}
      %dma_start3A_455 = arith.constant 3 : i32
      %dma_start3A_456 = arith.constant 384 : i32
      %dma_start3A_457 = tpu.memref_slice %arg19[%dma_start3A_456] : memref<2048xf32, #tpu.memory_space<vmem>> -> memref<128xf32, #tpu.memory_space<vmem>>
      %dma_start3A_458 = arith.constant 0 : i32
      %dma_start3A_459 = tpu.memref_slice %arg15[%dma_start3A_455, %dma_start3A_458] : memref<16x128xi32, #tpu.memory_space<vmem>> -> memref<1x128xi32, #tpu.memory_space<vmem>>
      %dma_start3A_460 = tpu.memref_squeeze %dma_start3A_459 : memref<1x128xi32, #tpu.memory_space<vmem>> -> memref<128xi32, #tpu.memory_space<vmem>>
      %dma_start3A_461 = arith.constant 0 : i32
      %dma_start3A_462 = tpu.memref_slice %arg21[%dma_start3A_461] : memref<819200xf32, #tpu.memory_space<vmem_shared>> -> memref<819200xf32, #tpu.memory_space<vmem_shared>>
      tpu.enqueue_indirect_dma source(%dma_start3A_457 : memref<128xf32, #tpu.memory_space<vmem>>) target(%dma_start3A_462 : memref<819200xf32, #tpu.memory_space<vmem_shared>>) offsets(%dma_start3A_460 : memref<128xi32, #tpu.memory_space<vmem>>) semaphore(%arg23 : memref<!tpu.dma_semaphore, #tpu.memory_space<semaphore_mem>>) {add = true}
      %dma_start3A_463 = arith.constant 4 : i32
      %dma_start3A_464 = arith.constant 512 : i32
      %dma_start3A_465 = tpu.memref_slice %arg19[%dma_start3A_464] : memref<2048xf32, #tpu.memory_space<vmem>> -> memref<128xf32, #tpu.memory_space<vmem>>
      %dma_start3A_466 = arith.constant 0 : i32
      %dma_start3A_467 = tpu.memref_slice %arg15[%dma_start3A_463, %dma_start3A_466] : memref<16x128xi32, #tpu.memory_space<vmem>> -> memref<1x128xi32, #tpu.memory_space<vmem>>
      %dma_start3A_468 = tpu.memref_squeeze %dma_start3A_467 : memref<1x128xi32, #tpu.memory_space<vmem>> -> memref<128xi32, #tpu.memory_space<vmem>>
      %dma_start3A_469 = arith.constant 0 : i32
      %dma_start3A_470 = tpu.memref_slice %arg21[%dma_start3A_469] : memref<819200xf32, #tpu.memory_space<vmem_shared>> -> memref<819200xf32, #tpu.memory_space<vmem_shared>>
      tpu.enqueue_indirect_dma source(%dma_start3A_465 : memref<128xf32, #tpu.memory_space<vmem>>) target(%dma_start3A_470 : memref<819200xf32, #tpu.memory_space<vmem_shared>>) offsets(%dma_start3A_468 : memref<128xi32, #tpu.memory_space<vmem>>) semaphore(%arg23 : memref<!tpu.dma_semaphore, #tpu.memory_space<semaphore_mem>>) {add = true}
      %dma_start3A_471 = arith.constant 5 : i32
      %dma_start3A_472 = arith.constant 640 : i32
      %dma_start3A_473 = tpu.memref_slice %arg19[%dma_start3A_472] : memref<2048xf32, #tpu.memory_space<vmem>> -> memref<128xf32, #tpu.memory_space<vmem>>
      %dma_start3A_474 = arith.constant 0 : i32
      %dma_start3A_475 = tpu.memref_slice %arg15[%dma_start3A_471, %dma_start3A_474] : memref<16x128xi32, #tpu.memory_space<vmem>> -> memref<1x128xi32, #tpu.memory_space<vmem>>
      %dma_start3A_476 = tpu.memref_squeeze %dma_start3A_475 : memref<1x128xi32, #tpu.memory_space<vmem>> -> memref<128xi32, #tpu.memory_space<vmem>>
      %dma_start3A_477 = arith.constant 0 : i32
      %dma_start3A_478 = tpu.memref_slice %arg21[%dma_start3A_477] : memref<819200xf32, #tpu.memory_space<vmem_shared>> -> memref<819200xf32, #tpu.memory_space<vmem_shared>>
      tpu.enqueue_indirect_dma source(%dma_start3A_473 : memref<128xf32, #tpu.memory_space<vmem>>) target(%dma_start3A_478 : memref<819200xf32, #tpu.memory_space<vmem_shared>>) offsets(%dma_start3A_476 : memref<128xi32, #tpu.memory_space<vmem>>) semaphore(%arg23 : memref<!tpu.dma_semaphore, #tpu.memory_space<semaphore_mem>>) {add = true}
      %dma_start3A_479 = arith.constant 6 : i32
      %dma_start3A_480 = arith.constant 768 : i32
      %dma_start3A_481 = tpu.memref_slice %arg19[%dma_start3A_480] : memref<2048xf32, #tpu.memory_space<vmem>> -> memref<128xf32, #tpu.memory_space<vmem>>
      %dma_start3A_482 = arith.constant 0 : i32
      %dma_start3A_483 = tpu.memref_slice %arg15[%dma_start3A_479, %dma_start3A_482] : memref<16x128xi32, #tpu.memory_space<vmem>> -> memref<1x128xi32, #tpu.memory_space<vmem>>
      %dma_start3A_484 = tpu.memref_squeeze %dma_start3A_483 : memref<1x128xi32, #tpu.memory_space<vmem>> -> memref<128xi32, #tpu.memory_space<vmem>>
      %dma_start3A_485 = arith.constant 0 : i32
      %dma_start3A_486 = tpu.memref_slice %arg21[%dma_start3A_485] : memref<819200xf32, #tpu.memory_space<vmem_shared>> -> memref<819200xf32, #tpu.memory_space<vmem_shared>>
      tpu.enqueue_indirect_dma source(%dma_start3A_481 : memref<128xf32, #tpu.memory_space<vmem>>) target(%dma_start3A_486 : memref<819200xf32, #tpu.memory_space<vmem_shared>>) offsets(%dma_start3A_484 : memref<128xi32, #tpu.memory_space<vmem>>) semaphore(%arg23 : memref<!tpu.dma_semaphore, #tpu.memory_space<semaphore_mem>>) {add = true}
      %dma_start3A_487 = arith.constant 7 : i32
      %dma_start3A_488 = arith.constant 896 : i32
      %dma_start3A_489 = tpu.memref_slice %arg19[%dma_start3A_488] : memref<2048xf32, #tpu.memory_space<vmem>> -> memref<128xf32, #tpu.memory_space<vmem>>
      %dma_start3A_490 = arith.constant 0 : i32
      %dma_start3A_491 = tpu.memref_slice %arg15[%dma_start3A_487, %dma_start3A_490] : memref<16x128xi32, #tpu.memory_space<vmem>> -> memref<1x128xi32, #tpu.memory_space<vmem>>
      %dma_start3A_492 = tpu.memref_squeeze %dma_start3A_491 : memref<1x128xi32, #tpu.memory_space<vmem>> -> memref<128xi32, #tpu.memory_space<vmem>>
      %dma_start3A_493 = arith.constant 0 : i32
      %dma_start3A_494 = tpu.memref_slice %arg21[%dma_start3A_493] : memref<819200xf32, #tpu.memory_space<vmem_shared>> -> memref<819200xf32, #tpu.memory_space<vmem_shared>>
      tpu.enqueue_indirect_dma source(%dma_start3A_489 : memref<128xf32, #tpu.memory_space<vmem>>) target(%dma_start3A_494 : memref<819200xf32, #tpu.memory_space<vmem_shared>>) offsets(%dma_start3A_492 : memref<128xi32, #tpu.memory_space<vmem>>) semaphore(%arg23 : memref<!tpu.dma_semaphore, #tpu.memory_space<semaphore_mem>>) {add = true}
      %dma_start3A_495 = arith.constant 8 : i32
      %dma_start3A_496 = arith.constant 1024 : i32
      %dma_start3A_497 = tpu.memref_slice %arg19[%dma_start3A_496] : memref<2048xf32, #tpu.memory_space<vmem>> -> memref<128xf32, #tpu.memory_space<vmem>>
      %dma_start3A_498 = arith.constant 0 : i32
      %dma_start3A_499 = tpu.memref_slice %arg15[%dma_start3A_495, %dma_start3A_498] : memref<16x128xi32, #tpu.memory_space<vmem>> -> memref<1x128xi32, #tpu.memory_space<vmem>>
      %dma_start3A_500 = tpu.memref_squeeze %dma_start3A_499 : memref<1x128xi32, #tpu.memory_space<vmem>> -> memref<128xi32, #tpu.memory_space<vmem>>
      %dma_start3A_501 = arith.constant 0 : i32
      %dma_start3A_502 = tpu.memref_slice %arg21[%dma_start3A_501] : memref<819200xf32, #tpu.memory_space<vmem_shared>> -> memref<819200xf32, #tpu.memory_space<vmem_shared>>
      tpu.enqueue_indirect_dma source(%dma_start3A_497 : memref<128xf32, #tpu.memory_space<vmem>>) target(%dma_start3A_502 : memref<819200xf32, #tpu.memory_space<vmem_shared>>) offsets(%dma_start3A_500 : memref<128xi32, #tpu.memory_space<vmem>>) semaphore(%arg23 : memref<!tpu.dma_semaphore, #tpu.memory_space<semaphore_mem>>) {add = true}
      %dma_start3A_503 = arith.constant 9 : i32
      %dma_start3A_504 = arith.constant 1152 : i32
      %dma_start3A_505 = tpu.memref_slice %arg19[%dma_start3A_504] : memref<2048xf32, #tpu.memory_space<vmem>> -> memref<128xf32, #tpu.memory_space<vmem>>
      %dma_start3A_506 = arith.constant 0 : i32
      %dma_start3A_507 = tpu.memref_slice %arg15[%dma_start3A_503, %dma_start3A_506] : memref<16x128xi32, #tpu.memory_space<vmem>> -> memref<1x128xi32, #tpu.memory_space<vmem>>
      %dma_start3A_508 = tpu.memref_squeeze %dma_start3A_507 : memref<1x128xi32, #tpu.memory_space<vmem>> -> memref<128xi32, #tpu.memory_space<vmem>>
      %dma_start3A_509 = arith.constant 0 : i32
      %dma_start3A_510 = tpu.memref_slice %arg21[%dma_start3A_509] : memref<819200xf32, #tpu.memory_space<vmem_shared>> -> memref<819200xf32, #tpu.memory_space<vmem_shared>>
      tpu.enqueue_indirect_dma source(%dma_start3A_505 : memref<128xf32, #tpu.memory_space<vmem>>) target(%dma_start3A_510 : memref<819200xf32, #tpu.memory_space<vmem_shared>>) offsets(%dma_start3A_508 : memref<128xi32, #tpu.memory_space<vmem>>) semaphore(%arg23 : memref<!tpu.dma_semaphore, #tpu.memory_space<semaphore_mem>>) {add = true}
      %dma_start3A_511 = arith.constant 10 : i32
      %dma_start3A_512 = arith.constant 1280 : i32
      %dma_start3A_513 = tpu.memref_slice %arg19[%dma_start3A_512] : memref<2048xf32, #tpu.memory_space<vmem>> -> memref<128xf32, #tpu.memory_space<vmem>>
      %dma_start3A_514 = arith.constant 0 : i32
      %dma_start3A_515 = tpu.memref_slice %arg15[%dma_start3A_511, %dma_start3A_514] : memref<16x128xi32, #tpu.memory_space<vmem>> -> memref<1x128xi32, #tpu.memory_space<vmem>>
      %dma_start3A_516 = tpu.memref_squeeze %dma_start3A_515 : memref<1x128xi32, #tpu.memory_space<vmem>> -> memref<128xi32, #tpu.memory_space<vmem>>
      %dma_start3A_517 = arith.constant 0 : i32
      %dma_start3A_518 = tpu.memref_slice %arg21[%dma_start3A_517] : memref<819200xf32, #tpu.memory_space<vmem_shared>> -> memref<819200xf32, #tpu.memory_space<vmem_shared>>
      tpu.enqueue_indirect_dma source(%dma_start3A_513 : memref<128xf32, #tpu.memory_space<vmem>>) target(%dma_start3A_518 : memref<819200xf32, #tpu.memory_space<vmem_shared>>) offsets(%dma_start3A_516 : memref<128xi32, #tpu.memory_space<vmem>>) semaphore(%arg23 : memref<!tpu.dma_semaphore, #tpu.memory_space<semaphore_mem>>) {add = true}
      %dma_start3A_519 = arith.constant 11 : i32
      %dma_start3A_520 = arith.constant 1408 : i32
      %dma_start3A_521 = tpu.memref_slice %arg19[%dma_start3A_520] : memref<2048xf32, #tpu.memory_space<vmem>> -> memref<128xf32, #tpu.memory_space<vmem>>
      %dma_start3A_522 = arith.constant 0 : i32
      %dma_start3A_523 = tpu.memref_slice %arg15[%dma_start3A_519, %dma_start3A_522] : memref<16x128xi32, #tpu.memory_space<vmem>> -> memref<1x128xi32, #tpu.memory_space<vmem>>
      %dma_start3A_524 = tpu.memref_squeeze %dma_start3A_523 : memref<1x128xi32, #tpu.memory_space<vmem>> -> memref<128xi32, #tpu.memory_space<vmem>>
      %dma_start3A_525 = arith.constant 0 : i32
      %dma_start3A_526 = tpu.memref_slice %arg21[%dma_start3A_525] : memref<819200xf32, #tpu.memory_space<vmem_shared>> -> memref<819200xf32, #tpu.memory_space<vmem_shared>>
      tpu.enqueue_indirect_dma source(%dma_start3A_521 : memref<128xf32, #tpu.memory_space<vmem>>) target(%dma_start3A_526 : memref<819200xf32, #tpu.memory_space<vmem_shared>>) offsets(%dma_start3A_524 : memref<128xi32, #tpu.memory_space<vmem>>) semaphore(%arg23 : memref<!tpu.dma_semaphore, #tpu.memory_space<semaphore_mem>>) {add = true}
      %dma_start3A_527 = arith.constant 12 : i32
      %dma_start3A_528 = arith.constant 1536 : i32
      %dma_start3A_529 = tpu.memref_slice %arg19[%dma_start3A_528] : memref<2048xf32, #tpu.memory_space<vmem>> -> memref<128xf32, #tpu.memory_space<vmem>>
      %dma_start3A_530 = arith.constant 0 : i32
      %dma_start3A_531 = tpu.memref_slice %arg15[%dma_start3A_527, %dma_start3A_530] : memref<16x128xi32, #tpu.memory_space<vmem>> -> memref<1x128xi32, #tpu.memory_space<vmem>>
      %dma_start3A_532 = tpu.memref_squeeze %dma_start3A_531 : memref<1x128xi32, #tpu.memory_space<vmem>> -> memref<128xi32, #tpu.memory_space<vmem>>
      %dma_start3A_533 = arith.constant 0 : i32
      %dma_start3A_534 = tpu.memref_slice %arg21[%dma_start3A_533] : memref<819200xf32, #tpu.memory_space<vmem_shared>> -> memref<819200xf32, #tpu.memory_space<vmem_shared>>
      tpu.enqueue_indirect_dma source(%dma_start3A_529 : memref<128xf32, #tpu.memory_space<vmem>>) target(%dma_start3A_534 : memref<819200xf32, #tpu.memory_space<vmem_shared>>) offsets(%dma_start3A_532 : memref<128xi32, #tpu.memory_space<vmem>>) semaphore(%arg23 : memref<!tpu.dma_semaphore, #tpu.memory_space<semaphore_mem>>) {add = true}
      %dma_start3A_535 = arith.constant 13 : i32
      %dma_start3A_536 = arith.constant 1664 : i32
      %dma_start3A_537 = tpu.memref_slice %arg19[%dma_start3A_536] : memref<2048xf32, #tpu.memory_space<vmem>> -> memref<128xf32, #tpu.memory_space<vmem>>
      %dma_start3A_538 = arith.constant 0 : i32
      %dma_start3A_539 = tpu.memref_slice %arg15[%dma_start3A_535, %dma_start3A_538] : memref<16x128xi32, #tpu.memory_space<vmem>> -> memref<1x128xi32, #tpu.memory_space<vmem>>
      %dma_start3A_540 = tpu.memref_squeeze %dma_start3A_539 : memref<1x128xi32, #tpu.memory_space<vmem>> -> memref<128xi32, #tpu.memory_space<vmem>>
      %dma_start3A_541 = arith.constant 0 : i32
      %dma_start3A_542 = tpu.memref_slice %arg21[%dma_start3A_541] : memref<819200xf32, #tpu.memory_space<vmem_shared>> -> memref<819200xf32, #tpu.memory_space<vmem_shared>>
      tpu.enqueue_indirect_dma source(%dma_start3A_537 : memref<128xf32, #tpu.memory_space<vmem>>) target(%dma_start3A_542 : memref<819200xf32, #tpu.memory_space<vmem_shared>>) offsets(%dma_start3A_540 : memref<128xi32, #tpu.memory_space<vmem>>) semaphore(%arg23 : memref<!tpu.dma_semaphore, #tpu.memory_space<semaphore_mem>>) {add = true}
      %dma_start3A_543 = arith.constant 14 : i32
      %dma_start3A_544 = arith.constant 1792 : i32
      %dma_start3A_545 = tpu.memref_slice %arg19[%dma_start3A_544] : memref<2048xf32, #tpu.memory_space<vmem>> -> memref<128xf32, #tpu.memory_space<vmem>>
      %dma_start3A_546 = arith.constant 0 : i32
      %dma_start3A_547 = tpu.memref_slice %arg15[%dma_start3A_543, %dma_start3A_546] : memref<16x128xi32, #tpu.memory_space<vmem>> -> memref<1x128xi32, #tpu.memory_space<vmem>>
      %dma_start3A_548 = tpu.memref_squeeze %dma_start3A_547 : memref<1x128xi32, #tpu.memory_space<vmem>> -> memref<128xi32, #tpu.memory_space<vmem>>
      %dma_start3A_549 = arith.constant 0 : i32
      %dma_start3A_550 = tpu.memref_slice %arg21[%dma_start3A_549] : memref<819200xf32, #tpu.memory_space<vmem_shared>> -> memref<819200xf32, #tpu.memory_space<vmem_shared>>
      tpu.enqueue_indirect_dma source(%dma_start3A_545 : memref<128xf32, #tpu.memory_space<vmem>>) target(%dma_start3A_550 : memref<819200xf32, #tpu.memory_space<vmem_shared>>) offsets(%dma_start3A_548 : memref<128xi32, #tpu.memory_space<vmem>>) semaphore(%arg23 : memref<!tpu.dma_semaphore, #tpu.memory_space<semaphore_mem>>) {add = true}
      %dma_start3A_551 = arith.constant 15 : i32
      %dma_start3A_552 = arith.constant 1920 : i32
      %dma_start3A_553 = tpu.memref_slice %arg19[%dma_start3A_552] : memref<2048xf32, #tpu.memory_space<vmem>> -> memref<128xf32, #tpu.memory_space<vmem>>
      %dma_start3A_554 = arith.constant 0 : i32
      %dma_start3A_555 = tpu.memref_slice %arg15[%dma_start3A_551, %dma_start3A_554] : memref<16x128xi32, #tpu.memory_space<vmem>> -> memref<1x128xi32, #tpu.memory_space<vmem>>
      %dma_start3A_556 = tpu.memref_squeeze %dma_start3A_555 : memref<1x128xi32, #tpu.memory_space<vmem>> -> memref<128xi32, #tpu.memory_space<vmem>>
      %dma_start3A_557 = arith.constant 0 : i32
      %dma_start3A_558 = tpu.memref_slice %arg21[%dma_start3A_557] : memref<819200xf32, #tpu.memory_space<vmem_shared>> -> memref<819200xf32, #tpu.memory_space<vmem_shared>>
      tpu.enqueue_indirect_dma source(%dma_start3A_553 : memref<128xf32, #tpu.memory_space<vmem>>) target(%dma_start3A_558 : memref<819200xf32, #tpu.memory_space<vmem_shared>>) offsets(%dma_start3A_556 : memref<128xi32, #tpu.memory_space<vmem>>) semaphore(%arg23 : memref<!tpu.dma_semaphore, #tpu.memory_space<semaphore_mem>>) {add = true}
      %dma_wait3A_559 = arith.constant 0 : i32
      %dma_wait3A_560 = arith.constant 0 : i32
      %dma_wait3A_561 = tpu.memref_slice %arg18[%dma_wait3A_560] : memref<2048xf32, #tpu.memory_space<vmem>> -> memref<128xf32, #tpu.memory_space<vmem>>
      %dma_wait3A_562 = arith.constant 0 : i32
      %dma_wait3A_563 = tpu.memref_slice %arg14[%dma_wait3A_559, %dma_wait3A_562] : memref<16x128xi32, #tpu.memory_space<vmem>> -> memref<1x128xi32, #tpu.memory_space<vmem>>
      %dma_wait3A_564 = tpu.memref_squeeze %dma_wait3A_563 : memref<1x128xi32, #tpu.memory_space<vmem>> -> memref<128xi32, #tpu.memory_space<vmem>>
      %dma_wait3A_565 = arith.constant 0 : i32
      %dma_wait3A_566 = tpu.memref_slice %arg21[%dma_wait3A_565] : memref<819200xf32, #tpu.memory_space<vmem_shared>> -> memref<819200xf32, #tpu.memory_space<vmem_shared>>
      tpu.wait_indirect_dma semaphore(%arg23 : memref<!tpu.dma_semaphore, #tpu.memory_space<semaphore_mem>>) src(%dma_wait3A_561 : memref<128xf32, #tpu.memory_space<vmem>>) dst(%dma_wait3A_566 : memref<819200xf32, #tpu.memory_space<vmem_shared>>)
      %dma_wait3A_567 = arith.constant 1 : i32
      %dma_wait3A_568 = arith.constant 128 : i32
      %dma_wait3A_569 = tpu.memref_slice %arg18[%dma_wait3A_568] : memref<2048xf32, #tpu.memory_space<vmem>> -> memref<128xf32, #tpu.memory_space<vmem>>
      %dma_wait3A_570 = arith.constant 0 : i32
      %dma_wait3A_571 = tpu.memref_slice %arg14[%dma_wait3A_567, %dma_wait3A_570] : memref<16x128xi32, #tpu.memory_space<vmem>> -> memref<1x128xi32, #tpu.memory_space<vmem>>
      %dma_wait3A_572 = tpu.memref_squeeze %dma_wait3A_571 : memref<1x128xi32, #tpu.memory_space<vmem>> -> memref<128xi32, #tpu.memory_space<vmem>>
      %dma_wait3A_573 = arith.constant 0 : i32
      %dma_wait3A_574 = tpu.memref_slice %arg21[%dma_wait3A_573] : memref<819200xf32, #tpu.memory_space<vmem_shared>> -> memref<819200xf32, #tpu.memory_space<vmem_shared>>
      tpu.wait_indirect_dma semaphore(%arg23 : memref<!tpu.dma_semaphore, #tpu.memory_space<semaphore_mem>>) src(%dma_wait3A_569 : memref<128xf32, #tpu.memory_space<vmem>>) dst(%dma_wait3A_574 : memref<819200xf32, #tpu.memory_space<vmem_shared>>)
      %dma_wait3A_575 = arith.constant 2 : i32
      %dma_wait3A_576 = arith.constant 256 : i32
      %dma_wait3A_577 = tpu.memref_slice %arg18[%dma_wait3A_576] : memref<2048xf32, #tpu.memory_space<vmem>> -> memref<128xf32, #tpu.memory_space<vmem>>
      %dma_wait3A_578 = arith.constant 0 : i32
      %dma_wait3A_579 = tpu.memref_slice %arg14[%dma_wait3A_575, %dma_wait3A_578] : memref<16x128xi32, #tpu.memory_space<vmem>> -> memref<1x128xi32, #tpu.memory_space<vmem>>
      %dma_wait3A_580 = tpu.memref_squeeze %dma_wait3A_579 : memref<1x128xi32, #tpu.memory_space<vmem>> -> memref<128xi32, #tpu.memory_space<vmem>>
      %dma_wait3A_581 = arith.constant 0 : i32
      %dma_wait3A_582 = tpu.memref_slice %arg21[%dma_wait3A_581] : memref<819200xf32, #tpu.memory_space<vmem_shared>> -> memref<819200xf32, #tpu.memory_space<vmem_shared>>
      tpu.wait_indirect_dma semaphore(%arg23 : memref<!tpu.dma_semaphore, #tpu.memory_space<semaphore_mem>>) src(%dma_wait3A_577 : memref<128xf32, #tpu.memory_space<vmem>>) dst(%dma_wait3A_582 : memref<819200xf32, #tpu.memory_space<vmem_shared>>)
      %dma_wait3A_583 = arith.constant 3 : i32
      %dma_wait3A_584 = arith.constant 384 : i32
      %dma_wait3A_585 = tpu.memref_slice %arg18[%dma_wait3A_584] : memref<2048xf32, #tpu.memory_space<vmem>> -> memref<128xf32, #tpu.memory_space<vmem>>
      %dma_wait3A_586 = arith.constant 0 : i32
      %dma_wait3A_587 = tpu.memref_slice %arg14[%dma_wait3A_583, %dma_wait3A_586] : memref<16x128xi32, #tpu.memory_space<vmem>> -> memref<1x128xi32, #tpu.memory_space<vmem>>
      %dma_wait3A_588 = tpu.memref_squeeze %dma_wait3A_587 : memref<1x128xi32, #tpu.memory_space<vmem>> -> memref<128xi32, #tpu.memory_space<vmem>>
      %dma_wait3A_589 = arith.constant 0 : i32
      %dma_wait3A_590 = tpu.memref_slice %arg21[%dma_wait3A_589] : memref<819200xf32, #tpu.memory_space<vmem_shared>> -> memref<819200xf32, #tpu.memory_space<vmem_shared>>
      tpu.wait_indirect_dma semaphore(%arg23 : memref<!tpu.dma_semaphore, #tpu.memory_space<semaphore_mem>>) src(%dma_wait3A_585 : memref<128xf32, #tpu.memory_space<vmem>>) dst(%dma_wait3A_590 : memref<819200xf32, #tpu.memory_space<vmem_shared>>)
      %dma_wait3A_591 = arith.constant 4 : i32
      %dma_wait3A_592 = arith.constant 512 : i32
      %dma_wait3A_593 = tpu.memref_slice %arg18[%dma_wait3A_592] : memref<2048xf32, #tpu.memory_space<vmem>> -> memref<128xf32, #tpu.memory_space<vmem>>
      %dma_wait3A_594 = arith.constant 0 : i32
      %dma_wait3A_595 = tpu.memref_slice %arg14[%dma_wait3A_591, %dma_wait3A_594] : memref<16x128xi32, #tpu.memory_space<vmem>> -> memref<1x128xi32, #tpu.memory_space<vmem>>
      %dma_wait3A_596 = tpu.memref_squeeze %dma_wait3A_595 : memref<1x128xi32, #tpu.memory_space<vmem>> -> memref<128xi32, #tpu.memory_space<vmem>>
      %dma_wait3A_597 = arith.constant 0 : i32
      %dma_wait3A_598 = tpu.memref_slice %arg21[%dma_wait3A_597] : memref<819200xf32, #tpu.memory_space<vmem_shared>> -> memref<819200xf32, #tpu.memory_space<vmem_shared>>
      tpu.wait_indirect_dma semaphore(%arg23 : memref<!tpu.dma_semaphore, #tpu.memory_space<semaphore_mem>>) src(%dma_wait3A_593 : memref<128xf32, #tpu.memory_space<vmem>>) dst(%dma_wait3A_598 : memref<819200xf32, #tpu.memory_space<vmem_shared>>)
      %dma_wait3A_599 = arith.constant 5 : i32
      %dma_wait3A_600 = arith.constant 640 : i32
      %dma_wait3A_601 = tpu.memref_slice %arg18[%dma_wait3A_600] : memref<2048xf32, #tpu.memory_space<vmem>> -> memref<128xf32, #tpu.memory_space<vmem>>
      %dma_wait3A_602 = arith.constant 0 : i32
      %dma_wait3A_603 = tpu.memref_slice %arg14[%dma_wait3A_599, %dma_wait3A_602] : memref<16x128xi32, #tpu.memory_space<vmem>> -> memref<1x128xi32, #tpu.memory_space<vmem>>
      %dma_wait3A_604 = tpu.memref_squeeze %dma_wait3A_603 : memref<1x128xi32, #tpu.memory_space<vmem>> -> memref<128xi32, #tpu.memory_space<vmem>>
      %dma_wait3A_605 = arith.constant 0 : i32
      %dma_wait3A_606 = tpu.memref_slice %arg21[%dma_wait3A_605] : memref<819200xf32, #tpu.memory_space<vmem_shared>> -> memref<819200xf32, #tpu.memory_space<vmem_shared>>
      tpu.wait_indirect_dma semaphore(%arg23 : memref<!tpu.dma_semaphore, #tpu.memory_space<semaphore_mem>>) src(%dma_wait3A_601 : memref<128xf32, #tpu.memory_space<vmem>>) dst(%dma_wait3A_606 : memref<819200xf32, #tpu.memory_space<vmem_shared>>)
      %dma_wait3A_607 = arith.constant 6 : i32
      %dma_wait3A_608 = arith.constant 768 : i32
      %dma_wait3A_609 = tpu.memref_slice %arg18[%dma_wait3A_608] : memref<2048xf32, #tpu.memory_space<vmem>> -> memref<128xf32, #tpu.memory_space<vmem>>
      %dma_wait3A_610 = arith.constant 0 : i32
      %dma_wait3A_611 = tpu.memref_slice %arg14[%dma_wait3A_607, %dma_wait3A_610] : memref<16x128xi32, #tpu.memory_space<vmem>> -> memref<1x128xi32, #tpu.memory_space<vmem>>
      %dma_wait3A_612 = tpu.memref_squeeze %dma_wait3A_611 : memref<1x128xi32, #tpu.memory_space<vmem>> -> memref<128xi32, #tpu.memory_space<vmem>>
      %dma_wait3A_613 = arith.constant 0 : i32
      %dma_wait3A_614 = tpu.memref_slice %arg21[%dma_wait3A_613] : memref<819200xf32, #tpu.memory_space<vmem_shared>> -> memref<819200xf32, #tpu.memory_space<vmem_shared>>
      tpu.wait_indirect_dma semaphore(%arg23 : memref<!tpu.dma_semaphore, #tpu.memory_space<semaphore_mem>>) src(%dma_wait3A_609 : memref<128xf32, #tpu.memory_space<vmem>>) dst(%dma_wait3A_614 : memref<819200xf32, #tpu.memory_space<vmem_shared>>)
      %dma_wait3A_615 = arith.constant 7 : i32
      %dma_wait3A_616 = arith.constant 896 : i32
      %dma_wait3A_617 = tpu.memref_slice %arg18[%dma_wait3A_616] : memref<2048xf32, #tpu.memory_space<vmem>> -> memref<128xf32, #tpu.memory_space<vmem>>
      %dma_wait3A_618 = arith.constant 0 : i32
      %dma_wait3A_619 = tpu.memref_slice %arg14[%dma_wait3A_615, %dma_wait3A_618] : memref<16x128xi32, #tpu.memory_space<vmem>> -> memref<1x128xi32, #tpu.memory_space<vmem>>
      %dma_wait3A_620 = tpu.memref_squeeze %dma_wait3A_619 : memref<1x128xi32, #tpu.memory_space<vmem>> -> memref<128xi32, #tpu.memory_space<vmem>>
      %dma_wait3A_621 = arith.constant 0 : i32
      %dma_wait3A_622 = tpu.memref_slice %arg21[%dma_wait3A_621] : memref<819200xf32, #tpu.memory_space<vmem_shared>> -> memref<819200xf32, #tpu.memory_space<vmem_shared>>
      tpu.wait_indirect_dma semaphore(%arg23 : memref<!tpu.dma_semaphore, #tpu.memory_space<semaphore_mem>>) src(%dma_wait3A_617 : memref<128xf32, #tpu.memory_space<vmem>>) dst(%dma_wait3A_622 : memref<819200xf32, #tpu.memory_space<vmem_shared>>)
      %dma_wait3A_623 = arith.constant 8 : i32
      %dma_wait3A_624 = arith.constant 1024 : i32
      %dma_wait3A_625 = tpu.memref_slice %arg18[%dma_wait3A_624] : memref<2048xf32, #tpu.memory_space<vmem>> -> memref<128xf32, #tpu.memory_space<vmem>>
      %dma_wait3A_626 = arith.constant 0 : i32
      %dma_wait3A_627 = tpu.memref_slice %arg14[%dma_wait3A_623, %dma_wait3A_626] : memref<16x128xi32, #tpu.memory_space<vmem>> -> memref<1x128xi32, #tpu.memory_space<vmem>>
      %dma_wait3A_628 = tpu.memref_squeeze %dma_wait3A_627 : memref<1x128xi32, #tpu.memory_space<vmem>> -> memref<128xi32, #tpu.memory_space<vmem>>
      %dma_wait3A_629 = arith.constant 0 : i32
      %dma_wait3A_630 = tpu.memref_slice %arg21[%dma_wait3A_629] : memref<819200xf32, #tpu.memory_space<vmem_shared>> -> memref<819200xf32, #tpu.memory_space<vmem_shared>>
      tpu.wait_indirect_dma semaphore(%arg23 : memref<!tpu.dma_semaphore, #tpu.memory_space<semaphore_mem>>) src(%dma_wait3A_625 : memref<128xf32, #tpu.memory_space<vmem>>) dst(%dma_wait3A_630 : memref<819200xf32, #tpu.memory_space<vmem_shared>>)
      %dma_wait3A_631 = arith.constant 9 : i32
      %dma_wait3A_632 = arith.constant 1152 : i32
      %dma_wait3A_633 = tpu.memref_slice %arg18[%dma_wait3A_632] : memref<2048xf32, #tpu.memory_space<vmem>> -> memref<128xf32, #tpu.memory_space<vmem>>
      %dma_wait3A_634 = arith.constant 0 : i32
      %dma_wait3A_635 = tpu.memref_slice %arg14[%dma_wait3A_631, %dma_wait3A_634] : memref<16x128xi32, #tpu.memory_space<vmem>> -> memref<1x128xi32, #tpu.memory_space<vmem>>
      %dma_wait3A_636 = tpu.memref_squeeze %dma_wait3A_635 : memref<1x128xi32, #tpu.memory_space<vmem>> -> memref<128xi32, #tpu.memory_space<vmem>>
      %dma_wait3A_637 = arith.constant 0 : i32
      %dma_wait3A_638 = tpu.memref_slice %arg21[%dma_wait3A_637] : memref<819200xf32, #tpu.memory_space<vmem_shared>> -> memref<819200xf32, #tpu.memory_space<vmem_shared>>
      tpu.wait_indirect_dma semaphore(%arg23 : memref<!tpu.dma_semaphore, #tpu.memory_space<semaphore_mem>>) src(%dma_wait3A_633 : memref<128xf32, #tpu.memory_space<vmem>>) dst(%dma_wait3A_638 : memref<819200xf32, #tpu.memory_space<vmem_shared>>)
      %dma_wait3A_639 = arith.constant 10 : i32
      %dma_wait3A_640 = arith.constant 1280 : i32
      %dma_wait3A_641 = tpu.memref_slice %arg18[%dma_wait3A_640] : memref<2048xf32, #tpu.memory_space<vmem>> -> memref<128xf32, #tpu.memory_space<vmem>>
      %dma_wait3A_642 = arith.constant 0 : i32
      %dma_wait3A_643 = tpu.memref_slice %arg14[%dma_wait3A_639, %dma_wait3A_642] : memref<16x128xi32, #tpu.memory_space<vmem>> -> memref<1x128xi32, #tpu.memory_space<vmem>>
      %dma_wait3A_644 = tpu.memref_squeeze %dma_wait3A_643 : memref<1x128xi32, #tpu.memory_space<vmem>> -> memref<128xi32, #tpu.memory_space<vmem>>
      %dma_wait3A_645 = arith.constant 0 : i32
      %dma_wait3A_646 = tpu.memref_slice %arg21[%dma_wait3A_645] : memref<819200xf32, #tpu.memory_space<vmem_shared>> -> memref<819200xf32, #tpu.memory_space<vmem_shared>>
      tpu.wait_indirect_dma semaphore(%arg23 : memref<!tpu.dma_semaphore, #tpu.memory_space<semaphore_mem>>) src(%dma_wait3A_641 : memref<128xf32, #tpu.memory_space<vmem>>) dst(%dma_wait3A_646 : memref<819200xf32, #tpu.memory_space<vmem_shared>>)
      %dma_wait3A_647 = arith.constant 11 : i32
      %dma_wait3A_648 = arith.constant 1408 : i32
      %dma_wait3A_649 = tpu.memref_slice %arg18[%dma_wait3A_648] : memref<2048xf32, #tpu.memory_space<vmem>> -> memref<128xf32, #tpu.memory_space<vmem>>
      %dma_wait3A_650 = arith.constant 0 : i32
      %dma_wait3A_651 = tpu.memref_slice %arg14[%dma_wait3A_647, %dma_wait3A_650] : memref<16x128xi32, #tpu.memory_space<vmem>> -> memref<1x128xi32, #tpu.memory_space<vmem>>
      %dma_wait3A_652 = tpu.memref_squeeze %dma_wait3A_651 : memref<1x128xi32, #tpu.memory_space<vmem>> -> memref<128xi32, #tpu.memory_space<vmem>>
      %dma_wait3A_653 = arith.constant 0 : i32
      %dma_wait3A_654 = tpu.memref_slice %arg21[%dma_wait3A_653] : memref<819200xf32, #tpu.memory_space<vmem_shared>> -> memref<819200xf32, #tpu.memory_space<vmem_shared>>
      tpu.wait_indirect_dma semaphore(%arg23 : memref<!tpu.dma_semaphore, #tpu.memory_space<semaphore_mem>>) src(%dma_wait3A_649 : memref<128xf32, #tpu.memory_space<vmem>>) dst(%dma_wait3A_654 : memref<819200xf32, #tpu.memory_space<vmem_shared>>)
      %dma_wait3A_655 = arith.constant 12 : i32
      %dma_wait3A_656 = arith.constant 1536 : i32
      %dma_wait3A_657 = tpu.memref_slice %arg18[%dma_wait3A_656] : memref<2048xf32, #tpu.memory_space<vmem>> -> memref<128xf32, #tpu.memory_space<vmem>>
      %dma_wait3A_658 = arith.constant 0 : i32
      %dma_wait3A_659 = tpu.memref_slice %arg14[%dma_wait3A_655, %dma_wait3A_658] : memref<16x128xi32, #tpu.memory_space<vmem>> -> memref<1x128xi32, #tpu.memory_space<vmem>>
      %dma_wait3A_660 = tpu.memref_squeeze %dma_wait3A_659 : memref<1x128xi32, #tpu.memory_space<vmem>> -> memref<128xi32, #tpu.memory_space<vmem>>
      %dma_wait3A_661 = arith.constant 0 : i32
      %dma_wait3A_662 = tpu.memref_slice %arg21[%dma_wait3A_661] : memref<819200xf32, #tpu.memory_space<vmem_shared>> -> memref<819200xf32, #tpu.memory_space<vmem_shared>>
      tpu.wait_indirect_dma semaphore(%arg23 : memref<!tpu.dma_semaphore, #tpu.memory_space<semaphore_mem>>) src(%dma_wait3A_657 : memref<128xf32, #tpu.memory_space<vmem>>) dst(%dma_wait3A_662 : memref<819200xf32, #tpu.memory_space<vmem_shared>>)
      %dma_wait3A_663 = arith.constant 13 : i32
      %dma_wait3A_664 = arith.constant 1664 : i32
      %dma_wait3A_665 = tpu.memref_slice %arg18[%dma_wait3A_664] : memref<2048xf32, #tpu.memory_space<vmem>> -> memref<128xf32, #tpu.memory_space<vmem>>
      %dma_wait3A_666 = arith.constant 0 : i32
      %dma_wait3A_667 = tpu.memref_slice %arg14[%dma_wait3A_663, %dma_wait3A_666] : memref<16x128xi32, #tpu.memory_space<vmem>> -> memref<1x128xi32, #tpu.memory_space<vmem>>
      %dma_wait3A_668 = tpu.memref_squeeze %dma_wait3A_667 : memref<1x128xi32, #tpu.memory_space<vmem>> -> memref<128xi32, #tpu.memory_space<vmem>>
      %dma_wait3A_669 = arith.constant 0 : i32
      %dma_wait3A_670 = tpu.memref_slice %arg21[%dma_wait3A_669] : memref<819200xf32, #tpu.memory_space<vmem_shared>> -> memref<819200xf32, #tpu.memory_space<vmem_shared>>
      tpu.wait_indirect_dma semaphore(%arg23 : memref<!tpu.dma_semaphore, #tpu.memory_space<semaphore_mem>>) src(%dma_wait3A_665 : memref<128xf32, #tpu.memory_space<vmem>>) dst(%dma_wait3A_670 : memref<819200xf32, #tpu.memory_space<vmem_shared>>)
      %dma_wait3A_671 = arith.constant 14 : i32
      %dma_wait3A_672 = arith.constant 1792 : i32
      %dma_wait3A_673 = tpu.memref_slice %arg18[%dma_wait3A_672] : memref<2048xf32, #tpu.memory_space<vmem>> -> memref<128xf32, #tpu.memory_space<vmem>>
      %dma_wait3A_674 = arith.constant 0 : i32
      %dma_wait3A_675 = tpu.memref_slice %arg14[%dma_wait3A_671, %dma_wait3A_674] : memref<16x128xi32, #tpu.memory_space<vmem>> -> memref<1x128xi32, #tpu.memory_space<vmem>>
      %dma_wait3A_676 = tpu.memref_squeeze %dma_wait3A_675 : memref<1x128xi32, #tpu.memory_space<vmem>> -> memref<128xi32, #tpu.memory_space<vmem>>
      %dma_wait3A_677 = arith.constant 0 : i32
      %dma_wait3A_678 = tpu.memref_slice %arg21[%dma_wait3A_677] : memref<819200xf32, #tpu.memory_space<vmem_shared>> -> memref<819200xf32, #tpu.memory_space<vmem_shared>>
      tpu.wait_indirect_dma semaphore(%arg23 : memref<!tpu.dma_semaphore, #tpu.memory_space<semaphore_mem>>) src(%dma_wait3A_673 : memref<128xf32, #tpu.memory_space<vmem>>) dst(%dma_wait3A_678 : memref<819200xf32, #tpu.memory_space<vmem_shared>>)
      %dma_wait3A_679 = arith.constant 15 : i32
      %dma_wait3A_680 = arith.constant 1920 : i32
      %dma_wait3A_681 = tpu.memref_slice %arg18[%dma_wait3A_680] : memref<2048xf32, #tpu.memory_space<vmem>> -> memref<128xf32, #tpu.memory_space<vmem>>
      %dma_wait3A_682 = arith.constant 0 : i32
      %dma_wait3A_683 = tpu.memref_slice %arg14[%dma_wait3A_679, %dma_wait3A_682] : memref<16x128xi32, #tpu.memory_space<vmem>> -> memref<1x128xi32, #tpu.memory_space<vmem>>
      %dma_wait3A_684 = tpu.memref_squeeze %dma_wait3A_683 : memref<1x128xi32, #tpu.memory_space<vmem>> -> memref<128xi32, #tpu.memory_space<vmem>>
      %dma_wait3A_685 = arith.constant 0 : i32
      %dma_wait3A_686 = tpu.memref_slice %arg21[%dma_wait3A_685] : memref<819200xf32, #tpu.memory_space<vmem_shared>> -> memref<819200xf32, #tpu.memory_space<vmem_shared>>
      tpu.wait_indirect_dma semaphore(%arg23 : memref<!tpu.dma_semaphore, #tpu.memory_space<semaphore_mem>>) src(%dma_wait3A_681 : memref<128xf32, #tpu.memory_space<vmem>>) dst(%dma_wait3A_686 : memref<819200xf32, #tpu.memory_space<vmem_shared>>)
      %add3A_687 = arith.constant 2 : i32
      %add3A_688 = arith.addi %mul3A_241, %add3A_687 : i32
      %min3A = arith.constant 49 : i32
      %min3A_689 = arith.minsi %add3A_688, %min3A : i32
      %mul3A_690 = arith.constant 2048 : i32
      %mul3A_691 = arith.muli %min3A_689, %mul3A_690 : i32
      %add3A_692 = arith.addi %mul3A_177, %mul3A_691 : i32
      %multiple_of3A_693 = tpu.assume_multiple %add3A_692, 2048 : i32
      %jit3A_694 = arith.constant 128 : i32
      %div3A_695 = arith.divsi %multiple_of3A_693, %jit3A_694 : i32
      %sign3A_696 = arith.constant 0 : i32
      %sign3A_697 = arith.cmpi sgt, %multiple_of3A_693, %sign3A_696 : i32
      %sign3A_698 = arith.extui %sign3A_697 : i1 to i32
      %sign3A_699 = arith.constant 0 : i32
      %sign3A_700 = arith.cmpi slt, %multiple_of3A_693, %sign3A_699 : i32
      %sign3A_701 = arith.extui %sign3A_700 : i1 to i32
      %sign3A_702 = arith.subi %sign3A_698, %sign3A_701 : i32
      %sign3A_703 = arith.constant 0 : i32
      %sign3A_704 = arith.cmpi sgt, %jit3A_694, %sign3A_703 : i32
      %sign3A_705 = arith.extui %sign3A_704 : i1 to i32
      %sign3A_706 = arith.constant 0 : i32
      %sign3A_707 = arith.cmpi slt, %jit3A_694, %sign3A_706 : i32
      %sign3A_708 = arith.extui %sign3A_707 : i1 to i32
      %sign3A_709 = arith.subi %sign3A_705, %sign3A_708 : i32
      %ne3A_710 = arith.cmpi ne, %sign3A_702, %sign3A_709 : i32
      %rem3A_711 = arith.remsi %multiple_of3A_693, %jit3A_694 : i32
      %ne3A_712 = arith.constant 0 : i32
      %ne3A_713 = arith.cmpi ne, %rem3A_711, %ne3A_712 : i32
      %and3A_714 = arith.andi %ne3A_710, %ne3A_713 : i1
      %sub3A_715 = arith.constant 1 : i32
      %sub3A_716 = arith.subi %div3A_695, %sub3A_715 : i32
      %select_n3A_717 = arith.select %and3A_714, %sub3A_716, %div3A_695 : i32
      %multiple_of3A_718 = tpu.assume_multiple %select_n3A_717, 16 : i32
      %dma_start3A_719 = arith.constant 0 : i32
      %dma_start3A_720 = tpu.memref_slice %arg9[%multiple_of3A_718, %dma_start3A_719] : memref<25600x128xi32, #tpu.memory_space<hbm>> -> memref<16x128xi32, #tpu.memory_space<hbm>>
      %dma_start3A_721 = arith.constant 0 : i32
      %dma_start3A_722 = tpu.memref_slice %arg9[%multiple_of3A_718, %dma_start3A_721] : memref<25600x128xi32, #tpu.memory_space<hbm>> -> memref<16x128xi32, #tpu.memory_space<hbm>>
      tpu.enqueue_dma source(%dma_start3A_722 : memref<16x128xi32, #tpu.memory_space<hbm>>) target(%arg14 : memref<16x128xi32, #tpu.memory_space<vmem>>) target_semaphore(%arg22 : memref<!tpu.dma_semaphore, #tpu.memory_space<semaphore_mem>>)
      %dma_start3A_723 = tpu.memref_slice %arg10[%multiple_of3A_693] : memref<3276800xi32, #tpu.memory_space<hbm>> -> memref<2048xi32, #tpu.memory_space<hbm>>
      %dma_start3A_724 = tpu.memref_slice %arg10[%multiple_of3A_693] : memref<3276800xi32, #tpu.memory_space<hbm>> -> memref<2048xi32, #tpu.memory_space<hbm>>
      tpu.enqueue_dma source(%dma_start3A_724 : memref<2048xi32, #tpu.memory_space<hbm>>) target(%arg16 : memref<2048xi32, #tpu.memory_space<vmem>>) target_semaphore(%arg22 : memref<!tpu.dma_semaphore, #tpu.memory_space<semaphore_mem>>)
      %dma_start3A_725 = tpu.memref_slice %arg11[%multiple_of3A_693] : memref<3276800xf32, #tpu.memory_space<hbm>> -> memref<2048xf32, #tpu.memory_space<hbm>>
      %dma_start3A_726 = tpu.memref_slice %arg11[%multiple_of3A_693] : memref<3276800xf32, #tpu.memory_space<hbm>> -> memref<2048xf32, #tpu.memory_space<hbm>>
      tpu.enqueue_dma source(%dma_start3A_726 : memref<2048xf32, #tpu.memory_space<hbm>>) target(%arg17 : memref<2048xf32, #tpu.memory_space<vmem>>) target_semaphore(%arg22 : memref<!tpu.dma_semaphore, #tpu.memory_space<semaphore_mem>>)
      %dma_wait3A_727 = arith.constant 0 : i32
      %dma_wait3A_728 = tpu.memref_slice %arg9[%multiple_of3A_718, %dma_wait3A_727] : memref<25600x128xi32, #tpu.memory_space<hbm>> -> memref<16x128xi32, #tpu.memory_space<hbm>>
      %dma_wait3A_729 = arith.constant 0 : i32
      %dma_wait3A_730 = tpu.memref_slice %arg9[%multiple_of3A_718, %dma_wait3A_729] : memref<25600x128xi32, #tpu.memory_space<hbm>> -> memref<16x128xi32, #tpu.memory_space<hbm>>
      tpu.wait_dma2 semaphore(%arg22 : memref<!tpu.dma_semaphore, #tpu.memory_space<semaphore_mem>>) src(%dma_wait3A_730 : memref<16x128xi32, #tpu.memory_space<hbm>>) dst(%arg14 : memref<16x128xi32, #tpu.memory_space<vmem>>)
      %dma_wait3A_731 = tpu.memref_slice %arg10[%multiple_of3A_693] : memref<3276800xi32, #tpu.memory_space<hbm>> -> memref<2048xi32, #tpu.memory_space<hbm>>
      %dma_wait3A_732 = tpu.memref_slice %arg10[%multiple_of3A_693] : memref<3276800xi32, #tpu.memory_space<hbm>> -> memref<2048xi32, #tpu.memory_space<hbm>>
      tpu.wait_dma2 semaphore(%arg22 : memref<!tpu.dma_semaphore, #tpu.memory_space<semaphore_mem>>) src(%dma_wait3A_732 : memref<2048xi32, #tpu.memory_space<hbm>>) dst(%arg16 : memref<2048xi32, #tpu.memory_space<vmem>>)
      %dma_wait3A_733 = tpu.memref_slice %arg11[%multiple_of3A_693] : memref<3276800xf32, #tpu.memory_space<hbm>> -> memref<2048xf32, #tpu.memory_space<hbm>>
      %dma_wait3A_734 = tpu.memref_slice %arg11[%multiple_of3A_693] : memref<3276800xf32, #tpu.memory_space<hbm>> -> memref<2048xf32, #tpu.memory_space<hbm>>
      tpu.wait_dma2 semaphore(%arg22 : memref<!tpu.dma_semaphore, #tpu.memory_space<semaphore_mem>>) src(%dma_wait3A_734 : memref<2048xf32, #tpu.memory_space<hbm>>) dst(%arg17 : memref<2048xf32, #tpu.memory_space<vmem>>)
    }
    %scan3A_227 = arith.constant 25 : i32
    %dma_wait3A_228 = arith.constant 0 : i32
    %dma_wait3A_229 = tpu.memref_slice %arg11[%dma_wait3A_228] : memref<3276800xf32, #tpu.memory_space<hbm>> -> memref<2048xf32, #tpu.memory_space<hbm>>
    %dma_wait3A_230 = arith.constant 0 : i32
    %dma_wait3A_231 = tpu.memref_slice %arg11[%dma_wait3A_230] : memref<3276800xf32, #tpu.memory_space<hbm>> -> memref<2048xf32, #tpu.memory_space<hbm>>
    tpu.wait_dma2 semaphore(%arg23 : memref<!tpu.dma_semaphore, #tpu.memory_space<semaphore_mem>>) src(%dma_wait3A_231 : memref<2048xf32, #tpu.memory_space<hbm>>) dst(%arg18 : memref<2048xf32, #tpu.memory_space<vmem>>)
    %barrier3A_232 = arith.constant 0 : index
    tpu.barrier barrier_id(%barrier3A_232)
    %mul3A_233 = arith.constant 51200 : i32
    %mul3A_234 = arith.muli %arg1, %mul3A_233 : i32
    %mul3A_235 = arith.constant 51200 : i32
    %mul3A_236 = arith.muli %arg1, %mul3A_235 : i32
    %run_scoped3A_237 = arith.constant 2 : i32
    "tpu.region"() ({
      %run_scoped3A_239 = tpu.sem_alloc : memref<!tpu.dma_semaphore, #tpu.memory_space<semaphore_mem>>
      %dma_start3A_240 = tpu.memref_slice %arg12[%run_scoped3A_237, %arg0, %mul3A_236] : memref<3x2x819200xf32, #tpu.memory_space<hbm>> -> memref<1x1x51200xf32, #tpu.memory_space<hbm>>
      %dma_start3A_241 = tpu.memref_squeeze %dma_start3A_240 : memref<1x1x51200xf32, #tpu.memory_space<hbm>> -> memref<51200xf32, #tpu.memory_space<hbm>>
      %dma_start3A_242 = tpu.memref_slice %arg21[%mul3A_234] : memref<819200xf32, #tpu.memory_space<vmem_shared>> -> memref<51200xf32, #tpu.memory_space<vmem_shared>>
      tpu.enqueue_dma source(%dma_start3A_242 : memref<51200xf32, #tpu.memory_space<vmem_shared>>) target(%dma_start3A_241 : memref<51200xf32, #tpu.memory_space<hbm>>) target_semaphore(%run_scoped3A_239 : memref<!tpu.dma_semaphore, #tpu.memory_space<semaphore_mem>>)
      %dma_wait3A_243 = tpu.memref_slice %arg12[%run_scoped3A_237, %arg0, %mul3A_236] : memref<3x2x819200xf32, #tpu.memory_space<hbm>> -> memref<1x1x51200xf32, #tpu.memory_space<hbm>>
      %dma_wait3A_244 = tpu.memref_squeeze %dma_wait3A_243 : memref<1x1x51200xf32, #tpu.memory_space<hbm>> -> memref<51200xf32, #tpu.memory_space<hbm>>
      %dma_wait3A_245 = tpu.memref_slice %arg21[%mul3A_234] : memref<819200xf32, #tpu.memory_space<vmem_shared>> -> memref<51200xf32, #tpu.memory_space<vmem_shared>>
      tpu.wait_dma2 semaphore(%run_scoped3A_239 : memref<!tpu.dma_semaphore, #tpu.memory_space<semaphore_mem>>) src(%dma_wait3A_245 : memref<51200xf32, #tpu.memory_space<vmem_shared>>) dst(%dma_wait3A_244 : memref<51200xf32, #tpu.memory_space<hbm>>)
      tpu.yield
    }) : () -> ()
    %barrier3A_238 = arith.constant 0 : index
    tpu.barrier barrier_id(%barrier3A_238)
    return
  }
}

module attributes {stable_mosaic.version = 14 : i64} {
  func.func @_dense_body(%arg0: i32, %arg1: memref<1x128x128xf32, #tpu.memory_space<vmem>>, %arg2: memref<1x128x128xf32, #tpu.memory_space<vmem>>, %arg3: memref<1x128x128xf32, #tpu.memory_space<vmem>>, %arg4: memref<1x128x128xf32, #tpu.memory_space<vmem>>, %arg5: memref<1x128x128xf32, #tpu.memory_space<vmem>>, %arg6: memref<1x128x128xf32, #tpu.memory_space<vmem>>, %arg7: memref<1x128x128xf32, #tpu.memory_space<vmem>>, %arg8: memref<1x128x128xf32, #tpu.memory_space<vmem>>, %arg9: memref<1x128x128xf32, #tpu.memory_space<vmem>>, %arg10: memref<1x128x128xf32, #tpu.memory_space<vmem>>, %arg11: memref<128x128xf32, #tpu.memory_space<vmem>>, %arg12: memref<128x128xf32, #tpu.memory_space<vmem>>, %arg13: memref<128x128xf32, #tpu.memory_space<vmem>>, %arg14: memref<1x1xf32, #tpu.memory_space<smem>>) attributes {dimension_semantics = [#tpu.dimension_semantics<arbitrary>], iteration_bounds = array<i64: 50>, scalar_prefetch = 0 : i64, scratch_operands = 0 : i64, tpu.core_type = #tpu.core_type<tc>, window_params = [{transform_indices = @transform_0, window_bounds = array<i64: 1, 128, 128>}, {transform_indices = @transform_1, window_bounds = array<i64: 1, 128, 128>}, {transform_indices = @transform_2, window_bounds = array<i64: 1, 128, 128>}, {transform_indices = @transform_3, window_bounds = array<i64: 1, 128, 128>}, {transform_indices = @transform_4, window_bounds = array<i64: 1, 128, 128>}, {transform_indices = @transform_5, window_bounds = array<i64: 1, 128, 128>}, {transform_indices = @transform_6, window_bounds = array<i64: 1, 128, 128>}, {transform_indices = @transform_7, window_bounds = array<i64: 1, 128, 128>}, {transform_indices = @transform_8, window_bounds = array<i64: 1, 128, 128>}, {transform_indices = @transform_9, window_bounds = array<i64: 1, 128, 128>}, {pipeline_mode = #tpu.pipeline_mode<synchronous>, transform_indices = @transform_10, window_bounds = array<i64: 128, 128>}, {pipeline_mode = #tpu.pipeline_mode<synchronous>, transform_indices = @transform_11, window_bounds = array<i64: 128, 128>}, {pipeline_mode = #tpu.pipeline_mode<synchronous>, transform_indices = @transform_12, window_bounds = array<i64: 128, 128>}, {transform_indices = @transform_13, window_bounds = array<i64: 1, 1>}]} {
    %get3A = arith.constant 0 : index
    %get3A_0 = arith.constant 0 : index
    %get3A_1 = arith.constant 0 : index
    %get3A_2 = vector.load %arg1[%get3A, %get3A_0, %get3A_1] : memref<1x128x128xf32, #tpu.memory_space<vmem>>, vector<1x128x128xf32>
    %get3A_3 = vector.shape_cast %get3A_2 : vector<1x128x128xf32> to vector<128x128xf32>
    %get3A_4 = arith.constant 0 : index
    %get3A_5 = arith.constant 0 : index
    %get3A_6 = arith.constant 0 : index
    %get3A_7 = vector.load %arg2[%get3A_4, %get3A_5, %get3A_6] : memref<1x128x128xf32, #tpu.memory_space<vmem>>, vector<1x128x128xf32>
    %get3A_8 = vector.shape_cast %get3A_7 : vector<1x128x128xf32> to vector<128x128xf32>
    %add3A = arith.addf %get3A_3, %get3A_8 : vector<128x128xf32>
    %get3A_9 = arith.constant 0 : index
    %get3A_10 = arith.constant 0 : index
    %get3A_11 = arith.constant 0 : index
    %get3A_12 = vector.load %arg3[%get3A_9, %get3A_10, %get3A_11] : memref<1x128x128xf32, #tpu.memory_space<vmem>>, vector<1x128x128xf32>
    %get3A_13 = vector.shape_cast %get3A_12 : vector<1x128x128xf32> to vector<128x128xf32>
    %get3A_14 = arith.constant 0 : index
    %get3A_15 = arith.constant 0 : index
    %get3A_16 = arith.constant 0 : index
    %get3A_17 = vector.load %arg4[%get3A_14, %get3A_15, %get3A_16] : memref<1x128x128xf32, #tpu.memory_space<vmem>>, vector<1x128x128xf32>
    %get3A_18 = vector.shape_cast %get3A_17 : vector<1x128x128xf32> to vector<128x128xf32>
    %add3A_19 = arith.addf %get3A_13, %get3A_18 : vector<128x128xf32>
    %mul3A = arith.constant 1.280000e+02 : f32
    %mul3A_20 = vector.broadcast %mul3A : f32 to vector<128x128xf32>
    %mul3A_21 = arith.mulf %add3A_19, %mul3A_20 : vector<128x128xf32>
    %get3A_22 = arith.constant 0 : index
    %get3A_23 = arith.constant 0 : index
    %get3A_24 = arith.constant 0 : index
    %get3A_25 = vector.load %arg5[%get3A_22, %get3A_23, %get3A_24] : memref<1x128x128xf32, #tpu.memory_space<vmem>>, vector<1x128x128xf32>
    %get3A_26 = vector.shape_cast %get3A_25 : vector<1x128x128xf32> to vector<128x128xf32>
    %get3A_27 = arith.constant 0 : index
    %get3A_28 = arith.constant 0 : index
    %get3A_29 = arith.constant 0 : index
    %get3A_30 = vector.load %arg6[%get3A_27, %get3A_28, %get3A_29] : memref<1x128x128xf32, #tpu.memory_space<vmem>>, vector<1x128x128xf32>
    %get3A_31 = vector.shape_cast %get3A_30 : vector<1x128x128xf32> to vector<128x128xf32>
    %add3A_32 = arith.addf %get3A_26, %get3A_31 : vector<128x128xf32>
    %mul3A_33 = arith.constant 1.280000e+02 : f32
    %mul3A_34 = vector.broadcast %mul3A_33 : f32 to vector<128x128xf32>
    %mul3A_35 = arith.mulf %add3A_32, %mul3A_34 : vector<128x128xf32>
    %get3A_36 = arith.constant 0 : index
    %get3A_37 = arith.constant 0 : index
    %get3A_38 = arith.constant 0 : index
    %get3A_39 = vector.load %arg7[%get3A_36, %get3A_37, %get3A_38] : memref<1x128x128xf32, #tpu.memory_space<vmem>>, vector<1x128x128xf32>
    %get3A_40 = vector.shape_cast %get3A_39 : vector<1x128x128xf32> to vector<128x128xf32>
    %get3A_41 = arith.constant 0 : index
    %get3A_42 = arith.constant 0 : index
    %get3A_43 = arith.constant 0 : index
    %get3A_44 = vector.load %arg8[%get3A_41, %get3A_42, %get3A_43] : memref<1x128x128xf32, #tpu.memory_space<vmem>>, vector<1x128x128xf32>
    %get3A_45 = vector.shape_cast %get3A_44 : vector<1x128x128xf32> to vector<128x128xf32>
    %get3A_46 = arith.constant 0 : index
    %get3A_47 = arith.constant 0 : index
    %get3A_48 = arith.constant 0 : index
    %get3A_49 = vector.load %arg9[%get3A_46, %get3A_47, %get3A_48] : memref<1x128x128xf32, #tpu.memory_space<vmem>>, vector<1x128x128xf32>
    %get3A_50 = vector.shape_cast %get3A_49 : vector<1x128x128xf32> to vector<128x128xf32>
    %mul3A_51 = arith.mulf %get3A_40, %add3A : vector<128x128xf32>
    %mul3A_52 = arith.mulf %get3A_45, %add3A : vector<128x128xf32>
    %mul3A_53 = arith.mulf %get3A_50, %add3A : vector<128x128xf32>
    %mul3A_54 = arith.mulf %mul3A_51, %mul3A_51 : vector<128x128xf32>
    %mul3A_55 = arith.mulf %mul3A_52, %mul3A_52 : vector<128x128xf32>
    %add3A_56 = arith.addf %mul3A_54, %mul3A_55 : vector<128x128xf32>
    %mul3A_57 = arith.mulf %mul3A_53, %mul3A_53 : vector<128x128xf32>
    %add3A_58 = arith.addf %add3A_56, %mul3A_57 : vector<128x128xf32>
    %sqrt3A = math.sqrt %add3A_58 : vector<128x128xf32>
    %sub3A = arith.constant 0.000000e+00 : f32
    %sub3A_59 = vector.broadcast %sub3A : f32 to vector<128x128xf32>
    %sub3A_60 = arith.subf %sub3A_59, %mul3A_51 : vector<128x128xf32>
    %div3A = arith.divf %sub3A_60, %sqrt3A : vector<128x128xf32>
    %sub3A_61 = arith.constant 0.000000e+00 : f32
    %sub3A_62 = vector.broadcast %sub3A_61 : f32 to vector<128x128xf32>
    %sub3A_63 = arith.subf %sub3A_62, %mul3A_52 : vector<128x128xf32>
    %div3A_64 = arith.divf %sub3A_63, %sqrt3A : vector<128x128xf32>
    %sub3A_65 = arith.constant 0.000000e+00 : f32
    %sub3A_66 = vector.broadcast %sub3A_65 : f32 to vector<128x128xf32>
    %sub3A_67 = arith.subf %sub3A_66, %mul3A_53 : vector<128x128xf32>
    %div3A_68 = arith.divf %sub3A_67, %sqrt3A : vector<128x128xf32>
    %neg3A = arith.constant 0.000000e+00 : f32
    %neg3A_69 = vector.broadcast %neg3A : f32 to vector<128x128xf32>
    %neg3A_70 = arith.subf %neg3A_69, %get3A_40 : vector<128x128xf32>
    %mul3A_71 = arith.mulf %neg3A_70, %mul3A_21 : vector<128x128xf32>
    %mul3A_72 = arith.mulf %get3A_45, %mul3A_35 : vector<128x128xf32>
    %sub3A_73 = arith.subf %mul3A_71, %mul3A_72 : vector<128x128xf32>
    %sub3A_74 = arith.subf %sub3A_73, %add3A : vector<128x128xf32>
    %mul3A_75 = arith.mulf %mul3A_21, %mul3A_21 : vector<128x128xf32>
    %mul3A_76 = arith.mulf %mul3A_35, %mul3A_35 : vector<128x128xf32>
    %add3A_77 = arith.addf %mul3A_75, %mul3A_76 : vector<128x128xf32>
    %mul3A_78 = arith.mulf %sub3A_74, %sub3A_74 : vector<128x128xf32>
    %add3A_79 = arith.addf %add3A_77, %mul3A_78 : vector<128x128xf32>
    %sqrt3A_80 = math.sqrt %add3A_79 : vector<128x128xf32>
    %div3A_81 = arith.divf %mul3A_21, %sqrt3A_80 : vector<128x128xf32>
    %div3A_82 = arith.divf %mul3A_35, %sqrt3A_80 : vector<128x128xf32>
    %div3A_83 = arith.divf %sub3A_74, %sqrt3A_80 : vector<128x128xf32>
    %mul3A_84 = arith.mulf %div3A_81, %div3A : vector<128x128xf32>
    %mul3A_85 = arith.mulf %div3A_82, %div3A_64 : vector<128x128xf32>
    %add3A_86 = arith.addf %mul3A_84, %mul3A_85 : vector<128x128xf32>
    %mul3A_87 = arith.mulf %div3A_83, %div3A_68 : vector<128x128xf32>
    %add3A_88 = arith.addf %add3A_86, %mul3A_87 : vector<128x128xf32>
    %mul3A_89 = arith.constant 0.751879692 : f32
    %mul3A_90 = vector.broadcast %mul3A_89 : f32 to vector<128x128xf32>
    %mul3A_91 = arith.mulf %mul3A_90, %add3A_88 : vector<128x128xf32>
    %mul3A_92 = arith.mulf %add3A_88, %add3A_88 : vector<128x128xf32>
    %sub3A_93 = arith.constant 1.000000e+00 : f32
    %sub3A_94 = vector.broadcast %sub3A_93 : f32 to vector<128x128xf32>
    %sub3A_95 = arith.subf %sub3A_94, %mul3A_92 : vector<128x128xf32>
    %mul3A_96 = arith.constant 0.565323055 : f32
    %mul3A_97 = vector.broadcast %mul3A_96 : f32 to vector<128x128xf32>
    %mul3A_98 = arith.mulf %mul3A_97, %sub3A_95 : vector<128x128xf32>
    %sub3A_99 = arith.constant 1.000000e+00 : f32
    %sub3A_100 = vector.broadcast %sub3A_99 : f32 to vector<128x128xf32>
    %sub3A_101 = arith.subf %sub3A_100, %mul3A_98 : vector<128x128xf32>
    %sqrt3A_102 = math.sqrt %sub3A_101 : vector<128x128xf32>
    %sub3A_103 = arith.subf %mul3A_91, %sqrt3A_102 : vector<128x128xf32>
    %mul3A_104 = arith.mulf %sub3A_103, %div3A_81 : vector<128x128xf32>
    %mul3A_105 = arith.constant 0.751879692 : f32
    %mul3A_106 = vector.broadcast %mul3A_105 : f32 to vector<128x128xf32>
    %mul3A_107 = arith.mulf %mul3A_106, %div3A : vector<128x128xf32>
    %sub3A_108 = arith.subf %mul3A_104, %mul3A_107 : vector<128x128xf32>
    %mul3A_109 = arith.mulf %sub3A_103, %div3A_82 : vector<128x128xf32>
    %mul3A_110 = arith.constant 0.751879692 : f32
    %mul3A_111 = vector.broadcast %mul3A_110 : f32 to vector<128x128xf32>
    %mul3A_112 = arith.mulf %mul3A_111, %div3A_64 : vector<128x128xf32>
    %sub3A_113 = arith.subf %mul3A_109, %mul3A_112 : vector<128x128xf32>
    %mul3A_114 = arith.mulf %sub3A_103, %div3A_83 : vector<128x128xf32>
    %mul3A_115 = arith.constant 0.751879692 : f32
    %mul3A_116 = vector.broadcast %mul3A_115 : f32 to vector<128x128xf32>
    %mul3A_117 = arith.mulf %mul3A_116, %div3A_68 : vector<128x128xf32>
    %sub3A_118 = arith.subf %mul3A_114, %mul3A_117 : vector<128x128xf32>
    %get3A_119 = arith.constant 0 : index
    %get3A_120 = arith.constant 0 : index
    %get3A_121 = vector.load %arg11[%get3A_119, %get3A_120] : memref<128x128xf32, #tpu.memory_space<vmem>>, vector<128x128xf32>
    %sub3A_122 = arith.subf %get3A_121, %mul3A_51 : vector<128x128xf32>
    %get3A_123 = arith.constant 0 : index
    %get3A_124 = arith.constant 0 : index
    %get3A_125 = vector.load %arg12[%get3A_123, %get3A_124] : memref<128x128xf32, #tpu.memory_space<vmem>>, vector<128x128xf32>
    %sub3A_126 = arith.subf %get3A_125, %mul3A_52 : vector<128x128xf32>
    %get3A_127 = arith.constant 0 : index
    %get3A_128 = arith.constant 0 : index
    %get3A_129 = vector.load %arg13[%get3A_127, %get3A_128] : memref<128x128xf32, #tpu.memory_space<vmem>>, vector<128x128xf32>
    %sub3A_130 = arith.subf %get3A_129, %mul3A_53 : vector<128x128xf32>
    %mul3A_131 = arith.mulf %sub3A_122, %sub3A_108 : vector<128x128xf32>
    %mul3A_132 = arith.mulf %sub3A_126, %sub3A_113 : vector<128x128xf32>
    %add3A_133 = arith.addf %mul3A_131, %mul3A_132 : vector<128x128xf32>
    %mul3A_134 = arith.mulf %sub3A_130, %sub3A_118 : vector<128x128xf32>
    %add3A_135 = arith.addf %add3A_133, %mul3A_134 : vector<128x128xf32>
    %mul3A_136 = arith.mulf %add3A_135, %sub3A_108 : vector<128x128xf32>
    %sub3A_137 = arith.subf %sub3A_122, %mul3A_136 : vector<128x128xf32>
    %mul3A_138 = arith.mulf %add3A_135, %sub3A_113 : vector<128x128xf32>
    %sub3A_139 = arith.subf %sub3A_126, %mul3A_138 : vector<128x128xf32>
    %mul3A_140 = arith.mulf %add3A_135, %sub3A_118 : vector<128x128xf32>
    %sub3A_141 = arith.subf %sub3A_130, %mul3A_140 : vector<128x128xf32>
    %get3A_142 = arith.constant 0 : index
    %get3A_143 = arith.constant 0 : index
    %get3A_144 = arith.constant 0 : index
    %get3A_145 = vector.load %arg10[%get3A_142, %get3A_143, %get3A_144] : memref<1x128x128xf32, #tpu.memory_space<vmem>>, vector<1x128x128xf32>
    %get3A_146 = vector.shape_cast %get3A_145 : vector<1x128x128xf32> to vector<128x128xf32>
    %mul3A_147 = arith.mulf %sub3A_137, %sub3A_137 : vector<128x128xf32>
    %mul3A_148 = arith.mulf %sub3A_139, %sub3A_139 : vector<128x128xf32>
    %add3A_149 = arith.addf %mul3A_147, %mul3A_148 : vector<128x128xf32>
    %mul3A_150 = arith.mulf %sub3A_141, %sub3A_141 : vector<128x128xf32>
    %add3A_151 = arith.addf %add3A_149, %mul3A_150 : vector<128x128xf32>
    %mul3A_152 = arith.mulf %get3A_146, %add3A_151 : vector<128x128xf32>
    %reduce_sum3A = vector.shape_cast %mul3A_152 : vector<128x128xf32> to vector<1x128x128xf32>
    %reduce_sum3A_153 = arith.constant dense<0.000000e+00> : vector<1xf32>
    %reduce_sum3A_154 = vector.multi_reduction <add>, %reduce_sum3A, %reduce_sum3A_153 [1, 2] : vector<1x128x128xf32> to vector<1xf32>
    %reduce_sum3A_155 = vector.shape_cast %reduce_sum3A_154 : vector<1xf32> to vector<1x1x1xf32>
    %reduce_sum3A_156 = vector.extract %reduce_sum3A_155[0, 0, 0] : f32 from vector<1x1x1xf32>
    %eq3A = arith.constant 0 : i32
    %eq3A_157 = arith.cmpi eq, %arg0, %eq3A : i32
    %convert_element_type3A = arith.extui %eq3A_157 : i1 to i32
    %cond3A = arith.constant 0 : i32
    %cond3A_158 = arith.cmpi ne, %convert_element_type3A, %cond3A : i32
    scf.if %cond3A_158 {
      %swap3A_165 = arith.constant 0.000000e+00 : f32
      %swap3A_166 = arith.constant 0 : index
      %swap3A_167 = arith.constant 0 : index
      %swap3A_168 = memref.load %arg14[%swap3A_166, %swap3A_167] : memref<1x1xf32, #tpu.memory_space<smem>>
      memref.store %swap3A_165, %arg14[%swap3A_166, %swap3A_167] : memref<1x1xf32, #tpu.memory_space<smem>>
    } else {
    }
    %get3A_159 = arith.constant 0 : index
    %get3A_160 = arith.constant 0 : index
    %get3A_161 = memref.load %arg14[%get3A_159, %get3A_160] : memref<1x1xf32, #tpu.memory_space<smem>>
    %add3A_162 = arith.addf %get3A_161, %reduce_sum3A_156 : f32
    %swap3A = arith.constant 0 : index
    %swap3A_163 = arith.constant 0 : index
    %swap3A_164 = memref.load %arg14[%swap3A, %swap3A_163] : memref<1x1xf32, #tpu.memory_space<smem>>
    memref.store %add3A_162, %arg14[%swap3A, %swap3A_163] : memref<1x1xf32, #tpu.memory_space<smem>>
    return
  }
  func.func @transform_0(%arg0: i32) -> (i32, i32, i32) {
    %c0_i32 = arith.constant 0 : i32
    %c0_i32_0 = arith.constant 0 : i32
    %c0_i32_1 = arith.constant 0 : i32
    return %arg0, %c0_i32, %c0_i32_0 : i32, i32, i32
  }
  func.func @transform_1(%arg0: i32) -> (i32, i32, i32) {
    %c0_i32 = arith.constant 0 : i32
    %c0_i32_0 = arith.constant 0 : i32
    %c0_i32_1 = arith.constant 0 : i32
    return %arg0, %c0_i32, %c0_i32_0 : i32, i32, i32
  }
  func.func @transform_2(%arg0: i32) -> (i32, i32, i32) {
    %c0_i32 = arith.constant 0 : i32
    %c0_i32_0 = arith.constant 0 : i32
    %c0_i32_1 = arith.constant 0 : i32
    return %arg0, %c0_i32, %c0_i32_0 : i32, i32, i32
  }
  func.func @transform_3(%arg0: i32) -> (i32, i32, i32) {
    %c0_i32 = arith.constant 0 : i32
    %c0_i32_0 = arith.constant 0 : i32
    %c0_i32_1 = arith.constant 0 : i32
    return %arg0, %c0_i32, %c0_i32_0 : i32, i32, i32
  }
  func.func @transform_4(%arg0: i32) -> (i32, i32, i32) {
    %c0_i32 = arith.constant 0 : i32
    %c0_i32_0 = arith.constant 0 : i32
    %c0_i32_1 = arith.constant 0 : i32
    return %arg0, %c0_i32, %c0_i32_0 : i32, i32, i32
  }
  func.func @transform_5(%arg0: i32) -> (i32, i32, i32) {
    %c0_i32 = arith.constant 0 : i32
    %c0_i32_0 = arith.constant 0 : i32
    %c0_i32_1 = arith.constant 0 : i32
    return %arg0, %c0_i32, %c0_i32_0 : i32, i32, i32
  }
  func.func @transform_6(%arg0: i32) -> (i32, i32, i32) {
    %c0_i32 = arith.constant 0 : i32
    %c0_i32_0 = arith.constant 0 : i32
    %c0_i32_1 = arith.constant 0 : i32
    return %arg0, %c0_i32, %c0_i32_0 : i32, i32, i32
  }
  func.func @transform_7(%arg0: i32) -> (i32, i32, i32) {
    %c0_i32 = arith.constant 0 : i32
    %c0_i32_0 = arith.constant 0 : i32
    %c0_i32_1 = arith.constant 0 : i32
    return %arg0, %c0_i32, %c0_i32_0 : i32, i32, i32
  }
  func.func @transform_8(%arg0: i32) -> (i32, i32, i32) {
    %c0_i32 = arith.constant 0 : i32
    %c0_i32_0 = arith.constant 0 : i32
    %c0_i32_1 = arith.constant 0 : i32
    return %arg0, %c0_i32, %c0_i32_0 : i32, i32, i32
  }
  func.func @transform_9(%arg0: i32) -> (i32, i32, i32) {
    %c0_i32 = arith.constant 0 : i32
    %c0_i32_0 = arith.constant 0 : i32
    %c0_i32_1 = arith.constant 0 : i32
    return %arg0, %c0_i32, %c0_i32_0 : i32, i32, i32
  }
  func.func @transform_10(%arg0: i32) -> (i32, i32) {
    %c0_i32 = arith.constant 0 : i32
    %c0_i32_0 = arith.constant 0 : i32
    %c0_i32_1 = arith.constant 0 : i32
    return %c0_i32, %c0_i32_0 : i32, i32
  }
  func.func @transform_11(%arg0: i32) -> (i32, i32) {
    %c0_i32 = arith.constant 0 : i32
    %c0_i32_0 = arith.constant 0 : i32
    %c0_i32_1 = arith.constant 0 : i32
    return %c0_i32, %c0_i32_0 : i32, i32
  }
  func.func @transform_12(%arg0: i32) -> (i32, i32) {
    %c0_i32 = arith.constant 0 : i32
    %c0_i32_0 = arith.constant 0 : i32
    %c0_i32_1 = arith.constant 0 : i32
    return %c0_i32, %c0_i32_0 : i32, i32
  }
  func.func @transform_13(%arg0: i32) -> (i32, i32) {
    %c0_i32 = arith.constant 0 : i32
    %c0_i32_0 = arith.constant 0 : i32
    %c0_i32_1 = arith.constant 0 : i32
    return %c0_i32, %c0_i32_0 : i32, i32
  }
}

</mosaic_0001>

<sc_bundles>
// kernel: kernel.4.cloned.1.call-start
scs
__scs_entry_jumppad:
0x0: {  	(pc) =	sbr.rel $0x88, $3  }
0x1: {  	(tag) =	ssettag $0x0;
	lr =	simm.s32 $0x1  }
0x2: {  	[smem:$0x3F94] =	sst lr;
	_ =	strace $0xD0000000  }
0x3: {  	_ = 	snop  }
0x4: {  	_ = 	snop  }
0x5: {  	_ = 	snop  }
0x6: {  	_ = 	snop  }
0x7: {  	_ = 	snop  }
__scs_overlays_trampoline_lowered:
0x8: {  	[smem:$0x3FA3] =	sst s0  }
0x9: {  	[smem:$0x3FA4] =	sst s1  }
0xa: {  	[smem:$0x3FA5] =	sst s2  }
0xb: {  	[smem:$0x3FA6] =	sst s3  }
0xc: {  	[smem:$0x3FA7] =	sst s4  }
0xd: {  	[smem:$0x3FA8] =	sst s5  }
0xe: {  	[smem:$0x3FA9] =	sst s6  }
0xf: {  	[smem:$0x3FAA] =	sst s7  }
0x10: {  	[smem:$0x3FAB] =	sst s8  }
0x11: {  	[smem:$0x3FAC] =	sst s9;
	s0 =	simm.s32 @!p0 $0x0  }
0x12: {  	s1 =	sld [smem:$0x3F92];
	s0 =	simm.s32 @p0 $0x1  }
0x13: {  	[smem:$0x3FAD] =	sst s0;
	s0 =	simm.s32 @!p1 $0x0  }
0x14: {  	s2 =	sld [smem:$0x3F91];
	s0 =	simm.s32 @p1 $0x1  }
0x15: {  	[smem:$0x3FAE] =	sst s0;
	s0 =	simm.s32 @!p2 $0x0  }
0x16: {  	s3 =	sld [smem:$0x3FDB];
	s0 =	simm.s32 @p2 $0x1  }
0x17: {  	s4 =	simm.s32 $0x1BF5;
	[smem:$0x3FB0] =	sst s0  }
0x18: {  	s0 =	sld [smem:$0x3F93];
	_ =	swait.ge [sflag:s4], $0x0  }
0x19: {  	s7 =	sld [smem:$0x3F94]  }
0x1a: {  	s8 =	sadd.s32 $0xFFFFE003, lr  }
0x1b: {  	s9 =	sadd.s32 $0xFFFFFEF7, lr;
	s5 =	simm.s32 $0xFFFFFFFF;
	p2 =	slt.u32 s8, $0xFFFFF086  }
0x1c: {  	p1 =	slt.u32 s9, $0xF7A;
	s5 =	simm.s32 @!p2 $0x0  }
0x1d: {  	s5 =	simm.s32 @p1 $0x1;
	p0 =	seq.s32 s7, s2  }
0x1e: {  	s7 =	smul.u32 @!p0 $0xF7A, s2;
	p2 =	seq.s32 @!p0 s5, $0x0  }
0x1f: {  	s9 =	smul.u32 $0xF7A, s1;
	s8 =	simm.s32 @!p0 $0x1BF5;
	p2 =	por !p2, p0  }
0x20: {  	[sflag:s8] =	ssyncset.s32 @!p0 $0xFFFFF086;
	s6 =	sadd.s32 @!p0 s3, s7;
	s7 =	simm.s32 @!p0 $0x108  }
0x21: {  	s3 =	sadd.s32 s3, s9;
	s6 =	sadd.s32 @!p0 $0x88, s6;
	s7 =	simm.s32 @p2 $0x1082  }
0x22: {  	[simem:s7], [sflag:s8] =	dma.local @!p0 [hbm:s6], $0xF7A  }
0x23: {  	s9 =	sor.u32 $0xD0000000, s2;
	s6 =	simm.s32 $0x108;
	_ =	swait.ge @!p0 [sflag:s8], $0x0  }
0x24: {  	s3 =	sadd.s32 $0x88, s3;
	s6 =	simm.s32 @!p1 $0x1082;
	[sflag:s4] =	ssyncset.s32 $0xFFFFF086  }
0x25: {  	[simem:s6], [sflag:s4] =	dma.local [hbm:s3], $0xF7A  }
0x26: {  	[smem:$0x3F94] =	sst s1;
	(tag) =	ssettag s2;
	_ =	strace s9  }
0x27: {  	s1 =	sld [smem:$0x3FA4]  }
0x28: {  	s2 =	sld [smem:$0x3FA5]  }
0x29: {  	s4 =	sld [smem:$0x3FA7]  }
0x2a: {  	p0 =	seq.s32 s5, $0x0;
	s5 =	sld [smem:$0x3FA8]  }
0x2b: {  	s6 =	sld [smem:$0x3FA9]  }
0x2c: {  	s7 =	sld [smem:$0x3FAA]  }
0x2d: {  	s3 =	simm.s32 $0x108;
	s8 =	sld [smem:$0x3FAB]  }
0x2e: {  	s3 =	simm.s32 @!p0 $0x1082;
	s9 =	sld [smem:$0x3FAC]  }
0x2f: {  	lr =	sadd.s32 s0, s3;
	s0 =	sld [smem:$0x3FA3]  }
0x30: {  	s3 =	sld [smem:$0x3FA6]  }
0x31: {  	[smem:$0x3FAF] =	sst s10  }
0x32: {  	s10 =	sld [smem:$0x3FAD];
	_ =	sdelay $0x3  }
0x33: {  	p0 =	seq.s32 s10, $0x1;
	s10 =	sld [smem:$0x3FAF];
	_ =	sdelay $0x3  }
0x34: {  	[smem:$0x3FAF] =	sst s10  }
0x35: {  	s10 =	sld [smem:$0x3FAE];
	_ =	sdelay $0x3  }
0x36: {  	p1 =	seq.s32 s10, $0x1;
	s10 =	sld [smem:$0x3FAF];
	_ =	sdelay $0x3  }
0x37: {  	[smem:$0x3FAF] =	sst s10  }
0x38: {  	s10 =	sld [smem:$0x3FB0]  }
0x39: {  	_ = 	snop;
	(pc) =	sbr.ind lr, $3  }
0x3a: {  	_ = 	snop  }
0x3b: {  	_ = 	snop  }
0x3c: {  	p2 =	seq.s32 s10, $0x1;
	s10 =	sld [smem:$0x3FAF]  }
0x3d: {  	_ =	shalt  }
0x3e: {  	_ =	shalt  }
0x3f: {  	_ =	shalt  }
0x40: {  	_ =	shalt  }
0x41: {  	_ =	shalt  }
0x42: {  	_ =	shalt  }
0x43: {  	_ =	shalt  }
0x44: {  	_ =	shalt  }
0x45: {  	_ =	shalt  }
0x46: {  	_ =	shalt  }
0x47: {  	_ =	shalt  }
0x48: {  	_ =	shalt  }
0x49: {  	_ =	shalt  }
0x4a: {  	_ =	shalt  }
0x4b: {  	_ =	shalt  }
0x4c: {  	_ =	shalt  }
0x4d: {  	_ =	shalt  }
0x4e: {  	_ =	shalt  }
0x4f: {  	_ =	shalt  }
0x50: {  	_ =	shalt  }
0x51: {  	_ =	shalt  }
0x52: {  	_ =	shalt  }
0x53: {  	_ =	shalt  }
0x54: {  	_ =	shalt  }
0x55: {  	_ =	shalt  }
0x56: {  	_ =	shalt  }
0x57: {  	_ =	shalt  }
0x58: {  	_ =	shalt  }
0x59: {  	_ =	shalt  }
0x5a: {  	_ =	shalt  }
0x5b: {  	_ =	shalt  }
0x5c: {  	_ =	shalt  }
0x5d: {  	_ =	shalt  }
0x5e: {  	_ =	shalt  }
0x5f: {  	_ =	shalt  }
0x60: {  	_ =	shalt  }
0x61: {  	_ =	shalt  }
0x62: {  	_ =	shalt  }
0x63: {  	_ =	shalt  }
0x64: {  	_ =	shalt  }
0x65: {  	_ =	shalt  }
0x66: {  	_ =	shalt  }
0x67: {  	_ =	shalt  }
0x68: {  	_ =	shalt  }
0x69: {  	_ =	shalt  }
0x6a: {  	_ =	shalt  }
0x6b: {  	_ =	shalt  }
0x6c: {  	_ =	shalt  }
0x6d: {  	_ =	shalt  }
0x6e: {  	_ =	shalt  }
0x6f: {  	_ =	shalt  }
0x70: {  	_ =	shalt  }
0x71: {  	_ =	shalt  }
0x72: {  	_ =	shalt  }
0x73: {  	_ =	shalt  }
0x74: {  	_ =	shalt  }
0x75: {  	_ =	shalt  }
0x76: {  	_ =	shalt  }
0x77: {  	_ =	shalt  }
0x78: {  	_ =	shalt  }
0x79: {  	_ =	shalt  }
0x7a: {  	_ =	shalt  }
0x7b: {  	_ =	shalt  }
0x7c: {  	_ =	shalt  }
0x7d: {  	_ =	shalt  }
0x7e: {  	_ =	shalt  }
0x7f: {  	_ =	shalt  }
0x80: {  	_ =	shalt  }
0x81: {  	_ =	shalt  }
0x82: {  	_ =	shalt  }
0x83: {  	_ =	shalt  }
0x84: {  	_ =	shalt  }
0x85: {  	_ =	shalt  }
0x86: {  	_ =	shalt  }
0x87: {  	_ =	shalt  }
.Lfunc_end0:
.L_simem_size_0:
called_computation_lowered:
.L_overlay_start_0:
0x88: {  	s2 =	sld [smem:$0x3FD9]  }
0x89: {  	s3 =	sld [smem:$0x3FFE];
	_ =	sdelay $0x1  }
0x8a: {  	s1 =	srdreg.scid  }
0x8b: {  	s0 =	sand.u32 $0x1, s1  }
0x8c: {  	s17 =	sshll.u32 s0, $0xA;
	s2 =	sadd.s32 s3, s2  }
0x8d: {  	s2 =	sadd.s32 s2, s17  }
0x8e: {  	[smem:$0x3FBB] =	sst s2  }
0x8f: {  	_ = 	snop  }
0x90: {  	s2 =	sld [smem:$0x3FC8]  }
0x91: {  	s18 =	sld [smem:$0x3FC5]  }
0x92: {  	s4 =	sld [smem:$0x3FC4]  }
0x93: {  	s5 =	sld [smem:$0x3FC3]  }
0x94: {  	s6 =	sld [smem:$0x3FC2]  }
0x95: {  	s7 =	sld [smem:$0x3FC1]  }
0x96: {  	s8 =	sld [smem:$0x3FC0]  }
0x97: {  	s9 =	sld [smem:$0x3FBF]  }
0x98: {  	s10 =	sld [smem:$0x3FBE]  }
0x99: {  	s11 =	sld [smem:$0x3FBD];
	(tm) =	ssettm $0x1  }
0x9a: {  	s12 =	sld [smem:$0x3FFB];
	_ =	sdelay $0x3  }
0x9b: {  	_ =	strace s12  }
0x9c: {  	s12 =	sld [smem:$0x3FFC];
	_ =	sdelay $0x3  }
0x9d: {  	_ =	strace s12  }
0x9e: {  	s12 =	sld [smem:$0x3FFD];
	_ =	sdelay $0x3  }
0x9f: {  	_ =	strace s12  }
0xa0: {  	_ =	strace $0x8FFFFFFF  }
0xa1: {  	s19 =	sld [smem:$0x3FDB];
	_ =	sdelay $0x1  }
0xa2: {  	s13 =	simm.s32 $_scs_section_size  }
0xa3: {  	s14 =	simm.s32 $_size__tile_overlayer_lowered;
	s15 =	simm.s32 $_tile_overlayer_lowered  }
0xa4: {  	s22 =	simm.s32 $0x1BFF;
	s21 =	sshll.u32 s15, $0x1;
	s12 =	sadd.s32 s13, s19  }
0xa5: {  	s16 =	simm.s32 $0x0;
	s20 =	sshll.u32 s14, $0x1;
	s14 =	sadd.s32 s21, s12  }
0xa6: {  	[timem:s16], [sflag:s22] =	dma.local [hbm:s14], s20  }
0xa7: {  	_ =	swait.ge [sflag:s22], s20  }
0xa8: {  	s13 =	ssub.s32 $0x0, s20;
	[sflag:s22] =	ssyncset.done $0x0  }
0xa9: {  	[sflag:s22] =	ssyncadd.s32 s13;
	_ =	sdelay $0x1  }
0xaa: {  	s23 =	simm.s32 $0x1B8B  }
0xab: {  	_ =	swait.ge [sflag:s23], $0x1  }
0xac: {  	[sflag:s23] =	ssyncset.done $0x0  }
0xad: {  	s25 =	simm.s32 $0x1B8E;
	s24 =	sld [smem:$0x3FFE];
	[sflag:s23] =	ssyncadd.s32 $0xFFFFFFFF  }
0xae: {  	s26 =	simm.s32 $execute0_lowered;
	[smem:$0x3FD2] =	sst s25  }
0xaf: {  	s14 =	sshll.u32 s26, $0x1;
	_ =	strace $0x80000046;
	[dreg:$0x1] =	wrdreg $0xFFFFFFFF  }
0xb0: {  	s28 =	simm.s32 $_size_execute0_lowered;
	s12 =	sadd.s32 s12, s14;
	[dreg:$0x0] =	wrdreg $0x0  }
0xb1: {  	s14 =	sshll.u32 s28, $0x1;
	[dreg:$0x2] =	wrdreg s12  }
0xb2: {  	[dreg:$0x3] =	wrdreg s14  }
0xb3: {  	[dreg:$0x4] =	wrdreg $0xC0  }
0xb4: {  	_ =	task [dreg:s16], $0x5FFFF  }
0xb5: {  	[dreg:$0x1] =	wrdreg $0xFFFFFFFF  }
0xb6: {  	[dreg:$0x0] =	wrdreg $0x60  }
0xb7: {  	[dreg:$0x2] =	wrdreg s2  }
0xb8: {  	[dreg:$0x3] =	wrdreg s18  }
0xb9: {  	[dreg:$0x4] =	wrdreg s4  }
0xba: {  	[dreg:$0x5] =	wrdreg s5  }
0xbb: {  	[dreg:$0x6] =	wrdreg s6  }
0xbc: {  	[dreg:$0x7] =	wrdreg s7  }
0xbd: {  	[dreg:$0x8] =	wrdreg s8  }
0xbe: {  	[dreg:$0x9] =	wrdreg s9  }
0xbf: {  	[dreg:$0xa] =	wrdreg s10  }
0xc0: {  	[dreg:$0xb] =	wrdreg s11  }
0xc1: {  	[dreg:$0xc] =	wrdreg s24  }
0xc2: {  	[dreg:$0xd] =	wrdreg $0xA2000  }
0xc3: {  	[dreg:$0xe] =	wrdreg $0x9  }
0xc4: {  	_ =	task.clear_ibuf [dreg:s16], $0xFFFFF;
	_ =	strace $0x90000046  }
0xc5: {  	s29 =	simm.s32 $0x9;
	_ =	strace $0x80000048  }
0xc6: {  	_ =	swait.ge [sflag:s29], $0x1  }
0xc7: {  	[sflag:s29] =	ssyncadd.s32 $0xFFFFFFFF  }
0xc8: {  	_ =	strace $0x90000048  }
0xc9: {  	_ =	sfence  }
0xca: {  	s30 =	sld [smem:$0x0];
	_ =	sdelay $0x2  }
0xcb: {  	s31 =	sshll.u32 s1, $0xD;
	s1 =	sshrl.u32 s1, $0x2  }
0xcc: {  	s3 =	sand.u32 $0x4000, s31;
	s1 =	sadd.s32 s1, s30  }
0xcd: {  	s0 =	sor.u32 s3, s0;
	s1 =	sshll.u32 s1, $0x11  }
0xce: {  	s0 =	sor.u32 s1, s0  }
0xcf: {  	s0 =	sadd.s32 $0x8F2B, s0  }
0xd0: {  	[sflag:s0] =	ssyncadd.remote.s32 $0x1  }
0xd1: {  	_ =	sfence.sel $0xFFFF  }
0xd2: {  	[dreg:$0x0] =	wrdreg $0xFFFFFFFF;
	(pc) =	sbr.abs _section_cstart, $3  }
0xd3: {  	[dreg:$0x1] =	wrdreg $0xFFFFFFFF  }
0xd4: {  	_ =	task.clear_ibuf [dreg:s16], $0x2FFFF;
	_ =	strace $0x9FFFFFFF  }
0xd5: {  	(tm) =	ssettm $0x7FFFFFFF  }
tec
execute0_lowered:
.L_overlay_start_1:
0x0: {  	(tag) =	ssettag $0x1  }
0x1: {  	s6 =	rddreg [dreg:$0x1]  }
0x2: {  	s7 =	rddreg [dreg:$0x2]  }
0x3: {  	s8 =	rddreg [dreg:$0x3]  }
0x4: {  	s9 =	rddreg [dreg:$0x4]  }
0x5: {  	s10 =	rddreg [dreg:$0x5]  }
0x6: {  	s12 =	rddreg [dreg:$0x6]  }
0x7: {  	s14 =	rddreg [dreg:$0x7]  }
0x8: {  	s15 =	rddreg [dreg:$0x8]  }
0x9: {  	s16 =	rddreg [dreg:$0x9]  }
0xa: {  	s0 =	rddreg [dreg:$0xa]  }
0xb: {  	s11 =	rddreg [dreg:$0xb];
	s1 =	srdreg.scid  }
0xc: {  	s13 =	simm.s32 $0x0;
	s17 =	stileid.u32;
	s29 =	simm.s32 $0x4C80  }
0xd: {  	s30 =	simm.s32 $0x6C80;
	s31 =	simm.s32 $0x4D00;
	s1 =	sand.u32 $0x1, s1  }
0xe: {  	[smem:$0x7FF] =	sst s13;
	s4 =	smul.u32 $0x32000, s17;
	s0 =	sadd.s32 $0xE00, s0  }
0xf: {  	s25 =	smul.u32 $0x19000, s17;
	s2 =	sshll.u32 s1, $0x4;
	s3 =	ssub.s32 $0x2, s1  }
0x10: {  	_ =	strace $0x80000047;
	s1 =	sshll.u32 s1, $0x7;
	s2 =	sor.u32 s17, s2  }
0x11: {  	s5 =	sshrl.u32 s3, $0x1;
	s4 =	sshrl.u32 s4, $0x2;
	s1 =	sor.u32 s1, s25  }
0x12: {  	s2 =	smul.u32 $0x19000, s2;
	s3 =	ssub.s32 s3, s5;
	s5 =	sadd.s32 $0x320000, s1  }
0x13: {  	s20 =	sadd.s32 s4, s11;
	s4 =	simm.s32 $0x4F00;
	s5 =	sshrl.u32 s5, $0x3  }
0x14: {  	s25 =	sadd.s32 $0x3200, s20;
	[dreg:$0xd] =	wrdreg s20;
	s24 =	sshrl.u32 s2, $0x3  }
0x15: {  	s18 =	sor.u32 $0x800, s2;
	[dreg:$0x1b] =	wrdreg s25;
	s6 =	sadd.s32 s6, s24  }
0x16: {  	s19 =	sadd.s32 $0x1000, s2;
	s26 =	sadd.s32 s7, s24;
	[dreg:$0xe] =	wrdreg s6  }
0x17: {  	s28 =	sadd.s32 s8, s24;
	s7 =	sadd.s32 $0x190000, s1;
	[dreg:$0xf] =	wrdreg s26  }
0x18: {  	s1 =	sshrl.u32 s1, $0x3;
	s9 =	sadd.s32 s9, s24;
	[dreg:$0x10] =	wrdreg s28  }
0x19: {  	s10 =	sadd.s32 s10, s24;
	s17 =	sadd.s32 s12, s24;
	[dreg:$0x14] =	wrdreg s9  }
0x1a: {  	s21 =	sadd.s32 s14, s24;
	s22 =	sadd.s32 s15, s24;
	[dreg:$0x15] =	wrdreg s10  }
0x1b: {  	s23 =	sadd.s32 s16, s24;
	s24 =	smax.u32 s3, $0x1;
	[dreg:$0x16] =	wrdreg s17  }
0x1c: {  	s16 =	simm.s32 $0x4000;
	s14 =	simm.s32 $0x4D80;
	[dreg:$0x17] =	wrdreg s21  }
0x1d: {  	s15 =	simm.s32 $0x6D80;
	s12 =	simm.s32 $0x4E00;
	[dreg:$0x18] =	wrdreg s22  }
0x1e: {  	s3 =	simm.s32 $0x6E80;
	s2 =	sshrl.u32 s7, $0x3;
	[dreg:$0x19] =	wrdreg s23  }
0x1f: {  	s1 =	sadd.s32 s0, s1;
	[dreg:$0x1a] =	wrdreg s24;
	s26 =	sadd.s32 $0x6400, s20  }
0x20: {  	s28 =	sadd.s32 $0x9600, s20;
	s17 =	simm.s32 $0x5000;
	s20 =	simm.s32 $0x5800  }
0x21: {  	s21 =	simm.s32 $0x1;
	s22 =	simm.s32 $0x80;
	s7 =	simm.s32 $0x6D00  }
0x22: {  	s6 =	simm.s32 $0x4F80;
	s9 =	simm.s32 $0x2;
	[dreg:$0x11] =	wrdreg s1  }
0x23: {  	s23 =	simm.s32 $0x0;
	s8 =	sadd.s32 s0, s2;
	[dreg:$0x1c] =	wrdreg s26  }
0x24: {  	s0 =	sadd.s32 s0, s5;
	[dreg:$0x1d] =	wrdreg s28;
	s1 =	simm.s32 $0x6E00  }
0x25: {  	s2 =	simm.s32 $0x4E80;
	s5 =	simm.s32 $0x6F00;
	[dreg:$0x12] =	wrdreg s8  }
0x26: {  	v0 =	vimm.f32 $0.0e+00;
	[dreg:$0x13] =	wrdreg s0;
	s0 =	simm.s32 $0x4800;
	s8 =	simm.s32 $0x6F80  }
.LBB2_1:
0x27: {  	[dreg:$0x1e] =	wrdreg s23;
	s10 =	simm.s32 $0x40;
	s23 =	simm.s32 $0x0  }
.LBB2_2:
0x28: {  	p0 =	sne.s32 s10, $0xC7C0;
	[tilespmem:s23+$0x7000] =	vst v0;
	s23 =	smov.u32 s10;
	s10 =	sadd.s32 $0x40, s10  }
.Ltmp0:
0x29: {  	(pc) =	sbr.rel @p0 .LBB2_2-.Ltmp0, $2  }
0x2a: {  	_ =	sdelay $0x2  }
0x2b: {  	s23 =	sshra.s32 s23, $0x2  }
0x2c: {  	[tilespmem:s23+$0x7000] =	vst v0;
	s10 =	simm.s32 $0x0;
	s25 =	rddreg [dreg:$0x0];
	s24 =	simm.s32 $0x3  }
0x2d: {  	[tilespmem:s10], [sflag:$0x3] =	stream.linear.gather [hbm4b:s25+s10], $0x4000, $0x38;
	[tilespmem:$0x16A00] =	vst v63  }
0x2e: {  	_ =	swait.ge [sflag:s24], $0x4000  }
0x2f: {  	[sflag:s24] =	ssyncset.done $0x0  }
0x30: {  	s25 =	simm.s32 $0x7000;
	s26 =	rddreg [dreg:$0xd];
	[sflag:s24] =	ssyncadd.s32 $0xFFFFC000  }
0x31: {  	[spmem:s26] =	stream.linear.scatter [tilespmem:s25], [sflag:$0x3], $0x3200, $0x38;
	[tilespmem:$0x16A00] =	vst v63  }
0x32: {  	_ =	swait.ge [sflag:s24], $0x3200  }
0x33: {  	[sflag:s24] =	ssyncset.done $0x0  }
0x34: {  	s28 =	rddreg [dreg:$0x1b];
	[sflag:s24] =	ssyncadd.s32 $0xFFFFCE00  }
0x35: {  	[spmem:s28] =	stream.linear.scatter [tilespmem:s25], [sflag:$0x3], $0x3200, $0x38;
	[tilespmem:$0x16A00] =	vst v63  }
0x36: {  	_ =	swait.ge [sflag:s24], $0x3200  }
0x37: {  	[sflag:s24] =	ssyncset.done $0x0  }
0x38: {  	s26 =	rddreg [dreg:$0x1c];
	[sflag:s24] =	ssyncadd.s32 $0xFFFFCE00  }
0x39: {  	[spmem:s26] =	stream.linear.scatter [tilespmem:s25], [sflag:$0x3], $0x3200, $0x38;
	[tilespmem:$0x16A00] =	vst v63  }
0x3a: {  	_ =	swait.ge [sflag:s24], $0x3200  }
0x3b: {  	[sflag:s24] =	ssyncset.done $0x0  }
0x3c: {  	s28 =	rddreg [dreg:$0x1d];
	[sflag:s24] =	ssyncadd.s32 $0xFFFFCE00  }
0x3d: {  	[spmem:s28] =	stream.linear.scatter [tilespmem:s25], [sflag:$0x3], $0x3200, $0x38;
	[tilespmem:$0x16A00] =	vst v63  }
0x3e: {  	_ =	swait.ge [sflag:s24], $0x3200  }
0x3f: {  	[sflag:s24] =	ssyncset.done $0x0  }
0x40: {  	[sflag:s24] =	ssyncadd.s32 $0xFFFFCE00  }
0x41: {  	[bflag:$0x0] =	sbarrier.arrive $0xFFFF  }
0x42: {  	s25 =	rddreg [dreg:$0xe]  }
0x43: {  	[tilespmem:s16], [sflag:$0x1] =	stream.linear.gather [hbm4b:s25+s10], $0x800, $0x38;
	[tilespmem:$0x16A00] =	vst v63  }
0x44: {  	s26 =	rddreg [dreg:$0xf]  }
0x45: {  	[tilespmem:s17], [sflag:$0x1] =	stream.linear.gather [hbm4b:s26+s10], $0x800, $0x38;
	[tilespmem:$0x16A00] =	vst v63  }
0x46: {  	s28 =	rddreg [dreg:$0x10]  }
0x47: {  	[tilespmem:s20], [sflag:$0x1] =	stream.linear.gather [hbm4b:s28+s10], $0x800, $0x38;
	[tilespmem:$0x16A00] =	vst v63  }
0x48: {  	_ =	swait.ge [sflag:s21], $0x800  }
0x49: {  	[sflag:s21] =	ssyncset.done $0x0  }
0x4a: {  	[sflag:s21] =	ssyncadd.s32 $0xFFFFF800  }
0x4b: {  	_ =	swait.ge [sflag:s21], $0x800  }
0x4c: {  	[sflag:s21] =	ssyncset.done $0x0  }
0x4d: {  	[sflag:s21] =	ssyncadd.s32 $0xFFFFF800  }
0x4e: {  	_ =	swait.ge [sflag:s21], $0x800  }
0x4f: {  	[sflag:s21] =	ssyncset.done $0x0  }
0x50: {  	[sflag:s21] =	ssyncadd.s32 $0xFFFFF800  }
.LBB2_4:
0x51: {  	s23 =	simm.s32 $0xFFFFFFF8  }
0x52: {  	s24 =	simm.s32 $0x5040;
	s25 =	simm.s32 $0x5840;
	s26 =	simm.s32 $0x6040  }
.LBB2_5:
0x53: {  	v1 =	vld [tilespmem:s24+$0xFFFFFFC0];
	_ =	sdelay $0x6  }
0x54: {  	v2 =	vld [tilespmem:s25+$0xFFFFFFC0]  }
0x55: {  	v1 =	vld.idx.msk [tilespmem:v1+s13+$0x0], $0xffff;
	_ =	sdelay $0x4  }
0x56: {  	v1 =	vmul.f32 v2, v1;
	_ =	sdelay $0x1  }
0x57: {  	[tilespmem:s26+$0xFFFFFFC0] =	vst v1  }
0x58: {  	v1 =	vld [tilespmem:s24+$0xFFFFFFD0];
	_ =	sdelay $0x6  }
0x59: {  	v2 =	vld [tilespmem:s25+$0xFFFFFFD0]  }
0x5a: {  	v1 =	vld.idx.msk [tilespmem:v1+s13+$0x0], $0xffff;
	_ =	sdelay $0x4  }
0x5b: {  	v1 =	vmul.f32 v2, v1;
	_ =	sdelay $0x1  }
0x5c: {  	[tilespmem:s26+$0xFFFFFFD0] =	vst v1  }
0x5d: {  	v1 =	vld [tilespmem:s24+$0xFFFFFFE0];
	_ =	sdelay $0x6  }
0x5e: {  	v2 =	vld [tilespmem:s25+$0xFFFFFFE0]  }
0x5f: {  	v1 =	vld.idx.msk [tilespmem:v1+s13+$0x0], $0xffff;
	_ =	sdelay $0x4  }
0x60: {  	v1 =	vmul.f32 v2, v1;
	_ =	sdelay $0x1  }
0x61: {  	[tilespmem:s26+$0xFFFFFFE0] =	vst v1  }
0x62: {  	v1 =	vld [tilespmem:s24+$0xFFFFFFF0];
	_ =	sdelay $0x6  }
0x63: {  	v2 =	vld [tilespmem:s25+$0xFFFFFFF0]  }
0x64: {  	v1 =	vld.idx.msk [tilespmem:v1+s13+$0x0], $0xffff;
	_ =	sdelay $0x4  }
0x65: {  	v1 =	vmul.f32 v2, v1;
	_ =	sdelay $0x1  }
0x66: {  	[tilespmem:s26+$0xFFFFFFF0] =	vst v1  }
0x67: {  	v1 =	vld [tilespmem:s24+$0x0];
	_ =	sdelay $0x6  }
0x68: {  	v2 =	vld [tilespmem:s25+$0x0]  }
0x69: {  	v1 =	vld.idx.msk [tilespmem:v1+s13+$0x0], $0xffff;
	_ =	sdelay $0x4  }
0x6a: {  	v1 =	vmul.f32 v2, v1;
	_ =	sdelay $0x1  }
0x6b: {  	[tilespmem:s26+$0x0] =	vst v1  }
0x6c: {  	v1 =	vld [tilespmem:s24+$0x10];
	_ =	sdelay $0x6  }
0x6d: {  	v2 =	vld [tilespmem:s25+$0x10]  }
0x6e: {  	v1 =	vld.idx.msk [tilespmem:v1+s13+$0x0], $0xffff;
	_ =	sdelay $0x4  }
0x6f: {  	v1 =	vmul.f32 v2, v1;
	_ =	sdelay $0x1  }
0x70: {  	[tilespmem:s26+$0x10] =	vst v1  }
0x71: {  	v1 =	vld [tilespmem:s24+$0x20];
	_ =	sdelay $0x6  }
0x72: {  	v2 =	vld [tilespmem:s25+$0x20]  }
0x73: {  	v1 =	vld.idx.msk [tilespmem:v1+s13+$0x0], $0xffff;
	_ =	sdelay $0x4  }
0x74: {  	v1 =	vmul.f32 v2, v1;
	_ =	sdelay $0x1  }
0x75: {  	[tilespmem:s26+$0x20] =	vst v1  }
0x76: {  	v1 =	vld [tilespmem:s24+$0x30];
	_ =	sdelay $0x6  }
0x77: {  	v2 =	vld [tilespmem:s25+$0x30]  }
0x78: {  	v1 =	vld.idx.msk [tilespmem:v1+s13+$0x0], $0xffff  }
0x79: {  	s23 =	sadd.s32 $0x8, s23  }
0x7a: {  	p0 =	slt.u32 s23, $0x78  }
.Ltmp1:
0x7b: {  	_ = 	snop;
	(pc) =	sbr.rel @p0 .LBB2_5-.Ltmp1, $3  }
0x7c: {  	_ = 	snop  }
0x7d: {  	v1 =	vmul.f32 v2, v1;
	_ =	sdelay $0x1  }
0x7e: {  	s24 =	sadd.s32 $0x80, s24;
	s25 =	sadd.s32 $0x80, s25;
	[tilespmem:s26+$0x30] =	vst v1;
	s26 =	sadd.s32 $0x80, s26  }
0x7f: {  	s23 =	simm.s32 $0x6000  }
0x80: {  	[spmem:s11] =	stream.indirect.scatter.add.f32 [tilespmem:s23], [sflag:$0x2], $0x1, s16, s22, $0xb8;
	[tilespmem:$0x16A00] =	vst v63  }
0x81: {  	s26 =	simm.s32 $0x4080;
	s24 =	simm.s32 $0x6080  }
0x82: {  	[spmem:s11] =	stream.indirect.scatter.add.f32 [tilespmem:s24], [sflag:$0x2], $0x1, s26, s22, $0xb8;
	[tilespmem:$0x16A00] =	vst v63  }
0x83: {  	s25 =	simm.s32 $0x4100;
	s26 =	simm.s32 $0x6100  }
0x84: {  	[spmem:s11] =	stream.indirect.scatter.add.f32 [tilespmem:s26], [sflag:$0x2], $0x1, s25, s22, $0xb8;
	[tilespmem:$0x16A00] =	vst v63  }
0x85: {  	s25 =	simm.s32 $0x4180;
	s26 =	simm.s32 $0x6180  }
0x86: {  	[spmem:s11] =	stream.indirect.scatter.add.f32 [tilespmem:s26], [sflag:$0x2], $0x1, s25, s22, $0xb8;
	[tilespmem:$0x16A00] =	vst v63  }
0x87: {  	s25 =	simm.s32 $0x4200;
	s26 =	simm.s32 $0x6200  }
0x88: {  	[spmem:s11] =	stream.indirect.scatter.add.f32 [tilespmem:s26], [sflag:$0x2], $0x1, s25, s22, $0xb8;
	[tilespmem:$0x16A00] =	vst v63  }
0x89: {  	s25 =	simm.s32 $0x4280;
	s26 =	simm.s32 $0x6280  }
0x8a: {  	[spmem:s11] =	stream.indirect.scatter.add.f32 [tilespmem:s26], [sflag:$0x2], $0x1, s25, s22, $0xb8;
	[tilespmem:$0x16A00] =	vst v63  }
0x8b: {  	s25 =	simm.s32 $0x4300;
	s26 =	simm.s32 $0x6300  }
0x8c: {  	[spmem:s11] =	stream.indirect.scatter.add.f32 [tilespmem:s26], [sflag:$0x2], $0x1, s25, s22, $0xb8;
	[tilespmem:$0x16A00] =	vst v63  }
0x8d: {  	s25 =	simm.s32 $0x4380;
	s26 =	simm.s32 $0x6380  }
0x8e: {  	[spmem:s11] =	stream.indirect.scatter.add.f32 [tilespmem:s26], [sflag:$0x2], $0x1, s25, s22, $0xb8;
	[tilespmem:$0x16A00] =	vst v63  }
0x8f: {  	s25 =	simm.s32 $0x4400;
	s26 =	simm.s32 $0x6400  }
0x90: {  	[spmem:s11] =	stream.indirect.scatter.add.f32 [tilespmem:s26], [sflag:$0x2], $0x1, s25, s22, $0xb8;
	[tilespmem:$0x16A00] =	vst v63  }
0x91: {  	s25 =	simm.s32 $0x4480;
	s26 =	simm.s32 $0x6480  }
0x92: {  	[spmem:s11] =	stream.indirect.scatter.add.f32 [tilespmem:s26], [sflag:$0x2], $0x1, s25, s22, $0xb8;
	[tilespmem:$0x16A00] =	vst v63  }
0x93: {  	s25 =	simm.s32 $0x4500;
	s26 =	simm.s32 $0x6500  }
0x94: {  	[spmem:s11] =	stream.indirect.scatter.add.f32 [tilespmem:s26], [sflag:$0x2], $0x1, s25, s22, $0xb8;
	[tilespmem:$0x16A00] =	vst v63  }
0x95: {  	s25 =	simm.s32 $0x4580;
	s26 =	simm.s32 $0x6580  }
0x96: {  	[spmem:s11] =	stream.indirect.scatter.add.f32 [tilespmem:s26], [sflag:$0x2], $0x1, s25, s22, $0xb8;
	[tilespmem:$0x16A00] =	vst v63  }
0x97: {  	s25 =	simm.s32 $0x4600;
	s26 =	simm.s32 $0x6600  }
0x98: {  	[spmem:s11] =	stream.indirect.scatter.add.f32 [tilespmem:s26], [sflag:$0x2], $0x1, s25, s22, $0xb8;
	[tilespmem:$0x16A00] =	vst v63  }
0x99: {  	s25 =	simm.s32 $0x4680;
	s26 =	simm.s32 $0x6680  }
0x9a: {  	[spmem:s11] =	stream.indirect.scatter.add.f32 [tilespmem:s26], [sflag:$0x2], $0x1, s25, s22, $0xb8;
	[tilespmem:$0x16A00] =	vst v63  }
0x9b: {  	p0 =	seq.s32 s10, $0x0;
	s25 =	simm.s32 $0x4700;
	s26 =	simm.s32 $0x6700  }
0x9c: {  	[spmem:s11] =	stream.indirect.scatter.add.f32 [tilespmem:s26], [sflag:$0x2], $0x1, s25, s22, $0xb8;
	[tilespmem:$0x16A00] =	vst v63  }
0x9d: {  	s23 =	simm.s32 @!p0 $0x2;
	s24 =	simm.s32 $0x4780;
	s25 =	simm.s32 $0x6780  }
0x9e: {  	[spmem:s11] =	stream.indirect.scatter.add.f32 [tilespmem:s25], [sflag:$0x2], $0x1, s24, s22, $0xb8;
	[tilespmem:$0x16A00] =	vst v63  }
0x9f: {  	_ =	swait.ge @!p0 [sflag:s23], $0x800  }
0xa0: {  	s26 =	sshll.u32 s10, $0xC;
	[sflag:s23] =	ssyncset.done @!p0 $0x0  }
0xa1: {  	s24 =	sadd.s32 s26, s18;
	[sflag:s23] =	ssyncadd.s32 @!p0 $0xFFFFF800  }
0xa2: {  	s24 =	sshrl.u32 s24, $0x3;
	s23 =	rddreg [dreg:$0x1]  }
0xa3: {  	s25 =	rddreg [dreg:$0x2];
	s23 =	sadd.s32 s23, s24  }
0xa4: {  	[tilespmem:s0], [sflag:$0x1] =	stream.linear.gather [hbm4b:s23+s13], $0x800, $0x38;
	[tilespmem:$0x16A00] =	vst v63  }
0xa5: {  	s26 =	rddreg [dreg:$0x3];
	s23 =	sadd.s32 s25, s24  }
0xa6: {  	[tilespmem:s17], [sflag:$0x1] =	stream.linear.gather [hbm4b:s23+s13], $0x800, $0x38;
	[tilespmem:$0x16A00] =	vst v63  }
0xa7: {  	s23 =	sadd.s32 s26, s24  }
0xa8: {  	[tilespmem:s20], [sflag:$0x1] =	stream.linear.gather [hbm4b:s23+s13], $0x800, $0x38;
	[tilespmem:$0x16A00] =	vst v63  }
0xa9: {  	_ =	swait.ge [sflag:s21], $0x800  }
0xaa: {  	[sflag:s21] =	ssyncset.done $0x0  }
0xab: {  	[sflag:s21] =	ssyncadd.s32 $0xFFFFF800  }
0xac: {  	_ =	swait.ge [sflag:s21], $0x800  }
0xad: {  	[sflag:s21] =	ssyncset.done $0x0  }
0xae: {  	[sflag:s21] =	ssyncadd.s32 $0xFFFFF800  }
0xaf: {  	s28 =	simm.s32 $0x6840;
	_ =	swait.ge [sflag:s21], $0x800  }
0xb0: {  	s25 =	simm.s32 $0x5040;
	s24 =	simm.s32 $0xFFFFFFF8;
	[sflag:s21] =	ssyncset.done $0x0  }
0xb1: {  	s26 =	simm.s32 $0x5840;
	s23 =	sshll.u32 s10, $0x1;
	[sflag:s21] =	ssyncadd.s32 $0xFFFFF800  }
.LBB2_7:
0xb2: {  	v1 =	vld [tilespmem:s25+$0xFFFFFFC0];
	_ =	sdelay $0x6  }
0xb3: {  	v2 =	vld [tilespmem:s26+$0xFFFFFFC0]  }
0xb4: {  	v1 =	vld.idx.msk [tilespmem:v1+s13+$0x0], $0xffff;
	_ =	sdelay $0x4  }
0xb5: {  	v1 =	vmul.f32 v2, v1;
	_ =	sdelay $0x1  }
0xb6: {  	[tilespmem:s28+$0xFFFFFFC0] =	vst v1  }
0xb7: {  	v1 =	vld [tilespmem:s25+$0xFFFFFFD0];
	_ =	sdelay $0x6  }
0xb8: {  	v2 =	vld [tilespmem:s26+$0xFFFFFFD0]  }
0xb9: {  	v1 =	vld.idx.msk [tilespmem:v1+s13+$0x0], $0xffff;
	_ =	sdelay $0x4  }
0xba: {  	v1 =	vmul.f32 v2, v1;
	_ =	sdelay $0x1  }
0xbb: {  	[tilespmem:s28+$0xFFFFFFD0] =	vst v1  }
0xbc: {  	v1 =	vld [tilespmem:s25+$0xFFFFFFE0];
	_ =	sdelay $0x6  }
0xbd: {  	v2 =	vld [tilespmem:s26+$0xFFFFFFE0]  }
0xbe: {  	v1 =	vld.idx.msk [tilespmem:v1+s13+$0x0], $0xffff;
	_ =	sdelay $0x4  }
0xbf: {  	v1 =	vmul.f32 v2, v1;
	_ =	sdelay $0x1  }
0xc0: {  	[tilespmem:s28+$0xFFFFFFE0] =	vst v1  }
0xc1: {  	v1 =	vld [tilespmem:s25+$0xFFFFFFF0];
	_ =	sdelay $0x6  }
0xc2: {  	v2 =	vld [tilespmem:s26+$0xFFFFFFF0]  }
0xc3: {  	v1 =	vld.idx.msk [tilespmem:v1+s13+$0x0], $0xffff;
	_ =	sdelay $0x4  }
0xc4: {  	v1 =	vmul.f32 v2, v1;
	_ =	sdelay $0x1  }
0xc5: {  	[tilespmem:s28+$0xFFFFFFF0] =	vst v1  }
0xc6: {  	v1 =	vld [tilespmem:s25+$0x0];
	_ =	sdelay $0x6  }
0xc7: {  	v2 =	vld [tilespmem:s26+$0x0]  }
0xc8: {  	v1 =	vld.idx.msk [tilespmem:v1+s13+$0x0], $0xffff;
	_ =	sdelay $0x4  }
0xc9: {  	v1 =	vmul.f32 v2, v1;
	_ =	sdelay $0x1  }
0xca: {  	[tilespmem:s28+$0x0] =	vst v1  }
0xcb: {  	v1 =	vld [tilespmem:s25+$0x10];
	_ =	sdelay $0x6  }
0xcc: {  	v2 =	vld [tilespmem:s26+$0x10]  }
0xcd: {  	v1 =	vld.idx.msk [tilespmem:v1+s13+$0x0], $0xffff;
	_ =	sdelay $0x4  }
0xce: {  	v1 =	vmul.f32 v2, v1;
	_ =	sdelay $0x1  }
0xcf: {  	[tilespmem:s28+$0x10] =	vst v1  }
0xd0: {  	v1 =	vld [tilespmem:s25+$0x20];
	_ =	sdelay $0x6  }
0xd1: {  	v2 =	vld [tilespmem:s26+$0x20]  }
0xd2: {  	v1 =	vld.idx.msk [tilespmem:v1+s13+$0x0], $0xffff;
	_ =	sdelay $0x4  }
0xd3: {  	v1 =	vmul.f32 v2, v1;
	_ =	sdelay $0x1  }
0xd4: {  	[tilespmem:s28+$0x20] =	vst v1  }
0xd5: {  	v1 =	vld [tilespmem:s25+$0x30];
	_ =	sdelay $0x6  }
0xd6: {  	v2 =	vld [tilespmem:s26+$0x30]  }
0xd7: {  	v1 =	vld.idx.msk [tilespmem:v1+s13+$0x0], $0xffff  }
0xd8: {  	s24 =	sadd.s32 $0x8, s24  }
0xd9: {  	p0 =	slt.u32 s24, $0x78  }
.Ltmp2:
0xda: {  	_ = 	snop;
	(pc) =	sbr.rel @p0 .LBB2_7-.Ltmp2, $3  }
0xdb: {  	_ = 	snop  }
0xdc: {  	v1 =	vmul.f32 v2, v1;
	_ =	sdelay $0x1  }
0xdd: {  	s25 =	sadd.s32 $0x80, s25;
	s26 =	sadd.s32 $0x80, s26;
	[tilespmem:s28+$0x30] =	vst v1;
	s28 =	sadd.s32 $0x80, s28  }
0xde: {  	s24 =	simm.s32 $0x6800  }
0xdf: {  	[spmem:s11] =	stream.indirect.scatter.add.f32 [tilespmem:s24], [sflag:$0x2], $0x1, s0, s22, $0xb8;
	[tilespmem:$0x16A00] =	vst v63  }
0xe0: {  	s28 =	simm.s32 $0x4880;
	s25 =	simm.s32 $0x6880  }
0xe1: {  	[spmem:s11] =	stream.indirect.scatter.add.f32 [tilespmem:s25], [sflag:$0x2], $0x1, s28, s22, $0xb8;
	[tilespmem:$0x16A00] =	vst v63  }
0xe2: {  	s26 =	simm.s32 $0x4900;
	s28 =	simm.s32 $0x6900  }
0xe3: {  	[spmem:s11] =	stream.indirect.scatter.add.f32 [tilespmem:s28], [sflag:$0x2], $0x1, s26, s22, $0xb8;
	[tilespmem:$0x16A00] =	vst v63  }
0xe4: {  	s26 =	simm.s32 $0x4980;
	s28 =	simm.s32 $0x6980  }
0xe5: {  	[spmem:s11] =	stream.indirect.scatter.add.f32 [tilespmem:s28], [sflag:$0x2], $0x1, s26, s22, $0xb8;
	[tilespmem:$0x16A00] =	vst v63  }
0xe6: {  	s26 =	simm.s32 $0x4A00;
	s28 =	simm.s32 $0x6A00  }
0xe7: {  	[spmem:s11] =	stream.indirect.scatter.add.f32 [tilespmem:s28], [sflag:$0x2], $0x1, s26, s22, $0xb8;
	[tilespmem:$0x16A00] =	vst v63  }
0xe8: {  	s26 =	simm.s32 $0x4A80;
	s28 =	simm.s32 $0x6A80  }
0xe9: {  	[spmem:s11] =	stream.indirect.scatter.add.f32 [tilespmem:s28], [sflag:$0x2], $0x1, s26, s22, $0xb8;
	[tilespmem:$0x16A00] =	vst v63  }
0xea: {  	s26 =	simm.s32 $0x4B00;
	s28 =	simm.s32 $0x6B00  }
0xeb: {  	[spmem:s11] =	stream.indirect.scatter.add.f32 [tilespmem:s28], [sflag:$0x2], $0x1, s26, s22, $0xb8;
	[tilespmem:$0x16A00] =	vst v63  }
0xec: {  	s26 =	simm.s32 $0x4B80;
	s28 =	simm.s32 $0x6B80  }
0xed: {  	[spmem:s11] =	stream.indirect.scatter.add.f32 [tilespmem:s28], [sflag:$0x2], $0x1, s26, s22, $0xb8;
	[tilespmem:$0x16A00] =	vst v63  }
0xee: {  	s26 =	simm.s32 $0x4C00;
	s28 =	simm.s32 $0x6C00  }
0xef: {  	[spmem:s11] =	stream.indirect.scatter.add.f32 [tilespmem:s28], [sflag:$0x2], $0x1, s26, s22, $0xb8;
	[tilespmem:$0x16A00] =	vst v63  }
0xf0: {  	_ = 	snop  }
0xf1: {  	[spmem:s11] =	stream.indirect.scatter.add.f32 [tilespmem:s30], [sflag:$0x2], $0x1, s29, s22, $0xb8;
	[tilespmem:$0x16A00] =	vst v63  }
0xf2: {  	_ = 	snop  }
0xf3: {  	[spmem:s11] =	stream.indirect.scatter.add.f32 [tilespmem:s7], [sflag:$0x2], $0x1, s31, s22, $0xb8;
	[tilespmem:$0x16A00] =	vst v63  }
0xf4: {  	_ = 	snop  }
0xf5: {  	[spmem:s11] =	stream.indirect.scatter.add.f32 [tilespmem:s15], [sflag:$0x2], $0x1, s14, s22, $0xb8;
	[tilespmem:$0x16A00] =	vst v63  }
0xf6: {  	_ = 	snop  }
0xf7: {  	[spmem:s11] =	stream.indirect.scatter.add.f32 [tilespmem:s1], [sflag:$0x2], $0x1, s12, s22, $0xb8;
	[tilespmem:$0x16A00] =	vst v63  }
0xf8: {  	_ = 	snop  }
0xf9: {  	[spmem:s11] =	stream.indirect.scatter.add.f32 [tilespmem:s3], [sflag:$0x2], $0x1, s2, s22, $0xb8;
	[tilespmem:$0x16A00] =	vst v63  }
0xfa: {  	_ = 	snop  }
0xfb: {  	[spmem:s11] =	stream.indirect.scatter.add.f32 [tilespmem:s5], [sflag:$0x2], $0x1, s4, s22, $0xb8;
	[tilespmem:$0x16A00] =	vst v63  }
0xfc: {  	_ = 	snop  }
0xfd: {  	[spmem:s11] =	stream.indirect.scatter.add.f32 [tilespmem:s8], [sflag:$0x2], $0x1, s6, s22, $0xb8;
	[tilespmem:$0x16A00] =	vst v63  }
0xfe: {  	_ =	swait.ge [sflag:s9], $0x80  }
0xff: {  	[sflag:s9] =	ssyncset.done $0x0  }
0x100: {  	[sflag:s9] =	ssyncadd.s32 $0xFFFFFF80  }
0x101: {  	_ =	swait.ge [sflag:s9], $0x80  }
0x102: {  	[sflag:s9] =	ssyncset.done $0x0  }
0x103: {  	[sflag:s9] =	ssyncadd.s32 $0xFFFFFF80  }
0x104: {  	_ =	swait.ge [sflag:s9], $0x80  }
0x105: {  	[sflag:s9] =	ssyncset.done $0x0  }
0x106: {  	[sflag:s9] =	ssyncadd.s32 $0xFFFFFF80  }
0x107: {  	_ =	swait.ge [sflag:s9], $0x80  }
0x108: {  	[sflag:s9] =	ssyncset.done $0x0  }
0x109: {  	[sflag:s9] =	ssyncadd.s32 $0xFFFFFF80  }
0x10a: {  	_ =	swait.ge [sflag:s9], $0x80  }
0x10b: {  	[sflag:s9] =	ssyncset.done $0x0  }
0x10c: {  	[sflag:s9] =	ssyncadd.s32 $0xFFFFFF80  }
0x10d: {  	_ =	swait.ge [sflag:s9], $0x80  }
0x10e: {  	[sflag:s9] =	ssyncset.done $0x0  }
0x10f: {  	[sflag:s9] =	ssyncadd.s32 $0xFFFFFF80  }
0x110: {  	_ =	swait.ge [sflag:s9], $0x80  }
0x111: {  	[sflag:s9] =	ssyncset.done $0x0  }
0x112: {  	[sflag:s9] =	ssyncadd.s32 $0xFFFFFF80  }
0x113: {  	_ =	swait.ge [sflag:s9], $0x80  }
0x114: {  	[sflag:s9] =	ssyncset.done $0x0  }
0x115: {  	[sflag:s9] =	ssyncadd.s32 $0xFFFFFF80  }
0x116: {  	_ =	swait.ge [sflag:s9], $0x80  }
0x117: {  	[sflag:s9] =	ssyncset.done $0x0  }
0x118: {  	[sflag:s9] =	ssyncadd.s32 $0xFFFFFF80  }
0x119: {  	_ =	swait.ge [sflag:s9], $0x80  }
0x11a: {  	[sflag:s9] =	ssyncset.done $0x0  }
0x11b: {  	[sflag:s9] =	ssyncadd.s32 $0xFFFFFF80  }
0x11c: {  	_ =	swait.ge [sflag:s9], $0x80  }
0x11d: {  	[sflag:s9] =	ssyncset.done $0x0  }
0x11e: {  	[sflag:s9] =	ssyncadd.s32 $0xFFFFFF80  }
0x11f: {  	_ =	swait.ge [sflag:s9], $0x80  }
0x120: {  	[sflag:s9] =	ssyncset.done $0x0  }
0x121: {  	[sflag:s9] =	ssyncadd.s32 $0xFFFFFF80  }
0x122: {  	_ =	swait.ge [sflag:s9], $0x80  }
0x123: {  	[sflag:s9] =	ssyncset.done $0x0  }
0x124: {  	[sflag:s9] =	ssyncadd.s32 $0xFFFFFF80  }
0x125: {  	_ =	swait.ge [sflag:s9], $0x80  }
0x126: {  	[sflag:s9] =	ssyncset.done $0x0  }
0x127: {  	[sflag:s9] =	ssyncadd.s32 $0xFFFFFF80  }
0x128: {  	_ =	swait.ge [sflag:s9], $0x80  }
0x129: {  	[sflag:s9] =	ssyncset.done $0x0  }
0x12a: {  	[sflag:s9] =	ssyncadd.s32 $0xFFFFFF80  }
0x12b: {  	s23 =	smin.u32 s23, $0x2F;
	_ =	swait.ge [sflag:s9], $0x80  }
0x12c: {  	s23 =	sshll.u32 s23, $0xB;
	[sflag:s9] =	ssyncset.done $0x0  }
0x12d: {  	s23 =	sadd.s32 s23, s19;
	[sflag:s9] =	ssyncadd.s32 $0xFFFFFF80  }
0x12e: {  	s23 =	sshrl.u32 s23, $0x3;
	s25 =	rddreg [dreg:$0x1]  }
0x12f: {  	s26 =	rddreg [dreg:$0x2];
	s24 =	sadd.s32 s25, s23  }
0x130: {  	[tilespmem:s16], [sflag:$0x1] =	stream.linear.gather [hbm4b:s24+s13], $0x800, $0x38;
	[tilespmem:$0x16A00] =	vst v63  }
0x131: {  	s28 =	rddreg [dreg:$0x3];
	s24 =	sadd.s32 s26, s23  }
0x132: {  	[tilespmem:s17], [sflag:$0x1] =	stream.linear.gather [hbm4b:s24+s13], $0x800, $0x38;
	[tilespmem:$0x16A00] =	vst v63  }
0x133: {  	s23 =	sadd.s32 s28, s23  }
0x134: {  	[tilespmem:s20], [sflag:$0x1] =	stream.linear.gather [hbm4b:s23+s13], $0x800, $0x38;
	[tilespmem:$0x16A00] =	vst v63  }
0x135: {  	_ =	swait.ge [sflag:s21], $0x800  }
0x136: {  	[sflag:s21] =	ssyncset.done $0x0  }
0x137: {  	s10 =	sadd.s32 $0x1, s10;
	[sflag:s21] =	ssyncadd.s32 $0xFFFFF800  }
0x138: {  	p0 =	sne.s32 s10, $0x19;
	_ =	swait.ge [sflag:s21], $0x800  }
.Ltmp3:
0x139: {  	[sflag:s21] =	ssyncset.done $0x0;
	(pc) =	sbr.rel @p0 .LBB2_4-.Ltmp3, $4  }
0x13a: {  	[sflag:s21] =	ssyncadd.s32 $0xFFFFF800  }
0x13b: {  	_ =	swait.ge [sflag:s21], $0x800  }
0x13c: {  	[sflag:s21] =	ssyncset.done $0x0  }
0x13d: {  	[sflag:s21] =	ssyncadd.s32 $0xFFFFF800  }
0x13e: {  	_ =	swait.ge [sflag:s9], $0x800  }
0x13f: {  	[sflag:s9] =	ssyncset.done $0x0  }
0x140: {  	s10 =	stileid.u32;
	[sflag:s9] =	ssyncadd.s32 $0xFFFFF800  }
0x141: {  	s10 =	sshll.u32 s10, $0x6;
	[bflag:$0x0] =	sbarrier.arrive $0xFFFF  }
0x142: {  	s26 =	sor.u32 $0x1C03, s10;
	s10 =	rddreg [dreg:$0xd]  }
0x143: {  	s23 =	rddreg [dreg:$0x11]  }
0x144: {  	[dreg:$0x1f] =	wrdreg s26;
	s28 =	sshrl.u32 s10, $0x3  }
0x145: {  	s24 =	simm.s32 $0x20;
	s25 =	simm.s32 $0x10;
	[smem:$0x7FD] =	sst s28  }
0x146: {  	[hbm:s23@s24], [sflag:s26] =	dma.strided [spmem:s28@s25], $0x1900, s21, $0x10   }
0x147: {  	s23 =	simm.s32 $0x3  }
0x148: {  	_ =	swait.ge [sflag:s23], $0x1900  }
0x149: {  	[sflag:s23] =	ssyncset.done $0x0  }
0x14a: {  	[sflag:s23] =	ssyncadd.s32 $0xFFFFE700  }
0x14b: {  	s24 =	simm.s32 $0x7000;
	[bflag:$0x0] =	sbarrier.arrive $0xFFFF  }
0x14c: {  	[spmem:s10] =	stream.linear.scatter [tilespmem:s24], [sflag:$0x3], $0x3200, $0x38;
	[tilespmem:$0x16A00] =	vst v63  }
0x14d: {  	_ =	swait.ge [sflag:s23], $0x3200  }
0x14e: {  	[sflag:s23] =	ssyncset.done $0x0  }
0x14f: {  	s25 =	rddreg [dreg:$0x1b];
	[sflag:s23] =	ssyncadd.s32 $0xFFFFCE00  }
0x150: {  	[spmem:s25] =	stream.linear.scatter [tilespmem:s24], [sflag:$0x3], $0x3200, $0x38;
	[tilespmem:$0x16A00] =	vst v63  }
0x151: {  	_ =	swait.ge [sflag:s23], $0x3200  }
0x152: {  	[sflag:s23] =	ssyncset.done $0x0  }
0x153: {  	s26 =	rddreg [dreg:$0x1c];
	[sflag:s23] =	ssyncadd.s32 $0xFFFFCE00  }
0x154: {  	[spmem:s26] =	stream.linear.scatter [tilespmem:s24], [sflag:$0x3], $0x3200, $0x38;
	[tilespmem:$0x16A00] =	vst v63  }
0x155: {  	_ =	swait.ge [sflag:s23], $0x3200  }
0x156: {  	[sflag:s23] =	ssyncset.done $0x0  }
0x157: {  	s28 =	rddreg [dreg:$0x1d];
	[sflag:s23] =	ssyncadd.s32 $0xFFFFCE00  }
0x158: {  	[spmem:s28] =	stream.linear.scatter [tilespmem:s24], [sflag:$0x3], $0x3200, $0x38;
	[tilespmem:$0x16A00] =	vst v63  }
0x159: {  	_ =	swait.ge [sflag:s23], $0x3200  }
0x15a: {  	[sflag:s23] =	ssyncset.done $0x0  }
0x15b: {  	[sflag:s23] =	ssyncadd.s32 $0xFFFFCE00  }
0x15c: {  	[bflag:$0x0] =	sbarrier.arrive $0xFFFF  }
0x15d: {  	s10 =	simm.s32 $0x0;
	s25 =	rddreg [dreg:$0x14]  }
0x15e: {  	[tilespmem:s16], [sflag:$0x1] =	stream.linear.gather [hbm4b:s25+s10], $0x800, $0x38;
	[tilespmem:$0x16A00] =	vst v63  }
0x15f: {  	s26 =	rddreg [dreg:$0x15]  }
0x160: {  	[tilespmem:s17], [sflag:$0x1] =	stream.linear.gather [hbm4b:s26+s10], $0x800, $0x38;
	[tilespmem:$0x16A00] =	vst v63  }
0x161: {  	s28 =	rddreg [dreg:$0x16]  }
0x162: {  	[tilespmem:s20], [sflag:$0x1] =	stream.linear.gather [hbm4b:s28+s10], $0x800, $0x38;
	[tilespmem:$0x16A00] =	vst v63  }
0x163: {  	_ =	swait.ge [sflag:s21], $0x800  }
0x164: {  	[sflag:s21] =	ssyncset.done $0x0  }
0x165: {  	[sflag:s21] =	ssyncadd.s32 $0xFFFFF800  }
0x166: {  	_ =	swait.ge [sflag:s21], $0x800  }
0x167: {  	[sflag:s21] =	ssyncset.done $0x0  }
0x168: {  	[sflag:s21] =	ssyncadd.s32 $0xFFFFF800  }
0x169: {  	_ =	swait.ge [sflag:s21], $0x800  }
0x16a: {  	[sflag:s21] =	ssyncset.done $0x0  }
0x16b: {  	[sflag:s21] =	ssyncadd.s32 $0xFFFFF800  }
.LBB2_10:
0x16c: {  	s23 =	simm.s32 $0xFFFFFFF8  }
0x16d: {  	s24 =	simm.s32 $0x5040;
	s25 =	simm.s32 $0x5840;
	s26 =	simm.s32 $0x6040  }
.LBB2_11:
0x16e: {  	v1 =	vld [tilespmem:s24+$0xFFFFFFC0];
	_ =	sdelay $0x6  }
0x16f: {  	v2 =	vld [tilespmem:s25+$0xFFFFFFC0]  }
0x170: {  	v1 =	vld.idx.msk [tilespmem:v1+s13+$0x0], $0xffff;
	_ =	sdelay $0x4  }
0x171: {  	v1 =	vmul.f32 v2, v1;
	_ =	sdelay $0x1  }
0x172: {  	[tilespmem:s26+$0xFFFFFFC0] =	vst v1  }
0x173: {  	v1 =	vld [tilespmem:s24+$0xFFFFFFD0];
	_ =	sdelay $0x6  }
0x174: {  	v2 =	vld [tilespmem:s25+$0xFFFFFFD0]  }
0x175: {  	v1 =	vld.idx.msk [tilespmem:v1+s13+$0x0], $0xffff;
	_ =	sdelay $0x4  }
0x176: {  	v1 =	vmul.f32 v2, v1;
	_ =	sdelay $0x1  }
0x177: {  	[tilespmem:s26+$0xFFFFFFD0] =	vst v1  }
0x178: {  	v1 =	vld [tilespmem:s24+$0xFFFFFFE0];
	_ =	sdelay $0x6  }
0x179: {  	v2 =	vld [tilespmem:s25+$0xFFFFFFE0]  }
0x17a: {  	v1 =	vld.idx.msk [tilespmem:v1+s13+$0x0], $0xffff;
	_ =	sdelay $0x4  }
0x17b: {  	v1 =	vmul.f32 v2, v1;
	_ =	sdelay $0x1  }
0x17c: {  	[tilespmem:s26+$0xFFFFFFE0] =	vst v1  }
0x17d: {  	v1 =	vld [tilespmem:s24+$0xFFFFFFF0];
	_ =	sdelay $0x6  }
0x17e: {  	v2 =	vld [tilespmem:s25+$0xFFFFFFF0]  }
0x17f: {  	v1 =	vld.idx.msk [tilespmem:v1+s13+$0x0], $0xffff;
	_ =	sdelay $0x4  }
0x180: {  	v1 =	vmul.f32 v2, v1;
	_ =	sdelay $0x1  }
0x181: {  	[tilespmem:s26+$0xFFFFFFF0] =	vst v1  }
0x182: {  	v1 =	vld [tilespmem:s24+$0x0];
	_ =	sdelay $0x6  }
0x183: {  	v2 =	vld [tilespmem:s25+$0x0]  }
0x184: {  	v1 =	vld.idx.msk [tilespmem:v1+s13+$0x0], $0xffff;
	_ =	sdelay $0x4  }
0x185: {  	v1 =	vmul.f32 v2, v1;
	_ =	sdelay $0x1  }
0x186: {  	[tilespmem:s26+$0x0] =	vst v1  }
0x187: {  	v1 =	vld [tilespmem:s24+$0x10];
	_ =	sdelay $0x6  }
0x188: {  	v2 =	vld [tilespmem:s25+$0x10]  }
0x189: {  	v1 =	vld.idx.msk [tilespmem:v1+s13+$0x0], $0xffff;
	_ =	sdelay $0x4  }
0x18a: {  	v1 =	vmul.f32 v2, v1;
	_ =	sdelay $0x1  }
0x18b: {  	[tilespmem:s26+$0x10] =	vst v1  }
0x18c: {  	v1 =	vld [tilespmem:s24+$0x20];
	_ =	sdelay $0x6  }
0x18d: {  	v2 =	vld [tilespmem:s25+$0x20]  }
0x18e: {  	v1 =	vld.idx.msk [tilespmem:v1+s13+$0x0], $0xffff;
	_ =	sdelay $0x4  }
0x18f: {  	v1 =	vmul.f32 v2, v1;
	_ =	sdelay $0x1  }
0x190: {  	[tilespmem:s26+$0x20] =	vst v1  }
0x191: {  	v1 =	vld [tilespmem:s24+$0x30];
	_ =	sdelay $0x6  }
0x192: {  	v2 =	vld [tilespmem:s25+$0x30]  }
0x193: {  	v1 =	vld.idx.msk [tilespmem:v1+s13+$0x0], $0xffff  }
0x194: {  	s23 =	sadd.s32 $0x8, s23  }
0x195: {  	p0 =	slt.u32 s23, $0x78  }
.Ltmp4:
0x196: {  	_ = 	snop;
	(pc) =	sbr.rel @p0 .LBB2_11-.Ltmp4, $3  }
0x197: {  	_ = 	snop  }
0x198: {  	v1 =	vmul.f32 v2, v1;
	_ =	sdelay $0x1  }
0x199: {  	s24 =	sadd.s32 $0x80, s24;
	s25 =	sadd.s32 $0x80, s25;
	[tilespmem:s26+$0x30] =	vst v1;
	s26 =	sadd.s32 $0x80, s26  }
0x19a: {  	s23 =	simm.s32 $0x6000  }
0x19b: {  	[spmem:s11] =	stream.indirect.scatter.add.f32 [tilespmem:s23], [sflag:$0x2], $0x1, s16, s22, $0xb8;
	[tilespmem:$0x16A00] =	vst v63  }
0x19c: {  	s26 =	simm.s32 $0x4080;
	s24 =	simm.s32 $0x6080  }
0x19d: {  	[spmem:s11] =	stream.indirect.scatter.add.f32 [tilespmem:s24], [sflag:$0x2], $0x1, s26, s22, $0xb8;
	[tilespmem:$0x16A00] =	vst v63  }
0x19e: {  	s25 =	simm.s32 $0x4100;
	s26 =	simm.s32 $0x6100  }
0x19f: {  	[spmem:s11] =	stream.indirect.scatter.add.f32 [tilespmem:s26], [sflag:$0x2], $0x1, s25, s22, $0xb8;
	[tilespmem:$0x16A00] =	vst v63  }
0x1a0: {  	s25 =	simm.s32 $0x4180;
	s26 =	simm.s32 $0x6180  }
0x1a1: {  	[spmem:s11] =	stream.indirect.scatter.add.f32 [tilespmem:s26], [sflag:$0x2], $0x1, s25, s22, $0xb8;
	[tilespmem:$0x16A00] =	vst v63  }
0x1a2: {  	s25 =	simm.s32 $0x4200;
	s26 =	simm.s32 $0x6200  }
0x1a3: {  	[spmem:s11] =	stream.indirect.scatter.add.f32 [tilespmem:s26], [sflag:$0x2], $0x1, s25, s22, $0xb8;
	[tilespmem:$0x16A00] =	vst v63  }
0x1a4: {  	s25 =	simm.s32 $0x4280;
	s26 =	simm.s32 $0x6280  }
0x1a5: {  	[spmem:s11] =	stream.indirect.scatter.add.f32 [tilespmem:s26], [sflag:$0x2], $0x1, s25, s22, $0xb8;
	[tilespmem:$0x16A00] =	vst v63  }
0x1a6: {  	s25 =	simm.s32 $0x4300;
	s26 =	simm.s32 $0x6300  }
0x1a7: {  	[spmem:s11] =	stream.indirect.scatter.add.f32 [tilespmem:s26], [sflag:$0x2], $0x1, s25, s22, $0xb8;
	[tilespmem:$0x16A00] =	vst v63  }
0x1a8: {  	s25 =	simm.s32 $0x4380;
	s26 =	simm.s32 $0x6380  }
0x1a9: {  	[spmem:s11] =	stream.indirect.scatter.add.f32 [tilespmem:s26], [sflag:$0x2], $0x1, s25, s22, $0xb8;
	[tilespmem:$0x16A00] =	vst v63  }
0x1aa: {  	s25 =	simm.s32 $0x4400;
	s26 =	simm.s32 $0x6400  }
0x1ab: {  	[spmem:s11] =	stream.indirect.scatter.add.f32 [tilespmem:s26], [sflag:$0x2], $0x1, s25, s22, $0xb8;
	[tilespmem:$0x16A00] =	vst v63  }
0x1ac: {  	s25 =	simm.s32 $0x4480;
	s26 =	simm.s32 $0x6480  }
0x1ad: {  	[spmem:s11] =	stream.indirect.scatter.add.f32 [tilespmem:s26], [sflag:$0x2], $0x1, s25, s22, $0xb8;
	[tilespmem:$0x16A00] =	vst v63  }
0x1ae: {  	s25 =	simm.s32 $0x4500;
	s26 =	simm.s32 $0x6500  }
0x1af: {  	[spmem:s11] =	stream.indirect.scatter.add.f32 [tilespmem:s26], [sflag:$0x2], $0x1, s25, s22, $0xb8;
	[tilespmem:$0x16A00] =	vst v63  }
0x1b0: {  	s25 =	simm.s32 $0x4580;
	s26 =	simm.s32 $0x6580  }
0x1b1: {  	[spmem:s11] =	stream.indirect.scatter.add.f32 [tilespmem:s26], [sflag:$0x2], $0x1, s25, s22, $0xb8;
	[tilespmem:$0x16A00] =	vst v63  }
0x1b2: {  	s25 =	simm.s32 $0x4600;
	s26 =	simm.s32 $0x6600  }
0x1b3: {  	[spmem:s11] =	stream.indirect.scatter.add.f32 [tilespmem:s26], [sflag:$0x2], $0x1, s25, s22, $0xb8;
	[tilespmem:$0x16A00] =	vst v63  }
0x1b4: {  	s25 =	simm.s32 $0x4680;
	s26 =	simm.s32 $0x6680  }
0x1b5: {  	[spmem:s11] =	stream.indirect.scatter.add.f32 [tilespmem:s26], [sflag:$0x2], $0x1, s25, s22, $0xb8;
	[tilespmem:$0x16A00] =	vst v63  }
0x1b6: {  	p0 =	seq.s32 s10, $0x0;
	s25 =	simm.s32 $0x4700;
	s26 =	simm.s32 $0x6700  }
0x1b7: {  	[spmem:s11] =	stream.indirect.scatter.add.f32 [tilespmem:s26], [sflag:$0x2], $0x1, s25, s22, $0xb8;
	[tilespmem:$0x16A00] =	vst v63  }
0x1b8: {  	s23 =	simm.s32 @!p0 $0x2;
	s24 =	simm.s32 $0x4780;
	s25 =	simm.s32 $0x6780  }
0x1b9: {  	[spmem:s11] =	stream.indirect.scatter.add.f32 [tilespmem:s25], [sflag:$0x2], $0x1, s24, s22, $0xb8;
	[tilespmem:$0x16A00] =	vst v63  }
0x1ba: {  	_ =	swait.ge @!p0 [sflag:s23], $0x800  }
0x1bb: {  	s26 =	sshll.u32 s10, $0xC;
	[sflag:s23] =	ssyncset.done @!p0 $0x0  }
0x1bc: {  	s24 =	sadd.s32 s26, s18;
	[sflag:s23] =	ssyncadd.s32 @!p0 $0xFFFFF800  }
0x1bd: {  	s24 =	sshrl.u32 s24, $0x3;
	s23 =	rddreg [dreg:$0x4]  }
0x1be: {  	s25 =	rddreg [dreg:$0x5];
	s23 =	sadd.s32 s23, s24  }
0x1bf: {  	[tilespmem:s0], [sflag:$0x1] =	stream.linear.gather [hbm4b:s23+s13], $0x800, $0x38;
	[tilespmem:$0x16A00] =	vst v63  }
0x1c0: {  	s26 =	rddreg [dreg:$0x6];
	s23 =	sadd.s32 s25, s24  }
0x1c1: {  	[tilespmem:s17], [sflag:$0x1] =	stream.linear.gather [hbm4b:s23+s13], $0x800, $0x38;
	[tilespmem:$0x16A00] =	vst v63  }
0x1c2: {  	s23 =	sadd.s32 s26, s24  }
0x1c3: {  	[tilespmem:s20], [sflag:$0x1] =	stream.linear.gather [hbm4b:s23+s13], $0x800, $0x38;
	[tilespmem:$0x16A00] =	vst v63  }
0x1c4: {  	_ =	swait.ge [sflag:s21], $0x800  }
0x1c5: {  	[sflag:s21] =	ssyncset.done $0x0  }
0x1c6: {  	[sflag:s21] =	ssyncadd.s32 $0xFFFFF800  }
0x1c7: {  	_ =	swait.ge [sflag:s21], $0x800  }
0x1c8: {  	[sflag:s21] =	ssyncset.done $0x0  }
0x1c9: {  	[sflag:s21] =	ssyncadd.s32 $0xFFFFF800  }
0x1ca: {  	s28 =	simm.s32 $0x6840;
	_ =	swait.ge [sflag:s21], $0x800  }
0x1cb: {  	s25 =	simm.s32 $0x5040;
	s24 =	simm.s32 $0xFFFFFFF8;
	[sflag:s21] =	ssyncset.done $0x0  }
0x1cc: {  	s26 =	simm.s32 $0x5840;
	s23 =	sshll.u32 s10, $0x1;
	[sflag:s21] =	ssyncadd.s32 $0xFFFFF800  }
.LBB2_13:
0x1cd: {  	v1 =	vld [tilespmem:s25+$0xFFFFFFC0];
	_ =	sdelay $0x6  }
0x1ce: {  	v2 =	vld [tilespmem:s26+$0xFFFFFFC0]  }
0x1cf: {  	v1 =	vld.idx.msk [tilespmem:v1+s13+$0x0], $0xffff;
	_ =	sdelay $0x4  }
0x1d0: {  	v1 =	vmul.f32 v2, v1;
	_ =	sdelay $0x1  }
0x1d1: {  	[tilespmem:s28+$0xFFFFFFC0] =	vst v1  }
0x1d2: {  	v1 =	vld [tilespmem:s25+$0xFFFFFFD0];
	_ =	sdelay $0x6  }
0x1d3: {  	v2 =	vld [tilespmem:s26+$0xFFFFFFD0]  }
0x1d4: {  	v1 =	vld.idx.msk [tilespmem:v1+s13+$0x0], $0xffff;
	_ =	sdelay $0x4  }
0x1d5: {  	v1 =	vmul.f32 v2, v1;
	_ =	sdelay $0x1  }
0x1d6: {  	[tilespmem:s28+$0xFFFFFFD0] =	vst v1  }
0x1d7: {  	v1 =	vld [tilespmem:s25+$0xFFFFFFE0];
	_ =	sdelay $0x6  }
0x1d8: {  	v2 =	vld [tilespmem:s26+$0xFFFFFFE0]  }
0x1d9: {  	v1 =	vld.idx.msk [tilespmem:v1+s13+$0x0], $0xffff;
	_ =	sdelay $0x4  }
0x1da: {  	v1 =	vmul.f32 v2, v1;
	_ =	sdelay $0x1  }
0x1db: {  	[tilespmem:s28+$0xFFFFFFE0] =	vst v1  }
0x1dc: {  	v1 =	vld [tilespmem:s25+$0xFFFFFFF0];
	_ =	sdelay $0x6  }
0x1dd: {  	v2 =	vld [tilespmem:s26+$0xFFFFFFF0]  }
0x1de: {  	v1 =	vld.idx.msk [tilespmem:v1+s13+$0x0], $0xffff;
	_ =	sdelay $0x4  }
0x1df: {  	v1 =	vmul.f32 v2, v1;
	_ =	sdelay $0x1  }
0x1e0: {  	[tilespmem:s28+$0xFFFFFFF0] =	vst v1  }
0x1e1: {  	v1 =	vld [tilespmem:s25+$0x0];
	_ =	sdelay $0x6  }
0x1e2: {  	v2 =	vld [tilespmem:s26+$0x0]  }
0x1e3: {  	v1 =	vld.idx.msk [tilespmem:v1+s13+$0x0], $0xffff;
	_ =	sdelay $0x4  }
0x1e4: {  	v1 =	vmul.f32 v2, v1;
	_ =	sdelay $0x1  }
0x1e5: {  	[tilespmem:s28+$0x0] =	vst v1  }
0x1e6: {  	v1 =	vld [tilespmem:s25+$0x10];
	_ =	sdelay $0x6  }
0x1e7: {  	v2 =	vld [tilespmem:s26+$0x10]  }
0x1e8: {  	v1 =	vld.idx.msk [tilespmem:v1+s13+$0x0], $0xffff;
	_ =	sdelay $0x4  }
0x1e9: {  	v1 =	vmul.f32 v2, v1;
	_ =	sdelay $0x1  }
0x1ea: {  	[tilespmem:s28+$0x10] =	vst v1  }
0x1eb: {  	v1 =	vld [tilespmem:s25+$0x20];
	_ =	sdelay $0x6  }
0x1ec: {  	v2 =	vld [tilespmem:s26+$0x20]  }
0x1ed: {  	v1 =	vld.idx.msk [tilespmem:v1+s13+$0x0], $0xffff;
	_ =	sdelay $0x4  }
0x1ee: {  	v1 =	vmul.f32 v2, v1;
	_ =	sdelay $0x1  }
0x1ef: {  	[tilespmem:s28+$0x20] =	vst v1  }
0x1f0: {  	v1 =	vld [tilespmem:s25+$0x30];
	_ =	sdelay $0x6  }
0x1f1: {  	v2 =	vld [tilespmem:s26+$0x30]  }
0x1f2: {  	v1 =	vld.idx.msk [tilespmem:v1+s13+$0x0], $0xffff  }
0x1f3: {  	s24 =	sadd.s32 $0x8, s24  }
0x1f4: {  	p0 =	slt.u32 s24, $0x78  }
.Ltmp5:
0x1f5: {  	_ = 	snop;
	(pc) =	sbr.rel @p0 .LBB2_13-.Ltmp5, $3  }
0x1f6: {  	_ = 	snop  }
0x1f7: {  	v1 =	vmul.f32 v2, v1;
	_ =	sdelay $0x1  }
0x1f8: {  	s25 =	sadd.s32 $0x80, s25;
	s26 =	sadd.s32 $0x80, s26;
	[tilespmem:s28+$0x30] =	vst v1;
	s28 =	sadd.s32 $0x80, s28  }
0x1f9: {  	s24 =	simm.s32 $0x6800  }
0x1fa: {  	[spmem:s11] =	stream.indirect.scatter.add.f32 [tilespmem:s24], [sflag:$0x2], $0x1, s0, s22, $0xb8;
	[tilespmem:$0x16A00] =	vst v63  }
0x1fb: {  	s28 =	simm.s32 $0x4880;
	s25 =	simm.s32 $0x6880  }
0x1fc: {  	[spmem:s11] =	stream.indirect.scatter.add.f32 [tilespmem:s25], [sflag:$0x2], $0x1, s28, s22, $0xb8;
	[tilespmem:$0x16A00] =	vst v63  }
0x1fd: {  	s26 =	simm.s32 $0x4900;
	s28 =	simm.s32 $0x6900  }
0x1fe: {  	[spmem:s11] =	stream.indirect.scatter.add.f32 [tilespmem:s28], [sflag:$0x2], $0x1, s26, s22, $0xb8;
	[tilespmem:$0x16A00] =	vst v63  }
0x1ff: {  	s26 =	simm.s32 $0x4980;
	s28 =	simm.s32 $0x6980  }
0x200: {  	[spmem:s11] =	stream.indirect.scatter.add.f32 [tilespmem:s28], [sflag:$0x2], $0x1, s26, s22, $0xb8;
	[tilespmem:$0x16A00] =	vst v63  }
0x201: {  	s26 =	simm.s32 $0x4A00;
	s28 =	simm.s32 $0x6A00  }
0x202: {  	[spmem:s11] =	stream.indirect.scatter.add.f32 [tilespmem:s28], [sflag:$0x2], $0x1, s26, s22, $0xb8;
	[tilespmem:$0x16A00] =	vst v63  }
0x203: {  	s26 =	simm.s32 $0x4A80;
	s28 =	simm.s32 $0x6A80  }
0x204: {  	[spmem:s11] =	stream.indirect.scatter.add.f32 [tilespmem:s28], [sflag:$0x2], $0x1, s26, s22, $0xb8;
	[tilespmem:$0x16A00] =	vst v63  }
0x205: {  	s26 =	simm.s32 $0x4B00;
	s28 =	simm.s32 $0x6B00  }
0x206: {  	[spmem:s11] =	stream.indirect.scatter.add.f32 [tilespmem:s28], [sflag:$0x2], $0x1, s26, s22, $0xb8;
	[tilespmem:$0x16A00] =	vst v63  }
0x207: {  	s26 =	simm.s32 $0x4B80;
	s28 =	simm.s32 $0x6B80  }
0x208: {  	[spmem:s11] =	stream.indirect.scatter.add.f32 [tilespmem:s28], [sflag:$0x2], $0x1, s26, s22, $0xb8;
	[tilespmem:$0x16A00] =	vst v63  }
0x209: {  	s26 =	simm.s32 $0x4C00;
	s28 =	simm.s32 $0x6C00  }
0x20a: {  	[spmem:s11] =	stream.indirect.scatter.add.f32 [tilespmem:s28], [sflag:$0x2], $0x1, s26, s22, $0xb8;
	[tilespmem:$0x16A00] =	vst v63  }
0x20b: {  	_ = 	snop  }
0x20c: {  	[spmem:s11] =	stream.indirect.scatter.add.f32 [tilespmem:s30], [sflag:$0x2], $0x1, s29, s22, $0xb8;
	[tilespmem:$0x16A00] =	vst v63  }
0x20d: {  	_ = 	snop  }
0x20e: {  	[spmem:s11] =	stream.indirect.scatter.add.f32 [tilespmem:s7], [sflag:$0x2], $0x1, s31, s22, $0xb8;
	[tilespmem:$0x16A00] =	vst v63  }
0x20f: {  	_ = 	snop  }
0x210: {  	[spmem:s11] =	stream.indirect.scatter.add.f32 [tilespmem:s15], [sflag:$0x2], $0x1, s14, s22, $0xb8;
	[tilespmem:$0x16A00] =	vst v63  }
0x211: {  	_ = 	snop  }
0x212: {  	[spmem:s11] =	stream.indirect.scatter.add.f32 [tilespmem:s1], [sflag:$0x2], $0x1, s12, s22, $0xb8;
	[tilespmem:$0x16A00] =	vst v63  }
0x213: {  	_ = 	snop  }
0x214: {  	[spmem:s11] =	stream.indirect.scatter.add.f32 [tilespmem:s3], [sflag:$0x2], $0x1, s2, s22, $0xb8;
	[tilespmem:$0x16A00] =	vst v63  }
0x215: {  	_ = 	snop  }
0x216: {  	[spmem:s11] =	stream.indirect.scatter.add.f32 [tilespmem:s5], [sflag:$0x2], $0x1, s4, s22, $0xb8;
	[tilespmem:$0x16A00] =	vst v63  }
0x217: {  	_ = 	snop  }
0x218: {  	[spmem:s11] =	stream.indirect.scatter.add.f32 [tilespmem:s8], [sflag:$0x2], $0x1, s6, s22, $0xb8;
	[tilespmem:$0x16A00] =	vst v63  }
0x219: {  	_ =	swait.ge [sflag:s9], $0x80  }
0x21a: {  	[sflag:s9] =	ssyncset.done $0x0  }
0x21b: {  	[sflag:s9] =	ssyncadd.s32 $0xFFFFFF80  }
0x21c: {  	_ =	swait.ge [sflag:s9], $0x80  }
0x21d: {  	[sflag:s9] =	ssyncset.done $0x0  }
0x21e: {  	[sflag:s9] =	ssyncadd.s32 $0xFFFFFF80  }
0x21f: {  	_ =	swait.ge [sflag:s9], $0x80  }
0x220: {  	[sflag:s9] =	ssyncset.done $0x0  }
0x221: {  	[sflag:s9] =	ssyncadd.s32 $0xFFFFFF80  }
0x222: {  	_ =	swait.ge [sflag:s9], $0x80  }
0x223: {  	[sflag:s9] =	ssyncset.done $0x0  }
0x224: {  	[sflag:s9] =	ssyncadd.s32 $0xFFFFFF80  }
0x225: {  	_ =	swait.ge [sflag:s9], $0x80  }
0x226: {  	[sflag:s9] =	ssyncset.done $0x0  }
0x227: {  	[sflag:s9] =	ssyncadd.s32 $0xFFFFFF80  }
0x228: {  	_ =	swait.ge [sflag:s9], $0x80  }
0x229: {  	[sflag:s9] =	ssyncset.done $0x0  }
0x22a: {  	[sflag:s9] =	ssyncadd.s32 $0xFFFFFF80  }
0x22b: {  	_ =	swait.ge [sflag:s9], $0x80  }
0x22c: {  	[sflag:s9] =	ssyncset.done $0x0  }
0x22d: {  	[sflag:s9] =	ssyncadd.s32 $0xFFFFFF80  }
0x22e: {  	_ =	swait.ge [sflag:s9], $0x80  }
0x22f: {  	[sflag:s9] =	ssyncset.done $0x0  }
0x230: {  	[sflag:s9] =	ssyncadd.s32 $0xFFFFFF80  }
0x231: {  	_ =	swait.ge [sflag:s9], $0x80  }
0x232: {  	[sflag:s9] =	ssyncset.done $0x0  }
0x233: {  	[sflag:s9] =	ssyncadd.s32 $0xFFFFFF80  }
0x234: {  	_ =	swait.ge [sflag:s9], $0x80  }
0x235: {  	[sflag:s9] =	ssyncset.done $0x0  }
0x236: {  	[sflag:s9] =	ssyncadd.s32 $0xFFFFFF80  }
0x237: {  	_ =	swait.ge [sflag:s9], $0x80  }
0x238: {  	[sflag:s9] =	ssyncset.done $0x0  }
0x239: {  	[sflag:s9] =	ssyncadd.s32 $0xFFFFFF80  }
0x23a: {  	_ =	swait.ge [sflag:s9], $0x80  }
0x23b: {  	[sflag:s9] =	ssyncset.done $0x0  }
0x23c: {  	[sflag:s9] =	ssyncadd.s32 $0xFFFFFF80  }
0x23d: {  	_ =	swait.ge [sflag:s9], $0x80  }
0x23e: {  	[sflag:s9] =	ssyncset.done $0x0  }
0x23f: {  	[sflag:s9] =	ssyncadd.s32 $0xFFFFFF80  }
0x240: {  	_ =	swait.ge [sflag:s9], $0x80  }
0x241: {  	[sflag:s9] =	ssyncset.done $0x0  }
0x242: {  	[sflag:s9] =	ssyncadd.s32 $0xFFFFFF80  }
0x243: {  	_ =	swait.ge [sflag:s9], $0x80  }
0x244: {  	[sflag:s9] =	ssyncset.done $0x0  }
0x245: {  	[sflag:s9] =	ssyncadd.s32 $0xFFFFFF80  }
0x246: {  	s23 =	smin.u32 s23, $0x2F;
	_ =	swait.ge [sflag:s9], $0x80  }
0x247: {  	s23 =	sshll.u32 s23, $0xB;
	[sflag:s9] =	ssyncset.done $0x0  }
0x248: {  	s23 =	sadd.s32 s23, s19;
	[sflag:s9] =	ssyncadd.s32 $0xFFFFFF80  }
0x249: {  	s23 =	sshrl.u32 s23, $0x3;
	s25 =	rddreg [dreg:$0x4]  }
0x24a: {  	s26 =	rddreg [dreg:$0x5];
	s24 =	sadd.s32 s25, s23  }
0x24b: {  	[tilespmem:s16], [sflag:$0x1] =	stream.linear.gather [hbm4b:s24+s13], $0x800, $0x38;
	[tilespmem:$0x16A00] =	vst v63  }
0x24c: {  	s28 =	rddreg [dreg:$0x6];
	s24 =	sadd.s32 s26, s23  }
0x24d: {  	[tilespmem:s17], [sflag:$0x1] =	stream.linear.gather [hbm4b:s24+s13], $0x800, $0x38;
	[tilespmem:$0x16A00] =	vst v63  }
0x24e: {  	s23 =	sadd.s32 s28, s23  }
0x24f: {  	[tilespmem:s20], [sflag:$0x1] =	stream.linear.gather [hbm4b:s23+s13], $0x800, $0x38;
	[tilespmem:$0x16A00] =	vst v63  }
0x250: {  	_ =	swait.ge [sflag:s21], $0x800  }
0x251: {  	[sflag:s21] =	ssyncset.done $0x0  }
0x252: {  	s10 =	sadd.s32 $0x1, s10;
	[sflag:s21] =	ssyncadd.s32 $0xFFFFF800  }
0x253: {  	p0 =	sne.s32 s10, $0x19;
	_ =	swait.ge [sflag:s21], $0x800  }
.Ltmp6:
0x254: {  	[sflag:s21] =	ssyncset.done $0x0;
	(pc) =	sbr.rel @p0 .LBB2_10-.Ltmp6, $4  }
0x255: {  	[sflag:s21] =	ssyncadd.s32 $0xFFFFF800  }
0x256: {  	_ =	swait.ge [sflag:s21], $0x800  }
0x257: {  	[sflag:s21] =	ssyncset.done $0x0  }
0x258: {  	[sflag:s21] =	ssyncadd.s32 $0xFFFFF800  }
0x259: {  	_ =	swait.ge [sflag:s9], $0x800  }
0x25a: {  	[sflag:s9] =	ssyncset.done $0x0  }
0x25b: {  	[sflag:s9] =	ssyncadd.s32 $0xFFFFF800  }
0x25c: {  	[bflag:$0x0] =	sbarrier.arrive $0xFFFF  }
0x25d: {  	s26 =	sld [smem:$0x7FD]  }
0x25e: {  	s10 =	rddreg [dreg:$0x12]  }
0x25f: {  	s23 =	simm.s32 $0x20;
	s24 =	simm.s32 $0x10;
	s25 =	rddreg [dreg:$0x1f]  }
0x260: {  	[hbm:s10@s23], [sflag:s25] =	dma.strided [spmem:s26@s24], $0x1900, s21, $0x10   }
0x261: {  	s23 =	simm.s32 $0x3  }
0x262: {  	_ =	swait.ge [sflag:s23], $0x1900  }
0x263: {  	[sflag:s23] =	ssyncset.done $0x0  }
0x264: {  	[sflag:s23] =	ssyncadd.s32 $0xFFFFE700  }
0x265: {  	[bflag:$0x0] =	sbarrier.arrive $0xFFFF  }
0x266: {  	s24 =	simm.s32 $0x7000;
	s28 =	rddreg [dreg:$0xd]  }
0x267: {  	[spmem:s28] =	stream.linear.scatter [tilespmem:s24], [sflag:$0x3], $0x3200, $0x38;
	[tilespmem:$0x16A00] =	vst v63  }
0x268: {  	_ =	swait.ge [sflag:s23], $0x3200  }
0x269: {  	[sflag:s23] =	ssyncset.done $0x0  }
0x26a: {  	s25 =	rddreg [dreg:$0x1b];
	[sflag:s23] =	ssyncadd.s32 $0xFFFFCE00  }
0x26b: {  	[spmem:s25] =	stream.linear.scatter [tilespmem:s24], [sflag:$0x3], $0x3200, $0x38;
	[tilespmem:$0x16A00] =	vst v63  }
0x26c: {  	_ =	swait.ge [sflag:s23], $0x3200  }
0x26d: {  	[sflag:s23] =	ssyncset.done $0x0  }
0x26e: {  	s26 =	rddreg [dreg:$0x1c];
	[sflag:s23] =	ssyncadd.s32 $0xFFFFCE00  }
0x26f: {  	[spmem:s26] =	stream.linear.scatter [tilespmem:s24], [sflag:$0x3], $0x3200, $0x38;
	[tilespmem:$0x16A00] =	vst v63  }
0x270: {  	_ =	swait.ge [sflag:s23], $0x3200  }
0x271: {  	[sflag:s23] =	ssyncset.done $0x0  }
0x272: {  	s28 =	rddreg [dreg:$0x1d];
	[sflag:s23] =	ssyncadd.s32 $0xFFFFCE00  }
0x273: {  	[spmem:s28] =	stream.linear.scatter [tilespmem:s24], [sflag:$0x3], $0x3200, $0x38;
	[tilespmem:$0x16A00] =	vst v63  }
0x274: {  	_ =	swait.ge [sflag:s23], $0x3200  }
0x275: {  	[sflag:s23] =	ssyncset.done $0x0  }
0x276: {  	[sflag:s23] =	ssyncadd.s32 $0xFFFFCE00  }
0x277: {  	[bflag:$0x0] =	sbarrier.arrive $0xFFFF  }
0x278: {  	s10 =	simm.s32 $0x0;
	s25 =	rddreg [dreg:$0x17]  }
0x279: {  	[tilespmem:s16], [sflag:$0x1] =	stream.linear.gather [hbm4b:s25+s10], $0x800, $0x38;
	[tilespmem:$0x16A00] =	vst v63  }
0x27a: {  	s26 =	rddreg [dreg:$0x18]  }
0x27b: {  	[tilespmem:s17], [sflag:$0x1] =	stream.linear.gather [hbm4b:s26+s10], $0x800, $0x38;
	[tilespmem:$0x16A00] =	vst v63  }
0x27c: {  	s28 =	rddreg [dreg:$0x19]  }
0x27d: {  	[tilespmem:s20], [sflag:$0x1] =	stream.linear.gather [hbm4b:s28+s10], $0x800, $0x38;
	[tilespmem:$0x16A00] =	vst v63  }
0x27e: {  	_ =	swait.ge [sflag:s21], $0x800  }
0x27f: {  	[sflag:s21] =	ssyncset.done $0x0  }
0x280: {  	[sflag:s21] =	ssyncadd.s32 $0xFFFFF800  }
0x281: {  	_ =	swait.ge [sflag:s21], $0x800  }
0x282: {  	[sflag:s21] =	ssyncset.done $0x0  }
0x283: {  	[sflag:s21] =	ssyncadd.s32 $0xFFFFF800  }
0x284: {  	_ =	swait.ge [sflag:s21], $0x800  }
0x285: {  	[sflag:s21] =	ssyncset.done $0x0  }
0x286: {  	[sflag:s21] =	ssyncadd.s32 $0xFFFFF800  }
.LBB2_16:
0x287: {  	s23 =	simm.s32 $0xFFFFFFF8  }
0x288: {  	s24 =	simm.s32 $0x5040;
	s25 =	simm.s32 $0x5840;
	s26 =	simm.s32 $0x6040  }
.LBB2_17:
0x289: {  	v1 =	vld [tilespmem:s24+$0xFFFFFFC0];
	_ =	sdelay $0x6  }
0x28a: {  	v2 =	vld [tilespmem:s25+$0xFFFFFFC0]  }
0x28b: {  	v1 =	vld.idx.msk [tilespmem:v1+s13+$0x0], $0xffff;
	_ =	sdelay $0x4  }
0x28c: {  	v1 =	vmul.f32 v2, v1;
	_ =	sdelay $0x1  }
0x28d: {  	[tilespmem:s26+$0xFFFFFFC0] =	vst v1  }
0x28e: {  	v1 =	vld [tilespmem:s24+$0xFFFFFFD0];
	_ =	sdelay $0x6  }
0x28f: {  	v2 =	vld [tilespmem:s25+$0xFFFFFFD0]  }
0x290: {  	v1 =	vld.idx.msk [tilespmem:v1+s13+$0x0], $0xffff;
	_ =	sdelay $0x4  }
0x291: {  	v1 =	vmul.f32 v2, v1;
	_ =	sdelay $0x1  }
0x292: {  	[tilespmem:s26+$0xFFFFFFD0] =	vst v1  }
0x293: {  	v1 =	vld [tilespmem:s24+$0xFFFFFFE0];
	_ =	sdelay $0x6  }
0x294: {  	v2 =	vld [tilespmem:s25+$0xFFFFFFE0]  }
0x295: {  	v1 =	vld.idx.msk [tilespmem:v1+s13+$0x0], $0xffff;
	_ =	sdelay $0x4  }
0x296: {  	v1 =	vmul.f32 v2, v1;
	_ =	sdelay $0x1  }
0x297: {  	[tilespmem:s26+$0xFFFFFFE0] =	vst v1  }
0x298: {  	v1 =	vld [tilespmem:s24+$0xFFFFFFF0];
	_ =	sdelay $0x6  }
0x299: {  	v2 =	vld [tilespmem:s25+$0xFFFFFFF0]  }
0x29a: {  	v1 =	vld.idx.msk [tilespmem:v1+s13+$0x0], $0xffff;
	_ =	sdelay $0x4  }
0x29b: {  	v1 =	vmul.f32 v2, v1;
	_ =	sdelay $0x1  }
0x29c: {  	[tilespmem:s26+$0xFFFFFFF0] =	vst v1  }
0x29d: {  	v1 =	vld [tilespmem:s24+$0x0];
	_ =	sdelay $0x6  }
0x29e: {  	v2 =	vld [tilespmem:s25+$0x0]  }
0x29f: {  	v1 =	vld.idx.msk [tilespmem:v1+s13+$0x0], $0xffff;
	_ =	sdelay $0x4  }
0x2a0: {  	v1 =	vmul.f32 v2, v1;
	_ =	sdelay $0x1  }
0x2a1: {  	[tilespmem:s26+$0x0] =	vst v1  }
0x2a2: {  	v1 =	vld [tilespmem:s24+$0x10];
	_ =	sdelay $0x6  }
0x2a3: {  	v2 =	vld [tilespmem:s25+$0x10]  }
0x2a4: {  	v1 =	vld.idx.msk [tilespmem:v1+s13+$0x0], $0xffff;
	_ =	sdelay $0x4  }
0x2a5: {  	v1 =	vmul.f32 v2, v1;
	_ =	sdelay $0x1  }
0x2a6: {  	[tilespmem:s26+$0x10] =	vst v1  }
0x2a7: {  	v1 =	vld [tilespmem:s24+$0x20];
	_ =	sdelay $0x6  }
0x2a8: {  	v2 =	vld [tilespmem:s25+$0x20]  }
0x2a9: {  	v1 =	vld.idx.msk [tilespmem:v1+s13+$0x0], $0xffff;
	_ =	sdelay $0x4  }
0x2aa: {  	v1 =	vmul.f32 v2, v1;
	_ =	sdelay $0x1  }
0x2ab: {  	[tilespmem:s26+$0x20] =	vst v1  }
0x2ac: {  	v1 =	vld [tilespmem:s24+$0x30];
	_ =	sdelay $0x6  }
0x2ad: {  	v2 =	vld [tilespmem:s25+$0x30]  }
0x2ae: {  	v1 =	vld.idx.msk [tilespmem:v1+s13+$0x0], $0xffff  }
0x2af: {  	s23 =	sadd.s32 $0x8, s23  }
0x2b0: {  	p0 =	slt.u32 s23, $0x78  }
.Ltmp7:
0x2b1: {  	_ = 	snop;
	(pc) =	sbr.rel @p0 .LBB2_17-.Ltmp7, $3  }
0x2b2: {  	_ = 	snop  }
0x2b3: {  	v1 =	vmul.f32 v2, v1;
	_ =	sdelay $0x1  }
0x2b4: {  	s24 =	sadd.s32 $0x80, s24;
	s25 =	sadd.s32 $0x80, s25;
	[tilespmem:s26+$0x30] =	vst v1;
	s26 =	sadd.s32 $0x80, s26  }
0x2b5: {  	s23 =	simm.s32 $0x6000  }
0x2b6: {  	[spmem:s11] =	stream.indirect.scatter.add.f32 [tilespmem:s23], [sflag:$0x2], $0x1, s16, s22, $0xb8;
	[tilespmem:$0x16A00] =	vst v63  }
0x2b7: {  	s26 =	simm.s32 $0x4080;
	s24 =	simm.s32 $0x6080  }
0x2b8: {  	[spmem:s11] =	stream.indirect.scatter.add.f32 [tilespmem:s24], [sflag:$0x2], $0x1, s26, s22, $0xb8;
	[tilespmem:$0x16A00] =	vst v63  }
0x2b9: {  	s25 =	simm.s32 $0x4100;
	s26 =	simm.s32 $0x6100  }
0x2ba: {  	[spmem:s11] =	stream.indirect.scatter.add.f32 [tilespmem:s26], [sflag:$0x2], $0x1, s25, s22, $0xb8;
	[tilespmem:$0x16A00] =	vst v63  }
0x2bb: {  	s25 =	simm.s32 $0x4180;
	s26 =	simm.s32 $0x6180  }
0x2bc: {  	[spmem:s11] =	stream.indirect.scatter.add.f32 [tilespmem:s26], [sflag:$0x2], $0x1, s25, s22, $0xb8;
	[tilespmem:$0x16A00] =	vst v63  }
0x2bd: {  	s25 =	simm.s32 $0x4200;
	s26 =	simm.s32 $0x6200  }
0x2be: {  	[spmem:s11] =	stream.indirect.scatter.add.f32 [tilespmem:s26], [sflag:$0x2], $0x1, s25, s22, $0xb8;
	[tilespmem:$0x16A00] =	vst v63  }
0x2bf: {  	s25 =	simm.s32 $0x4280;
	s26 =	simm.s32 $0x6280  }
0x2c0: {  	[spmem:s11] =	stream.indirect.scatter.add.f32 [tilespmem:s26], [sflag:$0x2], $0x1, s25, s22, $0xb8;
	[tilespmem:$0x16A00] =	vst v63  }
0x2c1: {  	s25 =	simm.s32 $0x4300;
	s26 =	simm.s32 $0x6300  }
0x2c2: {  	[spmem:s11] =	stream.indirect.scatter.add.f32 [tilespmem:s26], [sflag:$0x2], $0x1, s25, s22, $0xb8;
	[tilespmem:$0x16A00] =	vst v63  }
0x2c3: {  	s25 =	simm.s32 $0x4380;
	s26 =	simm.s32 $0x6380  }
0x2c4: {  	[spmem:s11] =	stream.indirect.scatter.add.f32 [tilespmem:s26], [sflag:$0x2], $0x1, s25, s22, $0xb8;
	[tilespmem:$0x16A00] =	vst v63  }
0x2c5: {  	s25 =	simm.s32 $0x4400;
	s26 =	simm.s32 $0x6400  }
0x2c6: {  	[spmem:s11] =	stream.indirect.scatter.add.f32 [tilespmem:s26], [sflag:$0x2], $0x1, s25, s22, $0xb8;
	[tilespmem:$0x16A00] =	vst v63  }
0x2c7: {  	s25 =	simm.s32 $0x4480;
	s26 =	simm.s32 $0x6480  }
0x2c8: {  	[spmem:s11] =	stream.indirect.scatter.add.f32 [tilespmem:s26], [sflag:$0x2], $0x1, s25, s22, $0xb8;
	[tilespmem:$0x16A00] =	vst v63  }
0x2c9: {  	s25 =	simm.s32 $0x4500;
	s26 =	simm.s32 $0x6500  }
0x2ca: {  	[spmem:s11] =	stream.indirect.scatter.add.f32 [tilespmem:s26], [sflag:$0x2], $0x1, s25, s22, $0xb8;
	[tilespmem:$0x16A00] =	vst v63  }
0x2cb: {  	s25 =	simm.s32 $0x4580;
	s26 =	simm.s32 $0x6580  }
0x2cc: {  	[spmem:s11] =	stream.indirect.scatter.add.f32 [tilespmem:s26], [sflag:$0x2], $0x1, s25, s22, $0xb8;
	[tilespmem:$0x16A00] =	vst v63  }
0x2cd: {  	s25 =	simm.s32 $0x4600;
	s26 =	simm.s32 $0x6600  }
0x2ce: {  	[spmem:s11] =	stream.indirect.scatter.add.f32 [tilespmem:s26], [sflag:$0x2], $0x1, s25, s22, $0xb8;
	[tilespmem:$0x16A00] =	vst v63  }
0x2cf: {  	s25 =	simm.s32 $0x4680;
	s26 =	simm.s32 $0x6680  }
0x2d0: {  	[spmem:s11] =	stream.indirect.scatter.add.f32 [tilespmem:s26], [sflag:$0x2], $0x1, s25, s22, $0xb8;
	[tilespmem:$0x16A00] =	vst v63  }
0x2d1: {  	p0 =	seq.s32 s10, $0x0;
	s25 =	simm.s32 $0x4700;
	s26 =	simm.s32 $0x6700  }
0x2d2: {  	[spmem:s11] =	stream.indirect.scatter.add.f32 [tilespmem:s26], [sflag:$0x2], $0x1, s25, s22, $0xb8;
	[tilespmem:$0x16A00] =	vst v63  }
0x2d3: {  	s23 =	simm.s32 @!p0 $0x2;
	s24 =	simm.s32 $0x4780;
	s25 =	simm.s32 $0x6780  }
0x2d4: {  	[spmem:s11] =	stream.indirect.scatter.add.f32 [tilespmem:s25], [sflag:$0x2], $0x1, s24, s22, $0xb8;
	[tilespmem:$0x16A00] =	vst v63  }
0x2d5: {  	_ =	swait.ge @!p0 [sflag:s23], $0x800  }
0x2d6: {  	s26 =	sshll.u32 s10, $0xC;
	[sflag:s23] =	ssyncset.done @!p0 $0x0  }
0x2d7: {  	s24 =	sadd.s32 s26, s18;
	[sflag:s23] =	ssyncadd.s32 @!p0 $0xFFFFF800  }
0x2d8: {  	s24 =	sshrl.u32 s24, $0x3;
	s23 =	rddreg [dreg:$0x7]  }
0x2d9: {  	s25 =	rddreg [dreg:$0x8];
	s23 =	sadd.s32 s23, s24  }
0x2da: {  	[tilespmem:s0], [sflag:$0x1] =	stream.linear.gather [hbm4b:s23+s13], $0x800, $0x38;
	[tilespmem:$0x16A00] =	vst v63  }
0x2db: {  	s26 =	rddreg [dreg:$0x9];
	s23 =	sadd.s32 s25, s24  }
0x2dc: {  	[tilespmem:s17], [sflag:$0x1] =	stream.linear.gather [hbm4b:s23+s13], $0x800, $0x38;
	[tilespmem:$0x16A00] =	vst v63  }
0x2dd: {  	s23 =	sadd.s32 s26, s24  }
0x2de: {  	[tilespmem:s20], [sflag:$0x1] =	stream.linear.gather [hbm4b:s23+s13], $0x800, $0x38;
	[tilespmem:$0x16A00] =	vst v63  }
0x2df: {  	_ =	swait.ge [sflag:s21], $0x800  }
0x2e0: {  	[sflag:s21] =	ssyncset.done $0x0  }
0x2e1: {  	[sflag:s21] =	ssyncadd.s32 $0xFFFFF800  }
0x2e2: {  	_ =	swait.ge [sflag:s21], $0x800  }
0x2e3: {  	[sflag:s21] =	ssyncset.done $0x0  }
0x2e4: {  	[sflag:s21] =	ssyncadd.s32 $0xFFFFF800  }
0x2e5: {  	s28 =	simm.s32 $0x6840;
	_ =	swait.ge [sflag:s21], $0x800  }
0x2e6: {  	s25 =	simm.s32 $0x5040;
	s24 =	simm.s32 $0xFFFFFFF8;
	[sflag:s21] =	ssyncset.done $0x0  }
0x2e7: {  	s26 =	simm.s32 $0x5840;
	s23 =	sshll.u32 s10, $0x1;
	[sflag:s21] =	ssyncadd.s32 $0xFFFFF800  }
.LBB2_19:
0x2e8: {  	v1 =	vld [tilespmem:s25+$0xFFFFFFC0];
	_ =	sdelay $0x6  }
0x2e9: {  	v2 =	vld [tilespmem:s26+$0xFFFFFFC0]  }
0x2ea: {  	v1 =	vld.idx.msk [tilespmem:v1+s13+$0x0], $0xffff;
	_ =	sdelay $0x4  }
0x2eb: {  	v1 =	vmul.f32 v2, v1;
	_ =	sdelay $0x1  }
0x2ec: {  	[tilespmem:s28+$0xFFFFFFC0] =	vst v1  }
0x2ed: {  	v1 =	vld [tilespmem:s25+$0xFFFFFFD0];
	_ =	sdelay $0x6  }
0x2ee: {  	v2 =	vld [tilespmem:s26+$0xFFFFFFD0]  }
0x2ef: {  	v1 =	vld.idx.msk [tilespmem:v1+s13+$0x0], $0xffff;
	_ =	sdelay $0x4  }
0x2f0: {  	v1 =	vmul.f32 v2, v1;
	_ =	sdelay $0x1  }
0x2f1: {  	[tilespmem:s28+$0xFFFFFFD0] =	vst v1  }
0x2f2: {  	v1 =	vld [tilespmem:s25+$0xFFFFFFE0];
	_ =	sdelay $0x6  }
0x2f3: {  	v2 =	vld [tilespmem:s26+$0xFFFFFFE0]  }
0x2f4: {  	v1 =	vld.idx.msk [tilespmem:v1+s13+$0x0], $0xffff;
	_ =	sdelay $0x4  }
0x2f5: {  	v1 =	vmul.f32 v2, v1;
	_ =	sdelay $0x1  }
0x2f6: {  	[tilespmem:s28+$0xFFFFFFE0] =	vst v1  }
0x2f7: {  	v1 =	vld [tilespmem:s25+$0xFFFFFFF0];
	_ =	sdelay $0x6  }
0x2f8: {  	v2 =	vld [tilespmem:s26+$0xFFFFFFF0]  }
0x2f9: {  	v1 =	vld.idx.msk [tilespmem:v1+s13+$0x0], $0xffff;
	_ =	sdelay $0x4  }
0x2fa: {  	v1 =	vmul.f32 v2, v1;
	_ =	sdelay $0x1  }
0x2fb: {  	[tilespmem:s28+$0xFFFFFFF0] =	vst v1  }
0x2fc: {  	v1 =	vld [tilespmem:s25+$0x0];
	_ =	sdelay $0x6  }
0x2fd: {  	v2 =	vld [tilespmem:s26+$0x0]  }
0x2fe: {  	v1 =	vld.idx.msk [tilespmem:v1+s13+$0x0], $0xffff;
	_ =	sdelay $0x4  }
0x2ff: {  	v1 =	vmul.f32 v2, v1;
	_ =	sdelay $0x1  }
0x300: {  	[tilespmem:s28+$0x0] =	vst v1  }
0x301: {  	v1 =	vld [tilespmem:s25+$0x10];
	_ =	sdelay $0x6  }
0x302: {  	v2 =	vld [tilespmem:s26+$0x10]  }
0x303: {  	v1 =	vld.idx.msk [tilespmem:v1+s13+$0x0], $0xffff;
	_ =	sdelay $0x4  }
0x304: {  	v1 =	vmul.f32 v2, v1;
	_ =	sdelay $0x1  }
0x305: {  	[tilespmem:s28+$0x10] =	vst v1  }
0x306: {  	v1 =	vld [tilespmem:s25+$0x20];
	_ =	sdelay $0x6  }
0x307: {  	v2 =	vld [tilespmem:s26+$0x20]  }
0x308: {  	v1 =	vld.idx.msk [tilespmem:v1+s13+$0x0], $0xffff;
	_ =	sdelay $0x4  }
0x309: {  	v1 =	vmul.f32 v2, v1;
	_ =	sdelay $0x1  }
0x30a: {  	[tilespmem:s28+$0x20] =	vst v1  }
0x30b: {  	v1 =	vld [tilespmem:s25+$0x30];
	_ =	sdelay $0x6  }
0x30c: {  	v2 =	vld [tilespmem:s26+$0x30]  }
0x30d: {  	v1 =	vld.idx.msk [tilespmem:v1+s13+$0x0], $0xffff  }
0x30e: {  	s24 =	sadd.s32 $0x8, s24  }
0x30f: {  	p0 =	slt.u32 s24, $0x78  }
.Ltmp8:
0x310: {  	_ = 	snop;
	(pc) =	sbr.rel @p0 .LBB2_19-.Ltmp8, $3  }
0x311: {  	_ = 	snop  }
0x312: {  	v1 =	vmul.f32 v2, v1;
	_ =	sdelay $0x1  }
0x313: {  	s25 =	sadd.s32 $0x80, s25;
	s26 =	sadd.s32 $0x80, s26;
	[tilespmem:s28+$0x30] =	vst v1;
	s28 =	sadd.s32 $0x80, s28  }
0x314: {  	s24 =	simm.s32 $0x6800  }
0x315: {  	[spmem:s11] =	stream.indirect.scatter.add.f32 [tilespmem:s24], [sflag:$0x2], $0x1, s0, s22, $0xb8;
	[tilespmem:$0x16A00] =	vst v63  }
0x316: {  	s28 =	simm.s32 $0x4880;
	s25 =	simm.s32 $0x6880  }
0x317: {  	[spmem:s11] =	stream.indirect.scatter.add.f32 [tilespmem:s25], [sflag:$0x2], $0x1, s28, s22, $0xb8;
	[tilespmem:$0x16A00] =	vst v63  }
0x318: {  	s26 =	simm.s32 $0x4900;
	s28 =	simm.s32 $0x6900  }
0x319: {  	[spmem:s11] =	stream.indirect.scatter.add.f32 [tilespmem:s28], [sflag:$0x2], $0x1, s26, s22, $0xb8;
	[tilespmem:$0x16A00] =	vst v63  }
0x31a: {  	s26 =	simm.s32 $0x4980;
	s28 =	simm.s32 $0x6980  }
0x31b: {  	[spmem:s11] =	stream.indirect.scatter.add.f32 [tilespmem:s28], [sflag:$0x2], $0x1, s26, s22, $0xb8;
	[tilespmem:$0x16A00] =	vst v63  }
0x31c: {  	s26 =	simm.s32 $0x4A00;
	s28 =	simm.s32 $0x6A00  }
0x31d: {  	[spmem:s11] =	stream.indirect.scatter.add.f32 [tilespmem:s28], [sflag:$0x2], $0x1, s26, s22, $0xb8;
	[tilespmem:$0x16A00] =	vst v63  }
0x31e: {  	s26 =	simm.s32 $0x4A80;
	s28 =	simm.s32 $0x6A80  }
0x31f: {  	[spmem:s11] =	stream.indirect.scatter.add.f32 [tilespmem:s28], [sflag:$0x2], $0x1, s26, s22, $0xb8;
	[tilespmem:$0x16A00] =	vst v63  }
0x320: {  	s26 =	simm.s32 $0x4B00;
	s28 =	simm.s32 $0x6B00  }
0x321: {  	[spmem:s11] =	stream.indirect.scatter.add.f32 [tilespmem:s28], [sflag:$0x2], $0x1, s26, s22, $0xb8;
	[tilespmem:$0x16A00] =	vst v63  }
0x322: {  	s26 =	simm.s32 $0x4B80;
	s28 =	simm.s32 $0x6B80  }
0x323: {  	[spmem:s11] =	stream.indirect.scatter.add.f32 [tilespmem:s28], [sflag:$0x2], $0x1, s26, s22, $0xb8;
	[tilespmem:$0x16A00] =	vst v63  }
0x324: {  	s26 =	simm.s32 $0x4C00;
	s28 =	simm.s32 $0x6C00  }
0x325: {  	[spmem:s11] =	stream.indirect.scatter.add.f32 [tilespmem:s28], [sflag:$0x2], $0x1, s26, s22, $0xb8;
	[tilespmem:$0x16A00] =	vst v63  }
0x326: {  	_ = 	snop  }
0x327: {  	[spmem:s11] =	stream.indirect.scatter.add.f32 [tilespmem:s30], [sflag:$0x2], $0x1, s29, s22, $0xb8;
	[tilespmem:$0x16A00] =	vst v63  }
0x328: {  	_ = 	snop  }
0x329: {  	[spmem:s11] =	stream.indirect.scatter.add.f32 [tilespmem:s7], [sflag:$0x2], $0x1, s31, s22, $0xb8;
	[tilespmem:$0x16A00] =	vst v63  }
0x32a: {  	_ = 	snop  }
0x32b: {  	[spmem:s11] =	stream.indirect.scatter.add.f32 [tilespmem:s15], [sflag:$0x2], $0x1, s14, s22, $0xb8;
	[tilespmem:$0x16A00] =	vst v63  }
0x32c: {  	_ = 	snop  }
0x32d: {  	[spmem:s11] =	stream.indirect.scatter.add.f32 [tilespmem:s1], [sflag:$0x2], $0x1, s12, s22, $0xb8;
	[tilespmem:$0x16A00] =	vst v63  }
0x32e: {  	_ = 	snop  }
0x32f: {  	[spmem:s11] =	stream.indirect.scatter.add.f32 [tilespmem:s3], [sflag:$0x2], $0x1, s2, s22, $0xb8;
	[tilespmem:$0x16A00] =	vst v63  }
0x330: {  	_ = 	snop  }
0x331: {  	[spmem:s11] =	stream.indirect.scatter.add.f32 [tilespmem:s5], [sflag:$0x2], $0x1, s4, s22, $0xb8;
	[tilespmem:$0x16A00] =	vst v63  }
0x332: {  	_ = 	snop  }
0x333: {  	[spmem:s11] =	stream.indirect.scatter.add.f32 [tilespmem:s8], [sflag:$0x2], $0x1, s6, s22, $0xb8;
	[tilespmem:$0x16A00] =	vst v63  }
0x334: {  	_ =	swait.ge [sflag:s9], $0x80  }
0x335: {  	[sflag:s9] =	ssyncset.done $0x0  }
0x336: {  	[sflag:s9] =	ssyncadd.s32 $0xFFFFFF80  }
0x337: {  	_ =	swait.ge [sflag:s9], $0x80  }
0x338: {  	[sflag:s9] =	ssyncset.done $0x0  }
0x339: {  	[sflag:s9] =	ssyncadd.s32 $0xFFFFFF80  }
0x33a: {  	_ =	swait.ge [sflag:s9], $0x80  }
0x33b: {  	[sflag:s9] =	ssyncset.done $0x0  }
0x33c: {  	[sflag:s9] =	ssyncadd.s32 $0xFFFFFF80  }
0x33d: {  	_ =	swait.ge [sflag:s9], $0x80  }
0x33e: {  	[sflag:s9] =	ssyncset.done $0x0  }
0x33f: {  	[sflag:s9] =	ssyncadd.s32 $0xFFFFFF80  }
0x340: {  	_ =	swait.ge [sflag:s9], $0x80  }
0x341: {  	[sflag:s9] =	ssyncset.done $0x0  }
0x342: {  	[sflag:s9] =	ssyncadd.s32 $0xFFFFFF80  }
0x343: {  	_ =	swait.ge [sflag:s9], $0x80  }
0x344: {  	[sflag:s9] =	ssyncset.done $0x0  }
0x345: {  	[sflag:s9] =	ssyncadd.s32 $0xFFFFFF80  }
0x346: {  	_ =	swait.ge [sflag:s9], $0x80  }
0x347: {  	[sflag:s9] =	ssyncset.done $0x0  }
0x348: {  	[sflag:s9] =	ssyncadd.s32 $0xFFFFFF80  }
0x349: {  	_ =	swait.ge [sflag:s9], $0x80  }
0x34a: {  	[sflag:s9] =	ssyncset.done $0x0  }
0x34b: {  	[sflag:s9] =	ssyncadd.s32 $0xFFFFFF80  }
0x34c: {  	_ =	swait.ge [sflag:s9], $0x80  }
0x34d: {  	[sflag:s9] =	ssyncset.done $0x0  }
0x34e: {  	[sflag:s9] =	ssyncadd.s32 $0xFFFFFF80  }
0x34f: {  	_ =	swait.ge [sflag:s9], $0x80  }
0x350: {  	[sflag:s9] =	ssyncset.done $0x0  }
0x351: {  	[sflag:s9] =	ssyncadd.s32 $0xFFFFFF80  }
0x352: {  	_ =	swait.ge [sflag:s9], $0x80  }
0x353: {  	[sflag:s9] =	ssyncset.done $0x0  }
0x354: {  	[sflag:s9] =	ssyncadd.s32 $0xFFFFFF80  }
0x355: {  	_ =	swait.ge [sflag:s9], $0x80  }
0x356: {  	[sflag:s9] =	ssyncset.done $0x0  }
0x357: {  	[sflag:s9] =	ssyncadd.s32 $0xFFFFFF80  }
0x358: {  	_ =	swait.ge [sflag:s9], $0x80  }
0x359: {  	[sflag:s9] =	ssyncset.done $0x0  }
0x35a: {  	[sflag:s9] =	ssyncadd.s32 $0xFFFFFF80  }
0x35b: {  	_ =	swait.ge [sflag:s9], $0x80  }
0x35c: {  	[sflag:s9] =	ssyncset.done $0x0  }
0x35d: {  	[sflag:s9] =	ssyncadd.s32 $0xFFFFFF80  }
0x35e: {  	_ =	swait.ge [sflag:s9], $0x80  }
0x35f: {  	[sflag:s9] =	ssyncset.done $0x0  }
0x360: {  	[sflag:s9] =	ssyncadd.s32 $0xFFFFFF80  }
0x361: {  	s23 =	smin.u32 s23, $0x2F;
	_ =	swait.ge [sflag:s9], $0x80  }
0x362: {  	s23 =	sshll.u32 s23, $0xB;
	[sflag:s9] =	ssyncset.done $0x0  }
0x363: {  	s23 =	sadd.s32 s23, s19;
	[sflag:s9] =	ssyncadd.s32 $0xFFFFFF80  }
0x364: {  	s23 =	sshrl.u32 s23, $0x3;
	s25 =	rddreg [dreg:$0x7]  }
0x365: {  	s26 =	rddreg [dreg:$0x8];
	s24 =	sadd.s32 s25, s23  }
0x366: {  	[tilespmem:s16], [sflag:$0x1] =	stream.linear.gather [hbm4b:s24+s13], $0x800, $0x38;
	[tilespmem:$0x16A00] =	vst v63  }
0x367: {  	s28 =	rddreg [dreg:$0x9];
	s24 =	sadd.s32 s26, s23  }
0x368: {  	[tilespmem:s17], [sflag:$0x1] =	stream.linear.gather [hbm4b:s24+s13], $0x800, $0x38;
	[tilespmem:$0x16A00] =	vst v63  }
0x369: {  	s23 =	sadd.s32 s28, s23  }
0x36a: {  	[tilespmem:s20], [sflag:$0x1] =	stream.linear.gather [hbm4b:s23+s13], $0x800, $0x38;
	[tilespmem:$0x16A00] =	vst v63  }
0x36b: {  	_ =	swait.ge [sflag:s21], $0x800  }
0x36c: {  	[sflag:s21] =	ssyncset.done $0x0  }
0x36d: {  	s10 =	sadd.s32 $0x1, s10;
	[sflag:s21] =	ssyncadd.s32 $0xFFFFF800  }
0x36e: {  	p0 =	sne.s32 s10, $0x19;
	_ =	swait.ge [sflag:s21], $0x800  }
.Ltmp9:
0x36f: {  	[sflag:s21] =	ssyncset.done $0x0;
	(pc) =	sbr.rel @p0 .LBB2_16-.Ltmp9, $4  }
0x370: {  	[sflag:s21] =	ssyncadd.s32 $0xFFFFF800  }
0x371: {  	_ =	swait.ge [sflag:s21], $0x800  }
0x372: {  	[sflag:s21] =	ssyncset.done $0x0  }
0x373: {  	[sflag:s21] =	ssyncadd.s32 $0xFFFFF800  }
0x374: {  	_ =	swait.ge [sflag:s9], $0x800  }
0x375: {  	[sflag:s9] =	ssyncset.done $0x0  }
0x376: {  	[sflag:s9] =	ssyncadd.s32 $0xFFFFF800  }
0x377: {  	[bflag:$0x0] =	sbarrier.arrive $0xFFFF  }
0x378: {  	s26 =	sld [smem:$0x7FD]  }
0x379: {  	s10 =	rddreg [dreg:$0x13]  }
0x37a: {  	s23 =	simm.s32 $0x20;
	s24 =	simm.s32 $0x10;
	s25 =	rddreg [dreg:$0x1f]  }
0x37b: {  	[hbm:s10@s23], [sflag:s25] =	dma.strided [spmem:s26@s24], $0x1900, s21, $0x10   }
0x37c: {  	s25 =	simm.s32 $0x3  }
0x37d: {  	_ =	swait.ge [sflag:s25], $0x1900  }
0x37e: {  	s26 =	rddreg [dreg:$0x1e]  }
0x37f: {  	s28 =	rddreg [dreg:$0x1a];
	s23 =	sadd.s32 $0x1, s26  }
0x380: {  	p0 =	sne.s32 s23, s28  }
.Ltmp10:
0x381: {  	_ = 	snop;
	(pc) =	sbr.rel @p0 .LBB2_1-.Ltmp10, $3  }
0x382: {  	[sflag:s25] =	ssyncset.done $0x0  }
0x383: {  	[sflag:s25] =	ssyncadd.s32 $0xFFFFE700  }
0x384: {  	[bflag:$0x0] =	sbarrier.arrive $0xFFFF;
	_ =	sdelay $0x1  }
0x385: {  	_ =	sfence.sel $0x180000  }
0x386: {  	[bflag:$0x0] =	sbarrier.arrive $0xFFFF  }
0x387: {  	_ =	strace $0x90000047  }
0x388: {  	s0 =	stileid.u32;
	[bflag:$0x2] =	sbarrier.arrive $0xFFFF  }
0x389: {  	p0 =	sne.s32 s0, $0x0;
	s0 =	rddreg [dreg:$0xc]  }
0x38a: {  	s0 =	sadd.s32 @!p0 $0x100000, s0  }
0x38b: {  	[sflag:s0] =	ssyncadd.tile.s32 @!p0 $0x1;
	_ =	shalt  }
.Lfunc_end2:
_tile_overlayer_lowered:
.L_overlay_start_2:
0x38c: {  	(tag) =	ssettag $0x2  }
0x38d: {  	s0 =	rddreg [dreg:$0x0];
	s2 =	stileid.u32  }
0x38e: {  	s1 =	rddreg [dreg:$0x1];
	p0 =	sne.s32 s2, $0x0  }
0x38f: {  	s3 =	rddreg [dreg:$0x2];
	[bflag:$0x3] =	sbarrier.arrive $0xFFFF;
	s2 =	simm.s32 @!p0 $0x1C03  }
0x390: {  	[timem:s3], [sflag:s2] =	dma.local @!p0 [hbm:s0], s1  }
0x391: {  	s0 =	simm.s32 @!p0 $0x3  }
0x392: {  	_ =	swait.ge @!p0 [sflag:s0], s1  }
0x393: {  	s1 =	ssub.s32 @!p0 $0x0, s1;
	[sflag:s0] =	ssyncset.done @!p0 $0x0  }
0x394: {  	[sflag:s0] =	ssyncadd.s32 @!p0 s1  }
0x395: {  	[bflag:$0x3] =	sbarrier.arrive $0xFFFF  }
0x396: {  	_ =	shalt  }

</sc_bundles>
